<compile_context>
chip_gen: v7x
topology: tpu7x:2x2x1
jax: 0.10.2.dev20260603
libtpu: 0.0.44.dev20260713+nightly
codegen_flags: <defaults>
</compile_context>

<pallas_src>
import functools

import jax
import jax.numpy as jnp
from jax import lax
from jax.experimental import pallas as pl
from jax.experimental.pallas import tpu as pltpu
from jax.experimental.pallas import tpu_sc as plsc

EPS = 1e-5
MAX_NORM = 1.0 - 1e-5



def _norm(x):
    return jnp.sqrt(jnp.sum(x * x, axis=-1, keepdims=True))


def _atanh(n):
    return 0.5 * jnp.log((1.0 + n) / (1.0 - n))


def _log0(x):
    n = jnp.clip(_norm(x), EPS, MAX_NORM)
    return _atanh(n) * x / n


def _exp0(v):
    n = jnp.maximum(_norm(v), EPS)
    return jnp.tanh(n) * v / n


def _proj(x):
    n = jnp.maximum(_norm(x), EPS)
    return jnp.where(n > MAX_NORM, x / n * MAX_NORM, x)


def _mobius_matmul_log(h, W):
    v = jnp.dot(_log0(h), W, preferred_element_type=jnp.float32)
    return _log0(_proj(_exp0(v)))


def _perm_for_sc(d):
    rows = lax.broadcasted_iota(jnp.int32, (d, d), 0)
    cols = lax.broadcasted_iota(jnp.int32, (d, d), 1)
    sigma = cols // 2 + (d // 2) * (cols % 2)
    return jnp.where(rows == sigma, 1.0, 0.0).astype(jnp.float32)


def _to_sc_table(u):
    d = u.shape[-1]
    t = jnp.dot(u, _perm_for_sc(d), preferred_element_type=jnp.float32)
    return t.astype(jnp.bfloat16)



_ROWS_BLK = 2048


def _tc_pre_body(x_ref, w_ref, o_ref):
    o_ref[...] = _to_sc_table(_mobius_matmul_log(x_ref[...], w_ref[...]))


def _tc_pre(x, W):
    n, d = x.shape
    blk = min(_ROWS_BLK, n)
    return pl.pallas_call(
        _tc_pre_body,
        grid=(pl.cdiv(n, blk),),
        in_specs=[
            pl.BlockSpec((blk, d), lambda i: (i, 0)),
            pl.BlockSpec((d, d), lambda i: (0, 0)),
        ],
        out_specs=pl.BlockSpec((blk, d), lambda i: (i, 0)),
        out_shape=jax.ShapeDtypeStruct((n, d), jnp.bfloat16),
    )(x, W)


def _tc_mid_body(ap_ref, dp_ref, w_ref, u2_ref, deg_ref):
    ap = ap_ref[...]
    a = ap[0] + ap[1]
    nw = dp_ref.shape[0]
    deg = lax.dot_general(dp_ref[...], jnp.ones((nw, 1), jnp.float32),
                          (((0,), (0,)), ((), ())),
                          preferred_element_type=jnp.float32)
    deg = jnp.maximum(deg, 1.0)
    h = _proj(_exp0(jnp.tanh(a / deg)))
    u2_ref[...] = _to_sc_table(_mobius_matmul_log(h, w_ref[...]))
    deg_ref[...] = deg


def _tc_mid(aggp, degp, W, n):
    d = aggp.shape[2]
    nw = degp.shape[0]
    blk = min(_ROWS_BLK, n)
    return pl.pallas_call(
        _tc_mid_body,
        grid=(pl.cdiv(n, blk),),
        in_specs=[
            pl.BlockSpec((2, blk, d), lambda i: (0, i, 0)),
            pl.BlockSpec((nw, blk), lambda i: (0, i)),
            pl.BlockSpec((d, d), lambda i: (0, 0)),
        ],
        out_specs=[
            pl.BlockSpec((blk, d), lambda i: (i, 0)),
            pl.BlockSpec((blk, 1), lambda i: (i, 0)),
        ],
        out_shape=[
            jax.ShapeDtypeStruct((n, d), jnp.bfloat16),
            jax.ShapeDtypeStruct((n, 1), jnp.float32),
        ],
    )(aggp, degp, W)


def _tc_post_body(bp_ref, deg_ref, x_ref, o_ref):
    bp = bp_ref[...]
    a = bp[0] + bp[1]
    h = _proj(_exp0(jnp.tanh(a / deg_ref[...])))
    x = x_ref[...]
    h2 = jnp.sum(h * h, axis=-1, keepdims=True)
    x2 = jnp.sum(x * x, axis=-1, keepdims=True)
    hx = jnp.sum(h * x, axis=-1, keepdims=True)
    num = (1.0 + 2.0 * hx + x2) * h + (1.0 - h2) * x
    den = 1.0 + 2.0 * hx + h2 * x2
    o_ref[...] = _proj(num / jnp.maximum(den, EPS))


def _tc_post(aggp2, deg, x):
    n, d = x.shape
    blk = min(_ROWS_BLK, n)
    return pl.pallas_call(
        _tc_post_body,
        grid=(pl.cdiv(n, blk),),
        in_specs=[
            pl.BlockSpec((2, blk, d), lambda i: (0, i, 0)),
            pl.BlockSpec((blk, 1), lambda i: (i, 0)),
            pl.BlockSpec((blk, d), lambda i: (i, 0)),
        ],
        out_specs=pl.BlockSpec((blk, d), lambda i: (i, 0)),
        out_shape=jax.ShapeDtypeStruct((n, d), jnp.float32),
    )(aggp2, deg, x)



_NC = 2
_NS = 16
_CHUNK = 96


@functools.lru_cache(maxsize=None)
def _make_sc_agg(n, e_pad, d, with_deg):
    nw = _NC * _NS
    epw = e_pad // nw
    iters = epw // _CHUNK
    assert epw * nw == e_pad and iters * _CHUNK == epw
    assert iters % 2 == 1 and iters >= 3
    i0 = int(2 * iters * 0.583) | 1
    i1 = 2 * iters - i0
    assert i1 >= 3 and i0 % 2 == 1 and i1 % 2 == 1
    n_pad = ((n + 127) // 128) * 128
    rpt = n_pad // _NS

    mesh = plsc.VectorSubcoreMesh(core_axis_name="c", subcore_axis_name="s")
    out_type = [jax.ShapeDtypeStruct((_NC, n_pad, d), jnp.float32)]
    if with_deg:
        out_type.append(jax.ShapeDtypeStruct((nw, n_pad), jnp.float32))

    @functools.partial(
        pl.kernel,
        out_type=out_type,
        mesh=mesh,
        scratch_types=[
            pltpu.VMEM((2, 4, _CHUNK // 2), jnp.int32),
            pltpu.VMEM((_CHUNK, d), jnp.bfloat16),
            pltpu.VMEM((_CHUNK, d), jnp.bfloat16),
            pltpu.VMEM((_CHUNK, d), jnp.float32),
            pltpu.VMEM((_CHUNK, d), jnp.float32),
            pltpu.VMEM((n_pad,), jnp.float32),
            pltpu.VMEM_SHARED((n_pad, d), jnp.float32),
            pltpu.SemaphoreType.DMA,
            pltpu.SemaphoreType.DMA,
            pltpu.SemaphoreType.DMA,
            pltpu.SemaphoreType.DMA,
            pltpu.SemaphoreType.DMA,
            pltpu.SemaphoreType.DMA,
            pltpu.SemaphoreType.DMA,
            pltpu.SemaphoreType.DMA,
        ],
        compiler_params=pltpu.CompilerParams(use_tc_tiling_on_sc=False,
                                            needs_layout_passes=False),
    )
    def sc_agg(u_hbm, idx_hbm, zero_hbm, *rest):
        if with_deg:
            out_hbm, deg_hbm, ibuf, rows0, rows1, frows0, frows1, degloc, \
                agg_sh, si0, si1, sr0, sr1, sr0b, sr1b, ss0, ss1 = rest
        else:
            out_hbm, ibuf, rows0, rows1, frows0, frows1, degloc, \
                agg_sh, si0, si1, sr0, sr1, sr0b, sr1b, ss0, ss1 = rest
        c = lax.axis_index("c")
        s = lax.axis_index("s")
        r0 = s * rpt
        wid = s * _NC + c
        iters_c = jnp.where(c == 0, i0, i1)
        base = jnp.where(c == 0, s * i0, _NS * i0 + s * i1)
        last = nw * iters - 1

        def row(j):
            return jnp.minimum(base + j, last)

        pltpu.sync_copy(zero_hbm.at[pl.ds(r0, rpt)], agg_sh.at[pl.ds(r0, rpt)])
        if with_deg:
            def zbody(i, carry):
                degloc[pl.ds(i * 16, 16)] = jnp.zeros((16,), jnp.float32)
                return carry
            lax.fori_loop(0, n_pad // 16, zbody, 0)
        plsc.subcore_barrier()

        ones16 = jnp.ones((16,), jnp.float32)
        sems_i = (si0, si1)
        sems_r = ((sr0, sr0b), (sr1, sr1b))
        rows = (rows0, rows1)
        frows = (frows0, frows1)
        half = _CHUNK // 2

        def idx_wait(slot):
            pltpu.make_async_copy(idx_hbm.at[row(0)], ibuf.at[slot],
                                  sems_i[slot]).wait()

        def gather_start(j, slot):
            pltpu.async_copy(u_hbm.at[ibuf.at[slot, 0]],
                             rows[slot].at[pl.ds(0, half)], sems_r[slot][0])
            pltpu.async_copy(u_hbm.at[ibuf.at[slot, 1]],
                             rows[slot].at[pl.ds(half, half)],
                             sems_r[slot][1])

        dq = d // 32
        mask_hi = jnp.full((16,), -65536, jnp.int32)

        def drain_scatters(slot):
            pltpu.make_async_copy(frows[slot].at[pl.ds(0, half)],
                                 agg_sh.at[ibuf.at[slot, 2]], ss0).wait()
            pltpu.make_async_copy(frows[slot].at[pl.ds(half, half)],
                                 agg_sh.at[ibuf.at[slot, 3]], ss1).wait()

        def consume(j, slot):
            pltpu.make_async_copy(u_hbm.at[ibuf.at[slot, 0]],
                                 rows[slot].at[pl.ds(0, half)],
                                 sems_r[slot][0]).wait()
            pltpu.make_async_copy(u_hbm.at[ibuf.at[slot, 1]],
                                 rows[slot].at[pl.ds(half, half)],
                                 sems_r[slot][1]).wait()

            @pl.when(j > 0)
            def _():
                drain_scatters(slot)
            rb = rows[slot]
            fr = frows[slot]

            @plsc.parallel_loop(0, _CHUNK, unroll=4)
            def convert_row(r):
                for q in range(dq):
                    w = plsc.bitcast(rb[r, pl.ds(32 * q, 32)], jnp.int32)
                    fr[r, pl.ds(16 * q, 16)] = plsc.bitcast(
                        lax.shift_left(w, 16), jnp.float32)
                    fr[r, pl.ds(d // 2 + 16 * q, 16)] = plsc.bitcast(
                        w & mask_hi, jnp.float32)

            pltpu.async_copy(fr.at[pl.ds(0, half)],
                             agg_sh.at[ibuf.at[slot, 2]], ss0, add=True)
            pltpu.async_copy(fr.at[pl.ds(half, half)],
                             agg_sh.at[ibuf.at[slot, 3]], ss1, add=True)
            if with_deg:
                for r2 in (2, 3):
                    for q in range(half // 16):
                        idx16 = ibuf[slot, r2, pl.ds(q * 16, 16)]
                        plsc.addupdate_scatter(degloc, [idx16], ones16)

        def phase(j, slot):
            other = 1 - slot
            idx_wait(other)
            gather_start(j + 1, other)
            consume(j, slot)
            pltpu.async_copy(idx_hbm.at[row(j + 2)], ibuf.at[slot],
                             sems_i[slot])

        pltpu.sync_copy(idx_hbm.at[row(0)], ibuf.at[0])
        pltpu.async_copy(idx_hbm.at[row(1)], ibuf.at[1], si1)
        gather_start(0, 0)

        def body(i2, carry):
            j = 2 * i2
            phase(j, 0)
            phase(j + 1, 1)
            return carry

        lax.fori_loop(0, (iters_c - 1) // 2, body, 0)
        idx_wait(1)
        consume(iters_c - 1, 0)
        drain_scatters(0)

        if with_deg:
            pltpu.sync_copy(degloc, deg_hbm.at[wid])
        plsc.subcore_barrier()
        pltpu.sync_copy(agg_sh.at[pl.ds(r0, rpt)],
                        out_hbm.at[c, pl.ds(r0, rpt)])

    return sc_agg




def kernel(x, edge_index, W):
    n, d = x.shape
    e = edge_index.shape[1]
    src = edge_index[0].astype(jnp.int32)
    dst = edge_index[1].astype(jnp.int32)

    n_pad = ((n + 127) // 128) * 128
    nw = _NC * _NS
    iters = -(-e // (nw * _CHUNK))
    if iters % 2 == 0:
        iters += 1
    e_pad = nw * _CHUNK * iters
    pad = e_pad - e
    src_p = jnp.concatenate([src, jnp.zeros((pad,), jnp.int32)])
    dst_p = jnp.concatenate([dst, jnp.full((pad,), n_pad - 1, jnp.int32)])
    idx2 = jnp.stack([src_p.reshape(nw * iters, _CHUNK),
                      dst_p.reshape(nw * iters, _CHUNK)],
                     axis=1).reshape(nw * iters, 4, _CHUNK // 2)

    zeros = jnp.zeros((n_pad, d), jnp.float32)
    u1 = _tc_pre(x, W)
    aggp1, degp = _make_sc_agg(n, e_pad, d, True)(u1, idx2, zeros)
    u2, deg = _tc_mid(aggp1, degp, W, n)
    aggp2, = _make_sc_agg(n, e_pad, d, False)(u2, idx2, zeros)
    return _tc_post(aggp2, deg, x)

# --- scband reference (transcript-rebuilt; emitter-appended) ---
"""Pipeline reference for scband-hyper-ka-60172491817238 (READ-ONLY COPY).

The authoritative reference and input builder live on the scoring server;
editing this copy changes nothing except your own understanding.
"""

import jax, jax.numpy as jnp
import numpy as np

EPS = 1e-5
MAX_NORM = 1.0 - 1e-5


def _project(x):
    # Poincare ball projection: clip points back inside the unit ball.
    norm = jnp.maximum(jnp.linalg.norm(x, axis=-1, keepdims=True), EPS)
    clipped = x / norm * MAX_NORM
    return jnp.where(norm > MAX_NORM, clipped, x)


def _log_map_zero(x):
    norm = jnp.clip(jnp.linalg.norm(x, axis=-1, keepdims=True), EPS, MAX_NORM)
    return jnp.arctanh(norm) * x / norm


def _exp_map_zero(v):
    norm = jnp.maximum(jnp.linalg.norm(v, axis=-1, keepdims=True), EPS)
    return jnp.tanh(norm) * v / norm


def _mobius_add(x, y):
    x2 = jnp.sum(x * x, axis=-1, keepdims=True)
    y2 = jnp.sum(y * y, axis=-1, keepdims=True)
    xy = jnp.sum(x * y, axis=-1, keepdims=True)
    num = (1.0 + 2.0 * xy + y2) * x + (1.0 - x2) * y
    den = 1.0 + 2.0 * xy + x2 * y2
    return num / jnp.maximum(den, EPS)


def _mobius_matmul(x, W):
    return _project(_exp_map_zero(_log_map_zero(x) @ W))


N_NODES = 10000
N_EDGES = 320000
DIM = 128
N_LAYERS = 2


def setup_inputs(seed: int = 0) -> dict:
    key = jax.random.key(seed)
    k1, k2, k3 = jax.random.split(key, 3)
    # node (entity) embeddings, exp-mapped into the Poincare ball (xavier-like init)
    x = jax.random.normal(k1, (N_NODES, DIM), dtype=jnp.float32) * 0.02
    x = _project(_exp_map_zero(x))
    edge_index = jax.random.randint(k2, (2, N_EDGES), 0, N_NODES, dtype=jnp.int32).astype(jnp.int64)
    # orthogonal mapping matrix, as in HyperKA's GCN layer weight
    W = jnp.linalg.qr(jax.random.normal(k3, (DIM, DIM), dtype=jnp.float32))[0]
    return {"x": x, "edge_index": edge_index, "W": W}


def reference(x, edge_index, W):
    # Hyperbolic graph convolution (HyperKA _graph_convolution), layer_num=2,
    # drop_rate=0.0, combine=True (mobius-add the layer-0 input back in).
    N = x.shape[0]
    src = edge_index[0]
    dst = edge_index[1]
    deg = jax.ops.segment_sum(jnp.ones((edge_index.shape[1],), x.dtype), dst, num_segments=N)
    deg = jnp.maximum(deg, 1.0)[:, None]
    h = x
    for _ in range(N_LAYERS):
        z = _mobius_matmul(h, W)            # mobius linear transform
        u = _log_map_zero(z)                # to tangent space at origin
        msgs = jnp.take(u, src, axis=0)     # gather messages (memory bound)
        agg = jax.ops.segment_sum(msgs, dst, num_segments=N)  # scatter-add
        agg = agg / deg                     # mean aggregation (normalized adj)
        h = _project(_exp_map_zero(jnp.tanh(agg)))  # activation + back to ball
    # combine: mobius addition of the final output with the initial embeddings
    out = _project(_mobius_add(h, x))
    return out

if __name__ == "__main__":
    import jax
    _d = setup_inputs()
    print(jax.jit(kernel)(*tuple(_d.values())))

</pallas_src>

<mosaic_0001>
#map = affine_map<(d0, d1) -> (0, 0)>
#map1 = affine_map<(d0, d1) -> (0, 0, 0)>
module attributes {stable_mosaic.version = 14 : i64} {
  func.func @sc_agg(%arg0: i32, %arg1: i32, %arg2: memref<10000x128xbf16, #tpu.memory_space<hbm>>, %arg3: memref<3360x4x48xi32, #tpu.memory_space<hbm>>, %arg4: memref<10112x128xf32, #tpu.memory_space<hbm>>, %arg5: memref<2x10112x128xf32, #tpu.memory_space<hbm>>, %arg6: memref<32x10112xf32, #tpu.memory_space<hbm>>, %arg7: memref<2x4x48xi32, #tpu.memory_space<vmem>>, %arg8: memref<96x128xbf16, #tpu.memory_space<vmem>>, %arg9: memref<96x128xbf16, #tpu.memory_space<vmem>>, %arg10: memref<96x128xf32, #tpu.memory_space<vmem>>, %arg11: memref<96x128xf32, #tpu.memory_space<vmem>>, %arg12: memref<10112xf32, #tpu.memory_space<vmem>>, %arg13: memref<10112x128xf32, #tpu.memory_space<vmem_shared>>, %arg14: memref<!tpu.dma_semaphore, #tpu.memory_space<semaphore_mem>>, %arg15: memref<!tpu.dma_semaphore, #tpu.memory_space<semaphore_mem>>, %arg16: memref<!tpu.dma_semaphore, #tpu.memory_space<semaphore_mem>>, %arg17: memref<!tpu.dma_semaphore, #tpu.memory_space<semaphore_mem>>, %arg18: memref<!tpu.dma_semaphore, #tpu.memory_space<semaphore_mem>>, %arg19: memref<!tpu.dma_semaphore, #tpu.memory_space<semaphore_mem>>, %arg20: memref<!tpu.dma_semaphore, #tpu.memory_space<semaphore_mem>>, %arg21: memref<!tpu.dma_semaphore, #tpu.memory_space<semaphore_mem>>) attributes {dimension_semantics = [#tpu.dimension_semantics<core_parallel>, #tpu.dimension_semantics<subcore_parallel>], iteration_bounds = array<i64: 2, 16>, scalar_prefetch = 0 : i64, scratch_operands = 15 : i64, tpu.core_type = #tpu.core_type<sc_vector_subcore>, window_params = [{transform_indices = #map}, {transform_indices = #map1}, {transform_indices = #map}, {transform_indices = #map1}, {transform_indices = #map}]} {
    %mul3A = arith.constant 632 : i32
    %mul3A_0 = arith.muli %arg1, %mul3A : i32
    %mul3A_1 = arith.constant 2 : i32
    %mul3A_2 = arith.muli %arg1, %mul3A_1 : i32
    %add3A = arith.addi %mul3A_2, %arg0 : i32
    %eq3A = arith.constant 0 : i32
    %eq3A_3 = arith.cmpi eq, %arg0, %eq3A : i32
    %jit3A = arith.constant 123 : i32
    %jit3A_4 = arith.constant 87 : i32
    %select_n3A = arith.select %eq3A_3, %jit3A, %jit3A_4 : i32
    %eq3A_5 = arith.constant 0 : i32
    %eq3A_6 = arith.cmpi eq, %arg0, %eq3A_5 : i32
    %mul3A_7 = arith.constant 123 : i32
    %mul3A_8 = arith.muli %arg1, %mul3A_7 : i32
    %mul3A_9 = arith.constant 87 : i32
    %mul3A_10 = arith.muli %arg1, %mul3A_9 : i32
    %add3A_11 = arith.constant 1968 : i32
    %add3A_12 = arith.addi %add3A_11, %mul3A_10 : i32
    %select_n3A_13 = arith.select %eq3A_6, %mul3A_8, %add3A_12 : i32
    "tpu.region"() ({
      %run_scoped3A_224 = tpu.sem_alloc : memref<!tpu.dma_semaphore, #tpu.memory_space<semaphore_mem>>
      %dma_start3A_225 = arith.constant 0 : i32
      %dma_start3A_226 = tpu.memref_slice %arg13[%mul3A_0, %dma_start3A_225] : memref<10112x128xf32, #tpu.memory_space<vmem_shared>> -> memref<632x128xf32, #tpu.memory_space<vmem_shared>>
      %dma_start3A_227 = arith.constant 0 : i32
      %dma_start3A_228 = tpu.memref_slice %arg4[%mul3A_0, %dma_start3A_227] : memref<10112x128xf32, #tpu.memory_space<hbm>> -> memref<632x128xf32, #tpu.memory_space<hbm>>
      tpu.enqueue_dma source(%dma_start3A_228 : memref<632x128xf32, #tpu.memory_space<hbm>>) target(%dma_start3A_226 : memref<632x128xf32, #tpu.memory_space<vmem_shared>>) target_semaphore(%run_scoped3A_224 : memref<!tpu.dma_semaphore, #tpu.memory_space<semaphore_mem>>)
      %dma_wait3A_229 = arith.constant 0 : i32
      %dma_wait3A_230 = tpu.memref_slice %arg13[%mul3A_0, %dma_wait3A_229] : memref<10112x128xf32, #tpu.memory_space<vmem_shared>> -> memref<632x128xf32, #tpu.memory_space<vmem_shared>>
      %dma_wait3A_231 = arith.constant 0 : i32
      %dma_wait3A_232 = tpu.memref_slice %arg4[%mul3A_0, %dma_wait3A_231] : memref<10112x128xf32, #tpu.memory_space<hbm>> -> memref<632x128xf32, #tpu.memory_space<hbm>>
      tpu.wait_dma2 semaphore(%run_scoped3A_224 : memref<!tpu.dma_semaphore, #tpu.memory_space<semaphore_mem>>) src(%dma_wait3A_232 : memref<632x128xf32, #tpu.memory_space<hbm>>) dst(%dma_wait3A_230 : memref<632x128xf32, #tpu.memory_space<vmem_shared>>)
      tpu.yield
    }) : () -> ()
    %scan3A = arith.constant 0 : i32
    %scan3A_14 = arith.constant 0 : i32
    %scan3A_15 = arith.constant 632 : i32
    %scan3A_16 = arith.addi %scan3A_14, %scan3A_15 : i32
    %scan3A_17 = arith.constant 1 : i32
    scf.for %scan3A_224 = %scan3A_14 to %scan3A_16 step %scan3A_17  : i32 {
      %broadcast_in_dim3A_225 = arith.constant 0.000000e+00 : f32
      %broadcast_in_dim3A_226 = vector.broadcast %broadcast_in_dim3A_225 : f32 to vector<16xf32>
      %mul3A_227 = arith.constant 16 : i32
      %mul3A_228 = arith.muli %scan3A_224, %mul3A_227 : i32
      %swap3A = arith.index_cast %mul3A_228 : i32 to index
      %swap3A_229 = tpu.vector_load %arg12[%swap3A] {strides = array<i32>} : memref<10112xf32, #tpu.memory_space<vmem>>, vector<16xf32>,
      tpu.vector_store %arg12[%swap3A], %broadcast_in_dim3A_226 {strides = array<i32>} : memref<10112xf32, #tpu.memory_space<vmem>>, vector<16xf32>,
    }
    %scan3A_18 = arith.constant 632 : i32
    %barrier3A = arith.constant 0 : index
    tpu.barrier barrier_id(%barrier3A)
    %broadcast_in_dim3A = arith.constant 1.000000e+00 : f32
    %broadcast_in_dim3A_19 = vector.broadcast %broadcast_in_dim3A : f32 to vector<16xf32>
    %broadcast_in_dim3A_20 = arith.constant -65536 : i32
    %broadcast_in_dim3A_21 = vector.broadcast %broadcast_in_dim3A_20 : i32 to vector<16xi32>
    %add3A_22 = arith.constant 0 : i32
    %add3A_23 = arith.addi %select_n3A_13, %add3A_22 : i32
    %min3A = arith.constant 3359 : i32
    %min3A_24 = arith.minsi %add3A_23, %min3A : i32
    %run_scoped3A = arith.constant 0 : i32
    "tpu.region"() ({
      %run_scoped3A_224 = tpu.sem_alloc : memref<!tpu.dma_semaphore, #tpu.memory_space<semaphore_mem>>
      %dma_start3A_225 = arith.constant 0 : i32
      %dma_start3A_226 = arith.constant 0 : i32
      %dma_start3A_227 = tpu.memref_slice %arg7[%run_scoped3A, %dma_start3A_225, %dma_start3A_226] : memref<2x4x48xi32, #tpu.memory_space<vmem>> -> memref<1x4x48xi32, #tpu.memory_space<vmem>>
      %dma_start3A_228 = tpu.memref_squeeze %dma_start3A_227 : memref<1x4x48xi32, #tpu.memory_space<vmem>> -> memref<4x48xi32, #tpu.memory_space<vmem>>
      %dma_start3A_229 = arith.constant 0 : i32
      %dma_start3A_230 = arith.constant 0 : i32
      %dma_start3A_231 = tpu.memref_slice %arg3[%min3A_24, %dma_start3A_229, %dma_start3A_230] : memref<3360x4x48xi32, #tpu.memory_space<hbm>> -> memref<1x4x48xi32, #tpu.memory_space<hbm>>
      %dma_start3A_232 = tpu.memref_squeeze %dma_start3A_231 : memref<1x4x48xi32, #tpu.memory_space<hbm>> -> memref<4x48xi32, #tpu.memory_space<hbm>>
      %dma_start3A_233 = arith.constant 0 : i32
      %dma_start3A_234 = arith.constant 0 : i32
      %dma_start3A_235 = tpu.memref_slice %arg7[%run_scoped3A, %dma_start3A_233, %dma_start3A_234] : memref<2x4x48xi32, #tpu.memory_space<vmem>> -> memref<1x4x48xi32, #tpu.memory_space<vmem>>
      %dma_start3A_236 = tpu.memref_squeeze %dma_start3A_235 : memref<1x4x48xi32, #tpu.memory_space<vmem>> -> memref<4x48xi32, #tpu.memory_space<vmem>>
      %dma_start3A_237 = arith.constant 0 : i32
      %dma_start3A_238 = arith.constant 0 : i32
      %dma_start3A_239 = tpu.memref_slice %arg3[%min3A_24, %dma_start3A_237, %dma_start3A_238] : memref<3360x4x48xi32, #tpu.memory_space<hbm>> -> memref<1x4x48xi32, #tpu.memory_space<hbm>>
      %dma_start3A_240 = tpu.memref_squeeze %dma_start3A_239 : memref<1x4x48xi32, #tpu.memory_space<hbm>> -> memref<4x48xi32, #tpu.memory_space<hbm>>
      tpu.enqueue_dma source(%dma_start3A_240 : memref<4x48xi32, #tpu.memory_space<hbm>>) target(%dma_start3A_236 : memref<4x48xi32, #tpu.memory_space<vmem>>) target_semaphore(%run_scoped3A_224 : memref<!tpu.dma_semaphore, #tpu.memory_space<semaphore_mem>>)
      %dma_wait3A_241 = arith.constant 0 : i32
      %dma_wait3A_242 = arith.constant 0 : i32
      %dma_wait3A_243 = tpu.memref_slice %arg7[%run_scoped3A, %dma_wait3A_241, %dma_wait3A_242] : memref<2x4x48xi32, #tpu.memory_space<vmem>> -> memref<1x4x48xi32, #tpu.memory_space<vmem>>
      %dma_wait3A_244 = tpu.memref_squeeze %dma_wait3A_243 : memref<1x4x48xi32, #tpu.memory_space<vmem>> -> memref<4x48xi32, #tpu.memory_space<vmem>>
      %dma_wait3A_245 = arith.constant 0 : i32
      %dma_wait3A_246 = arith.constant 0 : i32
      %dma_wait3A_247 = tpu.memref_slice %arg3[%min3A_24, %dma_wait3A_245, %dma_wait3A_246] : memref<3360x4x48xi32, #tpu.memory_space<hbm>> -> memref<1x4x48xi32, #tpu.memory_space<hbm>>
      %dma_wait3A_248 = tpu.memref_squeeze %dma_wait3A_247 : memref<1x4x48xi32, #tpu.memory_space<hbm>> -> memref<4x48xi32, #tpu.memory_space<hbm>>
      %dma_wait3A_249 = arith.constant 0 : i32
      %dma_wait3A_250 = arith.constant 0 : i32
      %dma_wait3A_251 = tpu.memref_slice %arg7[%run_scoped3A, %dma_wait3A_249, %dma_wait3A_250] : memref<2x4x48xi32, #tpu.memory_space<vmem>> -> memref<1x4x48xi32, #tpu.memory_space<vmem>>
      %dma_wait3A_252 = tpu.memref_squeeze %dma_wait3A_251 : memref<1x4x48xi32, #tpu.memory_space<vmem>> -> memref<4x48xi32, #tpu.memory_space<vmem>>
      %dma_wait3A_253 = arith.constant 0 : i32
      %dma_wait3A_254 = arith.constant 0 : i32
      %dma_wait3A_255 = tpu.memref_slice %arg3[%min3A_24, %dma_wait3A_253, %dma_wait3A_254] : memref<3360x4x48xi32, #tpu.memory_space<hbm>> -> memref<1x4x48xi32, #tpu.memory_space<hbm>>
      %dma_wait3A_256 = tpu.memref_squeeze %dma_wait3A_255 : memref<1x4x48xi32, #tpu.memory_space<hbm>> -> memref<4x48xi32, #tpu.memory_space<hbm>>
      tpu.wait_dma2 semaphore(%run_scoped3A_224 : memref<!tpu.dma_semaphore, #tpu.memory_space<semaphore_mem>>) src(%dma_wait3A_256 : memref<4x48xi32, #tpu.memory_space<hbm>>) dst(%dma_wait3A_252 : memref<4x48xi32, #tpu.memory_space<vmem>>)
      tpu.yield
    }) : () -> ()
    %add3A_25 = arith.constant 1 : i32
    %add3A_26 = arith.addi %select_n3A_13, %add3A_25 : i32
    %min3A_27 = arith.constant 3359 : i32
    %min3A_28 = arith.minsi %add3A_26, %min3A_27 : i32
    %dma_start3A = arith.constant 1 : i32
    %dma_start3A_29 = arith.constant 0 : i32
    %dma_start3A_30 = arith.constant 0 : i32
    %dma_start3A_31 = tpu.memref_slice %arg7[%dma_start3A, %dma_start3A_29, %dma_start3A_30] : memref<2x4x48xi32, #tpu.memory_space<vmem>> -> memref<1x4x48xi32, #tpu.memory_space<vmem>>
    %dma_start3A_32 = tpu.memref_squeeze %dma_start3A_31 : memref<1x4x48xi32, #tpu.memory_space<vmem>> -> memref<4x48xi32, #tpu.memory_space<vmem>>
    %dma_start3A_33 = arith.constant 0 : i32
    %dma_start3A_34 = arith.constant 0 : i32
    %dma_start3A_35 = tpu.memref_slice %arg3[%min3A_28, %dma_start3A_33, %dma_start3A_34] : memref<3360x4x48xi32, #tpu.memory_space<hbm>> -> memref<1x4x48xi32, #tpu.memory_space<hbm>>
    %dma_start3A_36 = tpu.memref_squeeze %dma_start3A_35 : memref<1x4x48xi32, #tpu.memory_space<hbm>> -> memref<4x48xi32, #tpu.memory_space<hbm>>
    %dma_start3A_37 = arith.constant 0 : i32
    %dma_start3A_38 = arith.constant 0 : i32
    %dma_start3A_39 = tpu.memref_slice %arg7[%dma_start3A, %dma_start3A_37, %dma_start3A_38] : memref<2x4x48xi32, #tpu.memory_space<vmem>> -> memref<1x4x48xi32, #tpu.memory_space<vmem>>
    %dma_start3A_40 = tpu.memref_squeeze %dma_start3A_39 : memref<1x4x48xi32, #tpu.memory_space<vmem>> -> memref<4x48xi32, #tpu.memory_space<vmem>>
    %dma_start3A_41 = arith.constant 0 : i32
    %dma_start3A_42 = arith.constant 0 : i32
    %dma_start3A_43 = tpu.memref_slice %arg3[%min3A_28, %dma_start3A_41, %dma_start3A_42] : memref<3360x4x48xi32, #tpu.memory_space<hbm>> -> memref<1x4x48xi32, #tpu.memory_space<hbm>>
    %dma_start3A_44 = tpu.memref_squeeze %dma_start3A_43 : memref<1x4x48xi32, #tpu.memory_space<hbm>> -> memref<4x48xi32, #tpu.memory_space<hbm>>
    tpu.enqueue_dma source(%dma_start3A_44 : memref<4x48xi32, #tpu.memory_space<hbm>>) target(%dma_start3A_40 : memref<4x48xi32, #tpu.memory_space<vmem>>) target_semaphore(%arg15 : memref<!tpu.dma_semaphore, #tpu.memory_space<semaphore_mem>>)
    %dma_start3A_45 = arith.constant 0 : i32
    %dma_start3A_46 = arith.constant 0 : i32
    %dma_start3A_47 = arith.constant 0 : i32
    %dma_start3A_48 = arith.constant 0 : i32
    %dma_start3A_49 = tpu.memref_slice %arg8[%dma_start3A_47, %dma_start3A_48] : memref<96x128xbf16, #tpu.memory_space<vmem>> -> memref<48x128xbf16, #tpu.memory_space<vmem>>
    %dma_start3A_50 = arith.constant 0 : i32
    %dma_start3A_51 = tpu.memref_slice %arg7[%dma_start3A_45, %dma_start3A_46, %dma_start3A_50] : memref<2x4x48xi32, #tpu.memory_space<vmem>> -> memref<1x1x48xi32, #tpu.memory_space<vmem>>
    %dma_start3A_52 = tpu.memref_squeeze %dma_start3A_51 : memref<1x1x48xi32, #tpu.memory_space<vmem>> -> memref<48xi32, #tpu.memory_space<vmem>>
    %dma_start3A_53 = arith.constant 0 : i32
    %dma_start3A_54 = arith.constant 0 : i32
    %dma_start3A_55 = tpu.memref_slice %arg2[%dma_start3A_53, %dma_start3A_54] : memref<10000x128xbf16, #tpu.memory_space<hbm>> -> memref<10000x128xbf16, #tpu.memory_space<hbm>>
    tpu.enqueue_indirect_dma source(%dma_start3A_55 : memref<10000x128xbf16, #tpu.memory_space<hbm>>) target(%dma_start3A_49 : memref<48x128xbf16, #tpu.memory_space<vmem>>) offsets(%dma_start3A_52 : memref<48xi32, #tpu.memory_space<vmem>>) semaphore(%arg16 : memref<!tpu.dma_semaphore, #tpu.memory_space<semaphore_mem>>)
    %dma_start3A_56 = arith.constant 0 : i32
    %dma_start3A_57 = arith.constant 1 : i32
    %dma_start3A_58 = arith.constant 48 : i32
    %dma_start3A_59 = arith.constant 0 : i32
    %dma_start3A_60 = tpu.memref_slice %arg8[%dma_start3A_58, %dma_start3A_59] : memref<96x128xbf16, #tpu.memory_space<vmem>> -> memref<48x128xbf16, #tpu.memory_space<vmem>>
    %dma_start3A_61 = arith.constant 0 : i32
    %dma_start3A_62 = tpu.memref_slice %arg7[%dma_start3A_56, %dma_start3A_57, %dma_start3A_61] : memref<2x4x48xi32, #tpu.memory_space<vmem>> -> memref<1x1x48xi32, #tpu.memory_space<vmem>>
    %dma_start3A_63 = tpu.memref_squeeze %dma_start3A_62 : memref<1x1x48xi32, #tpu.memory_space<vmem>> -> memref<48xi32, #tpu.memory_space<vmem>>
    %dma_start3A_64 = arith.constant 0 : i32
    %dma_start3A_65 = arith.constant 0 : i32
    %dma_start3A_66 = tpu.memref_slice %arg2[%dma_start3A_64, %dma_start3A_65] : memref<10000x128xbf16, #tpu.memory_space<hbm>> -> memref<10000x128xbf16, #tpu.memory_space<hbm>>
    tpu.enqueue_indirect_dma source(%dma_start3A_66 : memref<10000x128xbf16, #tpu.memory_space<hbm>>) target(%dma_start3A_60 : memref<48x128xbf16, #tpu.memory_space<vmem>>) offsets(%dma_start3A_63 : memref<48xi32, #tpu.memory_space<vmem>>) semaphore(%arg18 : memref<!tpu.dma_semaphore, #tpu.memory_space<semaphore_mem>>)
    %sub3A = arith.constant 1 : i32
    %sub3A_67 = arith.subi %select_n3A, %sub3A : i32
    %jit3A_68 = arith.constant 2 : i32
    %div3A = arith.divsi %sub3A_67, %jit3A_68 : i32
    %sign3A = arith.constant 0 : i32
    %sign3A_69 = arith.cmpi sgt, %sub3A_67, %sign3A : i32
    %sign3A_70 = arith.extui %sign3A_69 : i1 to i32
    %sign3A_71 = arith.constant 0 : i32
    %sign3A_72 = arith.cmpi slt, %sub3A_67, %sign3A_71 : i32
    %sign3A_73 = arith.extui %sign3A_72 : i1 to i32
    %sign3A_74 = arith.subi %sign3A_70, %sign3A_73 : i32
    %sign3A_75 = arith.constant 0 : i32
    %sign3A_76 = arith.cmpi sgt, %jit3A_68, %sign3A_75 : i32
    %sign3A_77 = arith.extui %sign3A_76 : i1 to i32
    %sign3A_78 = arith.constant 0 : i32
    %sign3A_79 = arith.cmpi slt, %jit3A_68, %sign3A_78 : i32
    %sign3A_80 = arith.extui %sign3A_79 : i1 to i32
    %sign3A_81 = arith.subi %sign3A_77, %sign3A_80 : i32
    %ne3A = arith.cmpi ne, %sign3A_74, %sign3A_81 : i32
    %rem3A = arith.remsi %sub3A_67, %jit3A_68 : i32
    %ne3A_82 = arith.constant 0 : i32
    %ne3A_83 = arith.cmpi ne, %rem3A, %ne3A_82 : i32
    %and3A = arith.andi %ne3A, %ne3A_83 : i1
    %sub3A_84 = arith.constant 1 : i32
    %sub3A_85 = arith.subi %div3A, %sub3A_84 : i32
    %select_n3A_86 = arith.select %and3A, %sub3A_85, %div3A : i32
    %while3A = arith.constant 0 : i32
    %while3A_87 = arith.constant 0 : i32
    %while3A_88 = arith.subi %select_n3A_86, %while3A_87 : i32
    %while3A_89 = arith.addi %while3A_87, %while3A_88 : i32
    %while3A_90 = arith.constant 1 : i32
    %while3A_91 = arith.divsi %while3A_88, %while3A_90 : i32
    %while3A_92 = arith.muli %while3A_91, %while3A_90 : i32
    %while3A_93 = arith.addi %while3A_87, %while3A_92 : i32
    %while3A_94 = arith.constant 1 : i32
    scf.for %while3A_224 = %while3A_87 to %while3A_93 step %while3A_94  : i32 {
      %mul3A_225 = arith.constant 2 : i32
      %mul3A_226 = arith.muli %mul3A_225, %while3A_224 : i32
      %add3A_227 = arith.constant 0 : i32
      %add3A_228 = arith.addi %select_n3A_13, %add3A_227 : i32
      %min3A_229 = arith.constant 3359 : i32
      %min3A_230 = arith.minsi %add3A_228, %min3A_229 : i32
      %dma_wait3A_231 = arith.constant 1 : i32
      %dma_wait3A_232 = arith.constant 0 : i32
      %dma_wait3A_233 = arith.constant 0 : i32
      %dma_wait3A_234 = tpu.memref_slice %arg7[%dma_wait3A_231, %dma_wait3A_232, %dma_wait3A_233] : memref<2x4x48xi32, #tpu.memory_space<vmem>> -> memref<1x4x48xi32, #tpu.memory_space<vmem>>
      %dma_wait3A_235 = tpu.memref_squeeze %dma_wait3A_234 : memref<1x4x48xi32, #tpu.memory_space<vmem>> -> memref<4x48xi32, #tpu.memory_space<vmem>>
      %dma_wait3A_236 = arith.constant 0 : i32
      %dma_wait3A_237 = arith.constant 0 : i32
      %dma_wait3A_238 = tpu.memref_slice %arg3[%min3A_230, %dma_wait3A_236, %dma_wait3A_237] : memref<3360x4x48xi32, #tpu.memory_space<hbm>> -> memref<1x4x48xi32, #tpu.memory_space<hbm>>
      %dma_wait3A_239 = tpu.memref_squeeze %dma_wait3A_238 : memref<1x4x48xi32, #tpu.memory_space<hbm>> -> memref<4x48xi32, #tpu.memory_space<hbm>>
      %dma_wait3A_240 = arith.constant 0 : i32
      %dma_wait3A_241 = arith.constant 0 : i32
      %dma_wait3A_242 = tpu.memref_slice %arg7[%dma_wait3A_231, %dma_wait3A_240, %dma_wait3A_241] : memref<2x4x48xi32, #tpu.memory_space<vmem>> -> memref<1x4x48xi32, #tpu.memory_space<vmem>>
      %dma_wait3A_243 = tpu.memref_squeeze %dma_wait3A_242 : memref<1x4x48xi32, #tpu.memory_space<vmem>> -> memref<4x48xi32, #tpu.memory_space<vmem>>
      %dma_wait3A_244 = arith.constant 0 : i32
      %dma_wait3A_245 = arith.constant 0 : i32
      %dma_wait3A_246 = tpu.memref_slice %arg3[%min3A_230, %dma_wait3A_244, %dma_wait3A_245] : memref<3360x4x48xi32, #tpu.memory_space<hbm>> -> memref<1x4x48xi32, #tpu.memory_space<hbm>>
      %dma_wait3A_247 = tpu.memref_squeeze %dma_wait3A_246 : memref<1x4x48xi32, #tpu.memory_space<hbm>> -> memref<4x48xi32, #tpu.memory_space<hbm>>
      tpu.wait_dma2 semaphore(%arg15 : memref<!tpu.dma_semaphore, #tpu.memory_space<semaphore_mem>>) src(%dma_wait3A_247 : memref<4x48xi32, #tpu.memory_space<hbm>>) dst(%dma_wait3A_243 : memref<4x48xi32, #tpu.memory_space<vmem>>)
      %add3A_248 = arith.constant 1 : i32
      %add3A_249 = arith.addi %mul3A_226, %add3A_248 : i32
      %dma_start3A_250 = arith.constant 1 : i32
      %dma_start3A_251 = arith.constant 0 : i32
      %dma_start3A_252 = arith.constant 0 : i32
      %dma_start3A_253 = arith.constant 0 : i32
      %dma_start3A_254 = tpu.memref_slice %arg9[%dma_start3A_252, %dma_start3A_253] : memref<96x128xbf16, #tpu.memory_space<vmem>> -> memref<48x128xbf16, #tpu.memory_space<vmem>>
      %dma_start3A_255 = arith.constant 0 : i32
      %dma_start3A_256 = tpu.memref_slice %arg7[%dma_start3A_250, %dma_start3A_251, %dma_start3A_255] : memref<2x4x48xi32, #tpu.memory_space<vmem>> -> memref<1x1x48xi32, #tpu.memory_space<vmem>>
      %dma_start3A_257 = tpu.memref_squeeze %dma_start3A_256 : memref<1x1x48xi32, #tpu.memory_space<vmem>> -> memref<48xi32, #tpu.memory_space<vmem>>
      %dma_start3A_258 = arith.constant 0 : i32
      %dma_start3A_259 = arith.constant 0 : i32
      %dma_start3A_260 = tpu.memref_slice %arg2[%dma_start3A_258, %dma_start3A_259] : memref<10000x128xbf16, #tpu.memory_space<hbm>> -> memref<10000x128xbf16, #tpu.memory_space<hbm>>
      tpu.enqueue_indirect_dma source(%dma_start3A_260 : memref<10000x128xbf16, #tpu.memory_space<hbm>>) target(%dma_start3A_254 : memref<48x128xbf16, #tpu.memory_space<vmem>>) offsets(%dma_start3A_257 : memref<48xi32, #tpu.memory_space<vmem>>) semaphore(%arg17 : memref<!tpu.dma_semaphore, #tpu.memory_space<semaphore_mem>>)
      %dma_start3A_261 = arith.constant 1 : i32
      %dma_start3A_262 = arith.constant 1 : i32
      %dma_start3A_263 = arith.constant 48 : i32
      %dma_start3A_264 = arith.constant 0 : i32
      %dma_start3A_265 = tpu.memref_slice %arg9[%dma_start3A_263, %dma_start3A_264] : memref<96x128xbf16, #tpu.memory_space<vmem>> -> memref<48x128xbf16, #tpu.memory_space<vmem>>
      %dma_start3A_266 = arith.constant 0 : i32
      %dma_start3A_267 = tpu.memref_slice %arg7[%dma_start3A_261, %dma_start3A_262, %dma_start3A_266] : memref<2x4x48xi32, #tpu.memory_space<vmem>> -> memref<1x1x48xi32, #tpu.memory_space<vmem>>
      %dma_start3A_268 = tpu.memref_squeeze %dma_start3A_267 : memref<1x1x48xi32, #tpu.memory_space<vmem>> -> memref<48xi32, #tpu.memory_space<vmem>>
      %dma_start3A_269 = arith.constant 0 : i32
      %dma_start3A_270 = arith.constant 0 : i32
      %dma_start3A_271 = tpu.memref_slice %arg2[%dma_start3A_269, %dma_start3A_270] : memref<10000x128xbf16, #tpu.memory_space<hbm>> -> memref<10000x128xbf16, #tpu.memory_space<hbm>>
      tpu.enqueue_indirect_dma source(%dma_start3A_271 : memref<10000x128xbf16, #tpu.memory_space<hbm>>) target(%dma_start3A_265 : memref<48x128xbf16, #tpu.memory_space<vmem>>) offsets(%dma_start3A_268 : memref<48xi32, #tpu.memory_space<vmem>>) semaphore(%arg19 : memref<!tpu.dma_semaphore, #tpu.memory_space<semaphore_mem>>)
      %dma_wait3A_272 = arith.constant 0 : i32
      %dma_wait3A_273 = arith.constant 0 : i32
      %dma_wait3A_274 = arith.constant 0 : i32
      %dma_wait3A_275 = arith.constant 0 : i32
      %dma_wait3A_276 = tpu.memref_slice %arg8[%dma_wait3A_274, %dma_wait3A_275] : memref<96x128xbf16, #tpu.memory_space<vmem>> -> memref<48x128xbf16, #tpu.memory_space<vmem>>
      %dma_wait3A_277 = arith.constant 0 : i32
      %dma_wait3A_278 = tpu.memref_slice %arg7[%dma_wait3A_272, %dma_wait3A_273, %dma_wait3A_277] : memref<2x4x48xi32, #tpu.memory_space<vmem>> -> memref<1x1x48xi32, #tpu.memory_space<vmem>>
      %dma_wait3A_279 = tpu.memref_squeeze %dma_wait3A_278 : memref<1x1x48xi32, #tpu.memory_space<vmem>> -> memref<48xi32, #tpu.memory_space<vmem>>
      %dma_wait3A_280 = arith.constant 0 : i32
      %dma_wait3A_281 = arith.constant 0 : i32
      %dma_wait3A_282 = tpu.memref_slice %arg2[%dma_wait3A_280, %dma_wait3A_281] : memref<10000x128xbf16, #tpu.memory_space<hbm>> -> memref<10000x128xbf16, #tpu.memory_space<hbm>>
      tpu.wait_indirect_dma semaphore(%arg16 : memref<!tpu.dma_semaphore, #tpu.memory_space<semaphore_mem>>) src(%dma_wait3A_282 : memref<10000x128xbf16, #tpu.memory_space<hbm>>) dst(%dma_wait3A_276 : memref<48x128xbf16, #tpu.memory_space<vmem>>)
      %dma_wait3A_283 = arith.constant 0 : i32
      %dma_wait3A_284 = arith.constant 1 : i32
      %dma_wait3A_285 = arith.constant 48 : i32
      %dma_wait3A_286 = arith.constant 0 : i32
      %dma_wait3A_287 = tpu.memref_slice %arg8[%dma_wait3A_285, %dma_wait3A_286] : memref<96x128xbf16, #tpu.memory_space<vmem>> -> memref<48x128xbf16, #tpu.memory_space<vmem>>
      %dma_wait3A_288 = arith.constant 0 : i32
      %dma_wait3A_289 = tpu.memref_slice %arg7[%dma_wait3A_283, %dma_wait3A_284, %dma_wait3A_288] : memref<2x4x48xi32, #tpu.memory_space<vmem>> -> memref<1x1x48xi32, #tpu.memory_space<vmem>>
      %dma_wait3A_290 = tpu.memref_squeeze %dma_wait3A_289 : memref<1x1x48xi32, #tpu.memory_space<vmem>> -> memref<48xi32, #tpu.memory_space<vmem>>
      %dma_wait3A_291 = arith.constant 0 : i32
      %dma_wait3A_292 = arith.constant 0 : i32
      %dma_wait3A_293 = tpu.memref_slice %arg2[%dma_wait3A_291, %dma_wait3A_292] : memref<10000x128xbf16, #tpu.memory_space<hbm>> -> memref<10000x128xbf16, #tpu.memory_space<hbm>>
      tpu.wait_indirect_dma semaphore(%arg18 : memref<!tpu.dma_semaphore, #tpu.memory_space<semaphore_mem>>) src(%dma_wait3A_293 : memref<10000x128xbf16, #tpu.memory_space<hbm>>) dst(%dma_wait3A_287 : memref<48x128xbf16, #tpu.memory_space<vmem>>)
      %gt3A_294 = arith.constant 0 : i32
      %gt3A_295 = arith.cmpi sgt, %mul3A_226, %gt3A_294 : i32
      %convert_element_type3A_296 = arith.extui %gt3A_295 : i1 to i32
      %cond3A_297 = arith.constant 0 : i32
      %cond3A_298 = arith.cmpi ne, %convert_element_type3A_296, %cond3A_297 : i32
      scf.if %cond3A_298 {
        %dma_wait3A_539 = arith.constant 0 : i32
        %dma_wait3A_540 = arith.constant 2 : i32
        %dma_wait3A_541 = arith.constant 0 : i32
        %dma_wait3A_542 = arith.constant 0 : i32
        %dma_wait3A_543 = tpu.memref_slice %arg10[%dma_wait3A_541, %dma_wait3A_542] : memref<96x128xf32, #tpu.memory_space<vmem>> -> memref<48x128xf32, #tpu.memory_space<vmem>>
        %dma_wait3A_544 = arith.constant 0 : i32
        %dma_wait3A_545 = tpu.memref_slice %arg7[%dma_wait3A_539, %dma_wait3A_540, %dma_wait3A_544] : memref<2x4x48xi32, #tpu.memory_space<vmem>> -> memref<1x1x48xi32, #tpu.memory_space<vmem>>
        %dma_wait3A_546 = tpu.memref_squeeze %dma_wait3A_545 : memref<1x1x48xi32, #tpu.memory_space<vmem>> -> memref<48xi32, #tpu.memory_space<vmem>>
        %dma_wait3A_547 = arith.constant 0 : i32
        %dma_wait3A_548 = arith.constant 0 : i32
        %dma_wait3A_549 = tpu.memref_slice %arg13[%dma_wait3A_547, %dma_wait3A_548] : memref<10112x128xf32, #tpu.memory_space<vmem_shared>> -> memref<10112x128xf32, #tpu.memory_space<vmem_shared>>
        tpu.wait_indirect_dma semaphore(%arg20 : memref<!tpu.dma_semaphore, #tpu.memory_space<semaphore_mem>>) src(%dma_wait3A_543 : memref<48x128xf32, #tpu.memory_space<vmem>>) dst(%dma_wait3A_549 : memref<10112x128xf32, #tpu.memory_space<vmem_shared>>)
        %dma_wait3A_550 = arith.constant 0 : i32
        %dma_wait3A_551 = arith.constant 3 : i32
        %dma_wait3A_552 = arith.constant 48 : i32
        %dma_wait3A_553 = arith.constant 0 : i32
        %dma_wait3A_554 = tpu.memref_slice %arg10[%dma_wait3A_552, %dma_wait3A_553] : memref<96x128xf32, #tpu.memory_space<vmem>> -> memref<48x128xf32, #tpu.memory_space<vmem>>
        %dma_wait3A_555 = arith.constant 0 : i32
        %dma_wait3A_556 = tpu.memref_slice %arg7[%dma_wait3A_550, %dma_wait3A_551, %dma_wait3A_555] : memref<2x4x48xi32, #tpu.memory_space<vmem>> -> memref<1x1x48xi32, #tpu.memory_space<vmem>>
        %dma_wait3A_557 = tpu.memref_squeeze %dma_wait3A_556 : memref<1x1x48xi32, #tpu.memory_space<vmem>> -> memref<48xi32, #tpu.memory_space<vmem>>
        %dma_wait3A_558 = arith.constant 0 : i32
        %dma_wait3A_559 = arith.constant 0 : i32
        %dma_wait3A_560 = tpu.memref_slice %arg13[%dma_wait3A_558, %dma_wait3A_559] : memref<10112x128xf32, #tpu.memory_space<vmem_shared>> -> memref<10112x128xf32, #tpu.memory_space<vmem_shared>>
        tpu.wait_indirect_dma semaphore(%arg21 : memref<!tpu.dma_semaphore, #tpu.memory_space<semaphore_mem>>) src(%dma_wait3A_554 : memref<48x128xf32, #tpu.memory_space<vmem>>) dst(%dma_wait3A_560 : memref<10112x128xf32, #tpu.memory_space<vmem_shared>>)
      } else {
      }
      %parallel_loop3A_299 = arith.constant 0 : i32
      %parallel_loop3A_300 = arith.constant 96 : i32
      %parallel_loop3A_301 = arith.constant 1 : i32
      scf.for %parallel_loop3A_539 = %parallel_loop3A_299 to %parallel_loop3A_300 step %parallel_loop3A_301  : i32 {
        %parallel_loop3A_540 = arith.index_cast %parallel_loop3A_539 : i32 to index
        %parallel_loop3A_541 = arith.constant 0 : index
        %parallel_loop3A_542 = tpu.vector_load %arg8[%parallel_loop3A_540, %parallel_loop3A_541] {strides = array<i32>} : memref<96x128xbf16, #tpu.memory_space<vmem>>, vector<32xbf16>,
        %parallel_loop3A_543 = vector.bitcast %parallel_loop3A_542 : vector<32xbf16> to vector<16xi32>
        %parallel_loop3A_544 = arith.constant 16 : i32
        %parallel_loop3A_545 = vector.broadcast %parallel_loop3A_544 : i32 to vector<16xi32>
        %parallel_loop3A_546 = arith.shli %parallel_loop3A_543, %parallel_loop3A_545 : vector<16xi32>
        %parallel_loop3A_547 = vector.bitcast %parallel_loop3A_546 : vector<16xi32> to vector<16xf32>
        %parallel_loop3A_548 = arith.index_cast %parallel_loop3A_539 : i32 to index
        %parallel_loop3A_549 = arith.constant 0 : index
        %parallel_loop3A_550 = tpu.vector_load %arg10[%parallel_loop3A_548, %parallel_loop3A_549] {strides = array<i32>} : memref<96x128xf32, #tpu.memory_space<vmem>>, vector<16xf32>,
        tpu.vector_store %arg10[%parallel_loop3A_548, %parallel_loop3A_549], %parallel_loop3A_547 {strides = array<i32>} : memref<96x128xf32, #tpu.memory_space<vmem>>, vector<16xf32>,
        %parallel_loop3A_551 = arith.andi %parallel_loop3A_543, %broadcast_in_dim3A_21 : vector<16xi32>
        %parallel_loop3A_552 = vector.bitcast %parallel_loop3A_551 : vector<16xi32> to vector<16xf32>
        %parallel_loop3A_553 = arith.index_cast %parallel_loop3A_539 : i32 to index
        %parallel_loop3A_554 = arith.constant 64 : index
        %parallel_loop3A_555 = tpu.vector_load %arg10[%parallel_loop3A_553, %parallel_loop3A_554] {strides = array<i32>} : memref<96x128xf32, #tpu.memory_space<vmem>>, vector<16xf32>,
        tpu.vector_store %arg10[%parallel_loop3A_553, %parallel_loop3A_554], %parallel_loop3A_552 {strides = array<i32>} : memref<96x128xf32, #tpu.memory_space<vmem>>, vector<16xf32>,
        %parallel_loop3A_556 = arith.index_cast %parallel_loop3A_539 : i32 to index
        %parallel_loop3A_557 = arith.constant 32 : index
        %parallel_loop3A_558 = tpu.vector_load %arg8[%parallel_loop3A_556, %parallel_loop3A_557] {strides = array<i32>} : memref<96x128xbf16, #tpu.memory_space<vmem>>, vector<32xbf16>,
        %parallel_loop3A_559 = vector.bitcast %parallel_loop3A_558 : vector<32xbf16> to vector<16xi32>
        %parallel_loop3A_560 = arith.constant 16 : i32
        %parallel_loop3A_561 = vector.broadcast %parallel_loop3A_560 : i32 to vector<16xi32>
        %parallel_loop3A_562 = arith.shli %parallel_loop3A_559, %parallel_loop3A_561 : vector<16xi32>
        %parallel_loop3A_563 = vector.bitcast %parallel_loop3A_562 : vector<16xi32> to vector<16xf32>
        %parallel_loop3A_564 = arith.index_cast %parallel_loop3A_539 : i32 to index
        %parallel_loop3A_565 = arith.constant 16 : index
        %parallel_loop3A_566 = tpu.vector_load %arg10[%parallel_loop3A_564, %parallel_loop3A_565] {strides = array<i32>} : memref<96x128xf32, #tpu.memory_space<vmem>>, vector<16xf32>,
        tpu.vector_store %arg10[%parallel_loop3A_564, %parallel_loop3A_565], %parallel_loop3A_563 {strides = array<i32>} : memref<96x128xf32, #tpu.memory_space<vmem>>, vector<16xf32>,
        %parallel_loop3A_567 = arith.andi %parallel_loop3A_559, %broadcast_in_dim3A_21 : vector<16xi32>
        %parallel_loop3A_568 = vector.bitcast %parallel_loop3A_567 : vector<16xi32> to vector<16xf32>
        %parallel_loop3A_569 = arith.index_cast %parallel_loop3A_539 : i32 to index
        %parallel_loop3A_570 = arith.constant 80 : index
        %parallel_loop3A_571 = tpu.vector_load %arg10[%parallel_loop3A_569, %parallel_loop3A_570] {strides = array<i32>} : memref<96x128xf32, #tpu.memory_space<vmem>>, vector<16xf32>,
        tpu.vector_store %arg10[%parallel_loop3A_569, %parallel_loop3A_570], %parallel_loop3A_568 {strides = array<i32>} : memref<96x128xf32, #tpu.memory_space<vmem>>, vector<16xf32>,
        %parallel_loop3A_572 = arith.index_cast %parallel_loop3A_539 : i32 to index
        %parallel_loop3A_573 = arith.constant 64 : index
        %parallel_loop3A_574 = tpu.vector_load %arg8[%parallel_loop3A_572, %parallel_loop3A_573] {strides = array<i32>} : memref<96x128xbf16, #tpu.memory_space<vmem>>, vector<32xbf16>,
        %parallel_loop3A_575 = vector.bitcast %parallel_loop3A_574 : vector<32xbf16> to vector<16xi32>
        %parallel_loop3A_576 = arith.constant 16 : i32
        %parallel_loop3A_577 = vector.broadcast %parallel_loop3A_576 : i32 to vector<16xi32>
        %parallel_loop3A_578 = arith.shli %parallel_loop3A_575, %parallel_loop3A_577 : vector<16xi32>
        %parallel_loop3A_579 = vector.bitcast %parallel_loop3A_578 : vector<16xi32> to vector<16xf32>
        %parallel_loop3A_580 = arith.index_cast %parallel_loop3A_539 : i32 to index
        %parallel_loop3A_581 = arith.constant 32 : index
        %parallel_loop3A_582 = tpu.vector_load %arg10[%parallel_loop3A_580, %parallel_loop3A_581] {strides = array<i32>} : memref<96x128xf32, #tpu.memory_space<vmem>>, vector<16xf32>,
        tpu.vector_store %arg10[%parallel_loop3A_580, %parallel_loop3A_581], %parallel_loop3A_579 {strides = array<i32>} : memref<96x128xf32, #tpu.memory_space<vmem>>, vector<16xf32>,
        %parallel_loop3A_583 = arith.andi %parallel_loop3A_575, %broadcast_in_dim3A_21 : vector<16xi32>
        %parallel_loop3A_584 = vector.bitcast %parallel_loop3A_583 : vector<16xi32> to vector<16xf32>
        %parallel_loop3A_585 = arith.index_cast %parallel_loop3A_539 : i32 to index
        %parallel_loop3A_586 = arith.constant 96 : index
        %parallel_loop3A_587 = tpu.vector_load %arg10[%parallel_loop3A_585, %parallel_loop3A_586] {strides = array<i32>} : memref<96x128xf32, #tpu.memory_space<vmem>>, vector<16xf32>,
        tpu.vector_store %arg10[%parallel_loop3A_585, %parallel_loop3A_586], %parallel_loop3A_584 {strides = array<i32>} : memref<96x128xf32, #tpu.memory_space<vmem>>, vector<16xf32>,
        %parallel_loop3A_588 = arith.index_cast %parallel_loop3A_539 : i32 to index
        %parallel_loop3A_589 = arith.constant 96 : index
        %parallel_loop3A_590 = tpu.vector_load %arg8[%parallel_loop3A_588, %parallel_loop3A_589] {strides = array<i32>} : memref<96x128xbf16, #tpu.memory_space<vmem>>, vector<32xbf16>,
        %parallel_loop3A_591 = vector.bitcast %parallel_loop3A_590 : vector<32xbf16> to vector<16xi32>
        %parallel_loop3A_592 = arith.constant 16 : i32
        %parallel_loop3A_593 = vector.broadcast %parallel_loop3A_592 : i32 to vector<16xi32>
        %parallel_loop3A_594 = arith.shli %parallel_loop3A_591, %parallel_loop3A_593 : vector<16xi32>
        %parallel_loop3A_595 = vector.bitcast %parallel_loop3A_594 : vector<16xi32> to vector<16xf32>
        %parallel_loop3A_596 = arith.index_cast %parallel_loop3A_539 : i32 to index
        %parallel_loop3A_597 = arith.constant 48 : index
        %parallel_loop3A_598 = tpu.vector_load %arg10[%parallel_loop3A_596, %parallel_loop3A_597] {strides = array<i32>} : memref<96x128xf32, #tpu.memory_space<vmem>>, vector<16xf32>,
        tpu.vector_store %arg10[%parallel_loop3A_596, %parallel_loop3A_597], %parallel_loop3A_595 {strides = array<i32>} : memref<96x128xf32, #tpu.memory_space<vmem>>, vector<16xf32>,
        %parallel_loop3A_599 = arith.andi %parallel_loop3A_591, %broadcast_in_dim3A_21 : vector<16xi32>
        %parallel_loop3A_600 = vector.bitcast %parallel_loop3A_599 : vector<16xi32> to vector<16xf32>
        %parallel_loop3A_601 = arith.index_cast %parallel_loop3A_539 : i32 to index
        %parallel_loop3A_602 = arith.constant 112 : index
        %parallel_loop3A_603 = tpu.vector_load %arg10[%parallel_loop3A_601, %parallel_loop3A_602] {strides = array<i32>} : memref<96x128xf32, #tpu.memory_space<vmem>>, vector<16xf32>,
        tpu.vector_store %arg10[%parallel_loop3A_601, %parallel_loop3A_602], %parallel_loop3A_600 {strides = array<i32>} : memref<96x128xf32, #tpu.memory_space<vmem>>, vector<16xf32>,
      } {sc.loop_unroll_factor = 4 : i64, sc.parallel_access}
      %dma_start3A_302 = arith.constant 0 : i32
      %dma_start3A_303 = arith.constant 2 : i32
      %dma_start3A_304 = arith.constant 0 : i32
      %dma_start3A_305 = arith.constant 0 : i32
      %dma_start3A_306 = tpu.memref_slice %arg10[%dma_start3A_304, %dma_start3A_305] : memref<96x128xf32, #tpu.memory_space<vmem>> -> memref<48x128xf32, #tpu.memory_space<vmem>>
      %dma_start3A_307 = arith.constant 0 : i32
      %dma_start3A_308 = tpu.memref_slice %arg7[%dma_start3A_302, %dma_start3A_303, %dma_start3A_307] : memref<2x4x48xi32, #tpu.memory_space<vmem>> -> memref<1x1x48xi32, #tpu.memory_space<vmem>>
      %dma_start3A_309 = tpu.memref_squeeze %dma_start3A_308 : memref<1x1x48xi32, #tpu.memory_space<vmem>> -> memref<48xi32, #tpu.memory_space<vmem>>
      %dma_start3A_310 = arith.constant 0 : i32
      %dma_start3A_311 = arith.constant 0 : i32
      %dma_start3A_312 = tpu.memref_slice %arg13[%dma_start3A_310, %dma_start3A_311] : memref<10112x128xf32, #tpu.memory_space<vmem_shared>> -> memref<10112x128xf32, #tpu.memory_space<vmem_shared>>
      tpu.enqueue_indirect_dma source(%dma_start3A_306 : memref<48x128xf32, #tpu.memory_space<vmem>>) target(%dma_start3A_312 : memref<10112x128xf32, #tpu.memory_space<vmem_shared>>) offsets(%dma_start3A_309 : memref<48xi32, #tpu.memory_space<vmem>>) semaphore(%arg20 : memref<!tpu.dma_semaphore, #tpu.memory_space<semaphore_mem>>) {add = true}
      %dma_start3A_313 = arith.constant 0 : i32
      %dma_start3A_314 = arith.constant 3 : i32
      %dma_start3A_315 = arith.constant 48 : i32
      %dma_start3A_316 = arith.constant 0 : i32
      %dma_start3A_317 = tpu.memref_slice %arg10[%dma_start3A_315, %dma_start3A_316] : memref<96x128xf32, #tpu.memory_space<vmem>> -> memref<48x128xf32, #tpu.memory_space<vmem>>
      %dma_start3A_318 = arith.constant 0 : i32
      %dma_start3A_319 = tpu.memref_slice %arg7[%dma_start3A_313, %dma_start3A_314, %dma_start3A_318] : memref<2x4x48xi32, #tpu.memory_space<vmem>> -> memref<1x1x48xi32, #tpu.memory_space<vmem>>
      %dma_start3A_320 = tpu.memref_squeeze %dma_start3A_319 : memref<1x1x48xi32, #tpu.memory_space<vmem>> -> memref<48xi32, #tpu.memory_space<vmem>>
      %dma_start3A_321 = arith.constant 0 : i32
      %dma_start3A_322 = arith.constant 0 : i32
      %dma_start3A_323 = tpu.memref_slice %arg13[%dma_start3A_321, %dma_start3A_322] : memref<10112x128xf32, #tpu.memory_space<vmem_shared>> -> memref<10112x128xf32, #tpu.memory_space<vmem_shared>>
      tpu.enqueue_indirect_dma source(%dma_start3A_317 : memref<48x128xf32, #tpu.memory_space<vmem>>) target(%dma_start3A_323 : memref<10112x128xf32, #tpu.memory_space<vmem_shared>>) offsets(%dma_start3A_320 : memref<48xi32, #tpu.memory_space<vmem>>) semaphore(%arg21 : memref<!tpu.dma_semaphore, #tpu.memory_space<semaphore_mem>>) {add = true}
      %get3A_324 = arith.constant 0 : i32
      %get3A_325 = arith.constant 2 : i32
      %get3A_326 = arith.index_cast %get3A_324 : i32 to index
      %get3A_327 = arith.index_cast %get3A_325 : i32 to index
      %get3A_328 = arith.constant 0 : index
      %get3A_329 = tpu.vector_load %arg7[%get3A_326, %get3A_327, %get3A_328] {strides = array<i32>} : memref<2x4x48xi32, #tpu.memory_space<vmem>>, vector<16xi32>,
      tpu.vector_store_idx %arg12[%get3A_329], %broadcast_in_dim3A_19 {add = true} : memref<10112xf32, #tpu.memory_space<vmem>>[vector<16xi32>], vector<16xf32>,
      %get3A_330 = arith.constant 0 : i32
      %get3A_331 = arith.constant 2 : i32
      %get3A_332 = arith.index_cast %get3A_330 : i32 to index
      %get3A_333 = arith.index_cast %get3A_331 : i32 to index
      %get3A_334 = arith.constant 16 : index
      %get3A_335 = tpu.vector_load %arg7[%get3A_332, %get3A_333, %get3A_334] {strides = array<i32>} : memref<2x4x48xi32, #tpu.memory_space<vmem>>, vector<16xi32>,
      tpu.vector_store_idx %arg12[%get3A_335], %broadcast_in_dim3A_19 {add = true} : memref<10112xf32, #tpu.memory_space<vmem>>[vector<16xi32>], vector<16xf32>,
      %get3A_336 = arith.constant 0 : i32
      %get3A_337 = arith.constant 2 : i32
      %get3A_338 = arith.index_cast %get3A_336 : i32 to index
      %get3A_339 = arith.index_cast %get3A_337 : i32 to index
      %get3A_340 = arith.constant 32 : index
      %get3A_341 = tpu.vector_load %arg7[%get3A_338, %get3A_339, %get3A_340] {strides = array<i32>} : memref<2x4x48xi32, #tpu.memory_space<vmem>>, vector<16xi32>,
      tpu.vector_store_idx %arg12[%get3A_341], %broadcast_in_dim3A_19 {add = true} : memref<10112xf32, #tpu.memory_space<vmem>>[vector<16xi32>], vector<16xf32>,
      %get3A_342 = arith.constant 0 : i32
      %get3A_343 = arith.constant 3 : i32
      %get3A_344 = arith.index_cast %get3A_342 : i32 to index
      %get3A_345 = arith.index_cast %get3A_343 : i32 to index
      %get3A_346 = arith.constant 0 : index
      %get3A_347 = tpu.vector_load %arg7[%get3A_344, %get3A_345, %get3A_346] {strides = array<i32>} : memref<2x4x48xi32, #tpu.memory_space<vmem>>, vector<16xi32>,
      tpu.vector_store_idx %arg12[%get3A_347], %broadcast_in_dim3A_19 {add = true} : memref<10112xf32, #tpu.memory_space<vmem>>[vector<16xi32>], vector<16xf32>,
      %get3A_348 = arith.constant 0 : i32
      %get3A_349 = arith.constant 3 : i32
      %get3A_350 = arith.index_cast %get3A_348 : i32 to index
      %get3A_351 = arith.index_cast %get3A_349 : i32 to index
      %get3A_352 = arith.constant 16 : index
      %get3A_353 = tpu.vector_load %arg7[%get3A_350, %get3A_351, %get3A_352] {strides = array<i32>} : memref<2x4x48xi32, #tpu.memory_space<vmem>>, vector<16xi32>,
      tpu.vector_store_idx %arg12[%get3A_353], %broadcast_in_dim3A_19 {add = true} : memref<10112xf32, #tpu.memory_space<vmem>>[vector<16xi32>], vector<16xf32>,
      %get3A_354 = arith.constant 0 : i32
      %get3A_355 = arith.constant 3 : i32
      %get3A_356 = arith.index_cast %get3A_354 : i32 to index
      %get3A_357 = arith.index_cast %get3A_355 : i32 to index
      %get3A_358 = arith.constant 32 : index
      %get3A_359 = tpu.vector_load %arg7[%get3A_356, %get3A_357, %get3A_358] {strides = array<i32>} : memref<2x4x48xi32, #tpu.memory_space<vmem>>, vector<16xi32>,
      tpu.vector_store_idx %arg12[%get3A_359], %broadcast_in_dim3A_19 {add = true} : memref<10112xf32, #tpu.memory_space<vmem>>[vector<16xi32>], vector<16xf32>,
      %add3A_360 = arith.constant 2 : i32
      %add3A_361 = arith.addi %mul3A_226, %add3A_360 : i32
      %add3A_362 = arith.addi %select_n3A_13, %add3A_361 : i32
      %min3A_363 = arith.constant 3359 : i32
      %min3A_364 = arith.minsi %add3A_362, %min3A_363 : i32
      %dma_start3A_365 = arith.constant 0 : i32
      %dma_start3A_366 = arith.constant 0 : i32
      %dma_start3A_367 = arith.constant 0 : i32
      %dma_start3A_368 = tpu.memref_slice %arg7[%dma_start3A_365, %dma_start3A_366, %dma_start3A_367] : memref<2x4x48xi32, #tpu.memory_space<vmem>> -> memref<1x4x48xi32, #tpu.memory_space<vmem>>
      %dma_start3A_369 = tpu.memref_squeeze %dma_start3A_368 : memref<1x4x48xi32, #tpu.memory_space<vmem>> -> memref<4x48xi32, #tpu.memory_space<vmem>>
      %dma_start3A_370 = arith.constant 0 : i32
      %dma_start3A_371 = arith.constant 0 : i32
      %dma_start3A_372 = tpu.memref_slice %arg3[%min3A_364, %dma_start3A_370, %dma_start3A_371] : memref<3360x4x48xi32, #tpu.memory_space<hbm>> -> memref<1x4x48xi32, #tpu.memory_space<hbm>>
      %dma_start3A_373 = tpu.memref_squeeze %dma_start3A_372 : memref<1x4x48xi32, #tpu.memory_space<hbm>> -> memref<4x48xi32, #tpu.memory_space<hbm>>
      %dma_start3A_374 = arith.constant 0 : i32
      %dma_start3A_375 = arith.constant 0 : i32
      %dma_start3A_376 = tpu.memref_slice %arg7[%dma_start3A_365, %dma_start3A_374, %dma_start3A_375] : memref<2x4x48xi32, #tpu.memory_space<vmem>> -> memref<1x4x48xi32, #tpu.memory_space<vmem>>
      %dma_start3A_377 = tpu.memref_squeeze %dma_start3A_376 : memref<1x4x48xi32, #tpu.memory_space<vmem>> -> memref<4x48xi32, #tpu.memory_space<vmem>>
      %dma_start3A_378 = arith.constant 0 : i32
      %dma_start3A_379 = arith.constant 0 : i32
      %dma_start3A_380 = tpu.memref_slice %arg3[%min3A_364, %dma_start3A_378, %dma_start3A_379] : memref<3360x4x48xi32, #tpu.memory_space<hbm>> -> memref<1x4x48xi32, #tpu.memory_space<hbm>>
      %dma_start3A_381 = tpu.memref_squeeze %dma_start3A_380 : memref<1x4x48xi32, #tpu.memory_space<hbm>> -> memref<4x48xi32, #tpu.memory_space<hbm>>
      tpu.enqueue_dma source(%dma_start3A_381 : memref<4x48xi32, #tpu.memory_space<hbm>>) target(%dma_start3A_377 : memref<4x48xi32, #tpu.memory_space<vmem>>) target_semaphore(%arg14 : memref<!tpu.dma_semaphore, #tpu.memory_space<semaphore_mem>>)
      %add3A_382 = arith.constant 1 : i32
      %add3A_383 = arith.addi %mul3A_226, %add3A_382 : i32
      %add3A_384 = arith.constant 0 : i32
      %add3A_385 = arith.addi %select_n3A_13, %add3A_384 : i32
      %min3A_386 = arith.constant 3359 : i32
      %min3A_387 = arith.minsi %add3A_385, %min3A_386 : i32
      %dma_wait3A_388 = arith.constant 0 : i32
      %dma_wait3A_389 = arith.constant 0 : i32
      %dma_wait3A_390 = arith.constant 0 : i32
      %dma_wait3A_391 = tpu.memref_slice %arg7[%dma_wait3A_388, %dma_wait3A_389, %dma_wait3A_390] : memref<2x4x48xi32, #tpu.memory_space<vmem>> -> memref<1x4x48xi32, #tpu.memory_space<vmem>>
      %dma_wait3A_392 = tpu.memref_squeeze %dma_wait3A_391 : memref<1x4x48xi32, #tpu.memory_space<vmem>> -> memref<4x48xi32, #tpu.memory_space<vmem>>
      %dma_wait3A_393 = arith.constant 0 : i32
      %dma_wait3A_394 = arith.constant 0 : i32
      %dma_wait3A_395 = tpu.memref_slice %arg3[%min3A_387, %dma_wait3A_393, %dma_wait3A_394] : memref<3360x4x48xi32, #tpu.memory_space<hbm>> -> memref<1x4x48xi32, #tpu.memory_space<hbm>>
      %dma_wait3A_396 = tpu.memref_squeeze %dma_wait3A_395 : memref<1x4x48xi32, #tpu.memory_space<hbm>> -> memref<4x48xi32, #tpu.memory_space<hbm>>
      %dma_wait3A_397 = arith.constant 0 : i32
      %dma_wait3A_398 = arith.constant 0 : i32
      %dma_wait3A_399 = tpu.memref_slice %arg7[%dma_wait3A_388, %dma_wait3A_397, %dma_wait3A_398] : memref<2x4x48xi32, #tpu.memory_space<vmem>> -> memref<1x4x48xi32, #tpu.memory_space<vmem>>
      %dma_wait3A_400 = tpu.memref_squeeze %dma_wait3A_399 : memref<1x4x48xi32, #tpu.memory_space<vmem>> -> memref<4x48xi32, #tpu.memory_space<vmem>>
      %dma_wait3A_401 = arith.constant 0 : i32
      %dma_wait3A_402 = arith.constant 0 : i32
      %dma_wait3A_403 = tpu.memref_slice %arg3[%min3A_387, %dma_wait3A_401, %dma_wait3A_402] : memref<3360x4x48xi32, #tpu.memory_space<hbm>> -> memref<1x4x48xi32, #tpu.memory_space<hbm>>
      %dma_wait3A_404 = tpu.memref_squeeze %dma_wait3A_403 : memref<1x4x48xi32, #tpu.memory_space<hbm>> -> memref<4x48xi32, #tpu.memory_space<hbm>>
      tpu.wait_dma2 semaphore(%arg14 : memref<!tpu.dma_semaphore, #tpu.memory_space<semaphore_mem>>) src(%dma_wait3A_404 : memref<4x48xi32, #tpu.memory_space<hbm>>) dst(%dma_wait3A_400 : memref<4x48xi32, #tpu.memory_space<vmem>>)
      %add3A_405 = arith.constant 1 : i32
      %add3A_406 = arith.addi %add3A_383, %add3A_405 : i32
      %dma_start3A_407 = arith.constant 0 : i32
      %dma_start3A_408 = arith.constant 0 : i32
      %dma_start3A_409 = arith.constant 0 : i32
      %dma_start3A_410 = arith.constant 0 : i32
      %dma_start3A_411 = tpu.memref_slice %arg8[%dma_start3A_409, %dma_start3A_410] : memref<96x128xbf16, #tpu.memory_space<vmem>> -> memref<48x128xbf16, #tpu.memory_space<vmem>>
      %dma_start3A_412 = arith.constant 0 : i32
      %dma_start3A_413 = tpu.memref_slice %arg7[%dma_start3A_407, %dma_start3A_408, %dma_start3A_412] : memref<2x4x48xi32, #tpu.memory_space<vmem>> -> memref<1x1x48xi32, #tpu.memory_space<vmem>>
      %dma_start3A_414 = tpu.memref_squeeze %dma_start3A_413 : memref<1x1x48xi32, #tpu.memory_space<vmem>> -> memref<48xi32, #tpu.memory_space<vmem>>
      %dma_start3A_415 = arith.constant 0 : i32
      %dma_start3A_416 = arith.constant 0 : i32
      %dma_start3A_417 = tpu.memref_slice %arg2[%dma_start3A_415, %dma_start3A_416] : memref<10000x128xbf16, #tpu.memory_space<hbm>> -> memref<10000x128xbf16, #tpu.memory_space<hbm>>
      tpu.enqueue_indirect_dma source(%dma_start3A_417 : memref<10000x128xbf16, #tpu.memory_space<hbm>>) target(%dma_start3A_411 : memref<48x128xbf16, #tpu.memory_space<vmem>>) offsets(%dma_start3A_414 : memref<48xi32, #tpu.memory_space<vmem>>) semaphore(%arg16 : memref<!tpu.dma_semaphore, #tpu.memory_space<semaphore_mem>>)
      %dma_start3A_418 = arith.constant 0 : i32
      %dma_start3A_419 = arith.constant 1 : i32
      %dma_start3A_420 = arith.constant 48 : i32
      %dma_start3A_421 = arith.constant 0 : i32
      %dma_start3A_422 = tpu.memref_slice %arg8[%dma_start3A_420, %dma_start3A_421] : memref<96x128xbf16, #tpu.memory_space<vmem>> -> memref<48x128xbf16, #tpu.memory_space<vmem>>
      %dma_start3A_423 = arith.constant 0 : i32
      %dma_start3A_424 = tpu.memref_slice %arg7[%dma_start3A_418, %dma_start3A_419, %dma_start3A_423] : memref<2x4x48xi32, #tpu.memory_space<vmem>> -> memref<1x1x48xi32, #tpu.memory_space<vmem>>
      %dma_start3A_425 = tpu.memref_squeeze %dma_start3A_424 : memref<1x1x48xi32, #tpu.memory_space<vmem>> -> memref<48xi32, #tpu.memory_space<vmem>>
      %dma_start3A_426 = arith.constant 0 : i32
      %dma_start3A_427 = arith.constant 0 : i32
      %dma_start3A_428 = tpu.memref_slice %arg2[%dma_start3A_426, %dma_start3A_427] : memref<10000x128xbf16, #tpu.memory_space<hbm>> -> memref<10000x128xbf16, #tpu.memory_space<hbm>>
      tpu.enqueue_indirect_dma source(%dma_start3A_428 : memref<10000x128xbf16, #tpu.memory_space<hbm>>) target(%dma_start3A_422 : memref<48x128xbf16, #tpu.memory_space<vmem>>) offsets(%dma_start3A_425 : memref<48xi32, #tpu.memory_space<vmem>>) semaphore(%arg18 : memref<!tpu.dma_semaphore, #tpu.memory_space<semaphore_mem>>)
      %dma_wait3A_429 = arith.constant 1 : i32
      %dma_wait3A_430 = arith.constant 0 : i32
      %dma_wait3A_431 = arith.constant 0 : i32
      %dma_wait3A_432 = arith.constant 0 : i32
      %dma_wait3A_433 = tpu.memref_slice %arg9[%dma_wait3A_431, %dma_wait3A_432] : memref<96x128xbf16, #tpu.memory_space<vmem>> -> memref<48x128xbf16, #tpu.memory_space<vmem>>
      %dma_wait3A_434 = arith.constant 0 : i32
      %dma_wait3A_435 = tpu.memref_slice %arg7[%dma_wait3A_429, %dma_wait3A_430, %dma_wait3A_434] : memref<2x4x48xi32, #tpu.memory_space<vmem>> -> memref<1x1x48xi32, #tpu.memory_space<vmem>>
      %dma_wait3A_436 = tpu.memref_squeeze %dma_wait3A_435 : memref<1x1x48xi32, #tpu.memory_space<vmem>> -> memref<48xi32, #tpu.memory_space<vmem>>
      %dma_wait3A_437 = arith.constant 0 : i32
      %dma_wait3A_438 = arith.constant 0 : i32
      %dma_wait3A_439 = tpu.memref_slice %arg2[%dma_wait3A_437, %dma_wait3A_438] : memref<10000x128xbf16, #tpu.memory_space<hbm>> -> memref<10000x128xbf16, #tpu.memory_space<hbm>>
      tpu.wait_indirect_dma semaphore(%arg17 : memref<!tpu.dma_semaphore, #tpu.memory_space<semaphore_mem>>) src(%dma_wait3A_439 : memref<10000x128xbf16, #tpu.memory_space<hbm>>) dst(%dma_wait3A_433 : memref<48x128xbf16, #tpu.memory_space<vmem>>)
      %dma_wait3A_440 = arith.constant 1 : i32
      %dma_wait3A_441 = arith.constant 1 : i32
      %dma_wait3A_442 = arith.constant 48 : i32
      %dma_wait3A_443 = arith.constant 0 : i32
      %dma_wait3A_444 = tpu.memref_slice %arg9[%dma_wait3A_442, %dma_wait3A_443] : memref<96x128xbf16, #tpu.memory_space<vmem>> -> memref<48x128xbf16, #tpu.memory_space<vmem>>
      %dma_wait3A_445 = arith.constant 0 : i32
      %dma_wait3A_446 = tpu.memref_slice %arg7[%dma_wait3A_440, %dma_wait3A_441, %dma_wait3A_445] : memref<2x4x48xi32, #tpu.memory_space<vmem>> -> memref<1x1x48xi32, #tpu.memory_space<vmem>>
      %dma_wait3A_447 = tpu.memref_squeeze %dma_wait3A_446 : memref<1x1x48xi32, #tpu.memory_space<vmem>> -> memref<48xi32, #tpu.memory_space<vmem>>
      %dma_wait3A_448 = arith.constant 0 : i32
      %dma_wait3A_449 = arith.constant 0 : i32
      %dma_wait3A_450 = tpu.memref_slice %arg2[%dma_wait3A_448, %dma_wait3A_449] : memref<10000x128xbf16, #tpu.memory_space<hbm>> -> memref<10000x128xbf16, #tpu.memory_space<hbm>>
      tpu.wait_indirect_dma semaphore(%arg19 : memref<!tpu.dma_semaphore, #tpu.memory_space<semaphore_mem>>) src(%dma_wait3A_450 : memref<10000x128xbf16, #tpu.memory_space<hbm>>) dst(%dma_wait3A_444 : memref<48x128xbf16, #tpu.memory_space<vmem>>)
      %gt3A_451 = arith.constant 0 : i32
      %gt3A_452 = arith.cmpi sgt, %add3A_383, %gt3A_451 : i32
      %convert_element_type3A_453 = arith.extui %gt3A_452 : i1 to i32
      %cond3A_454 = arith.constant 0 : i32
      %cond3A_455 = arith.cmpi ne, %convert_element_type3A_453, %cond3A_454 : i32
      scf.if %cond3A_455 {
        %dma_wait3A_539 = arith.constant 1 : i32
        %dma_wait3A_540 = arith.constant 2 : i32
        %dma_wait3A_541 = arith.constant 0 : i32
        %dma_wait3A_542 = arith.constant 0 : i32
        %dma_wait3A_543 = tpu.memref_slice %arg11[%dma_wait3A_541, %dma_wait3A_542] : memref<96x128xf32, #tpu.memory_space<vmem>> -> memref<48x128xf32, #tpu.memory_space<vmem>>
        %dma_wait3A_544 = arith.constant 0 : i32
        %dma_wait3A_545 = tpu.memref_slice %arg7[%dma_wait3A_539, %dma_wait3A_540, %dma_wait3A_544] : memref<2x4x48xi32, #tpu.memory_space<vmem>> -> memref<1x1x48xi32, #tpu.memory_space<vmem>>
        %dma_wait3A_546 = tpu.memref_squeeze %dma_wait3A_545 : memref<1x1x48xi32, #tpu.memory_space<vmem>> -> memref<48xi32, #tpu.memory_space<vmem>>
        %dma_wait3A_547 = arith.constant 0 : i32
        %dma_wait3A_548 = arith.constant 0 : i32
        %dma_wait3A_549 = tpu.memref_slice %arg13[%dma_wait3A_547, %dma_wait3A_548] : memref<10112x128xf32, #tpu.memory_space<vmem_shared>> -> memref<10112x128xf32, #tpu.memory_space<vmem_shared>>
        tpu.wait_indirect_dma semaphore(%arg20 : memref<!tpu.dma_semaphore, #tpu.memory_space<semaphore_mem>>) src(%dma_wait3A_543 : memref<48x128xf32, #tpu.memory_space<vmem>>) dst(%dma_wait3A_549 : memref<10112x128xf32, #tpu.memory_space<vmem_shared>>)
        %dma_wait3A_550 = arith.constant 1 : i32
        %dma_wait3A_551 = arith.constant 3 : i32
        %dma_wait3A_552 = arith.constant 48 : i32
        %dma_wait3A_553 = arith.constant 0 : i32
        %dma_wait3A_554 = tpu.memref_slice %arg11[%dma_wait3A_552, %dma_wait3A_553] : memref<96x128xf32, #tpu.memory_space<vmem>> -> memref<48x128xf32, #tpu.memory_space<vmem>>
        %dma_wait3A_555 = arith.constant 0 : i32
        %dma_wait3A_556 = tpu.memref_slice %arg7[%dma_wait3A_550, %dma_wait3A_551, %dma_wait3A_555] : memref<2x4x48xi32, #tpu.memory_space<vmem>> -> memref<1x1x48xi32, #tpu.memory_space<vmem>>
        %dma_wait3A_557 = tpu.memref_squeeze %dma_wait3A_556 : memref<1x1x48xi32, #tpu.memory_space<vmem>> -> memref<48xi32, #tpu.memory_space<vmem>>
        %dma_wait3A_558 = arith.constant 0 : i32
        %dma_wait3A_559 = arith.constant 0 : i32
        %dma_wait3A_560 = tpu.memref_slice %arg13[%dma_wait3A_558, %dma_wait3A_559] : memref<10112x128xf32, #tpu.memory_space<vmem_shared>> -> memref<10112x128xf32, #tpu.memory_space<vmem_shared>>
        tpu.wait_indirect_dma semaphore(%arg21 : memref<!tpu.dma_semaphore, #tpu.memory_space<semaphore_mem>>) src(%dma_wait3A_554 : memref<48x128xf32, #tpu.memory_space<vmem>>) dst(%dma_wait3A_560 : memref<10112x128xf32, #tpu.memory_space<vmem_shared>>)
      } else {
      }
      %parallel_loop3A_456 = arith.constant 0 : i32
      %parallel_loop3A_457 = arith.constant 96 : i32
      %parallel_loop3A_458 = arith.constant 1 : i32
      scf.for %parallel_loop3A_539 = %parallel_loop3A_456 to %parallel_loop3A_457 step %parallel_loop3A_458  : i32 {
        %parallel_loop3A_540 = arith.index_cast %parallel_loop3A_539 : i32 to index
        %parallel_loop3A_541 = arith.constant 0 : index
        %parallel_loop3A_542 = tpu.vector_load %arg9[%parallel_loop3A_540, %parallel_loop3A_541] {strides = array<i32>} : memref<96x128xbf16, #tpu.memory_space<vmem>>, vector<32xbf16>,
        %parallel_loop3A_543 = vector.bitcast %parallel_loop3A_542 : vector<32xbf16> to vector<16xi32>
        %parallel_loop3A_544 = arith.constant 16 : i32
        %parallel_loop3A_545 = vector.broadcast %parallel_loop3A_544 : i32 to vector<16xi32>
        %parallel_loop3A_546 = arith.shli %parallel_loop3A_543, %parallel_loop3A_545 : vector<16xi32>
        %parallel_loop3A_547 = vector.bitcast %parallel_loop3A_546 : vector<16xi32> to vector<16xf32>
        %parallel_loop3A_548 = arith.index_cast %parallel_loop3A_539 : i32 to index
        %parallel_loop3A_549 = arith.constant 0 : index
        %parallel_loop3A_550 = tpu.vector_load %arg11[%parallel_loop3A_548, %parallel_loop3A_549] {strides = array<i32>} : memref<96x128xf32, #tpu.memory_space<vmem>>, vector<16xf32>,
        tpu.vector_store %arg11[%parallel_loop3A_548, %parallel_loop3A_549], %parallel_loop3A_547 {strides = array<i32>} : memref<96x128xf32, #tpu.memory_space<vmem>>, vector<16xf32>,
        %parallel_loop3A_551 = arith.andi %parallel_loop3A_543, %broadcast_in_dim3A_21 : vector<16xi32>
        %parallel_loop3A_552 = vector.bitcast %parallel_loop3A_551 : vector<16xi32> to vector<16xf32>
        %parallel_loop3A_553 = arith.index_cast %parallel_loop3A_539 : i32 to index
        %parallel_loop3A_554 = arith.constant 64 : index
        %parallel_loop3A_555 = tpu.vector_load %arg11[%parallel_loop3A_553, %parallel_loop3A_554] {strides = array<i32>} : memref<96x128xf32, #tpu.memory_space<vmem>>, vector<16xf32>,
        tpu.vector_store %arg11[%parallel_loop3A_553, %parallel_loop3A_554], %parallel_loop3A_552 {strides = array<i32>} : memref<96x128xf32, #tpu.memory_space<vmem>>, vector<16xf32>,
        %parallel_loop3A_556 = arith.index_cast %parallel_loop3A_539 : i32 to index
        %parallel_loop3A_557 = arith.constant 32 : index
        %parallel_loop3A_558 = tpu.vector_load %arg9[%parallel_loop3A_556, %parallel_loop3A_557] {strides = array<i32>} : memref<96x128xbf16, #tpu.memory_space<vmem>>, vector<32xbf16>,
        %parallel_loop3A_559 = vector.bitcast %parallel_loop3A_558 : vector<32xbf16> to vector<16xi32>
        %parallel_loop3A_560 = arith.constant 16 : i32
        %parallel_loop3A_561 = vector.broadcast %parallel_loop3A_560 : i32 to vector<16xi32>
        %parallel_loop3A_562 = arith.shli %parallel_loop3A_559, %parallel_loop3A_561 : vector<16xi32>
        %parallel_loop3A_563 = vector.bitcast %parallel_loop3A_562 : vector<16xi32> to vector<16xf32>
        %parallel_loop3A_564 = arith.index_cast %parallel_loop3A_539 : i32 to index
        %parallel_loop3A_565 = arith.constant 16 : index
        %parallel_loop3A_566 = tpu.vector_load %arg11[%parallel_loop3A_564, %parallel_loop3A_565] {strides = array<i32>} : memref<96x128xf32, #tpu.memory_space<vmem>>, vector<16xf32>,
        tpu.vector_store %arg11[%parallel_loop3A_564, %parallel_loop3A_565], %parallel_loop3A_563 {strides = array<i32>} : memref<96x128xf32, #tpu.memory_space<vmem>>, vector<16xf32>,
        %parallel_loop3A_567 = arith.andi %parallel_loop3A_559, %broadcast_in_dim3A_21 : vector<16xi32>
        %parallel_loop3A_568 = vector.bitcast %parallel_loop3A_567 : vector<16xi32> to vector<16xf32>
        %parallel_loop3A_569 = arith.index_cast %parallel_loop3A_539 : i32 to index
        %parallel_loop3A_570 = arith.constant 80 : index
        %parallel_loop3A_571 = tpu.vector_load %arg11[%parallel_loop3A_569, %parallel_loop3A_570] {strides = array<i32>} : memref<96x128xf32, #tpu.memory_space<vmem>>, vector<16xf32>,
        tpu.vector_store %arg11[%parallel_loop3A_569, %parallel_loop3A_570], %parallel_loop3A_568 {strides = array<i32>} : memref<96x128xf32, #tpu.memory_space<vmem>>, vector<16xf32>,
        %parallel_loop3A_572 = arith.index_cast %parallel_loop3A_539 : i32 to index
        %parallel_loop3A_573 = arith.constant 64 : index
        %parallel_loop3A_574 = tpu.vector_load %arg9[%parallel_loop3A_572, %parallel_loop3A_573] {strides = array<i32>} : memref<96x128xbf16, #tpu.memory_space<vmem>>, vector<32xbf16>,
        %parallel_loop3A_575 = vector.bitcast %parallel_loop3A_574 : vector<32xbf16> to vector<16xi32>
        %parallel_loop3A_576 = arith.constant 16 : i32
        %parallel_loop3A_577 = vector.broadcast %parallel_loop3A_576 : i32 to vector<16xi32>
        %parallel_loop3A_578 = arith.shli %parallel_loop3A_575, %parallel_loop3A_577 : vector<16xi32>
        %parallel_loop3A_579 = vector.bitcast %parallel_loop3A_578 : vector<16xi32> to vector<16xf32>
        %parallel_loop3A_580 = arith.index_cast %parallel_loop3A_539 : i32 to index
        %parallel_loop3A_581 = arith.constant 32 : index
        %parallel_loop3A_582 = tpu.vector_load %arg11[%parallel_loop3A_580, %parallel_loop3A_581] {strides = array<i32>} : memref<96x128xf32, #tpu.memory_space<vmem>>, vector<16xf32>,
        tpu.vector_store %arg11[%parallel_loop3A_580, %parallel_loop3A_581], %parallel_loop3A_579 {strides = array<i32>} : memref<96x128xf32, #tpu.memory_space<vmem>>, vector<16xf32>,
        %parallel_loop3A_583 = arith.andi %parallel_loop3A_575, %broadcast_in_dim3A_21 : vector<16xi32>
        %parallel_loop3A_584 = vector.bitcast %parallel_loop3A_583 : vector<16xi32> to vector<16xf32>
        %parallel_loop3A_585 = arith.index_cast %parallel_loop3A_539 : i32 to index
        %parallel_loop3A_586 = arith.constant 96 : index
        %parallel_loop3A_587 = tpu.vector_load %arg11[%parallel_loop3A_585, %parallel_loop3A_586] {strides = array<i32>} : memref<96x128xf32, #tpu.memory_space<vmem>>, vector<16xf32>,
        tpu.vector_store %arg11[%parallel_loop3A_585, %parallel_loop3A_586], %parallel_loop3A_584 {strides = array<i32>} : memref<96x128xf32, #tpu.memory_space<vmem>>, vector<16xf32>,
        %parallel_loop3A_588 = arith.index_cast %parallel_loop3A_539 : i32 to index
        %parallel_loop3A_589 = arith.constant 96 : index
        %parallel_loop3A_590 = tpu.vector_load %arg9[%parallel_loop3A_588, %parallel_loop3A_589] {strides = array<i32>} : memref<96x128xbf16, #tpu.memory_space<vmem>>, vector<32xbf16>,
        %parallel_loop3A_591 = vector.bitcast %parallel_loop3A_590 : vector<32xbf16> to vector<16xi32>
        %parallel_loop3A_592 = arith.constant 16 : i32
        %parallel_loop3A_593 = vector.broadcast %parallel_loop3A_592 : i32 to vector<16xi32>
        %parallel_loop3A_594 = arith.shli %parallel_loop3A_591, %parallel_loop3A_593 : vector<16xi32>
        %parallel_loop3A_595 = vector.bitcast %parallel_loop3A_594 : vector<16xi32> to vector<16xf32>
        %parallel_loop3A_596 = arith.index_cast %parallel_loop3A_539 : i32 to index
        %parallel_loop3A_597 = arith.constant 48 : index
        %parallel_loop3A_598 = tpu.vector_load %arg11[%parallel_loop3A_596, %parallel_loop3A_597] {strides = array<i32>} : memref<96x128xf32, #tpu.memory_space<vmem>>, vector<16xf32>,
        tpu.vector_store %arg11[%parallel_loop3A_596, %parallel_loop3A_597], %parallel_loop3A_595 {strides = array<i32>} : memref<96x128xf32, #tpu.memory_space<vmem>>, vector<16xf32>,
        %parallel_loop3A_599 = arith.andi %parallel_loop3A_591, %broadcast_in_dim3A_21 : vector<16xi32>
        %parallel_loop3A_600 = vector.bitcast %parallel_loop3A_599 : vector<16xi32> to vector<16xf32>
        %parallel_loop3A_601 = arith.index_cast %parallel_loop3A_539 : i32 to index
        %parallel_loop3A_602 = arith.constant 112 : index
        %parallel_loop3A_603 = tpu.vector_load %arg11[%parallel_loop3A_601, %parallel_loop3A_602] {strides = array<i32>} : memref<96x128xf32, #tpu.memory_space<vmem>>, vector<16xf32>,
        tpu.vector_store %arg11[%parallel_loop3A_601, %parallel_loop3A_602], %parallel_loop3A_600 {strides = array<i32>} : memref<96x128xf32, #tpu.memory_space<vmem>>, vector<16xf32>,
      } {sc.loop_unroll_factor = 4 : i64, sc.parallel_access}
      %dma_start3A_459 = arith.constant 1 : i32
      %dma_start3A_460 = arith.constant 2 : i32
      %dma_start3A_461 = arith.constant 0 : i32
      %dma_start3A_462 = arith.constant 0 : i32
      %dma_start3A_463 = tpu.memref_slice %arg11[%dma_start3A_461, %dma_start3A_462] : memref<96x128xf32, #tpu.memory_space<vmem>> -> memref<48x128xf32, #tpu.memory_space<vmem>>
      %dma_start3A_464 = arith.constant 0 : i32
      %dma_start3A_465 = tpu.memref_slice %arg7[%dma_start3A_459, %dma_start3A_460, %dma_start3A_464] : memref<2x4x48xi32, #tpu.memory_space<vmem>> -> memref<1x1x48xi32, #tpu.memory_space<vmem>>
      %dma_start3A_466 = tpu.memref_squeeze %dma_start3A_465 : memref<1x1x48xi32, #tpu.memory_space<vmem>> -> memref<48xi32, #tpu.memory_space<vmem>>
      %dma_start3A_467 = arith.constant 0 : i32
      %dma_start3A_468 = arith.constant 0 : i32
      %dma_start3A_469 = tpu.memref_slice %arg13[%dma_start3A_467, %dma_start3A_468] : memref<10112x128xf32, #tpu.memory_space<vmem_shared>> -> memref<10112x128xf32, #tpu.memory_space<vmem_shared>>
      tpu.enqueue_indirect_dma source(%dma_start3A_463 : memref<48x128xf32, #tpu.memory_space<vmem>>) target(%dma_start3A_469 : memref<10112x128xf32, #tpu.memory_space<vmem_shared>>) offsets(%dma_start3A_466 : memref<48xi32, #tpu.memory_space<vmem>>) semaphore(%arg20 : memref<!tpu.dma_semaphore, #tpu.memory_space<semaphore_mem>>) {add = true}
      %dma_start3A_470 = arith.constant 1 : i32
      %dma_start3A_471 = arith.constant 3 : i32
      %dma_start3A_472 = arith.constant 48 : i32
      %dma_start3A_473 = arith.constant 0 : i32
      %dma_start3A_474 = tpu.memref_slice %arg11[%dma_start3A_472, %dma_start3A_473] : memref<96x128xf32, #tpu.memory_space<vmem>> -> memref<48x128xf32, #tpu.memory_space<vmem>>
      %dma_start3A_475 = arith.constant 0 : i32
      %dma_start3A_476 = tpu.memref_slice %arg7[%dma_start3A_470, %dma_start3A_471, %dma_start3A_475] : memref<2x4x48xi32, #tpu.memory_space<vmem>> -> memref<1x1x48xi32, #tpu.memory_space<vmem>>
      %dma_start3A_477 = tpu.memref_squeeze %dma_start3A_476 : memref<1x1x48xi32, #tpu.memory_space<vmem>> -> memref<48xi32, #tpu.memory_space<vmem>>
      %dma_start3A_478 = arith.constant 0 : i32
      %dma_start3A_479 = arith.constant 0 : i32
      %dma_start3A_480 = tpu.memref_slice %arg13[%dma_start3A_478, %dma_start3A_479] : memref<10112x128xf32, #tpu.memory_space<vmem_shared>> -> memref<10112x128xf32, #tpu.memory_space<vmem_shared>>
      tpu.enqueue_indirect_dma source(%dma_start3A_474 : memref<48x128xf32, #tpu.memory_space<vmem>>) target(%dma_start3A_480 : memref<10112x128xf32, #tpu.memory_space<vmem_shared>>) offsets(%dma_start3A_477 : memref<48xi32, #tpu.memory_space<vmem>>) semaphore(%arg21 : memref<!tpu.dma_semaphore, #tpu.memory_space<semaphore_mem>>) {add = true}
      %get3A_481 = arith.constant 1 : i32
      %get3A_482 = arith.constant 2 : i32
      %get3A_483 = arith.index_cast %get3A_481 : i32 to index
      %get3A_484 = arith.index_cast %get3A_482 : i32 to index
      %get3A_485 = arith.constant 0 : index
      %get3A_486 = tpu.vector_load %arg7[%get3A_483, %get3A_484, %get3A_485] {strides = array<i32>} : memref<2x4x48xi32, #tpu.memory_space<vmem>>, vector<16xi32>,
      tpu.vector_store_idx %arg12[%get3A_486], %broadcast_in_dim3A_19 {add = true} : memref<10112xf32, #tpu.memory_space<vmem>>[vector<16xi32>], vector<16xf32>,
      %get3A_487 = arith.constant 1 : i32
      %get3A_488 = arith.constant 2 : i32
      %get3A_489 = arith.index_cast %get3A_487 : i32 to index
      %get3A_490 = arith.index_cast %get3A_488 : i32 to index
      %get3A_491 = arith.constant 16 : index
      %get3A_492 = tpu.vector_load %arg7[%get3A_489, %get3A_490, %get3A_491] {strides = array<i32>} : memref<2x4x48xi32, #tpu.memory_space<vmem>>, vector<16xi32>,
      tpu.vector_store_idx %arg12[%get3A_492], %broadcast_in_dim3A_19 {add = true} : memref<10112xf32, #tpu.memory_space<vmem>>[vector<16xi32>], vector<16xf32>,
      %get3A_493 = arith.constant 1 : i32
      %get3A_494 = arith.constant 2 : i32
      %get3A_495 = arith.index_cast %get3A_493 : i32 to index
      %get3A_496 = arith.index_cast %get3A_494 : i32 to index
      %get3A_497 = arith.constant 32 : index
      %get3A_498 = tpu.vector_load %arg7[%get3A_495, %get3A_496, %get3A_497] {strides = array<i32>} : memref<2x4x48xi32, #tpu.memory_space<vmem>>, vector<16xi32>,
      tpu.vector_store_idx %arg12[%get3A_498], %broadcast_in_dim3A_19 {add = true} : memref<10112xf32, #tpu.memory_space<vmem>>[vector<16xi32>], vector<16xf32>,
      %get3A_499 = arith.constant 1 : i32
      %get3A_500 = arith.constant 3 : i32
      %get3A_501 = arith.index_cast %get3A_499 : i32 to index
      %get3A_502 = arith.index_cast %get3A_500 : i32 to index
      %get3A_503 = arith.constant 0 : index
      %get3A_504 = tpu.vector_load %arg7[%get3A_501, %get3A_502, %get3A_503] {strides = array<i32>} : memref<2x4x48xi32, #tpu.memory_space<vmem>>, vector<16xi32>,
      tpu.vector_store_idx %arg12[%get3A_504], %broadcast_in_dim3A_19 {add = true} : memref<10112xf32, #tpu.memory_space<vmem>>[vector<16xi32>], vector<16xf32>,
      %get3A_505 = arith.constant 1 : i32
      %get3A_506 = arith.constant 3 : i32
      %get3A_507 = arith.index_cast %get3A_505 : i32 to index
      %get3A_508 = arith.index_cast %get3A_506 : i32 to index
      %get3A_509 = arith.constant 16 : index
      %get3A_510 = tpu.vector_load %arg7[%get3A_507, %get3A_508, %get3A_509] {strides = array<i32>} : memref<2x4x48xi32, #tpu.memory_space<vmem>>, vector<16xi32>,
      tpu.vector_store_idx %arg12[%get3A_510], %broadcast_in_dim3A_19 {add = true} : memref<10112xf32, #tpu.memory_space<vmem>>[vector<16xi32>], vector<16xf32>,
      %get3A_511 = arith.constant 1 : i32
      %get3A_512 = arith.constant 3 : i32
      %get3A_513 = arith.index_cast %get3A_511 : i32 to index
      %get3A_514 = arith.index_cast %get3A_512 : i32 to index
      %get3A_515 = arith.constant 32 : index
      %get3A_516 = tpu.vector_load %arg7[%get3A_513, %get3A_514, %get3A_515] {strides = array<i32>} : memref<2x4x48xi32, #tpu.memory_space<vmem>>, vector<16xi32>,
      tpu.vector_store_idx %arg12[%get3A_516], %broadcast_in_dim3A_19 {add = true} : memref<10112xf32, #tpu.memory_space<vmem>>[vector<16xi32>], vector<16xf32>,
      %add3A_517 = arith.constant 2 : i32
      %add3A_518 = arith.addi %add3A_383, %add3A_517 : i32
      %add3A_519 = arith.addi %select_n3A_13, %add3A_518 : i32
      %min3A_520 = arith.constant 3359 : i32
      %min3A_521 = arith.minsi %add3A_519, %min3A_520 : i32
      %dma_start3A_522 = arith.constant 1 : i32
      %dma_start3A_523 = arith.constant 0 : i32
      %dma_start3A_524 = arith.constant 0 : i32
      %dma_start3A_525 = tpu.memref_slice %arg7[%dma_start3A_522, %dma_start3A_523, %dma_start3A_524] : memref<2x4x48xi32, #tpu.memory_space<vmem>> -> memref<1x4x48xi32, #tpu.memory_space<vmem>>
      %dma_start3A_526 = tpu.memref_squeeze %dma_start3A_525 : memref<1x4x48xi32, #tpu.memory_space<vmem>> -> memref<4x48xi32, #tpu.memory_space<vmem>>
      %dma_start3A_527 = arith.constant 0 : i32
      %dma_start3A_528 = arith.constant 0 : i32
      %dma_start3A_529 = tpu.memref_slice %arg3[%min3A_521, %dma_start3A_527, %dma_start3A_528] : memref<3360x4x48xi32, #tpu.memory_space<hbm>> -> memref<1x4x48xi32, #tpu.memory_space<hbm>>
      %dma_start3A_530 = tpu.memref_squeeze %dma_start3A_529 : memref<1x4x48xi32, #tpu.memory_space<hbm>> -> memref<4x48xi32, #tpu.memory_space<hbm>>
      %dma_start3A_531 = arith.constant 0 : i32
      %dma_start3A_532 = arith.constant 0 : i32
      %dma_start3A_533 = tpu.memref_slice %arg7[%dma_start3A_522, %dma_start3A_531, %dma_start3A_532] : memref<2x4x48xi32, #tpu.memory_space<vmem>> -> memref<1x4x48xi32, #tpu.memory_space<vmem>>
      %dma_start3A_534 = tpu.memref_squeeze %dma_start3A_533 : memref<1x4x48xi32, #tpu.memory_space<vmem>> -> memref<4x48xi32, #tpu.memory_space<vmem>>
      %dma_start3A_535 = arith.constant 0 : i32
      %dma_start3A_536 = arith.constant 0 : i32
      %dma_start3A_537 = tpu.memref_slice %arg3[%min3A_521, %dma_start3A_535, %dma_start3A_536] : memref<3360x4x48xi32, #tpu.memory_space<hbm>> -> memref<1x4x48xi32, #tpu.memory_space<hbm>>
      %dma_start3A_538 = tpu.memref_squeeze %dma_start3A_537 : memref<1x4x48xi32, #tpu.memory_space<hbm>> -> memref<4x48xi32, #tpu.memory_space<hbm>>
      tpu.enqueue_dma source(%dma_start3A_538 : memref<4x48xi32, #tpu.memory_space<hbm>>) target(%dma_start3A_534 : memref<4x48xi32, #tpu.memory_space<vmem>>) target_semaphore(%arg15 : memref<!tpu.dma_semaphore, #tpu.memory_space<semaphore_mem>>)
    }
    %while3A_95 = arith.constant 1 : i32
    scf.for %while3A_224 = %while3A_93 to %while3A_89 step %while3A_95  : i32 {
      %mul3A_225 = arith.constant 2 : i32
      %mul3A_226 = arith.muli %mul3A_225, %while3A_224 : i32
      %add3A_227 = arith.constant 0 : i32
      %add3A_228 = arith.addi %select_n3A_13, %add3A_227 : i32
      %min3A_229 = arith.constant 3359 : i32
      %min3A_230 = arith.minsi %add3A_228, %min3A_229 : i32
      %dma_wait3A_231 = arith.constant 1 : i32
      %dma_wait3A_232 = arith.constant 0 : i32
      %dma_wait3A_233 = arith.constant 0 : i32
      %dma_wait3A_234 = tpu.memref_slice %arg7[%dma_wait3A_231, %dma_wait3A_232, %dma_wait3A_233] : memref<2x4x48xi32, #tpu.memory_space<vmem>> -> memref<1x4x48xi32, #tpu.memory_space<vmem>>
      %dma_wait3A_235 = tpu.memref_squeeze %dma_wait3A_234 : memref<1x4x48xi32, #tpu.memory_space<vmem>> -> memref<4x48xi32, #tpu.memory_space<vmem>>
      %dma_wait3A_236 = arith.constant 0 : i32
      %dma_wait3A_237 = arith.constant 0 : i32
      %dma_wait3A_238 = tpu.memref_slice %arg3[%min3A_230, %dma_wait3A_236, %dma_wait3A_237] : memref<3360x4x48xi32, #tpu.memory_space<hbm>> -> memref<1x4x48xi32, #tpu.memory_space<hbm>>
      %dma_wait3A_239 = tpu.memref_squeeze %dma_wait3A_238 : memref<1x4x48xi32, #tpu.memory_space<hbm>> -> memref<4x48xi32, #tpu.memory_space<hbm>>
      %dma_wait3A_240 = arith.constant 0 : i32
      %dma_wait3A_241 = arith.constant 0 : i32
      %dma_wait3A_242 = tpu.memref_slice %arg7[%dma_wait3A_231, %dma_wait3A_240, %dma_wait3A_241] : memref<2x4x48xi32, #tpu.memory_space<vmem>> -> memref<1x4x48xi32, #tpu.memory_space<vmem>>
      %dma_wait3A_243 = tpu.memref_squeeze %dma_wait3A_242 : memref<1x4x48xi32, #tpu.memory_space<vmem>> -> memref<4x48xi32, #tpu.memory_space<vmem>>
      %dma_wait3A_244 = arith.constant 0 : i32
      %dma_wait3A_245 = arith.constant 0 : i32
      %dma_wait3A_246 = tpu.memref_slice %arg3[%min3A_230, %dma_wait3A_244, %dma_wait3A_245] : memref<3360x4x48xi32, #tpu.memory_space<hbm>> -> memref<1x4x48xi32, #tpu.memory_space<hbm>>
      %dma_wait3A_247 = tpu.memref_squeeze %dma_wait3A_246 : memref<1x4x48xi32, #tpu.memory_space<hbm>> -> memref<4x48xi32, #tpu.memory_space<hbm>>
      tpu.wait_dma2 semaphore(%arg15 : memref<!tpu.dma_semaphore, #tpu.memory_space<semaphore_mem>>) src(%dma_wait3A_247 : memref<4x48xi32, #tpu.memory_space<hbm>>) dst(%dma_wait3A_243 : memref<4x48xi32, #tpu.memory_space<vmem>>)
      %add3A_248 = arith.constant 1 : i32
      %add3A_249 = arith.addi %mul3A_226, %add3A_248 : i32
      %dma_start3A_250 = arith.constant 1 : i32
      %dma_start3A_251 = arith.constant 0 : i32
      %dma_start3A_252 = arith.constant 0 : i32
      %dma_start3A_253 = arith.constant 0 : i32
      %dma_start3A_254 = tpu.memref_slice %arg9[%dma_start3A_252, %dma_start3A_253] : memref<96x128xbf16, #tpu.memory_space<vmem>> -> memref<48x128xbf16, #tpu.memory_space<vmem>>
      %dma_start3A_255 = arith.constant 0 : i32
      %dma_start3A_256 = tpu.memref_slice %arg7[%dma_start3A_250, %dma_start3A_251, %dma_start3A_255] : memref<2x4x48xi32, #tpu.memory_space<vmem>> -> memref<1x1x48xi32, #tpu.memory_space<vmem>>
      %dma_start3A_257 = tpu.memref_squeeze %dma_start3A_256 : memref<1x1x48xi32, #tpu.memory_space<vmem>> -> memref<48xi32, #tpu.memory_space<vmem>>
      %dma_start3A_258 = arith.constant 0 : i32
      %dma_start3A_259 = arith.constant 0 : i32
      %dma_start3A_260 = tpu.memref_slice %arg2[%dma_start3A_258, %dma_start3A_259] : memref<10000x128xbf16, #tpu.memory_space<hbm>> -> memref<10000x128xbf16, #tpu.memory_space<hbm>>
      tpu.enqueue_indirect_dma source(%dma_start3A_260 : memref<10000x128xbf16, #tpu.memory_space<hbm>>) target(%dma_start3A_254 : memref<48x128xbf16, #tpu.memory_space<vmem>>) offsets(%dma_start3A_257 : memref<48xi32, #tpu.memory_space<vmem>>) semaphore(%arg17 : memref<!tpu.dma_semaphore, #tpu.memory_space<semaphore_mem>>)
      %dma_start3A_261 = arith.constant 1 : i32
      %dma_start3A_262 = arith.constant 1 : i32
      %dma_start3A_263 = arith.constant 48 : i32
      %dma_start3A_264 = arith.constant 0 : i32
      %dma_start3A_265 = tpu.memref_slice %arg9[%dma_start3A_263, %dma_start3A_264] : memref<96x128xbf16, #tpu.memory_space<vmem>> -> memref<48x128xbf16, #tpu.memory_space<vmem>>
      %dma_start3A_266 = arith.constant 0 : i32
      %dma_start3A_267 = tpu.memref_slice %arg7[%dma_start3A_261, %dma_start3A_262, %dma_start3A_266] : memref<2x4x48xi32, #tpu.memory_space<vmem>> -> memref<1x1x48xi32, #tpu.memory_space<vmem>>
      %dma_start3A_268 = tpu.memref_squeeze %dma_start3A_267 : memref<1x1x48xi32, #tpu.memory_space<vmem>> -> memref<48xi32, #tpu.memory_space<vmem>>
      %dma_start3A_269 = arith.constant 0 : i32
      %dma_start3A_270 = arith.constant 0 : i32
      %dma_start3A_271 = tpu.memref_slice %arg2[%dma_start3A_269, %dma_start3A_270] : memref<10000x128xbf16, #tpu.memory_space<hbm>> -> memref<10000x128xbf16, #tpu.memory_space<hbm>>
      tpu.enqueue_indirect_dma source(%dma_start3A_271 : memref<10000x128xbf16, #tpu.memory_space<hbm>>) target(%dma_start3A_265 : memref<48x128xbf16, #tpu.memory_space<vmem>>) offsets(%dma_start3A_268 : memref<48xi32, #tpu.memory_space<vmem>>) semaphore(%arg19 : memref<!tpu.dma_semaphore, #tpu.memory_space<semaphore_mem>>)
      %dma_wait3A_272 = arith.constant 0 : i32
      %dma_wait3A_273 = arith.constant 0 : i32
      %dma_wait3A_274 = arith.constant 0 : i32
      %dma_wait3A_275 = arith.constant 0 : i32
      %dma_wait3A_276 = tpu.memref_slice %arg8[%dma_wait3A_274, %dma_wait3A_275] : memref<96x128xbf16, #tpu.memory_space<vmem>> -> memref<48x128xbf16, #tpu.memory_space<vmem>>
      %dma_wait3A_277 = arith.constant 0 : i32
      %dma_wait3A_278 = tpu.memref_slice %arg7[%dma_wait3A_272, %dma_wait3A_273, %dma_wait3A_277] : memref<2x4x48xi32, #tpu.memory_space<vmem>> -> memref<1x1x48xi32, #tpu.memory_space<vmem>>
      %dma_wait3A_279 = tpu.memref_squeeze %dma_wait3A_278 : memref<1x1x48xi32, #tpu.memory_space<vmem>> -> memref<48xi32, #tpu.memory_space<vmem>>
      %dma_wait3A_280 = arith.constant 0 : i32
      %dma_wait3A_281 = arith.constant 0 : i32
      %dma_wait3A_282 = tpu.memref_slice %arg2[%dma_wait3A_280, %dma_wait3A_281] : memref<10000x128xbf16, #tpu.memory_space<hbm>> -> memref<10000x128xbf16, #tpu.memory_space<hbm>>
      tpu.wait_indirect_dma semaphore(%arg16 : memref<!tpu.dma_semaphore, #tpu.memory_space<semaphore_mem>>) src(%dma_wait3A_282 : memref<10000x128xbf16, #tpu.memory_space<hbm>>) dst(%dma_wait3A_276 : memref<48x128xbf16, #tpu.memory_space<vmem>>)
      %dma_wait3A_283 = arith.constant 0 : i32
      %dma_wait3A_284 = arith.constant 1 : i32
      %dma_wait3A_285 = arith.constant 48 : i32
      %dma_wait3A_286 = arith.constant 0 : i32
      %dma_wait3A_287 = tpu.memref_slice %arg8[%dma_wait3A_285, %dma_wait3A_286] : memref<96x128xbf16, #tpu.memory_space<vmem>> -> memref<48x128xbf16, #tpu.memory_space<vmem>>
      %dma_wait3A_288 = arith.constant 0 : i32
      %dma_wait3A_289 = tpu.memref_slice %arg7[%dma_wait3A_283, %dma_wait3A_284, %dma_wait3A_288] : memref<2x4x48xi32, #tpu.memory_space<vmem>> -> memref<1x1x48xi32, #tpu.memory_space<vmem>>
      %dma_wait3A_290 = tpu.memref_squeeze %dma_wait3A_289 : memref<1x1x48xi32, #tpu.memory_space<vmem>> -> memref<48xi32, #tpu.memory_space<vmem>>
      %dma_wait3A_291 = arith.constant 0 : i32
      %dma_wait3A_292 = arith.constant 0 : i32
      %dma_wait3A_293 = tpu.memref_slice %arg2[%dma_wait3A_291, %dma_wait3A_292] : memref<10000x128xbf16, #tpu.memory_space<hbm>> -> memref<10000x128xbf16, #tpu.memory_space<hbm>>
      tpu.wait_indirect_dma semaphore(%arg18 : memref<!tpu.dma_semaphore, #tpu.memory_space<semaphore_mem>>) src(%dma_wait3A_293 : memref<10000x128xbf16, #tpu.memory_space<hbm>>) dst(%dma_wait3A_287 : memref<48x128xbf16, #tpu.memory_space<vmem>>)
      %gt3A_294 = arith.constant 0 : i32
      %gt3A_295 = arith.cmpi sgt, %mul3A_226, %gt3A_294 : i32
      %convert_element_type3A_296 = arith.extui %gt3A_295 : i1 to i32
      %cond3A_297 = arith.constant 0 : i32
      %cond3A_298 = arith.cmpi ne, %convert_element_type3A_296, %cond3A_297 : i32
      scf.if %cond3A_298 {
        %dma_wait3A_539 = arith.constant 0 : i32
        %dma_wait3A_540 = arith.constant 2 : i32
        %dma_wait3A_541 = arith.constant 0 : i32
        %dma_wait3A_542 = arith.constant 0 : i32
        %dma_wait3A_543 = tpu.memref_slice %arg10[%dma_wait3A_541, %dma_wait3A_542] : memref<96x128xf32, #tpu.memory_space<vmem>> -> memref<48x128xf32, #tpu.memory_space<vmem>>
        %dma_wait3A_544 = arith.constant 0 : i32
        %dma_wait3A_545 = tpu.memref_slice %arg7[%dma_wait3A_539, %dma_wait3A_540, %dma_wait3A_544] : memref<2x4x48xi32, #tpu.memory_space<vmem>> -> memref<1x1x48xi32, #tpu.memory_space<vmem>>
        %dma_wait3A_546 = tpu.memref_squeeze %dma_wait3A_545 : memref<1x1x48xi32, #tpu.memory_space<vmem>> -> memref<48xi32, #tpu.memory_space<vmem>>
        %dma_wait3A_547 = arith.constant 0 : i32
        %dma_wait3A_548 = arith.constant 0 : i32
        %dma_wait3A_549 = tpu.memref_slice %arg13[%dma_wait3A_547, %dma_wait3A_548] : memref<10112x128xf32, #tpu.memory_space<vmem_shared>> -> memref<10112x128xf32, #tpu.memory_space<vmem_shared>>
        tpu.wait_indirect_dma semaphore(%arg20 : memref<!tpu.dma_semaphore, #tpu.memory_space<semaphore_mem>>) src(%dma_wait3A_543 : memref<48x128xf32, #tpu.memory_space<vmem>>) dst(%dma_wait3A_549 : memref<10112x128xf32, #tpu.memory_space<vmem_shared>>)
        %dma_wait3A_550 = arith.constant 0 : i32
        %dma_wait3A_551 = arith.constant 3 : i32
        %dma_wait3A_552 = arith.constant 48 : i32
        %dma_wait3A_553 = arith.constant 0 : i32
        %dma_wait3A_554 = tpu.memref_slice %arg10[%dma_wait3A_552, %dma_wait3A_553] : memref<96x128xf32, #tpu.memory_space<vmem>> -> memref<48x128xf32, #tpu.memory_space<vmem>>
        %dma_wait3A_555 = arith.constant 0 : i32
        %dma_wait3A_556 = tpu.memref_slice %arg7[%dma_wait3A_550, %dma_wait3A_551, %dma_wait3A_555] : memref<2x4x48xi32, #tpu.memory_space<vmem>> -> memref<1x1x48xi32, #tpu.memory_space<vmem>>
        %dma_wait3A_557 = tpu.memref_squeeze %dma_wait3A_556 : memref<1x1x48xi32, #tpu.memory_space<vmem>> -> memref<48xi32, #tpu.memory_space<vmem>>
        %dma_wait3A_558 = arith.constant 0 : i32
        %dma_wait3A_559 = arith.constant 0 : i32
        %dma_wait3A_560 = tpu.memref_slice %arg13[%dma_wait3A_558, %dma_wait3A_559] : memref<10112x128xf32, #tpu.memory_space<vmem_shared>> -> memref<10112x128xf32, #tpu.memory_space<vmem_shared>>
        tpu.wait_indirect_dma semaphore(%arg21 : memref<!tpu.dma_semaphore, #tpu.memory_space<semaphore_mem>>) src(%dma_wait3A_554 : memref<48x128xf32, #tpu.memory_space<vmem>>) dst(%dma_wait3A_560 : memref<10112x128xf32, #tpu.memory_space<vmem_shared>>)
      } else {
      }
      %parallel_loop3A_299 = arith.constant 0 : i32
      %parallel_loop3A_300 = arith.constant 96 : i32
      %parallel_loop3A_301 = arith.constant 1 : i32
      scf.for %parallel_loop3A_539 = %parallel_loop3A_299 to %parallel_loop3A_300 step %parallel_loop3A_301  : i32 {
        %parallel_loop3A_540 = arith.index_cast %parallel_loop3A_539 : i32 to index
        %parallel_loop3A_541 = arith.constant 0 : index
        %parallel_loop3A_542 = tpu.vector_load %arg8[%parallel_loop3A_540, %parallel_loop3A_541] {strides = array<i32>} : memref<96x128xbf16, #tpu.memory_space<vmem>>, vector<32xbf16>,
        %parallel_loop3A_543 = vector.bitcast %parallel_loop3A_542 : vector<32xbf16> to vector<16xi32>
        %parallel_loop3A_544 = arith.constant 16 : i32
        %parallel_loop3A_545 = vector.broadcast %parallel_loop3A_544 : i32 to vector<16xi32>
        %parallel_loop3A_546 = arith.shli %parallel_loop3A_543, %parallel_loop3A_545 : vector<16xi32>
        %parallel_loop3A_547 = vector.bitcast %parallel_loop3A_546 : vector<16xi32> to vector<16xf32>
        %parallel_loop3A_548 = arith.index_cast %parallel_loop3A_539 : i32 to index
        %parallel_loop3A_549 = arith.constant 0 : index
        %parallel_loop3A_550 = tpu.vector_load %arg10[%parallel_loop3A_548, %parallel_loop3A_549] {strides = array<i32>} : memref<96x128xf32, #tpu.memory_space<vmem>>, vector<16xf32>,
        tpu.vector_store %arg10[%parallel_loop3A_548, %parallel_loop3A_549], %parallel_loop3A_547 {strides = array<i32>} : memref<96x128xf32, #tpu.memory_space<vmem>>, vector<16xf32>,
        %parallel_loop3A_551 = arith.andi %parallel_loop3A_543, %broadcast_in_dim3A_21 : vector<16xi32>
        %parallel_loop3A_552 = vector.bitcast %parallel_loop3A_551 : vector<16xi32> to vector<16xf32>
        %parallel_loop3A_553 = arith.index_cast %parallel_loop3A_539 : i32 to index
        %parallel_loop3A_554 = arith.constant 64 : index
        %parallel_loop3A_555 = tpu.vector_load %arg10[%parallel_loop3A_553, %parallel_loop3A_554] {strides = array<i32>} : memref<96x128xf32, #tpu.memory_space<vmem>>, vector<16xf32>,
        tpu.vector_store %arg10[%parallel_loop3A_553, %parallel_loop3A_554], %parallel_loop3A_552 {strides = array<i32>} : memref<96x128xf32, #tpu.memory_space<vmem>>, vector<16xf32>,
        %parallel_loop3A_556 = arith.index_cast %parallel_loop3A_539 : i32 to index
        %parallel_loop3A_557 = arith.constant 32 : index
        %parallel_loop3A_558 = tpu.vector_load %arg8[%parallel_loop3A_556, %parallel_loop3A_557] {strides = array<i32>} : memref<96x128xbf16, #tpu.memory_space<vmem>>, vector<32xbf16>,
        %parallel_loop3A_559 = vector.bitcast %parallel_loop3A_558 : vector<32xbf16> to vector<16xi32>
        %parallel_loop3A_560 = arith.constant 16 : i32
        %parallel_loop3A_561 = vector.broadcast %parallel_loop3A_560 : i32 to vector<16xi32>
        %parallel_loop3A_562 = arith.shli %parallel_loop3A_559, %parallel_loop3A_561 : vector<16xi32>
        %parallel_loop3A_563 = vector.bitcast %parallel_loop3A_562 : vector<16xi32> to vector<16xf32>
        %parallel_loop3A_564 = arith.index_cast %parallel_loop3A_539 : i32 to index
        %parallel_loop3A_565 = arith.constant 16 : index
        %parallel_loop3A_566 = tpu.vector_load %arg10[%parallel_loop3A_564, %parallel_loop3A_565] {strides = array<i32>} : memref<96x128xf32, #tpu.memory_space<vmem>>, vector<16xf32>,
        tpu.vector_store %arg10[%parallel_loop3A_564, %parallel_loop3A_565], %parallel_loop3A_563 {strides = array<i32>} : memref<96x128xf32, #tpu.memory_space<vmem>>, vector<16xf32>,
        %parallel_loop3A_567 = arith.andi %parallel_loop3A_559, %broadcast_in_dim3A_21 : vector<16xi32>
        %parallel_loop3A_568 = vector.bitcast %parallel_loop3A_567 : vector<16xi32> to vector<16xf32>
        %parallel_loop3A_569 = arith.index_cast %parallel_loop3A_539 : i32 to index
        %parallel_loop3A_570 = arith.constant 80 : index
        %parallel_loop3A_571 = tpu.vector_load %arg10[%parallel_loop3A_569, %parallel_loop3A_570] {strides = array<i32>} : memref<96x128xf32, #tpu.memory_space<vmem>>, vector<16xf32>,
        tpu.vector_store %arg10[%parallel_loop3A_569, %parallel_loop3A_570], %parallel_loop3A_568 {strides = array<i32>} : memref<96x128xf32, #tpu.memory_space<vmem>>, vector<16xf32>,
        %parallel_loop3A_572 = arith.index_cast %parallel_loop3A_539 : i32 to index
        %parallel_loop3A_573 = arith.constant 64 : index
        %parallel_loop3A_574 = tpu.vector_load %arg8[%parallel_loop3A_572, %parallel_loop3A_573] {strides = array<i32>} : memref<96x128xbf16, #tpu.memory_space<vmem>>, vector<32xbf16>,
        %parallel_loop3A_575 = vector.bitcast %parallel_loop3A_574 : vector<32xbf16> to vector<16xi32>
        %parallel_loop3A_576 = arith.constant 16 : i32
        %parallel_loop3A_577 = vector.broadcast %parallel_loop3A_576 : i32 to vector<16xi32>
        %parallel_loop3A_578 = arith.shli %parallel_loop3A_575, %parallel_loop3A_577 : vector<16xi32>
        %parallel_loop3A_579 = vector.bitcast %parallel_loop3A_578 : vector<16xi32> to vector<16xf32>
        %parallel_loop3A_580 = arith.index_cast %parallel_loop3A_539 : i32 to index
        %parallel_loop3A_581 = arith.constant 32 : index
        %parallel_loop3A_582 = tpu.vector_load %arg10[%parallel_loop3A_580, %parallel_loop3A_581] {strides = array<i32>} : memref<96x128xf32, #tpu.memory_space<vmem>>, vector<16xf32>,
        tpu.vector_store %arg10[%parallel_loop3A_580, %parallel_loop3A_581], %parallel_loop3A_579 {strides = array<i32>} : memref<96x128xf32, #tpu.memory_space<vmem>>, vector<16xf32>,
        %parallel_loop3A_583 = arith.andi %parallel_loop3A_575, %broadcast_in_dim3A_21 : vector<16xi32>
        %parallel_loop3A_584 = vector.bitcast %parallel_loop3A_583 : vector<16xi32> to vector<16xf32>
        %parallel_loop3A_585 = arith.index_cast %parallel_loop3A_539 : i32 to index
        %parallel_loop3A_586 = arith.constant 96 : index
        %parallel_loop3A_587 = tpu.vector_load %arg10[%parallel_loop3A_585, %parallel_loop3A_586] {strides = array<i32>} : memref<96x128xf32, #tpu.memory_space<vmem>>, vector<16xf32>,
        tpu.vector_store %arg10[%parallel_loop3A_585, %parallel_loop3A_586], %parallel_loop3A_584 {strides = array<i32>} : memref<96x128xf32, #tpu.memory_space<vmem>>, vector<16xf32>,
        %parallel_loop3A_588 = arith.index_cast %parallel_loop3A_539 : i32 to index
        %parallel_loop3A_589 = arith.constant 96 : index
        %parallel_loop3A_590 = tpu.vector_load %arg8[%parallel_loop3A_588, %parallel_loop3A_589] {strides = array<i32>} : memref<96x128xbf16, #tpu.memory_space<vmem>>, vector<32xbf16>,
        %parallel_loop3A_591 = vector.bitcast %parallel_loop3A_590 : vector<32xbf16> to vector<16xi32>
        %parallel_loop3A_592 = arith.constant 16 : i32
        %parallel_loop3A_593 = vector.broadcast %parallel_loop3A_592 : i32 to vector<16xi32>
        %parallel_loop3A_594 = arith.shli %parallel_loop3A_591, %parallel_loop3A_593 : vector<16xi32>
        %parallel_loop3A_595 = vector.bitcast %parallel_loop3A_594 : vector<16xi32> to vector<16xf32>
        %parallel_loop3A_596 = arith.index_cast %parallel_loop3A_539 : i32 to index
        %parallel_loop3A_597 = arith.constant 48 : index
        %parallel_loop3A_598 = tpu.vector_load %arg10[%parallel_loop3A_596, %parallel_loop3A_597] {strides = array<i32>} : memref<96x128xf32, #tpu.memory_space<vmem>>, vector<16xf32>,
        tpu.vector_store %arg10[%parallel_loop3A_596, %parallel_loop3A_597], %parallel_loop3A_595 {strides = array<i32>} : memref<96x128xf32, #tpu.memory_space<vmem>>, vector<16xf32>,
        %parallel_loop3A_599 = arith.andi %parallel_loop3A_591, %broadcast_in_dim3A_21 : vector<16xi32>
        %parallel_loop3A_600 = vector.bitcast %parallel_loop3A_599 : vector<16xi32> to vector<16xf32>
        %parallel_loop3A_601 = arith.index_cast %parallel_loop3A_539 : i32 to index
        %parallel_loop3A_602 = arith.constant 112 : index
        %parallel_loop3A_603 = tpu.vector_load %arg10[%parallel_loop3A_601, %parallel_loop3A_602] {strides = array<i32>} : memref<96x128xf32, #tpu.memory_space<vmem>>, vector<16xf32>,
        tpu.vector_store %arg10[%parallel_loop3A_601, %parallel_loop3A_602], %parallel_loop3A_600 {strides = array<i32>} : memref<96x128xf32, #tpu.memory_space<vmem>>, vector<16xf32>,
      } {sc.loop_unroll_factor = 4 : i64, sc.parallel_access}
      %dma_start3A_302 = arith.constant 0 : i32
      %dma_start3A_303 = arith.constant 2 : i32
      %dma_start3A_304 = arith.constant 0 : i32
      %dma_start3A_305 = arith.constant 0 : i32
      %dma_start3A_306 = tpu.memref_slice %arg10[%dma_start3A_304, %dma_start3A_305] : memref<96x128xf32, #tpu.memory_space<vmem>> -> memref<48x128xf32, #tpu.memory_space<vmem>>
      %dma_start3A_307 = arith.constant 0 : i32
      %dma_start3A_308 = tpu.memref_slice %arg7[%dma_start3A_302, %dma_start3A_303, %dma_start3A_307] : memref<2x4x48xi32, #tpu.memory_space<vmem>> -> memref<1x1x48xi32, #tpu.memory_space<vmem>>
      %dma_start3A_309 = tpu.memref_squeeze %dma_start3A_308 : memref<1x1x48xi32, #tpu.memory_space<vmem>> -> memref<48xi32, #tpu.memory_space<vmem>>
      %dma_start3A_310 = arith.constant 0 : i32
      %dma_start3A_311 = arith.constant 0 : i32
      %dma_start3A_312 = tpu.memref_slice %arg13[%dma_start3A_310, %dma_start3A_311] : memref<10112x128xf32, #tpu.memory_space<vmem_shared>> -> memref<10112x128xf32, #tpu.memory_space<vmem_shared>>
      tpu.enqueue_indirect_dma source(%dma_start3A_306 : memref<48x128xf32, #tpu.memory_space<vmem>>) target(%dma_start3A_312 : memref<10112x128xf32, #tpu.memory_space<vmem_shared>>) offsets(%dma_start3A_309 : memref<48xi32, #tpu.memory_space<vmem>>) semaphore(%arg20 : memref<!tpu.dma_semaphore, #tpu.memory_space<semaphore_mem>>) {add = true}
      %dma_start3A_313 = arith.constant 0 : i32
      %dma_start3A_314 = arith.constant 3 : i32
      %dma_start3A_315 = arith.constant 48 : i32
      %dma_start3A_316 = arith.constant 0 : i32
      %dma_start3A_317 = tpu.memref_slice %arg10[%dma_start3A_315, %dma_start3A_316] : memref<96x128xf32, #tpu.memory_space<vmem>> -> memref<48x128xf32, #tpu.memory_space<vmem>>
      %dma_start3A_318 = arith.constant 0 : i32
      %dma_start3A_319 = tpu.memref_slice %arg7[%dma_start3A_313, %dma_start3A_314, %dma_start3A_318] : memref<2x4x48xi32, #tpu.memory_space<vmem>> -> memref<1x1x48xi32, #tpu.memory_space<vmem>>
      %dma_start3A_320 = tpu.memref_squeeze %dma_start3A_319 : memref<1x1x48xi32, #tpu.memory_space<vmem>> -> memref<48xi32, #tpu.memory_space<vmem>>
      %dma_start3A_321 = arith.constant 0 : i32
      %dma_start3A_322 = arith.constant 0 : i32
      %dma_start3A_323 = tpu.memref_slice %arg13[%dma_start3A_321, %dma_start3A_322] : memref<10112x128xf32, #tpu.memory_space<vmem_shared>> -> memref<10112x128xf32, #tpu.memory_space<vmem_shared>>
      tpu.enqueue_indirect_dma source(%dma_start3A_317 : memref<48x128xf32, #tpu.memory_space<vmem>>) target(%dma_start3A_323 : memref<10112x128xf32, #tpu.memory_space<vmem_shared>>) offsets(%dma_start3A_320 : memref<48xi32, #tpu.memory_space<vmem>>) semaphore(%arg21 : memref<!tpu.dma_semaphore, #tpu.memory_space<semaphore_mem>>) {add = true}
      %get3A_324 = arith.constant 0 : i32
      %get3A_325 = arith.constant 2 : i32
      %get3A_326 = arith.index_cast %get3A_324 : i32 to index
      %get3A_327 = arith.index_cast %get3A_325 : i32 to index
      %get3A_328 = arith.constant 0 : index
      %get3A_329 = tpu.vector_load %arg7[%get3A_326, %get3A_327, %get3A_328] {strides = array<i32>} : memref<2x4x48xi32, #tpu.memory_space<vmem>>, vector<16xi32>,
      tpu.vector_store_idx %arg12[%get3A_329], %broadcast_in_dim3A_19 {add = true} : memref<10112xf32, #tpu.memory_space<vmem>>[vector<16xi32>], vector<16xf32>,
      %get3A_330 = arith.constant 0 : i32
      %get3A_331 = arith.constant 2 : i32
      %get3A_332 = arith.index_cast %get3A_330 : i32 to index
      %get3A_333 = arith.index_cast %get3A_331 : i32 to index
      %get3A_334 = arith.constant 16 : index
      %get3A_335 = tpu.vector_load %arg7[%get3A_332, %get3A_333, %get3A_334] {strides = array<i32>} : memref<2x4x48xi32, #tpu.memory_space<vmem>>, vector<16xi32>,
      tpu.vector_store_idx %arg12[%get3A_335], %broadcast_in_dim3A_19 {add = true} : memref<10112xf32, #tpu.memory_space<vmem>>[vector<16xi32>], vector<16xf32>,
      %get3A_336 = arith.constant 0 : i32
      %get3A_337 = arith.constant 2 : i32
      %get3A_338 = arith.index_cast %get3A_336 : i32 to index
      %get3A_339 = arith.index_cast %get3A_337 : i32 to index
      %get3A_340 = arith.constant 32 : index
      %get3A_341 = tpu.vector_load %arg7[%get3A_338, %get3A_339, %get3A_340] {strides = array<i32>} : memref<2x4x48xi32, #tpu.memory_space<vmem>>, vector<16xi32>,
      tpu.vector_store_idx %arg12[%get3A_341], %broadcast_in_dim3A_19 {add = true} : memref<10112xf32, #tpu.memory_space<vmem>>[vector<16xi32>], vector<16xf32>,
      %get3A_342 = arith.constant 0 : i32
      %get3A_343 = arith.constant 3 : i32
      %get3A_344 = arith.index_cast %get3A_342 : i32 to index
      %get3A_345 = arith.index_cast %get3A_343 : i32 to index
      %get3A_346 = arith.constant 0 : index
      %get3A_347 = tpu.vector_load %arg7[%get3A_344, %get3A_345, %get3A_346] {strides = array<i32>} : memref<2x4x48xi32, #tpu.memory_space<vmem>>, vector<16xi32>,
      tpu.vector_store_idx %arg12[%get3A_347], %broadcast_in_dim3A_19 {add = true} : memref<10112xf32, #tpu.memory_space<vmem>>[vector<16xi32>], vector<16xf32>,
      %get3A_348 = arith.constant 0 : i32
      %get3A_349 = arith.constant 3 : i32
      %get3A_350 = arith.index_cast %get3A_348 : i32 to index
      %get3A_351 = arith.index_cast %get3A_349 : i32 to index
      %get3A_352 = arith.constant 16 : index
      %get3A_353 = tpu.vector_load %arg7[%get3A_350, %get3A_351, %get3A_352] {strides = array<i32>} : memref<2x4x48xi32, #tpu.memory_space<vmem>>, vector<16xi32>,
      tpu.vector_store_idx %arg12[%get3A_353], %broadcast_in_dim3A_19 {add = true} : memref<10112xf32, #tpu.memory_space<vmem>>[vector<16xi32>], vector<16xf32>,
      %get3A_354 = arith.constant 0 : i32
      %get3A_355 = arith.constant 3 : i32
      %get3A_356 = arith.index_cast %get3A_354 : i32 to index
      %get3A_357 = arith.index_cast %get3A_355 : i32 to index
      %get3A_358 = arith.constant 32 : index
      %get3A_359 = tpu.vector_load %arg7[%get3A_356, %get3A_357, %get3A_358] {strides = array<i32>} : memref<2x4x48xi32, #tpu.memory_space<vmem>>, vector<16xi32>,
      tpu.vector_store_idx %arg12[%get3A_359], %broadcast_in_dim3A_19 {add = true} : memref<10112xf32, #tpu.memory_space<vmem>>[vector<16xi32>], vector<16xf32>,
      %add3A_360 = arith.constant 2 : i32
      %add3A_361 = arith.addi %mul3A_226, %add3A_360 : i32
      %add3A_362 = arith.addi %select_n3A_13, %add3A_361 : i32
      %min3A_363 = arith.constant 3359 : i32
      %min3A_364 = arith.minsi %add3A_362, %min3A_363 : i32
      %dma_start3A_365 = arith.constant 0 : i32
      %dma_start3A_366 = arith.constant 0 : i32
      %dma_start3A_367 = arith.constant 0 : i32
      %dma_start3A_368 = tpu.memref_slice %arg7[%dma_start3A_365, %dma_start3A_366, %dma_start3A_367] : memref<2x4x48xi32, #tpu.memory_space<vmem>> -> memref<1x4x48xi32, #tpu.memory_space<vmem>>
      %dma_start3A_369 = tpu.memref_squeeze %dma_start3A_368 : memref<1x4x48xi32, #tpu.memory_space<vmem>> -> memref<4x48xi32, #tpu.memory_space<vmem>>
      %dma_start3A_370 = arith.constant 0 : i32
      %dma_start3A_371 = arith.constant 0 : i32
      %dma_start3A_372 = tpu.memref_slice %arg3[%min3A_364, %dma_start3A_370, %dma_start3A_371] : memref<3360x4x48xi32, #tpu.memory_space<hbm>> -> memref<1x4x48xi32, #tpu.memory_space<hbm>>
      %dma_start3A_373 = tpu.memref_squeeze %dma_start3A_372 : memref<1x4x48xi32, #tpu.memory_space<hbm>> -> memref<4x48xi32, #tpu.memory_space<hbm>>
      %dma_start3A_374 = arith.constant 0 : i32
      %dma_start3A_375 = arith.constant 0 : i32
      %dma_start3A_376 = tpu.memref_slice %arg7[%dma_start3A_365, %dma_start3A_374, %dma_start3A_375] : memref<2x4x48xi32, #tpu.memory_space<vmem>> -> memref<1x4x48xi32, #tpu.memory_space<vmem>>
      %dma_start3A_377 = tpu.memref_squeeze %dma_start3A_376 : memref<1x4x48xi32, #tpu.memory_space<vmem>> -> memref<4x48xi32, #tpu.memory_space<vmem>>
      %dma_start3A_378 = arith.constant 0 : i32
      %dma_start3A_379 = arith.constant 0 : i32
      %dma_start3A_380 = tpu.memref_slice %arg3[%min3A_364, %dma_start3A_378, %dma_start3A_379] : memref<3360x4x48xi32, #tpu.memory_space<hbm>> -> memref<1x4x48xi32, #tpu.memory_space<hbm>>
      %dma_start3A_381 = tpu.memref_squeeze %dma_start3A_380 : memref<1x4x48xi32, #tpu.memory_space<hbm>> -> memref<4x48xi32, #tpu.memory_space<hbm>>
      tpu.enqueue_dma source(%dma_start3A_381 : memref<4x48xi32, #tpu.memory_space<hbm>>) target(%dma_start3A_377 : memref<4x48xi32, #tpu.memory_space<vmem>>) target_semaphore(%arg14 : memref<!tpu.dma_semaphore, #tpu.memory_space<semaphore_mem>>)
      %add3A_382 = arith.constant 1 : i32
      %add3A_383 = arith.addi %mul3A_226, %add3A_382 : i32
      %add3A_384 = arith.constant 0 : i32
      %add3A_385 = arith.addi %select_n3A_13, %add3A_384 : i32
      %min3A_386 = arith.constant 3359 : i32
      %min3A_387 = arith.minsi %add3A_385, %min3A_386 : i32
      %dma_wait3A_388 = arith.constant 0 : i32
      %dma_wait3A_389 = arith.constant 0 : i32
      %dma_wait3A_390 = arith.constant 0 : i32
      %dma_wait3A_391 = tpu.memref_slice %arg7[%dma_wait3A_388, %dma_wait3A_389, %dma_wait3A_390] : memref<2x4x48xi32, #tpu.memory_space<vmem>> -> memref<1x4x48xi32, #tpu.memory_space<vmem>>
      %dma_wait3A_392 = tpu.memref_squeeze %dma_wait3A_391 : memref<1x4x48xi32, #tpu.memory_space<vmem>> -> memref<4x48xi32, #tpu.memory_space<vmem>>
      %dma_wait3A_393 = arith.constant 0 : i32
      %dma_wait3A_394 = arith.constant 0 : i32
      %dma_wait3A_395 = tpu.memref_slice %arg3[%min3A_387, %dma_wait3A_393, %dma_wait3A_394] : memref<3360x4x48xi32, #tpu.memory_space<hbm>> -> memref<1x4x48xi32, #tpu.memory_space<hbm>>
      %dma_wait3A_396 = tpu.memref_squeeze %dma_wait3A_395 : memref<1x4x48xi32, #tpu.memory_space<hbm>> -> memref<4x48xi32, #tpu.memory_space<hbm>>
      %dma_wait3A_397 = arith.constant 0 : i32
      %dma_wait3A_398 = arith.constant 0 : i32
      %dma_wait3A_399 = tpu.memref_slice %arg7[%dma_wait3A_388, %dma_wait3A_397, %dma_wait3A_398] : memref<2x4x48xi32, #tpu.memory_space<vmem>> -> memref<1x4x48xi32, #tpu.memory_space<vmem>>
      %dma_wait3A_400 = tpu.memref_squeeze %dma_wait3A_399 : memref<1x4x48xi32, #tpu.memory_space<vmem>> -> memref<4x48xi32, #tpu.memory_space<vmem>>
      %dma_wait3A_401 = arith.constant 0 : i32
      %dma_wait3A_402 = arith.constant 0 : i32
      %dma_wait3A_403 = tpu.memref_slice %arg3[%min3A_387, %dma_wait3A_401, %dma_wait3A_402] : memref<3360x4x48xi32, #tpu.memory_space<hbm>> -> memref<1x4x48xi32, #tpu.memory_space<hbm>>
      %dma_wait3A_404 = tpu.memref_squeeze %dma_wait3A_403 : memref<1x4x48xi32, #tpu.memory_space<hbm>> -> memref<4x48xi32, #tpu.memory_space<hbm>>
      tpu.wait_dma2 semaphore(%arg14 : memref<!tpu.dma_semaphore, #tpu.memory_space<semaphore_mem>>) src(%dma_wait3A_404 : memref<4x48xi32, #tpu.memory_space<hbm>>) dst(%dma_wait3A_400 : memref<4x48xi32, #tpu.memory_space<vmem>>)
      %add3A_405 = arith.constant 1 : i32
      %add3A_406 = arith.addi %add3A_383, %add3A_405 : i32
      %dma_start3A_407 = arith.constant 0 : i32
      %dma_start3A_408 = arith.constant 0 : i32
      %dma_start3A_409 = arith.constant 0 : i32
      %dma_start3A_410 = arith.constant 0 : i32
      %dma_start3A_411 = tpu.memref_slice %arg8[%dma_start3A_409, %dma_start3A_410] : memref<96x128xbf16, #tpu.memory_space<vmem>> -> memref<48x128xbf16, #tpu.memory_space<vmem>>
      %dma_start3A_412 = arith.constant 0 : i32
      %dma_start3A_413 = tpu.memref_slice %arg7[%dma_start3A_407, %dma_start3A_408, %dma_start3A_412] : memref<2x4x48xi32, #tpu.memory_space<vmem>> -> memref<1x1x48xi32, #tpu.memory_space<vmem>>
      %dma_start3A_414 = tpu.memref_squeeze %dma_start3A_413 : memref<1x1x48xi32, #tpu.memory_space<vmem>> -> memref<48xi32, #tpu.memory_space<vmem>>
      %dma_start3A_415 = arith.constant 0 : i32
      %dma_start3A_416 = arith.constant 0 : i32
      %dma_start3A_417 = tpu.memref_slice %arg2[%dma_start3A_415, %dma_start3A_416] : memref<10000x128xbf16, #tpu.memory_space<hbm>> -> memref<10000x128xbf16, #tpu.memory_space<hbm>>
      tpu.enqueue_indirect_dma source(%dma_start3A_417 : memref<10000x128xbf16, #tpu.memory_space<hbm>>) target(%dma_start3A_411 : memref<48x128xbf16, #tpu.memory_space<vmem>>) offsets(%dma_start3A_414 : memref<48xi32, #tpu.memory_space<vmem>>) semaphore(%arg16 : memref<!tpu.dma_semaphore, #tpu.memory_space<semaphore_mem>>)
      %dma_start3A_418 = arith.constant 0 : i32
      %dma_start3A_419 = arith.constant 1 : i32
      %dma_start3A_420 = arith.constant 48 : i32
      %dma_start3A_421 = arith.constant 0 : i32
      %dma_start3A_422 = tpu.memref_slice %arg8[%dma_start3A_420, %dma_start3A_421] : memref<96x128xbf16, #tpu.memory_space<vmem>> -> memref<48x128xbf16, #tpu.memory_space<vmem>>
      %dma_start3A_423 = arith.constant 0 : i32
      %dma_start3A_424 = tpu.memref_slice %arg7[%dma_start3A_418, %dma_start3A_419, %dma_start3A_423] : memref<2x4x48xi32, #tpu.memory_space<vmem>> -> memref<1x1x48xi32, #tpu.memory_space<vmem>>
      %dma_start3A_425 = tpu.memref_squeeze %dma_start3A_424 : memref<1x1x48xi32, #tpu.memory_space<vmem>> -> memref<48xi32, #tpu.memory_space<vmem>>
      %dma_start3A_426 = arith.constant 0 : i32
      %dma_start3A_427 = arith.constant 0 : i32
      %dma_start3A_428 = tpu.memref_slice %arg2[%dma_start3A_426, %dma_start3A_427] : memref<10000x128xbf16, #tpu.memory_space<hbm>> -> memref<10000x128xbf16, #tpu.memory_space<hbm>>
      tpu.enqueue_indirect_dma source(%dma_start3A_428 : memref<10000x128xbf16, #tpu.memory_space<hbm>>) target(%dma_start3A_422 : memref<48x128xbf16, #tpu.memory_space<vmem>>) offsets(%dma_start3A_425 : memref<48xi32, #tpu.memory_space<vmem>>) semaphore(%arg18 : memref<!tpu.dma_semaphore, #tpu.memory_space<semaphore_mem>>)
      %dma_wait3A_429 = arith.constant 1 : i32
      %dma_wait3A_430 = arith.constant 0 : i32
      %dma_wait3A_431 = arith.constant 0 : i32
      %dma_wait3A_432 = arith.constant 0 : i32
      %dma_wait3A_433 = tpu.memref_slice %arg9[%dma_wait3A_431, %dma_wait3A_432] : memref<96x128xbf16, #tpu.memory_space<vmem>> -> memref<48x128xbf16, #tpu.memory_space<vmem>>
      %dma_wait3A_434 = arith.constant 0 : i32
      %dma_wait3A_435 = tpu.memref_slice %arg7[%dma_wait3A_429, %dma_wait3A_430, %dma_wait3A_434] : memref<2x4x48xi32, #tpu.memory_space<vmem>> -> memref<1x1x48xi32, #tpu.memory_space<vmem>>
      %dma_wait3A_436 = tpu.memref_squeeze %dma_wait3A_435 : memref<1x1x48xi32, #tpu.memory_space<vmem>> -> memref<48xi32, #tpu.memory_space<vmem>>
      %dma_wait3A_437 = arith.constant 0 : i32
      %dma_wait3A_438 = arith.constant 0 : i32
      %dma_wait3A_439 = tpu.memref_slice %arg2[%dma_wait3A_437, %dma_wait3A_438] : memref<10000x128xbf16, #tpu.memory_space<hbm>> -> memref<10000x128xbf16, #tpu.memory_space<hbm>>
      tpu.wait_indirect_dma semaphore(%arg17 : memref<!tpu.dma_semaphore, #tpu.memory_space<semaphore_mem>>) src(%dma_wait3A_439 : memref<10000x128xbf16, #tpu.memory_space<hbm>>) dst(%dma_wait3A_433 : memref<48x128xbf16, #tpu.memory_space<vmem>>)
      %dma_wait3A_440 = arith.constant 1 : i32
      %dma_wait3A_441 = arith.constant 1 : i32
      %dma_wait3A_442 = arith.constant 48 : i32
      %dma_wait3A_443 = arith.constant 0 : i32
      %dma_wait3A_444 = tpu.memref_slice %arg9[%dma_wait3A_442, %dma_wait3A_443] : memref<96x128xbf16, #tpu.memory_space<vmem>> -> memref<48x128xbf16, #tpu.memory_space<vmem>>
      %dma_wait3A_445 = arith.constant 0 : i32
      %dma_wait3A_446 = tpu.memref_slice %arg7[%dma_wait3A_440, %dma_wait3A_441, %dma_wait3A_445] : memref<2x4x48xi32, #tpu.memory_space<vmem>> -> memref<1x1x48xi32, #tpu.memory_space<vmem>>
      %dma_wait3A_447 = tpu.memref_squeeze %dma_wait3A_446 : memref<1x1x48xi32, #tpu.memory_space<vmem>> -> memref<48xi32, #tpu.memory_space<vmem>>
      %dma_wait3A_448 = arith.constant 0 : i32
      %dma_wait3A_449 = arith.constant 0 : i32
      %dma_wait3A_450 = tpu.memref_slice %arg2[%dma_wait3A_448, %dma_wait3A_449] : memref<10000x128xbf16, #tpu.memory_space<hbm>> -> memref<10000x128xbf16, #tpu.memory_space<hbm>>
      tpu.wait_indirect_dma semaphore(%arg19 : memref<!tpu.dma_semaphore, #tpu.memory_space<semaphore_mem>>) src(%dma_wait3A_450 : memref<10000x128xbf16, #tpu.memory_space<hbm>>) dst(%dma_wait3A_444 : memref<48x128xbf16, #tpu.memory_space<vmem>>)
      %gt3A_451 = arith.constant 0 : i32
      %gt3A_452 = arith.cmpi sgt, %add3A_383, %gt3A_451 : i32
      %convert_element_type3A_453 = arith.extui %gt3A_452 : i1 to i32
      %cond3A_454 = arith.constant 0 : i32
      %cond3A_455 = arith.cmpi ne, %convert_element_type3A_453, %cond3A_454 : i32
      scf.if %cond3A_455 {
        %dma_wait3A_539 = arith.constant 1 : i32
        %dma_wait3A_540 = arith.constant 2 : i32
        %dma_wait3A_541 = arith.constant 0 : i32
        %dma_wait3A_542 = arith.constant 0 : i32
        %dma_wait3A_543 = tpu.memref_slice %arg11[%dma_wait3A_541, %dma_wait3A_542] : memref<96x128xf32, #tpu.memory_space<vmem>> -> memref<48x128xf32, #tpu.memory_space<vmem>>
        %dma_wait3A_544 = arith.constant 0 : i32
        %dma_wait3A_545 = tpu.memref_slice %arg7[%dma_wait3A_539, %dma_wait3A_540, %dma_wait3A_544] : memref<2x4x48xi32, #tpu.memory_space<vmem>> -> memref<1x1x48xi32, #tpu.memory_space<vmem>>
        %dma_wait3A_546 = tpu.memref_squeeze %dma_wait3A_545 : memref<1x1x48xi32, #tpu.memory_space<vmem>> -> memref<48xi32, #tpu.memory_space<vmem>>
        %dma_wait3A_547 = arith.constant 0 : i32
        %dma_wait3A_548 = arith.constant 0 : i32
        %dma_wait3A_549 = tpu.memref_slice %arg13[%dma_wait3A_547, %dma_wait3A_548] : memref<10112x128xf32, #tpu.memory_space<vmem_shared>> -> memref<10112x128xf32, #tpu.memory_space<vmem_shared>>
        tpu.wait_indirect_dma semaphore(%arg20 : memref<!tpu.dma_semaphore, #tpu.memory_space<semaphore_mem>>) src(%dma_wait3A_543 : memref<48x128xf32, #tpu.memory_space<vmem>>) dst(%dma_wait3A_549 : memref<10112x128xf32, #tpu.memory_space<vmem_shared>>)
        %dma_wait3A_550 = arith.constant 1 : i32
        %dma_wait3A_551 = arith.constant 3 : i32
        %dma_wait3A_552 = arith.constant 48 : i32
        %dma_wait3A_553 = arith.constant 0 : i32
        %dma_wait3A_554 = tpu.memref_slice %arg11[%dma_wait3A_552, %dma_wait3A_553] : memref<96x128xf32, #tpu.memory_space<vmem>> -> memref<48x128xf32, #tpu.memory_space<vmem>>
        %dma_wait3A_555 = arith.constant 0 : i32
        %dma_wait3A_556 = tpu.memref_slice %arg7[%dma_wait3A_550, %dma_wait3A_551, %dma_wait3A_555] : memref<2x4x48xi32, #tpu.memory_space<vmem>> -> memref<1x1x48xi32, #tpu.memory_space<vmem>>
        %dma_wait3A_557 = tpu.memref_squeeze %dma_wait3A_556 : memref<1x1x48xi32, #tpu.memory_space<vmem>> -> memref<48xi32, #tpu.memory_space<vmem>>
        %dma_wait3A_558 = arith.constant 0 : i32
        %dma_wait3A_559 = arith.constant 0 : i32
        %dma_wait3A_560 = tpu.memref_slice %arg13[%dma_wait3A_558, %dma_wait3A_559] : memref<10112x128xf32, #tpu.memory_space<vmem_shared>> -> memref<10112x128xf32, #tpu.memory_space<vmem_shared>>
        tpu.wait_indirect_dma semaphore(%arg21 : memref<!tpu.dma_semaphore, #tpu.memory_space<semaphore_mem>>) src(%dma_wait3A_554 : memref<48x128xf32, #tpu.memory_space<vmem>>) dst(%dma_wait3A_560 : memref<10112x128xf32, #tpu.memory_space<vmem_shared>>)
      } else {
      }
      %parallel_loop3A_456 = arith.constant 0 : i32
      %parallel_loop3A_457 = arith.constant 96 : i32
      %parallel_loop3A_458 = arith.constant 1 : i32
      scf.for %parallel_loop3A_539 = %parallel_loop3A_456 to %parallel_loop3A_457 step %parallel_loop3A_458  : i32 {
        %parallel_loop3A_540 = arith.index_cast %parallel_loop3A_539 : i32 to index
        %parallel_loop3A_541 = arith.constant 0 : index
        %parallel_loop3A_542 = tpu.vector_load %arg9[%parallel_loop3A_540, %parallel_loop3A_541] {strides = array<i32>} : memref<96x128xbf16, #tpu.memory_space<vmem>>, vector<32xbf16>,
        %parallel_loop3A_543 = vector.bitcast %parallel_loop3A_542 : vector<32xbf16> to vector<16xi32>
        %parallel_loop3A_544 = arith.constant 16 : i32
        %parallel_loop3A_545 = vector.broadcast %parallel_loop3A_544 : i32 to vector<16xi32>
        %parallel_loop3A_546 = arith.shli %parallel_loop3A_543, %parallel_loop3A_545 : vector<16xi32>
        %parallel_loop3A_547 = vector.bitcast %parallel_loop3A_546 : vector<16xi32> to vector<16xf32>
        %parallel_loop3A_548 = arith.index_cast %parallel_loop3A_539 : i32 to index
        %parallel_loop3A_549 = arith.constant 0 : index
        %parallel_loop3A_550 = tpu.vector_load %arg11[%parallel_loop3A_548, %parallel_loop3A_549] {strides = array<i32>} : memref<96x128xf32, #tpu.memory_space<vmem>>, vector<16xf32>,
        tpu.vector_store %arg11[%parallel_loop3A_548, %parallel_loop3A_549], %parallel_loop3A_547 {strides = array<i32>} : memref<96x128xf32, #tpu.memory_space<vmem>>, vector<16xf32>,
        %parallel_loop3A_551 = arith.andi %parallel_loop3A_543, %broadcast_in_dim3A_21 : vector<16xi32>
        %parallel_loop3A_552 = vector.bitcast %parallel_loop3A_551 : vector<16xi32> to vector<16xf32>
        %parallel_loop3A_553 = arith.index_cast %parallel_loop3A_539 : i32 to index
        %parallel_loop3A_554 = arith.constant 64 : index
        %parallel_loop3A_555 = tpu.vector_load %arg11[%parallel_loop3A_553, %parallel_loop3A_554] {strides = array<i32>} : memref<96x128xf32, #tpu.memory_space<vmem>>, vector<16xf32>,
        tpu.vector_store %arg11[%parallel_loop3A_553, %parallel_loop3A_554], %parallel_loop3A_552 {strides = array<i32>} : memref<96x128xf32, #tpu.memory_space<vmem>>, vector<16xf32>,
        %parallel_loop3A_556 = arith.index_cast %parallel_loop3A_539 : i32 to index
        %parallel_loop3A_557 = arith.constant 32 : index
        %parallel_loop3A_558 = tpu.vector_load %arg9[%parallel_loop3A_556, %parallel_loop3A_557] {strides = array<i32>} : memref<96x128xbf16, #tpu.memory_space<vmem>>, vector<32xbf16>,
        %parallel_loop3A_559 = vector.bitcast %parallel_loop3A_558 : vector<32xbf16> to vector<16xi32>
        %parallel_loop3A_560 = arith.constant 16 : i32
        %parallel_loop3A_561 = vector.broadcast %parallel_loop3A_560 : i32 to vector<16xi32>
        %parallel_loop3A_562 = arith.shli %parallel_loop3A_559, %parallel_loop3A_561 : vector<16xi32>
        %parallel_loop3A_563 = vector.bitcast %parallel_loop3A_562 : vector<16xi32> to vector<16xf32>
        %parallel_loop3A_564 = arith.index_cast %parallel_loop3A_539 : i32 to index
        %parallel_loop3A_565 = arith.constant 16 : index
        %parallel_loop3A_566 = tpu.vector_load %arg11[%parallel_loop3A_564, %parallel_loop3A_565] {strides = array<i32>} : memref<96x128xf32, #tpu.memory_space<vmem>>, vector<16xf32>,
        tpu.vector_store %arg11[%parallel_loop3A_564, %parallel_loop3A_565], %parallel_loop3A_563 {strides = array<i32>} : memref<96x128xf32, #tpu.memory_space<vmem>>, vector<16xf32>,
        %parallel_loop3A_567 = arith.andi %parallel_loop3A_559, %broadcast_in_dim3A_21 : vector<16xi32>
        %parallel_loop3A_568 = vector.bitcast %parallel_loop3A_567 : vector<16xi32> to vector<16xf32>
        %parallel_loop3A_569 = arith.index_cast %parallel_loop3A_539 : i32 to index
        %parallel_loop3A_570 = arith.constant 80 : index
        %parallel_loop3A_571 = tpu.vector_load %arg11[%parallel_loop3A_569, %parallel_loop3A_570] {strides = array<i32>} : memref<96x128xf32, #tpu.memory_space<vmem>>, vector<16xf32>,
        tpu.vector_store %arg11[%parallel_loop3A_569, %parallel_loop3A_570], %parallel_loop3A_568 {strides = array<i32>} : memref<96x128xf32, #tpu.memory_space<vmem>>, vector<16xf32>,
        %parallel_loop3A_572 = arith.index_cast %parallel_loop3A_539 : i32 to index
        %parallel_loop3A_573 = arith.constant 64 : index
        %parallel_loop3A_574 = tpu.vector_load %arg9[%parallel_loop3A_572, %parallel_loop3A_573] {strides = array<i32>} : memref<96x128xbf16, #tpu.memory_space<vmem>>, vector<32xbf16>,
        %parallel_loop3A_575 = vector.bitcast %parallel_loop3A_574 : vector<32xbf16> to vector<16xi32>
        %parallel_loop3A_576 = arith.constant 16 : i32
        %parallel_loop3A_577 = vector.broadcast %parallel_loop3A_576 : i32 to vector<16xi32>
        %parallel_loop3A_578 = arith.shli %parallel_loop3A_575, %parallel_loop3A_577 : vector<16xi32>
        %parallel_loop3A_579 = vector.bitcast %parallel_loop3A_578 : vector<16xi32> to vector<16xf32>
        %parallel_loop3A_580 = arith.index_cast %parallel_loop3A_539 : i32 to index
        %parallel_loop3A_581 = arith.constant 32 : index
        %parallel_loop3A_582 = tpu.vector_load %arg11[%parallel_loop3A_580, %parallel_loop3A_581] {strides = array<i32>} : memref<96x128xf32, #tpu.memory_space<vmem>>, vector<16xf32>,
        tpu.vector_store %arg11[%parallel_loop3A_580, %parallel_loop3A_581], %parallel_loop3A_579 {strides = array<i32>} : memref<96x128xf32, #tpu.memory_space<vmem>>, vector<16xf32>,
        %parallel_loop3A_583 = arith.andi %parallel_loop3A_575, %broadcast_in_dim3A_21 : vector<16xi32>
        %parallel_loop3A_584 = vector.bitcast %parallel_loop3A_583 : vector<16xi32> to vector<16xf32>
        %parallel_loop3A_585 = arith.index_cast %parallel_loop3A_539 : i32 to index
        %parallel_loop3A_586 = arith.constant 96 : index
        %parallel_loop3A_587 = tpu.vector_load %arg11[%parallel_loop3A_585, %parallel_loop3A_586] {strides = array<i32>} : memref<96x128xf32, #tpu.memory_space<vmem>>, vector<16xf32>,
        tpu.vector_store %arg11[%parallel_loop3A_585, %parallel_loop3A_586], %parallel_loop3A_584 {strides = array<i32>} : memref<96x128xf32, #tpu.memory_space<vmem>>, vector<16xf32>,
        %parallel_loop3A_588 = arith.index_cast %parallel_loop3A_539 : i32 to index
        %parallel_loop3A_589 = arith.constant 96 : index
        %parallel_loop3A_590 = tpu.vector_load %arg9[%parallel_loop3A_588, %parallel_loop3A_589] {strides = array<i32>} : memref<96x128xbf16, #tpu.memory_space<vmem>>, vector<32xbf16>,
        %parallel_loop3A_591 = vector.bitcast %parallel_loop3A_590 : vector<32xbf16> to vector<16xi32>
        %parallel_loop3A_592 = arith.constant 16 : i32
        %parallel_loop3A_593 = vector.broadcast %parallel_loop3A_592 : i32 to vector<16xi32>
        %parallel_loop3A_594 = arith.shli %parallel_loop3A_591, %parallel_loop3A_593 : vector<16xi32>
        %parallel_loop3A_595 = vector.bitcast %parallel_loop3A_594 : vector<16xi32> to vector<16xf32>
        %parallel_loop3A_596 = arith.index_cast %parallel_loop3A_539 : i32 to index
        %parallel_loop3A_597 = arith.constant 48 : index
        %parallel_loop3A_598 = tpu.vector_load %arg11[%parallel_loop3A_596, %parallel_loop3A_597] {strides = array<i32>} : memref<96x128xf32, #tpu.memory_space<vmem>>, vector<16xf32>,
        tpu.vector_store %arg11[%parallel_loop3A_596, %parallel_loop3A_597], %parallel_loop3A_595 {strides = array<i32>} : memref<96x128xf32, #tpu.memory_space<vmem>>, vector<16xf32>,
        %parallel_loop3A_599 = arith.andi %parallel_loop3A_591, %broadcast_in_dim3A_21 : vector<16xi32>
        %parallel_loop3A_600 = vector.bitcast %parallel_loop3A_599 : vector<16xi32> to vector<16xf32>
        %parallel_loop3A_601 = arith.index_cast %parallel_loop3A_539 : i32 to index
        %parallel_loop3A_602 = arith.constant 112 : index
        %parallel_loop3A_603 = tpu.vector_load %arg11[%parallel_loop3A_601, %parallel_loop3A_602] {strides = array<i32>} : memref<96x128xf32, #tpu.memory_space<vmem>>, vector<16xf32>,
        tpu.vector_store %arg11[%parallel_loop3A_601, %parallel_loop3A_602], %parallel_loop3A_600 {strides = array<i32>} : memref<96x128xf32, #tpu.memory_space<vmem>>, vector<16xf32>,
      } {sc.loop_unroll_factor = 4 : i64, sc.parallel_access}
      %dma_start3A_459 = arith.constant 1 : i32
      %dma_start3A_460 = arith.constant 2 : i32
      %dma_start3A_461 = arith.constant 0 : i32
      %dma_start3A_462 = arith.constant 0 : i32
      %dma_start3A_463 = tpu.memref_slice %arg11[%dma_start3A_461, %dma_start3A_462] : memref<96x128xf32, #tpu.memory_space<vmem>> -> memref<48x128xf32, #tpu.memory_space<vmem>>
      %dma_start3A_464 = arith.constant 0 : i32
      %dma_start3A_465 = tpu.memref_slice %arg7[%dma_start3A_459, %dma_start3A_460, %dma_start3A_464] : memref<2x4x48xi32, #tpu.memory_space<vmem>> -> memref<1x1x48xi32, #tpu.memory_space<vmem>>
      %dma_start3A_466 = tpu.memref_squeeze %dma_start3A_465 : memref<1x1x48xi32, #tpu.memory_space<vmem>> -> memref<48xi32, #tpu.memory_space<vmem>>
      %dma_start3A_467 = arith.constant 0 : i32
      %dma_start3A_468 = arith.constant 0 : i32
      %dma_start3A_469 = tpu.memref_slice %arg13[%dma_start3A_467, %dma_start3A_468] : memref<10112x128xf32, #tpu.memory_space<vmem_shared>> -> memref<10112x128xf32, #tpu.memory_space<vmem_shared>>
      tpu.enqueue_indirect_dma source(%dma_start3A_463 : memref<48x128xf32, #tpu.memory_space<vmem>>) target(%dma_start3A_469 : memref<10112x128xf32, #tpu.memory_space<vmem_shared>>) offsets(%dma_start3A_466 : memref<48xi32, #tpu.memory_space<vmem>>) semaphore(%arg20 : memref<!tpu.dma_semaphore, #tpu.memory_space<semaphore_mem>>) {add = true}
      %dma_start3A_470 = arith.constant 1 : i32
      %dma_start3A_471 = arith.constant 3 : i32
      %dma_start3A_472 = arith.constant 48 : i32
      %dma_start3A_473 = arith.constant 0 : i32
      %dma_start3A_474 = tpu.memref_slice %arg11[%dma_start3A_472, %dma_start3A_473] : memref<96x128xf32, #tpu.memory_space<vmem>> -> memref<48x128xf32, #tpu.memory_space<vmem>>
      %dma_start3A_475 = arith.constant 0 : i32
      %dma_start3A_476 = tpu.memref_slice %arg7[%dma_start3A_470, %dma_start3A_471, %dma_start3A_475] : memref<2x4x48xi32, #tpu.memory_space<vmem>> -> memref<1x1x48xi32, #tpu.memory_space<vmem>>
      %dma_start3A_477 = tpu.memref_squeeze %dma_start3A_476 : memref<1x1x48xi32, #tpu.memory_space<vmem>> -> memref<48xi32, #tpu.memory_space<vmem>>
      %dma_start3A_478 = arith.constant 0 : i32
      %dma_start3A_479 = arith.constant 0 : i32
      %dma_start3A_480 = tpu.memref_slice %arg13[%dma_start3A_478, %dma_start3A_479] : memref<10112x128xf32, #tpu.memory_space<vmem_shared>> -> memref<10112x128xf32, #tpu.memory_space<vmem_shared>>
      tpu.enqueue_indirect_dma source(%dma_start3A_474 : memref<48x128xf32, #tpu.memory_space<vmem>>) target(%dma_start3A_480 : memref<10112x128xf32, #tpu.memory_space<vmem_shared>>) offsets(%dma_start3A_477 : memref<48xi32, #tpu.memory_space<vmem>>) semaphore(%arg21 : memref<!tpu.dma_semaphore, #tpu.memory_space<semaphore_mem>>) {add = true}
      %get3A_481 = arith.constant 1 : i32
      %get3A_482 = arith.constant 2 : i32
      %get3A_483 = arith.index_cast %get3A_481 : i32 to index
      %get3A_484 = arith.index_cast %get3A_482 : i32 to index
      %get3A_485 = arith.constant 0 : index
      %get3A_486 = tpu.vector_load %arg7[%get3A_483, %get3A_484, %get3A_485] {strides = array<i32>} : memref<2x4x48xi32, #tpu.memory_space<vmem>>, vector<16xi32>,
      tpu.vector_store_idx %arg12[%get3A_486], %broadcast_in_dim3A_19 {add = true} : memref<10112xf32, #tpu.memory_space<vmem>>[vector<16xi32>], vector<16xf32>,
      %get3A_487 = arith.constant 1 : i32
      %get3A_488 = arith.constant 2 : i32
      %get3A_489 = arith.index_cast %get3A_487 : i32 to index
      %get3A_490 = arith.index_cast %get3A_488 : i32 to index
      %get3A_491 = arith.constant 16 : index
      %get3A_492 = tpu.vector_load %arg7[%get3A_489, %get3A_490, %get3A_491] {strides = array<i32>} : memref<2x4x48xi32, #tpu.memory_space<vmem>>, vector<16xi32>,
      tpu.vector_store_idx %arg12[%get3A_492], %broadcast_in_dim3A_19 {add = true} : memref<10112xf32, #tpu.memory_space<vmem>>[vector<16xi32>], vector<16xf32>,
      %get3A_493 = arith.constant 1 : i32
      %get3A_494 = arith.constant 2 : i32
      %get3A_495 = arith.index_cast %get3A_493 : i32 to index
      %get3A_496 = arith.index_cast %get3A_494 : i32 to index
      %get3A_497 = arith.constant 32 : index
      %get3A_498 = tpu.vector_load %arg7[%get3A_495, %get3A_496, %get3A_497] {strides = array<i32>} : memref<2x4x48xi32, #tpu.memory_space<vmem>>, vector<16xi32>,
      tpu.vector_store_idx %arg12[%get3A_498], %broadcast_in_dim3A_19 {add = true} : memref<10112xf32, #tpu.memory_space<vmem>>[vector<16xi32>], vector<16xf32>,
      %get3A_499 = arith.constant 1 : i32
      %get3A_500 = arith.constant 3 : i32
      %get3A_501 = arith.index_cast %get3A_499 : i32 to index
      %get3A_502 = arith.index_cast %get3A_500 : i32 to index
      %get3A_503 = arith.constant 0 : index
      %get3A_504 = tpu.vector_load %arg7[%get3A_501, %get3A_502, %get3A_503] {strides = array<i32>} : memref<2x4x48xi32, #tpu.memory_space<vmem>>, vector<16xi32>,
      tpu.vector_store_idx %arg12[%get3A_504], %broadcast_in_dim3A_19 {add = true} : memref<10112xf32, #tpu.memory_space<vmem>>[vector<16xi32>], vector<16xf32>,
      %get3A_505 = arith.constant 1 : i32
      %get3A_506 = arith.constant 3 : i32
      %get3A_507 = arith.index_cast %get3A_505 : i32 to index
      %get3A_508 = arith.index_cast %get3A_506 : i32 to index
      %get3A_509 = arith.constant 16 : index
      %get3A_510 = tpu.vector_load %arg7[%get3A_507, %get3A_508, %get3A_509] {strides = array<i32>} : memref<2x4x48xi32, #tpu.memory_space<vmem>>, vector<16xi32>,
      tpu.vector_store_idx %arg12[%get3A_510], %broadcast_in_dim3A_19 {add = true} : memref<10112xf32, #tpu.memory_space<vmem>>[vector<16xi32>], vector<16xf32>,
      %get3A_511 = arith.constant 1 : i32
      %get3A_512 = arith.constant 3 : i32
      %get3A_513 = arith.index_cast %get3A_511 : i32 to index
      %get3A_514 = arith.index_cast %get3A_512 : i32 to index
      %get3A_515 = arith.constant 32 : index
      %get3A_516 = tpu.vector_load %arg7[%get3A_513, %get3A_514, %get3A_515] {strides = array<i32>} : memref<2x4x48xi32, #tpu.memory_space<vmem>>, vector<16xi32>,
      tpu.vector_store_idx %arg12[%get3A_516], %broadcast_in_dim3A_19 {add = true} : memref<10112xf32, #tpu.memory_space<vmem>>[vector<16xi32>], vector<16xf32>,
      %add3A_517 = arith.constant 2 : i32
      %add3A_518 = arith.addi %add3A_383, %add3A_517 : i32
      %add3A_519 = arith.addi %select_n3A_13, %add3A_518 : i32
      %min3A_520 = arith.constant 3359 : i32
      %min3A_521 = arith.minsi %add3A_519, %min3A_520 : i32
      %dma_start3A_522 = arith.constant 1 : i32
      %dma_start3A_523 = arith.constant 0 : i32
      %dma_start3A_524 = arith.constant 0 : i32
      %dma_start3A_525 = tpu.memref_slice %arg7[%dma_start3A_522, %dma_start3A_523, %dma_start3A_524] : memref<2x4x48xi32, #tpu.memory_space<vmem>> -> memref<1x4x48xi32, #tpu.memory_space<vmem>>
      %dma_start3A_526 = tpu.memref_squeeze %dma_start3A_525 : memref<1x4x48xi32, #tpu.memory_space<vmem>> -> memref<4x48xi32, #tpu.memory_space<vmem>>
      %dma_start3A_527 = arith.constant 0 : i32
      %dma_start3A_528 = arith.constant 0 : i32
      %dma_start3A_529 = tpu.memref_slice %arg3[%min3A_521, %dma_start3A_527, %dma_start3A_528] : memref<3360x4x48xi32, #tpu.memory_space<hbm>> -> memref<1x4x48xi32, #tpu.memory_space<hbm>>
      %dma_start3A_530 = tpu.memref_squeeze %dma_start3A_529 : memref<1x4x48xi32, #tpu.memory_space<hbm>> -> memref<4x48xi32, #tpu.memory_space<hbm>>
      %dma_start3A_531 = arith.constant 0 : i32
      %dma_start3A_532 = arith.constant 0 : i32
      %dma_start3A_533 = tpu.memref_slice %arg7[%dma_start3A_522, %dma_start3A_531, %dma_start3A_532] : memref<2x4x48xi32, #tpu.memory_space<vmem>> -> memref<1x4x48xi32, #tpu.memory_space<vmem>>
      %dma_start3A_534 = tpu.memref_squeeze %dma_start3A_533 : memref<1x4x48xi32, #tpu.memory_space<vmem>> -> memref<4x48xi32, #tpu.memory_space<vmem>>
      %dma_start3A_535 = arith.constant 0 : i32
      %dma_start3A_536 = arith.constant 0 : i32
      %dma_start3A_537 = tpu.memref_slice %arg3[%min3A_521, %dma_start3A_535, %dma_start3A_536] : memref<3360x4x48xi32, #tpu.memory_space<hbm>> -> memref<1x4x48xi32, #tpu.memory_space<hbm>>
      %dma_start3A_538 = tpu.memref_squeeze %dma_start3A_537 : memref<1x4x48xi32, #tpu.memory_space<hbm>> -> memref<4x48xi32, #tpu.memory_space<hbm>>
      tpu.enqueue_dma source(%dma_start3A_538 : memref<4x48xi32, #tpu.memory_space<hbm>>) target(%dma_start3A_534 : memref<4x48xi32, #tpu.memory_space<vmem>>) target_semaphore(%arg15 : memref<!tpu.dma_semaphore, #tpu.memory_space<semaphore_mem>>)
    }
    %add3A_96 = arith.constant 0 : i32
    %add3A_97 = arith.addi %select_n3A_13, %add3A_96 : i32
    %min3A_98 = arith.constant 3359 : i32
    %min3A_99 = arith.minsi %add3A_97, %min3A_98 : i32
    %dma_wait3A = arith.constant 1 : i32
    %dma_wait3A_100 = arith.constant 0 : i32
    %dma_wait3A_101 = arith.constant 0 : i32
    %dma_wait3A_102 = tpu.memref_slice %arg7[%dma_wait3A, %dma_wait3A_100, %dma_wait3A_101] : memref<2x4x48xi32, #tpu.memory_space<vmem>> -> memref<1x4x48xi32, #tpu.memory_space<vmem>>
    %dma_wait3A_103 = tpu.memref_squeeze %dma_wait3A_102 : memref<1x4x48xi32, #tpu.memory_space<vmem>> -> memref<4x48xi32, #tpu.memory_space<vmem>>
    %dma_wait3A_104 = arith.constant 0 : i32
    %dma_wait3A_105 = arith.constant 0 : i32
    %dma_wait3A_106 = tpu.memref_slice %arg3[%min3A_99, %dma_wait3A_104, %dma_wait3A_105] : memref<3360x4x48xi32, #tpu.memory_space<hbm>> -> memref<1x4x48xi32, #tpu.memory_space<hbm>>
    %dma_wait3A_107 = tpu.memref_squeeze %dma_wait3A_106 : memref<1x4x48xi32, #tpu.memory_space<hbm>> -> memref<4x48xi32, #tpu.memory_space<hbm>>
    %dma_wait3A_108 = arith.constant 0 : i32
    %dma_wait3A_109 = arith.constant 0 : i32
    %dma_wait3A_110 = tpu.memref_slice %arg7[%dma_wait3A, %dma_wait3A_108, %dma_wait3A_109] : memref<2x4x48xi32, #tpu.memory_space<vmem>> -> memref<1x4x48xi32, #tpu.memory_space<vmem>>
    %dma_wait3A_111 = tpu.memref_squeeze %dma_wait3A_110 : memref<1x4x48xi32, #tpu.memory_space<vmem>> -> memref<4x48xi32, #tpu.memory_space<vmem>>
    %dma_wait3A_112 = arith.constant 0 : i32
    %dma_wait3A_113 = arith.constant 0 : i32
    %dma_wait3A_114 = tpu.memref_slice %arg3[%min3A_99, %dma_wait3A_112, %dma_wait3A_113] : memref<3360x4x48xi32, #tpu.memory_space<hbm>> -> memref<1x4x48xi32, #tpu.memory_space<hbm>>
    %dma_wait3A_115 = tpu.memref_squeeze %dma_wait3A_114 : memref<1x4x48xi32, #tpu.memory_space<hbm>> -> memref<4x48xi32, #tpu.memory_space<hbm>>
    tpu.wait_dma2 semaphore(%arg15 : memref<!tpu.dma_semaphore, #tpu.memory_space<semaphore_mem>>) src(%dma_wait3A_115 : memref<4x48xi32, #tpu.memory_space<hbm>>) dst(%dma_wait3A_111 : memref<4x48xi32, #tpu.memory_space<vmem>>)
    %sub3A_116 = arith.constant 1 : i32
    %sub3A_117 = arith.subi %select_n3A, %sub3A_116 : i32
    %dma_wait3A_118 = arith.constant 0 : i32
    %dma_wait3A_119 = arith.constant 0 : i32
    %dma_wait3A_120 = arith.constant 0 : i32
    %dma_wait3A_121 = arith.constant 0 : i32
    %dma_wait3A_122 = tpu.memref_slice %arg8[%dma_wait3A_120, %dma_wait3A_121] : memref<96x128xbf16, #tpu.memory_space<vmem>> -> memref<48x128xbf16, #tpu.memory_space<vmem>>
    %dma_wait3A_123 = arith.constant 0 : i32
    %dma_wait3A_124 = tpu.memref_slice %arg7[%dma_wait3A_118, %dma_wait3A_119, %dma_wait3A_123] : memref<2x4x48xi32, #tpu.memory_space<vmem>> -> memref<1x1x48xi32, #tpu.memory_space<vmem>>
    %dma_wait3A_125 = tpu.memref_squeeze %dma_wait3A_124 : memref<1x1x48xi32, #tpu.memory_space<vmem>> -> memref<48xi32, #tpu.memory_space<vmem>>
    %dma_wait3A_126 = arith.constant 0 : i32
    %dma_wait3A_127 = arith.constant 0 : i32
    %dma_wait3A_128 = tpu.memref_slice %arg2[%dma_wait3A_126, %dma_wait3A_127] : memref<10000x128xbf16, #tpu.memory_space<hbm>> -> memref<10000x128xbf16, #tpu.memory_space<hbm>>
    tpu.wait_indirect_dma semaphore(%arg16 : memref<!tpu.dma_semaphore, #tpu.memory_space<semaphore_mem>>) src(%dma_wait3A_128 : memref<10000x128xbf16, #tpu.memory_space<hbm>>) dst(%dma_wait3A_122 : memref<48x128xbf16, #tpu.memory_space<vmem>>)
    %dma_wait3A_129 = arith.constant 0 : i32
    %dma_wait3A_130 = arith.constant 1 : i32
    %dma_wait3A_131 = arith.constant 48 : i32
    %dma_wait3A_132 = arith.constant 0 : i32
    %dma_wait3A_133 = tpu.memref_slice %arg8[%dma_wait3A_131, %dma_wait3A_132] : memref<96x128xbf16, #tpu.memory_space<vmem>> -> memref<48x128xbf16, #tpu.memory_space<vmem>>
    %dma_wait3A_134 = arith.constant 0 : i32
    %dma_wait3A_135 = tpu.memref_slice %arg7[%dma_wait3A_129, %dma_wait3A_130, %dma_wait3A_134] : memref<2x4x48xi32, #tpu.memory_space<vmem>> -> memref<1x1x48xi32, #tpu.memory_space<vmem>>
    %dma_wait3A_136 = tpu.memref_squeeze %dma_wait3A_135 : memref<1x1x48xi32, #tpu.memory_space<vmem>> -> memref<48xi32, #tpu.memory_space<vmem>>
    %dma_wait3A_137 = arith.constant 0 : i32
    %dma_wait3A_138 = arith.constant 0 : i32
    %dma_wait3A_139 = tpu.memref_slice %arg2[%dma_wait3A_137, %dma_wait3A_138] : memref<10000x128xbf16, #tpu.memory_space<hbm>> -> memref<10000x128xbf16, #tpu.memory_space<hbm>>
    tpu.wait_indirect_dma semaphore(%arg18 : memref<!tpu.dma_semaphore, #tpu.memory_space<semaphore_mem>>) src(%dma_wait3A_139 : memref<10000x128xbf16, #tpu.memory_space<hbm>>) dst(%dma_wait3A_133 : memref<48x128xbf16, #tpu.memory_space<vmem>>)
    %gt3A = arith.constant 0 : i32
    %gt3A_140 = arith.cmpi sgt, %sub3A_117, %gt3A : i32
    %convert_element_type3A = arith.extui %gt3A_140 : i1 to i32
    %cond3A = arith.constant 0 : i32
    %cond3A_141 = arith.cmpi ne, %convert_element_type3A, %cond3A : i32
    scf.if %cond3A_141 {
      %dma_wait3A_224 = arith.constant 0 : i32
      %dma_wait3A_225 = arith.constant 2 : i32
      %dma_wait3A_226 = arith.constant 0 : i32
      %dma_wait3A_227 = arith.constant 0 : i32
      %dma_wait3A_228 = tpu.memref_slice %arg10[%dma_wait3A_226, %dma_wait3A_227] : memref<96x128xf32, #tpu.memory_space<vmem>> -> memref<48x128xf32, #tpu.memory_space<vmem>>
      %dma_wait3A_229 = arith.constant 0 : i32
      %dma_wait3A_230 = tpu.memref_slice %arg7[%dma_wait3A_224, %dma_wait3A_225, %dma_wait3A_229] : memref<2x4x48xi32, #tpu.memory_space<vmem>> -> memref<1x1x48xi32, #tpu.memory_space<vmem>>
      %dma_wait3A_231 = tpu.memref_squeeze %dma_wait3A_230 : memref<1x1x48xi32, #tpu.memory_space<vmem>> -> memref<48xi32, #tpu.memory_space<vmem>>
      %dma_wait3A_232 = arith.constant 0 : i32
      %dma_wait3A_233 = arith.constant 0 : i32
      %dma_wait3A_234 = tpu.memref_slice %arg13[%dma_wait3A_232, %dma_wait3A_233] : memref<10112x128xf32, #tpu.memory_space<vmem_shared>> -> memref<10112x128xf32, #tpu.memory_space<vmem_shared>>
      tpu.wait_indirect_dma semaphore(%arg20 : memref<!tpu.dma_semaphore, #tpu.memory_space<semaphore_mem>>) src(%dma_wait3A_228 : memref<48x128xf32, #tpu.memory_space<vmem>>) dst(%dma_wait3A_234 : memref<10112x128xf32, #tpu.memory_space<vmem_shared>>)
      %dma_wait3A_235 = arith.constant 0 : i32
      %dma_wait3A_236 = arith.constant 3 : i32
      %dma_wait3A_237 = arith.constant 48 : i32
      %dma_wait3A_238 = arith.constant 0 : i32
      %dma_wait3A_239 = tpu.memref_slice %arg10[%dma_wait3A_237, %dma_wait3A_238] : memref<96x128xf32, #tpu.memory_space<vmem>> -> memref<48x128xf32, #tpu.memory_space<vmem>>
      %dma_wait3A_240 = arith.constant 0 : i32
      %dma_wait3A_241 = tpu.memref_slice %arg7[%dma_wait3A_235, %dma_wait3A_236, %dma_wait3A_240] : memref<2x4x48xi32, #tpu.memory_space<vmem>> -> memref<1x1x48xi32, #tpu.memory_space<vmem>>
      %dma_wait3A_242 = tpu.memref_squeeze %dma_wait3A_241 : memref<1x1x48xi32, #tpu.memory_space<vmem>> -> memref<48xi32, #tpu.memory_space<vmem>>
      %dma_wait3A_243 = arith.constant 0 : i32
      %dma_wait3A_244 = arith.constant 0 : i32
      %dma_wait3A_245 = tpu.memref_slice %arg13[%dma_wait3A_243, %dma_wait3A_244] : memref<10112x128xf32, #tpu.memory_space<vmem_shared>> -> memref<10112x128xf32, #tpu.memory_space<vmem_shared>>
      tpu.wait_indirect_dma semaphore(%arg21 : memref<!tpu.dma_semaphore, #tpu.memory_space<semaphore_mem>>) src(%dma_wait3A_239 : memref<48x128xf32, #tpu.memory_space<vmem>>) dst(%dma_wait3A_245 : memref<10112x128xf32, #tpu.memory_space<vmem_shared>>)
    } else {
    }
    %parallel_loop3A = arith.constant 0 : i32
    %parallel_loop3A_142 = arith.constant 96 : i32
    %parallel_loop3A_143 = arith.constant 1 : i32
    scf.for %parallel_loop3A_224 = %parallel_loop3A to %parallel_loop3A_142 step %parallel_loop3A_143  : i32 {
      %parallel_loop3A_225 = arith.index_cast %parallel_loop3A_224 : i32 to index
      %parallel_loop3A_226 = arith.constant 0 : index
      %parallel_loop3A_227 = tpu.vector_load %arg8[%parallel_loop3A_225, %parallel_loop3A_226] {strides = array<i32>} : memref<96x128xbf16, #tpu.memory_space<vmem>>, vector<32xbf16>,
      %parallel_loop3A_228 = vector.bitcast %parallel_loop3A_227 : vector<32xbf16> to vector<16xi32>
      %parallel_loop3A_229 = arith.constant 16 : i32
      %parallel_loop3A_230 = vector.broadcast %parallel_loop3A_229 : i32 to vector<16xi32>
      %parallel_loop3A_231 = arith.shli %parallel_loop3A_228, %parallel_loop3A_230 : vector<16xi32>
      %parallel_loop3A_232 = vector.bitcast %parallel_loop3A_231 : vector<16xi32> to vector<16xf32>
      %parallel_loop3A_233 = arith.index_cast %parallel_loop3A_224 : i32 to index
      %parallel_loop3A_234 = arith.constant 0 : index
      %parallel_loop3A_235 = tpu.vector_load %arg10[%parallel_loop3A_233, %parallel_loop3A_234] {strides = array<i32>} : memref<96x128xf32, #tpu.memory_space<vmem>>, vector<16xf32>,
      tpu.vector_store %arg10[%parallel_loop3A_233, %parallel_loop3A_234], %parallel_loop3A_232 {strides = array<i32>} : memref<96x128xf32, #tpu.memory_space<vmem>>, vector<16xf32>,
      %parallel_loop3A_236 = arith.andi %parallel_loop3A_228, %broadcast_in_dim3A_21 : vector<16xi32>
      %parallel_loop3A_237 = vector.bitcast %parallel_loop3A_236 : vector<16xi32> to vector<16xf32>
      %parallel_loop3A_238 = arith.index_cast %parallel_loop3A_224 : i32 to index
      %parallel_loop3A_239 = arith.constant 64 : index
      %parallel_loop3A_240 = tpu.vector_load %arg10[%parallel_loop3A_238, %parallel_loop3A_239] {strides = array<i32>} : memref<96x128xf32, #tpu.memory_space<vmem>>, vector<16xf32>,
      tpu.vector_store %arg10[%parallel_loop3A_238, %parallel_loop3A_239], %parallel_loop3A_237 {strides = array<i32>} : memref<96x128xf32, #tpu.memory_space<vmem>>, vector<16xf32>,
      %parallel_loop3A_241 = arith.index_cast %parallel_loop3A_224 : i32 to index
      %parallel_loop3A_242 = arith.constant 32 : index
      %parallel_loop3A_243 = tpu.vector_load %arg8[%parallel_loop3A_241, %parallel_loop3A_242] {strides = array<i32>} : memref<96x128xbf16, #tpu.memory_space<vmem>>, vector<32xbf16>,
      %parallel_loop3A_244 = vector.bitcast %parallel_loop3A_243 : vector<32xbf16> to vector<16xi32>
      %parallel_loop3A_245 = arith.constant 16 : i32
      %parallel_loop3A_246 = vector.broadcast %parallel_loop3A_245 : i32 to vector<16xi32>
      %parallel_loop3A_247 = arith.shli %parallel_loop3A_244, %parallel_loop3A_246 : vector<16xi32>
      %parallel_loop3A_248 = vector.bitcast %parallel_loop3A_247 : vector<16xi32> to vector<16xf32>
      %parallel_loop3A_249 = arith.index_cast %parallel_loop3A_224 : i32 to index
      %parallel_loop3A_250 = arith.constant 16 : index
      %parallel_loop3A_251 = tpu.vector_load %arg10[%parallel_loop3A_249, %parallel_loop3A_250] {strides = array<i32>} : memref<96x128xf32, #tpu.memory_space<vmem>>, vector<16xf32>,
      tpu.vector_store %arg10[%parallel_loop3A_249, %parallel_loop3A_250], %parallel_loop3A_248 {strides = array<i32>} : memref<96x128xf32, #tpu.memory_space<vmem>>, vector<16xf32>,
      %parallel_loop3A_252 = arith.andi %parallel_loop3A_244, %broadcast_in_dim3A_21 : vector<16xi32>
      %parallel_loop3A_253 = vector.bitcast %parallel_loop3A_252 : vector<16xi32> to vector<16xf32>
      %parallel_loop3A_254 = arith.index_cast %parallel_loop3A_224 : i32 to index
      %parallel_loop3A_255 = arith.constant 80 : index
      %parallel_loop3A_256 = tpu.vector_load %arg10[%parallel_loop3A_254, %parallel_loop3A_255] {strides = array<i32>} : memref<96x128xf32, #tpu.memory_space<vmem>>, vector<16xf32>,
      tpu.vector_store %arg10[%parallel_loop3A_254, %parallel_loop3A_255], %parallel_loop3A_253 {strides = array<i32>} : memref<96x128xf32, #tpu.memory_space<vmem>>, vector<16xf32>,
      %parallel_loop3A_257 = arith.index_cast %parallel_loop3A_224 : i32 to index
      %parallel_loop3A_258 = arith.constant 64 : index
      %parallel_loop3A_259 = tpu.vector_load %arg8[%parallel_loop3A_257, %parallel_loop3A_258] {strides = array<i32>} : memref<96x128xbf16, #tpu.memory_space<vmem>>, vector<32xbf16>,
      %parallel_loop3A_260 = vector.bitcast %parallel_loop3A_259 : vector<32xbf16> to vector<16xi32>
      %parallel_loop3A_261 = arith.constant 16 : i32
      %parallel_loop3A_262 = vector.broadcast %parallel_loop3A_261 : i32 to vector<16xi32>
      %parallel_loop3A_263 = arith.shli %parallel_loop3A_260, %parallel_loop3A_262 : vector<16xi32>
      %parallel_loop3A_264 = vector.bitcast %parallel_loop3A_263 : vector<16xi32> to vector<16xf32>
      %parallel_loop3A_265 = arith.index_cast %parallel_loop3A_224 : i32 to index
      %parallel_loop3A_266 = arith.constant 32 : index
      %parallel_loop3A_267 = tpu.vector_load %arg10[%parallel_loop3A_265, %parallel_loop3A_266] {strides = array<i32>} : memref<96x128xf32, #tpu.memory_space<vmem>>, vector<16xf32>,
      tpu.vector_store %arg10[%parallel_loop3A_265, %parallel_loop3A_266], %parallel_loop3A_264 {strides = array<i32>} : memref<96x128xf32, #tpu.memory_space<vmem>>, vector<16xf32>,
      %parallel_loop3A_268 = arith.andi %parallel_loop3A_260, %broadcast_in_dim3A_21 : vector<16xi32>
      %parallel_loop3A_269 = vector.bitcast %parallel_loop3A_268 : vector<16xi32> to vector<16xf32>
      %parallel_loop3A_270 = arith.index_cast %parallel_loop3A_224 : i32 to index
      %parallel_loop3A_271 = arith.constant 96 : index
      %parallel_loop3A_272 = tpu.vector_load %arg10[%parallel_loop3A_270, %parallel_loop3A_271] {strides = array<i32>} : memref<96x128xf32, #tpu.memory_space<vmem>>, vector<16xf32>,
      tpu.vector_store %arg10[%parallel_loop3A_270, %parallel_loop3A_271], %parallel_loop3A_269 {strides = array<i32>} : memref<96x128xf32, #tpu.memory_space<vmem>>, vector<16xf32>,
      %parallel_loop3A_273 = arith.index_cast %parallel_loop3A_224 : i32 to index
      %parallel_loop3A_274 = arith.constant 96 : index
      %parallel_loop3A_275 = tpu.vector_load %arg8[%parallel_loop3A_273, %parallel_loop3A_274] {strides = array<i32>} : memref<96x128xbf16, #tpu.memory_space<vmem>>, vector<32xbf16>,
      %parallel_loop3A_276 = vector.bitcast %parallel_loop3A_275 : vector<32xbf16> to vector<16xi32>
      %parallel_loop3A_277 = arith.constant 16 : i32
      %parallel_loop3A_278 = vector.broadcast %parallel_loop3A_277 : i32 to vector<16xi32>
      %parallel_loop3A_279 = arith.shli %parallel_loop3A_276, %parallel_loop3A_278 : vector<16xi32>
      %parallel_loop3A_280 = vector.bitcast %parallel_loop3A_279 : vector<16xi32> to vector<16xf32>
      %parallel_loop3A_281 = arith.index_cast %parallel_loop3A_224 : i32 to index
      %parallel_loop3A_282 = arith.constant 48 : index
      %parallel_loop3A_283 = tpu.vector_load %arg10[%parallel_loop3A_281, %parallel_loop3A_282] {strides = array<i32>} : memref<96x128xf32, #tpu.memory_space<vmem>>, vector<16xf32>,
      tpu.vector_store %arg10[%parallel_loop3A_281, %parallel_loop3A_282], %parallel_loop3A_280 {strides = array<i32>} : memref<96x128xf32, #tpu.memory_space<vmem>>, vector<16xf32>,
      %parallel_loop3A_284 = arith.andi %parallel_loop3A_276, %broadcast_in_dim3A_21 : vector<16xi32>
      %parallel_loop3A_285 = vector.bitcast %parallel_loop3A_284 : vector<16xi32> to vector<16xf32>
      %parallel_loop3A_286 = arith.index_cast %parallel_loop3A_224 : i32 to index
      %parallel_loop3A_287 = arith.constant 112 : index
      %parallel_loop3A_288 = tpu.vector_load %arg10[%parallel_loop3A_286, %parallel_loop3A_287] {strides = array<i32>} : memref<96x128xf32, #tpu.memory_space<vmem>>, vector<16xf32>,
      tpu.vector_store %arg10[%parallel_loop3A_286, %parallel_loop3A_287], %parallel_loop3A_285 {strides = array<i32>} : memref<96x128xf32, #tpu.memory_space<vmem>>, vector<16xf32>,
    } {sc.loop_unroll_factor = 4 : i64, sc.parallel_access}
    %dma_start3A_144 = arith.constant 0 : i32
    %dma_start3A_145 = arith.constant 2 : i32
    %dma_start3A_146 = arith.constant 0 : i32
    %dma_start3A_147 = arith.constant 0 : i32
    %dma_start3A_148 = tpu.memref_slice %arg10[%dma_start3A_146, %dma_start3A_147] : memref<96x128xf32, #tpu.memory_space<vmem>> -> memref<48x128xf32, #tpu.memory_space<vmem>>
    %dma_start3A_149 = arith.constant 0 : i32
    %dma_start3A_150 = tpu.memref_slice %arg7[%dma_start3A_144, %dma_start3A_145, %dma_start3A_149] : memref<2x4x48xi32, #tpu.memory_space<vmem>> -> memref<1x1x48xi32, #tpu.memory_space<vmem>>
    %dma_start3A_151 = tpu.memref_squeeze %dma_start3A_150 : memref<1x1x48xi32, #tpu.memory_space<vmem>> -> memref<48xi32, #tpu.memory_space<vmem>>
    %dma_start3A_152 = arith.constant 0 : i32
    %dma_start3A_153 = arith.constant 0 : i32
    %dma_start3A_154 = tpu.memref_slice %arg13[%dma_start3A_152, %dma_start3A_153] : memref<10112x128xf32, #tpu.memory_space<vmem_shared>> -> memref<10112x128xf32, #tpu.memory_space<vmem_shared>>
    tpu.enqueue_indirect_dma source(%dma_start3A_148 : memref<48x128xf32, #tpu.memory_space<vmem>>) target(%dma_start3A_154 : memref<10112x128xf32, #tpu.memory_space<vmem_shared>>) offsets(%dma_start3A_151 : memref<48xi32, #tpu.memory_space<vmem>>) semaphore(%arg20 : memref<!tpu.dma_semaphore, #tpu.memory_space<semaphore_mem>>) {add = true}
    %dma_start3A_155 = arith.constant 0 : i32
    %dma_start3A_156 = arith.constant 3 : i32
    %dma_start3A_157 = arith.constant 48 : i32
    %dma_start3A_158 = arith.constant 0 : i32
    %dma_start3A_159 = tpu.memref_slice %arg10[%dma_start3A_157, %dma_start3A_158] : memref<96x128xf32, #tpu.memory_space<vmem>> -> memref<48x128xf32, #tpu.memory_space<vmem>>
    %dma_start3A_160 = arith.constant 0 : i32
    %dma_start3A_161 = tpu.memref_slice %arg7[%dma_start3A_155, %dma_start3A_156, %dma_start3A_160] : memref<2x4x48xi32, #tpu.memory_space<vmem>> -> memref<1x1x48xi32, #tpu.memory_space<vmem>>
    %dma_start3A_162 = tpu.memref_squeeze %dma_start3A_161 : memref<1x1x48xi32, #tpu.memory_space<vmem>> -> memref<48xi32, #tpu.memory_space<vmem>>
    %dma_start3A_163 = arith.constant 0 : i32
    %dma_start3A_164 = arith.constant 0 : i32
    %dma_start3A_165 = tpu.memref_slice %arg13[%dma_start3A_163, %dma_start3A_164] : memref<10112x128xf32, #tpu.memory_space<vmem_shared>> -> memref<10112x128xf32, #tpu.memory_space<vmem_shared>>
    tpu.enqueue_indirect_dma source(%dma_start3A_159 : memref<48x128xf32, #tpu.memory_space<vmem>>) target(%dma_start3A_165 : memref<10112x128xf32, #tpu.memory_space<vmem_shared>>) offsets(%dma_start3A_162 : memref<48xi32, #tpu.memory_space<vmem>>) semaphore(%arg21 : memref<!tpu.dma_semaphore, #tpu.memory_space<semaphore_mem>>) {add = true}
    %get3A = arith.constant 0 : i32
    %get3A_166 = arith.constant 2 : i32
    %get3A_167 = arith.index_cast %get3A : i32 to index
    %get3A_168 = arith.index_cast %get3A_166 : i32 to index
    %get3A_169 = arith.constant 0 : index
    %get3A_170 = tpu.vector_load %arg7[%get3A_167, %get3A_168, %get3A_169] {strides = array<i32>} : memref<2x4x48xi32, #tpu.memory_space<vmem>>, vector<16xi32>,
    tpu.vector_store_idx %arg12[%get3A_170], %broadcast_in_dim3A_19 {add = true} : memref<10112xf32, #tpu.memory_space<vmem>>[vector<16xi32>], vector<16xf32>,
    %get3A_171 = arith.constant 0 : i32
    %get3A_172 = arith.constant 2 : i32
    %get3A_173 = arith.index_cast %get3A_171 : i32 to index
    %get3A_174 = arith.index_cast %get3A_172 : i32 to index
    %get3A_175 = arith.constant 16 : index
    %get3A_176 = tpu.vector_load %arg7[%get3A_173, %get3A_174, %get3A_175] {strides = array<i32>} : memref<2x4x48xi32, #tpu.memory_space<vmem>>, vector<16xi32>,
    tpu.vector_store_idx %arg12[%get3A_176], %broadcast_in_dim3A_19 {add = true} : memref<10112xf32, #tpu.memory_space<vmem>>[vector<16xi32>], vector<16xf32>,
    %get3A_177 = arith.constant 0 : i32
    %get3A_178 = arith.constant 2 : i32
    %get3A_179 = arith.index_cast %get3A_177 : i32 to index
    %get3A_180 = arith.index_cast %get3A_178 : i32 to index
    %get3A_181 = arith.constant 32 : index
    %get3A_182 = tpu.vector_load %arg7[%get3A_179, %get3A_180, %get3A_181] {strides = array<i32>} : memref<2x4x48xi32, #tpu.memory_space<vmem>>, vector<16xi32>,
    tpu.vector_store_idx %arg12[%get3A_182], %broadcast_in_dim3A_19 {add = true} : memref<10112xf32, #tpu.memory_space<vmem>>[vector<16xi32>], vector<16xf32>,
    %get3A_183 = arith.constant 0 : i32
    %get3A_184 = arith.constant 3 : i32
    %get3A_185 = arith.index_cast %get3A_183 : i32 to index
    %get3A_186 = arith.index_cast %get3A_184 : i32 to index
    %get3A_187 = arith.constant 0 : index
    %get3A_188 = tpu.vector_load %arg7[%get3A_185, %get3A_186, %get3A_187] {strides = array<i32>} : memref<2x4x48xi32, #tpu.memory_space<vmem>>, vector<16xi32>,
    tpu.vector_store_idx %arg12[%get3A_188], %broadcast_in_dim3A_19 {add = true} : memref<10112xf32, #tpu.memory_space<vmem>>[vector<16xi32>], vector<16xf32>,
    %get3A_189 = arith.constant 0 : i32
    %get3A_190 = arith.constant 3 : i32
    %get3A_191 = arith.index_cast %get3A_189 : i32 to index
    %get3A_192 = arith.index_cast %get3A_190 : i32 to index
    %get3A_193 = arith.constant 16 : index
    %get3A_194 = tpu.vector_load %arg7[%get3A_191, %get3A_192, %get3A_193] {strides = array<i32>} : memref<2x4x48xi32, #tpu.memory_space<vmem>>, vector<16xi32>,
    tpu.vector_store_idx %arg12[%get3A_194], %broadcast_in_dim3A_19 {add = true} : memref<10112xf32, #tpu.memory_space<vmem>>[vector<16xi32>], vector<16xf32>,
    %get3A_195 = arith.constant 0 : i32
    %get3A_196 = arith.constant 3 : i32
    %get3A_197 = arith.index_cast %get3A_195 : i32 to index
    %get3A_198 = arith.index_cast %get3A_196 : i32 to index
    %get3A_199 = arith.constant 32 : index
    %get3A_200 = tpu.vector_load %arg7[%get3A_197, %get3A_198, %get3A_199] {strides = array<i32>} : memref<2x4x48xi32, #tpu.memory_space<vmem>>, vector<16xi32>,
    tpu.vector_store_idx %arg12[%get3A_200], %broadcast_in_dim3A_19 {add = true} : memref<10112xf32, #tpu.memory_space<vmem>>[vector<16xi32>], vector<16xf32>,
    %dma_wait3A_201 = arith.constant 0 : i32
    %dma_wait3A_202 = arith.constant 2 : i32
    %dma_wait3A_203 = arith.constant 0 : i32
    %dma_wait3A_204 = arith.constant 0 : i32
    %dma_wait3A_205 = tpu.memref_slice %arg10[%dma_wait3A_203, %dma_wait3A_204] : memref<96x128xf32, #tpu.memory_space<vmem>> -> memref<48x128xf32, #tpu.memory_space<vmem>>
    %dma_wait3A_206 = arith.constant 0 : i32
    %dma_wait3A_207 = tpu.memref_slice %arg7[%dma_wait3A_201, %dma_wait3A_202, %dma_wait3A_206] : memref<2x4x48xi32, #tpu.memory_space<vmem>> -> memref<1x1x48xi32, #tpu.memory_space<vmem>>
    %dma_wait3A_208 = tpu.memref_squeeze %dma_wait3A_207 : memref<1x1x48xi32, #tpu.memory_space<vmem>> -> memref<48xi32, #tpu.memory_space<vmem>>
    %dma_wait3A_209 = arith.constant 0 : i32
    %dma_wait3A_210 = arith.constant 0 : i32
    %dma_wait3A_211 = tpu.memref_slice %arg13[%dma_wait3A_209, %dma_wait3A_210] : memref<10112x128xf32, #tpu.memory_space<vmem_shared>> -> memref<10112x128xf32, #tpu.memory_space<vmem_shared>>
    tpu.wait_indirect_dma semaphore(%arg20 : memref<!tpu.dma_semaphore, #tpu.memory_space<semaphore_mem>>) src(%dma_wait3A_205 : memref<48x128xf32, #tpu.memory_space<vmem>>) dst(%dma_wait3A_211 : memref<10112x128xf32, #tpu.memory_space<vmem_shared>>)
    %dma_wait3A_212 = arith.constant 0 : i32
    %dma_wait3A_213 = arith.constant 3 : i32
    %dma_wait3A_214 = arith.constant 48 : i32
    %dma_wait3A_215 = arith.constant 0 : i32
    %dma_wait3A_216 = tpu.memref_slice %arg10[%dma_wait3A_214, %dma_wait3A_215] : memref<96x128xf32, #tpu.memory_space<vmem>> -> memref<48x128xf32, #tpu.memory_space<vmem>>
    %dma_wait3A_217 = arith.constant 0 : i32
    %dma_wait3A_218 = tpu.memref_slice %arg7[%dma_wait3A_212, %dma_wait3A_213, %dma_wait3A_217] : memref<2x4x48xi32, #tpu.memory_space<vmem>> -> memref<1x1x48xi32, #tpu.memory_space<vmem>>
    %dma_wait3A_219 = tpu.memref_squeeze %dma_wait3A_218 : memref<1x1x48xi32, #tpu.memory_space<vmem>> -> memref<48xi32, #tpu.memory_space<vmem>>
    %dma_wait3A_220 = arith.constant 0 : i32
    %dma_wait3A_221 = arith.constant 0 : i32
    %dma_wait3A_222 = tpu.memref_slice %arg13[%dma_wait3A_220, %dma_wait3A_221] : memref<10112x128xf32, #tpu.memory_space<vmem_shared>> -> memref<10112x128xf32, #tpu.memory_space<vmem_shared>>
    tpu.wait_indirect_dma semaphore(%arg21 : memref<!tpu.dma_semaphore, #tpu.memory_space<semaphore_mem>>) src(%dma_wait3A_216 : memref<48x128xf32, #tpu.memory_space<vmem>>) dst(%dma_wait3A_222 : memref<10112x128xf32, #tpu.memory_space<vmem_shared>>)
    "tpu.region"() ({
      %run_scoped3A_224 = tpu.sem_alloc : memref<!tpu.dma_semaphore, #tpu.memory_space<semaphore_mem>>
      %dma_start3A_225 = arith.constant 0 : i32
      %dma_start3A_226 = tpu.memref_slice %arg6[%add3A, %dma_start3A_225] : memref<32x10112xf32, #tpu.memory_space<hbm>> -> memref<1x10112xf32, #tpu.memory_space<hbm>>
      %dma_start3A_227 = tpu.memref_squeeze %dma_start3A_226 : memref<1x10112xf32, #tpu.memory_space<hbm>> -> memref<10112xf32, #tpu.memory_space<hbm>>
      %dma_start3A_228 = arith.constant 0 : i32
      %dma_start3A_229 = tpu.memref_slice %arg6[%add3A, %dma_start3A_228] : memref<32x10112xf32, #tpu.memory_space<hbm>> -> memref<1x10112xf32, #tpu.memory_space<hbm>>
      %dma_start3A_230 = tpu.memref_squeeze %dma_start3A_229 : memref<1x10112xf32, #tpu.memory_space<hbm>> -> memref<10112xf32, #tpu.memory_space<hbm>>
      tpu.enqueue_dma source(%arg12 : memref<10112xf32, #tpu.memory_space<vmem>>) target(%dma_start3A_230 : memref<10112xf32, #tpu.memory_space<hbm>>) target_semaphore(%run_scoped3A_224 : memref<!tpu.dma_semaphore, #tpu.memory_space<semaphore_mem>>)
      %dma_wait3A_231 = arith.constant 0 : i32
      %dma_wait3A_232 = tpu.memref_slice %arg6[%add3A, %dma_wait3A_231] : memref<32x10112xf32, #tpu.memory_space<hbm>> -> memref<1x10112xf32, #tpu.memory_space<hbm>>
      %dma_wait3A_233 = tpu.memref_squeeze %dma_wait3A_232 : memref<1x10112xf32, #tpu.memory_space<hbm>> -> memref<10112xf32, #tpu.memory_space<hbm>>
      %dma_wait3A_234 = arith.constant 0 : i32
      %dma_wait3A_235 = tpu.memref_slice %arg6[%add3A, %dma_wait3A_234] : memref<32x10112xf32, #tpu.memory_space<hbm>> -> memref<1x10112xf32, #tpu.memory_space<hbm>>
      %dma_wait3A_236 = tpu.memref_squeeze %dma_wait3A_235 : memref<1x10112xf32, #tpu.memory_space<hbm>> -> memref<10112xf32, #tpu.memory_space<hbm>>
      tpu.wait_dma2 semaphore(%run_scoped3A_224 : memref<!tpu.dma_semaphore, #tpu.memory_space<semaphore_mem>>) src(%arg12 : memref<10112xf32, #tpu.memory_space<vmem>>) dst(%dma_wait3A_236 : memref<10112xf32, #tpu.memory_space<hbm>>)
      tpu.yield
    }) : () -> ()
    %barrier3A_223 = arith.constant 0 : index
    tpu.barrier barrier_id(%barrier3A_223)
    "tpu.region"() ({
      %run_scoped3A_224 = tpu.sem_alloc : memref<!tpu.dma_semaphore, #tpu.memory_space<semaphore_mem>>
      %dma_start3A_225 = arith.constant 0 : i32
      %dma_start3A_226 = tpu.memref_slice %arg5[%arg0, %mul3A_0, %dma_start3A_225] : memref<2x10112x128xf32, #tpu.memory_space<hbm>> -> memref<1x632x128xf32, #tpu.memory_space<hbm>>
      %dma_start3A_227 = tpu.memref_squeeze %dma_start3A_226 : memref<1x632x128xf32, #tpu.memory_space<hbm>> -> memref<632x128xf32, #tpu.memory_space<hbm>>
      %dma_start3A_228 = arith.constant 0 : i32
      %dma_start3A_229 = tpu.memref_slice %arg13[%mul3A_0, %dma_start3A_228] : memref<10112x128xf32, #tpu.memory_space<vmem_shared>> -> memref<632x128xf32, #tpu.memory_space<vmem_shared>>
      tpu.enqueue_dma source(%dma_start3A_229 : memref<632x128xf32, #tpu.memory_space<vmem_shared>>) target(%dma_start3A_227 : memref<632x128xf32, #tpu.memory_space<hbm>>) target_semaphore(%run_scoped3A_224 : memref<!tpu.dma_semaphore, #tpu.memory_space<semaphore_mem>>)
      %dma_wait3A_230 = arith.constant 0 : i32
      %dma_wait3A_231 = tpu.memref_slice %arg5[%arg0, %mul3A_0, %dma_wait3A_230] : memref<2x10112x128xf32, #tpu.memory_space<hbm>> -> memref<1x632x128xf32, #tpu.memory_space<hbm>>
      %dma_wait3A_232 = tpu.memref_squeeze %dma_wait3A_231 : memref<1x632x128xf32, #tpu.memory_space<hbm>> -> memref<632x128xf32, #tpu.memory_space<hbm>>
      %dma_wait3A_233 = arith.constant 0 : i32
      %dma_wait3A_234 = tpu.memref_slice %arg13[%mul3A_0, %dma_wait3A_233] : memref<10112x128xf32, #tpu.memory_space<vmem_shared>> -> memref<632x128xf32, #tpu.memory_space<vmem_shared>>
      tpu.wait_dma2 semaphore(%run_scoped3A_224 : memref<!tpu.dma_semaphore, #tpu.memory_space<semaphore_mem>>) src(%dma_wait3A_234 : memref<632x128xf32, #tpu.memory_space<vmem_shared>>) dst(%dma_wait3A_232 : memref<632x128xf32, #tpu.memory_space<hbm>>)
      tpu.yield
    }) : () -> ()
    return
  }
}

#map = affine_map<(d0, d1) -> (0, 0)>
#map1 = affine_map<(d0, d1) -> (0, 0, 0)>
module attributes {stable_mosaic.version = 14 : i64} {
  func.func @sc_agg(%arg0: i32, %arg1: i32, %arg2: memref<10000x128xbf16, #tpu.memory_space<hbm>>, %arg3: memref<3360x4x48xi32, #tpu.memory_space<hbm>>, %arg4: memref<10112x128xf32, #tpu.memory_space<hbm>>, %arg5: memref<2x10112x128xf32, #tpu.memory_space<hbm>>, %arg6: memref<2x4x48xi32, #tpu.memory_space<vmem>>, %arg7: memref<96x128xbf16, #tpu.memory_space<vmem>>, %arg8: memref<96x128xbf16, #tpu.memory_space<vmem>>, %arg9: memref<96x128xf32, #tpu.memory_space<vmem>>, %arg10: memref<96x128xf32, #tpu.memory_space<vmem>>, %arg11: memref<10112xf32, #tpu.memory_space<vmem>>, %arg12: memref<10112x128xf32, #tpu.memory_space<vmem_shared>>, %arg13: memref<!tpu.dma_semaphore, #tpu.memory_space<semaphore_mem>>, %arg14: memref<!tpu.dma_semaphore, #tpu.memory_space<semaphore_mem>>, %arg15: memref<!tpu.dma_semaphore, #tpu.memory_space<semaphore_mem>>, %arg16: memref<!tpu.dma_semaphore, #tpu.memory_space<semaphore_mem>>, %arg17: memref<!tpu.dma_semaphore, #tpu.memory_space<semaphore_mem>>, %arg18: memref<!tpu.dma_semaphore, #tpu.memory_space<semaphore_mem>>, %arg19: memref<!tpu.dma_semaphore, #tpu.memory_space<semaphore_mem>>, %arg20: memref<!tpu.dma_semaphore, #tpu.memory_space<semaphore_mem>>) attributes {dimension_semantics = [#tpu.dimension_semantics<core_parallel>, #tpu.dimension_semantics<subcore_parallel>], iteration_bounds = array<i64: 2, 16>, scalar_prefetch = 0 : i64, scratch_operands = 15 : i64, tpu.core_type = #tpu.core_type<sc_vector_subcore>, window_params = [{transform_indices = #map}, {transform_indices = #map1}, {transform_indices = #map}, {transform_indices = #map1}]} {
    %mul3A = arith.constant 632 : i32
    %mul3A_0 = arith.muli %arg1, %mul3A : i32
    %mul3A_1 = arith.constant 2 : i32
    %mul3A_2 = arith.muli %arg1, %mul3A_1 : i32
    %add3A = arith.addi %mul3A_2, %arg0 : i32
    %eq3A = arith.constant 0 : i32
    %eq3A_3 = arith.cmpi eq, %arg0, %eq3A : i32
    %jit3A = arith.constant 123 : i32
    %jit3A_4 = arith.constant 87 : i32
    %select_n3A = arith.select %eq3A_3, %jit3A, %jit3A_4 : i32
    %eq3A_5 = arith.constant 0 : i32
    %eq3A_6 = arith.cmpi eq, %arg0, %eq3A_5 : i32
    %mul3A_7 = arith.constant 123 : i32
    %mul3A_8 = arith.muli %arg1, %mul3A_7 : i32
    %mul3A_9 = arith.constant 87 : i32
    %mul3A_10 = arith.muli %arg1, %mul3A_9 : i32
    %add3A_11 = arith.constant 1968 : i32
    %add3A_12 = arith.addi %add3A_11, %mul3A_10 : i32
    %select_n3A_13 = arith.select %eq3A_6, %mul3A_8, %add3A_12 : i32
    "tpu.region"() ({
      %run_scoped3A_184 = tpu.sem_alloc : memref<!tpu.dma_semaphore, #tpu.memory_space<semaphore_mem>>
      %dma_start3A_185 = arith.constant 0 : i32
      %dma_start3A_186 = tpu.memref_slice %arg12[%mul3A_0, %dma_start3A_185] : memref<10112x128xf32, #tpu.memory_space<vmem_shared>> -> memref<632x128xf32, #tpu.memory_space<vmem_shared>>
      %dma_start3A_187 = arith.constant 0 : i32
      %dma_start3A_188 = tpu.memref_slice %arg4[%mul3A_0, %dma_start3A_187] : memref<10112x128xf32, #tpu.memory_space<hbm>> -> memref<632x128xf32, #tpu.memory_space<hbm>>
      tpu.enqueue_dma source(%dma_start3A_188 : memref<632x128xf32, #tpu.memory_space<hbm>>) target(%dma_start3A_186 : memref<632x128xf32, #tpu.memory_space<vmem_shared>>) target_semaphore(%run_scoped3A_184 : memref<!tpu.dma_semaphore, #tpu.memory_space<semaphore_mem>>)
      %dma_wait3A_189 = arith.constant 0 : i32
      %dma_wait3A_190 = tpu.memref_slice %arg12[%mul3A_0, %dma_wait3A_189] : memref<10112x128xf32, #tpu.memory_space<vmem_shared>> -> memref<632x128xf32, #tpu.memory_space<vmem_shared>>
      %dma_wait3A_191 = arith.constant 0 : i32
      %dma_wait3A_192 = tpu.memref_slice %arg4[%mul3A_0, %dma_wait3A_191] : memref<10112x128xf32, #tpu.memory_space<hbm>> -> memref<632x128xf32, #tpu.memory_space<hbm>>
      tpu.wait_dma2 semaphore(%run_scoped3A_184 : memref<!tpu.dma_semaphore, #tpu.memory_space<semaphore_mem>>) src(%dma_wait3A_192 : memref<632x128xf32, #tpu.memory_space<hbm>>) dst(%dma_wait3A_190 : memref<632x128xf32, #tpu.memory_space<vmem_shared>>)
      tpu.yield
    }) : () -> ()
    %barrier3A = arith.constant 0 : index
    tpu.barrier barrier_id(%barrier3A)
    %broadcast_in_dim3A = arith.constant 1.000000e+00 : f32
    %broadcast_in_dim3A_14 = vector.broadcast %broadcast_in_dim3A : f32 to vector<16xf32>
    %broadcast_in_dim3A_15 = arith.constant -65536 : i32
    %broadcast_in_dim3A_16 = vector.broadcast %broadcast_in_dim3A_15 : i32 to vector<16xi32>
    %add3A_17 = arith.constant 0 : i32
    %add3A_18 = arith.addi %select_n3A_13, %add3A_17 : i32
    %min3A = arith.constant 3359 : i32
    %min3A_19 = arith.minsi %add3A_18, %min3A : i32
    %run_scoped3A = arith.constant 0 : i32
    "tpu.region"() ({
      %run_scoped3A_184 = tpu.sem_alloc : memref<!tpu.dma_semaphore, #tpu.memory_space<semaphore_mem>>
      %dma_start3A_185 = arith.constant 0 : i32
      %dma_start3A_186 = arith.constant 0 : i32
      %dma_start3A_187 = tpu.memref_slice %arg6[%run_scoped3A, %dma_start3A_185, %dma_start3A_186] : memref<2x4x48xi32, #tpu.memory_space<vmem>> -> memref<1x4x48xi32, #tpu.memory_space<vmem>>
      %dma_start3A_188 = tpu.memref_squeeze %dma_start3A_187 : memref<1x4x48xi32, #tpu.memory_space<vmem>> -> memref<4x48xi32, #tpu.memory_space<vmem>>
      %dma_start3A_189 = arith.constant 0 : i32
      %dma_start3A_190 = arith.constant 0 : i32
      %dma_start3A_191 = tpu.memref_slice %arg3[%min3A_19, %dma_start3A_189, %dma_start3A_190] : memref<3360x4x48xi32, #tpu.memory_space<hbm>> -> memref<1x4x48xi32, #tpu.memory_space<hbm>>
      %dma_start3A_192 = tpu.memref_squeeze %dma_start3A_191 : memref<1x4x48xi32, #tpu.memory_space<hbm>> -> memref<4x48xi32, #tpu.memory_space<hbm>>
      %dma_start3A_193 = arith.constant 0 : i32
      %dma_start3A_194 = arith.constant 0 : i32
      %dma_start3A_195 = tpu.memref_slice %arg6[%run_scoped3A, %dma_start3A_193, %dma_start3A_194] : memref<2x4x48xi32, #tpu.memory_space<vmem>> -> memref<1x4x48xi32, #tpu.memory_space<vmem>>
      %dma_start3A_196 = tpu.memref_squeeze %dma_start3A_195 : memref<1x4x48xi32, #tpu.memory_space<vmem>> -> memref<4x48xi32, #tpu.memory_space<vmem>>
      %dma_start3A_197 = arith.constant 0 : i32
      %dma_start3A_198 = arith.constant 0 : i32
      %dma_start3A_199 = tpu.memref_slice %arg3[%min3A_19, %dma_start3A_197, %dma_start3A_198] : memref<3360x4x48xi32, #tpu.memory_space<hbm>> -> memref<1x4x48xi32, #tpu.memory_space<hbm>>
      %dma_start3A_200 = tpu.memref_squeeze %dma_start3A_199 : memref<1x4x48xi32, #tpu.memory_space<hbm>> -> memref<4x48xi32, #tpu.memory_space<hbm>>
      tpu.enqueue_dma source(%dma_start3A_200 : memref<4x48xi32, #tpu.memory_space<hbm>>) target(%dma_start3A_196 : memref<4x48xi32, #tpu.memory_space<vmem>>) target_semaphore(%run_scoped3A_184 : memref<!tpu.dma_semaphore, #tpu.memory_space<semaphore_mem>>)
      %dma_wait3A_201 = arith.constant 0 : i32
      %dma_wait3A_202 = arith.constant 0 : i32
      %dma_wait3A_203 = tpu.memref_slice %arg6[%run_scoped3A, %dma_wait3A_201, %dma_wait3A_202] : memref<2x4x48xi32, #tpu.memory_space<vmem>> -> memref<1x4x48xi32, #tpu.memory_space<vmem>>
      %dma_wait3A_204 = tpu.memref_squeeze %dma_wait3A_203 : memref<1x4x48xi32, #tpu.memory_space<vmem>> -> memref<4x48xi32, #tpu.memory_space<vmem>>
      %dma_wait3A_205 = arith.constant 0 : i32
      %dma_wait3A_206 = arith.constant 0 : i32
      %dma_wait3A_207 = tpu.memref_slice %arg3[%min3A_19, %dma_wait3A_205, %dma_wait3A_206] : memref<3360x4x48xi32, #tpu.memory_space<hbm>> -> memref<1x4x48xi32, #tpu.memory_space<hbm>>
      %dma_wait3A_208 = tpu.memref_squeeze %dma_wait3A_207 : memref<1x4x48xi32, #tpu.memory_space<hbm>> -> memref<4x48xi32, #tpu.memory_space<hbm>>
      %dma_wait3A_209 = arith.constant 0 : i32
      %dma_wait3A_210 = arith.constant 0 : i32
      %dma_wait3A_211 = tpu.memref_slice %arg6[%run_scoped3A, %dma_wait3A_209, %dma_wait3A_210] : memref<2x4x48xi32, #tpu.memory_space<vmem>> -> memref<1x4x48xi32, #tpu.memory_space<vmem>>
      %dma_wait3A_212 = tpu.memref_squeeze %dma_wait3A_211 : memref<1x4x48xi32, #tpu.memory_space<vmem>> -> memref<4x48xi32, #tpu.memory_space<vmem>>
      %dma_wait3A_213 = arith.constant 0 : i32
      %dma_wait3A_214 = arith.constant 0 : i32
      %dma_wait3A_215 = tpu.memref_slice %arg3[%min3A_19, %dma_wait3A_213, %dma_wait3A_214] : memref<3360x4x48xi32, #tpu.memory_space<hbm>> -> memref<1x4x48xi32, #tpu.memory_space<hbm>>
      %dma_wait3A_216 = tpu.memref_squeeze %dma_wait3A_215 : memref<1x4x48xi32, #tpu.memory_space<hbm>> -> memref<4x48xi32, #tpu.memory_space<hbm>>
      tpu.wait_dma2 semaphore(%run_scoped3A_184 : memref<!tpu.dma_semaphore, #tpu.memory_space<semaphore_mem>>) src(%dma_wait3A_216 : memref<4x48xi32, #tpu.memory_space<hbm>>) dst(%dma_wait3A_212 : memref<4x48xi32, #tpu.memory_space<vmem>>)
      tpu.yield
    }) : () -> ()
    %add3A_20 = arith.constant 1 : i32
    %add3A_21 = arith.addi %select_n3A_13, %add3A_20 : i32
    %min3A_22 = arith.constant 3359 : i32
    %min3A_23 = arith.minsi %add3A_21, %min3A_22 : i32
    %dma_start3A = arith.constant 1 : i32
    %dma_start3A_24 = arith.constant 0 : i32
    %dma_start3A_25 = arith.constant 0 : i32
    %dma_start3A_26 = tpu.memref_slice %arg6[%dma_start3A, %dma_start3A_24, %dma_start3A_25] : memref<2x4x48xi32, #tpu.memory_space<vmem>> -> memref<1x4x48xi32, #tpu.memory_space<vmem>>
    %dma_start3A_27 = tpu.memref_squeeze %dma_start3A_26 : memref<1x4x48xi32, #tpu.memory_space<vmem>> -> memref<4x48xi32, #tpu.memory_space<vmem>>
    %dma_start3A_28 = arith.constant 0 : i32
    %dma_start3A_29 = arith.constant 0 : i32
    %dma_start3A_30 = tpu.memref_slice %arg3[%min3A_23, %dma_start3A_28, %dma_start3A_29] : memref<3360x4x48xi32, #tpu.memory_space<hbm>> -> memref<1x4x48xi32, #tpu.memory_space<hbm>>
    %dma_start3A_31 = tpu.memref_squeeze %dma_start3A_30 : memref<1x4x48xi32, #tpu.memory_space<hbm>> -> memref<4x48xi32, #tpu.memory_space<hbm>>
    %dma_start3A_32 = arith.constant 0 : i32
    %dma_start3A_33 = arith.constant 0 : i32
    %dma_start3A_34 = tpu.memref_slice %arg6[%dma_start3A, %dma_start3A_32, %dma_start3A_33] : memref<2x4x48xi32, #tpu.memory_space<vmem>> -> memref<1x4x48xi32, #tpu.memory_space<vmem>>
    %dma_start3A_35 = tpu.memref_squeeze %dma_start3A_34 : memref<1x4x48xi32, #tpu.memory_space<vmem>> -> memref<4x48xi32, #tpu.memory_space<vmem>>
    %dma_start3A_36 = arith.constant 0 : i32
    %dma_start3A_37 = arith.constant 0 : i32
    %dma_start3A_38 = tpu.memref_slice %arg3[%min3A_23, %dma_start3A_36, %dma_start3A_37] : memref<3360x4x48xi32, #tpu.memory_space<hbm>> -> memref<1x4x48xi32, #tpu.memory_space<hbm>>
    %dma_start3A_39 = tpu.memref_squeeze %dma_start3A_38 : memref<1x4x48xi32, #tpu.memory_space<hbm>> -> memref<4x48xi32, #tpu.memory_space<hbm>>
    tpu.enqueue_dma source(%dma_start3A_39 : memref<4x48xi32, #tpu.memory_space<hbm>>) target(%dma_start3A_35 : memref<4x48xi32, #tpu.memory_space<vmem>>) target_semaphore(%arg14 : memref<!tpu.dma_semaphore, #tpu.memory_space<semaphore_mem>>)
    %dma_start3A_40 = arith.constant 0 : i32
    %dma_start3A_41 = arith.constant 0 : i32
    %dma_start3A_42 = arith.constant 0 : i32
    %dma_start3A_43 = arith.constant 0 : i32
    %dma_start3A_44 = tpu.memref_slice %arg7[%dma_start3A_42, %dma_start3A_43] : memref<96x128xbf16, #tpu.memory_space<vmem>> -> memref<48x128xbf16, #tpu.memory_space<vmem>>
    %dma_start3A_45 = arith.constant 0 : i32
    %dma_start3A_46 = tpu.memref_slice %arg6[%dma_start3A_40, %dma_start3A_41, %dma_start3A_45] : memref<2x4x48xi32, #tpu.memory_space<vmem>> -> memref<1x1x48xi32, #tpu.memory_space<vmem>>
    %dma_start3A_47 = tpu.memref_squeeze %dma_start3A_46 : memref<1x1x48xi32, #tpu.memory_space<vmem>> -> memref<48xi32, #tpu.memory_space<vmem>>
    %dma_start3A_48 = arith.constant 0 : i32
    %dma_start3A_49 = arith.constant 0 : i32
    %dma_start3A_50 = tpu.memref_slice %arg2[%dma_start3A_48, %dma_start3A_49] : memref<10000x128xbf16, #tpu.memory_space<hbm>> -> memref<10000x128xbf16, #tpu.memory_space<hbm>>
    tpu.enqueue_indirect_dma source(%dma_start3A_50 : memref<10000x128xbf16, #tpu.memory_space<hbm>>) target(%dma_start3A_44 : memref<48x128xbf16, #tpu.memory_space<vmem>>) offsets(%dma_start3A_47 : memref<48xi32, #tpu.memory_space<vmem>>) semaphore(%arg15 : memref<!tpu.dma_semaphore, #tpu.memory_space<semaphore_mem>>)
    %dma_start3A_51 = arith.constant 0 : i32
    %dma_start3A_52 = arith.constant 1 : i32
    %dma_start3A_53 = arith.constant 48 : i32
    %dma_start3A_54 = arith.constant 0 : i32
    %dma_start3A_55 = tpu.memref_slice %arg7[%dma_start3A_53, %dma_start3A_54] : memref<96x128xbf16, #tpu.memory_space<vmem>> -> memref<48x128xbf16, #tpu.memory_space<vmem>>
    %dma_start3A_56 = arith.constant 0 : i32
    %dma_start3A_57 = tpu.memref_slice %arg6[%dma_start3A_51, %dma_start3A_52, %dma_start3A_56] : memref<2x4x48xi32, #tpu.memory_space<vmem>> -> memref<1x1x48xi32, #tpu.memory_space<vmem>>
    %dma_start3A_58 = tpu.memref_squeeze %dma_start3A_57 : memref<1x1x48xi32, #tpu.memory_space<vmem>> -> memref<48xi32, #tpu.memory_space<vmem>>
    %dma_start3A_59 = arith.constant 0 : i32
    %dma_start3A_60 = arith.constant 0 : i32
    %dma_start3A_61 = tpu.memref_slice %arg2[%dma_start3A_59, %dma_start3A_60] : memref<10000x128xbf16, #tpu.memory_space<hbm>> -> memref<10000x128xbf16, #tpu.memory_space<hbm>>
    tpu.enqueue_indirect_dma source(%dma_start3A_61 : memref<10000x128xbf16, #tpu.memory_space<hbm>>) target(%dma_start3A_55 : memref<48x128xbf16, #tpu.memory_space<vmem>>) offsets(%dma_start3A_58 : memref<48xi32, #tpu.memory_space<vmem>>) semaphore(%arg17 : memref<!tpu.dma_semaphore, #tpu.memory_space<semaphore_mem>>)
    %sub3A = arith.constant 1 : i32
    %sub3A_62 = arith.subi %select_n3A, %sub3A : i32
    %jit3A_63 = arith.constant 2 : i32
    %div3A = arith.divsi %sub3A_62, %jit3A_63 : i32
    %sign3A = arith.constant 0 : i32
    %sign3A_64 = arith.cmpi sgt, %sub3A_62, %sign3A : i32
    %sign3A_65 = arith.extui %sign3A_64 : i1 to i32
    %sign3A_66 = arith.constant 0 : i32
    %sign3A_67 = arith.cmpi slt, %sub3A_62, %sign3A_66 : i32
    %sign3A_68 = arith.extui %sign3A_67 : i1 to i32
    %sign3A_69 = arith.subi %sign3A_65, %sign3A_68 : i32
    %sign3A_70 = arith.constant 0 : i32
    %sign3A_71 = arith.cmpi sgt, %jit3A_63, %sign3A_70 : i32
    %sign3A_72 = arith.extui %sign3A_71 : i1 to i32
    %sign3A_73 = arith.constant 0 : i32
    %sign3A_74 = arith.cmpi slt, %jit3A_63, %sign3A_73 : i32
    %sign3A_75 = arith.extui %sign3A_74 : i1 to i32
    %sign3A_76 = arith.subi %sign3A_72, %sign3A_75 : i32
    %ne3A = arith.cmpi ne, %sign3A_69, %sign3A_76 : i32
    %rem3A = arith.remsi %sub3A_62, %jit3A_63 : i32
    %ne3A_77 = arith.constant 0 : i32
    %ne3A_78 = arith.cmpi ne, %rem3A, %ne3A_77 : i32
    %and3A = arith.andi %ne3A, %ne3A_78 : i1
    %sub3A_79 = arith.constant 1 : i32
    %sub3A_80 = arith.subi %div3A, %sub3A_79 : i32
    %select_n3A_81 = arith.select %and3A, %sub3A_80, %div3A : i32
    %while3A = arith.constant 0 : i32
    %while3A_82 = arith.constant 0 : i32
    %while3A_83 = arith.subi %select_n3A_81, %while3A_82 : i32
    %while3A_84 = arith.addi %while3A_82, %while3A_83 : i32
    %while3A_85 = arith.constant 1 : i32
    %while3A_86 = arith.divsi %while3A_83, %while3A_85 : i32
    %while3A_87 = arith.muli %while3A_86, %while3A_85 : i32
    %while3A_88 = arith.addi %while3A_82, %while3A_87 : i32
    %while3A_89 = arith.constant 1 : i32
    scf.for %while3A_184 = %while3A_82 to %while3A_88 step %while3A_89  : i32 {
      %mul3A_185 = arith.constant 2 : i32
      %mul3A_186 = arith.muli %mul3A_185, %while3A_184 : i32
      %add3A_187 = arith.constant 0 : i32
      %add3A_188 = arith.addi %select_n3A_13, %add3A_187 : i32
      %min3A_189 = arith.constant 3359 : i32
      %min3A_190 = arith.minsi %add3A_188, %min3A_189 : i32
      %dma_wait3A_191 = arith.constant 1 : i32
      %dma_wait3A_192 = arith.constant 0 : i32
      %dma_wait3A_193 = arith.constant 0 : i32
      %dma_wait3A_194 = tpu.memref_slice %arg6[%dma_wait3A_191, %dma_wait3A_192, %dma_wait3A_193] : memref<2x4x48xi32, #tpu.memory_space<vmem>> -> memref<1x4x48xi32, #tpu.memory_space<vmem>>
      %dma_wait3A_195 = tpu.memref_squeeze %dma_wait3A_194 : memref<1x4x48xi32, #tpu.memory_space<vmem>> -> memref<4x48xi32, #tpu.memory_space<vmem>>
      %dma_wait3A_196 = arith.constant 0 : i32
      %dma_wait3A_197 = arith.constant 0 : i32
      %dma_wait3A_198 = tpu.memref_slice %arg3[%min3A_190, %dma_wait3A_196, %dma_wait3A_197] : memref<3360x4x48xi32, #tpu.memory_space<hbm>> -> memref<1x4x48xi32, #tpu.memory_space<hbm>>
      %dma_wait3A_199 = tpu.memref_squeeze %dma_wait3A_198 : memref<1x4x48xi32, #tpu.memory_space<hbm>> -> memref<4x48xi32, #tpu.memory_space<hbm>>
      %dma_wait3A_200 = arith.constant 0 : i32
      %dma_wait3A_201 = arith.constant 0 : i32
      %dma_wait3A_202 = tpu.memref_slice %arg6[%dma_wait3A_191, %dma_wait3A_200, %dma_wait3A_201] : memref<2x4x48xi32, #tpu.memory_space<vmem>> -> memref<1x4x48xi32, #tpu.memory_space<vmem>>
      %dma_wait3A_203 = tpu.memref_squeeze %dma_wait3A_202 : memref<1x4x48xi32, #tpu.memory_space<vmem>> -> memref<4x48xi32, #tpu.memory_space<vmem>>
      %dma_wait3A_204 = arith.constant 0 : i32
      %dma_wait3A_205 = arith.constant 0 : i32
      %dma_wait3A_206 = tpu.memref_slice %arg3[%min3A_190, %dma_wait3A_204, %dma_wait3A_205] : memref<3360x4x48xi32, #tpu.memory_space<hbm>> -> memref<1x4x48xi32, #tpu.memory_space<hbm>>
      %dma_wait3A_207 = tpu.memref_squeeze %dma_wait3A_206 : memref<1x4x48xi32, #tpu.memory_space<hbm>> -> memref<4x48xi32, #tpu.memory_space<hbm>>
      tpu.wait_dma2 semaphore(%arg14 : memref<!tpu.dma_semaphore, #tpu.memory_space<semaphore_mem>>) src(%dma_wait3A_207 : memref<4x48xi32, #tpu.memory_space<hbm>>) dst(%dma_wait3A_203 : memref<4x48xi32, #tpu.memory_space<vmem>>)
      %add3A_208 = arith.constant 1 : i32
      %add3A_209 = arith.addi %mul3A_186, %add3A_208 : i32
      %dma_start3A_210 = arith.constant 1 : i32
      %dma_start3A_211 = arith.constant 0 : i32
      %dma_start3A_212 = arith.constant 0 : i32
      %dma_start3A_213 = arith.constant 0 : i32
      %dma_start3A_214 = tpu.memref_slice %arg8[%dma_start3A_212, %dma_start3A_213] : memref<96x128xbf16, #tpu.memory_space<vmem>> -> memref<48x128xbf16, #tpu.memory_space<vmem>>
      %dma_start3A_215 = arith.constant 0 : i32
      %dma_start3A_216 = tpu.memref_slice %arg6[%dma_start3A_210, %dma_start3A_211, %dma_start3A_215] : memref<2x4x48xi32, #tpu.memory_space<vmem>> -> memref<1x1x48xi32, #tpu.memory_space<vmem>>
      %dma_start3A_217 = tpu.memref_squeeze %dma_start3A_216 : memref<1x1x48xi32, #tpu.memory_space<vmem>> -> memref<48xi32, #tpu.memory_space<vmem>>
      %dma_start3A_218 = arith.constant 0 : i32
      %dma_start3A_219 = arith.constant 0 : i32
      %dma_start3A_220 = tpu.memref_slice %arg2[%dma_start3A_218, %dma_start3A_219] : memref<10000x128xbf16, #tpu.memory_space<hbm>> -> memref<10000x128xbf16, #tpu.memory_space<hbm>>
      tpu.enqueue_indirect_dma source(%dma_start3A_220 : memref<10000x128xbf16, #tpu.memory_space<hbm>>) target(%dma_start3A_214 : memref<48x128xbf16, #tpu.memory_space<vmem>>) offsets(%dma_start3A_217 : memref<48xi32, #tpu.memory_space<vmem>>) semaphore(%arg16 : memref<!tpu.dma_semaphore, #tpu.memory_space<semaphore_mem>>)
      %dma_start3A_221 = arith.constant 1 : i32
      %dma_start3A_222 = arith.constant 1 : i32
      %dma_start3A_223 = arith.constant 48 : i32
      %dma_start3A_224 = arith.constant 0 : i32
      %dma_start3A_225 = tpu.memref_slice %arg8[%dma_start3A_223, %dma_start3A_224] : memref<96x128xbf16, #tpu.memory_space<vmem>> -> memref<48x128xbf16, #tpu.memory_space<vmem>>
      %dma_start3A_226 = arith.constant 0 : i32
      %dma_start3A_227 = tpu.memref_slice %arg6[%dma_start3A_221, %dma_start3A_222, %dma_start3A_226] : memref<2x4x48xi32, #tpu.memory_space<vmem>> -> memref<1x1x48xi32, #tpu.memory_space<vmem>>
      %dma_start3A_228 = tpu.memref_squeeze %dma_start3A_227 : memref<1x1x48xi32, #tpu.memory_space<vmem>> -> memref<48xi32, #tpu.memory_space<vmem>>
      %dma_start3A_229 = arith.constant 0 : i32
      %dma_start3A_230 = arith.constant 0 : i32
      %dma_start3A_231 = tpu.memref_slice %arg2[%dma_start3A_229, %dma_start3A_230] : memref<10000x128xbf16, #tpu.memory_space<hbm>> -> memref<10000x128xbf16, #tpu.memory_space<hbm>>
      tpu.enqueue_indirect_dma source(%dma_start3A_231 : memref<10000x128xbf16, #tpu.memory_space<hbm>>) target(%dma_start3A_225 : memref<48x128xbf16, #tpu.memory_space<vmem>>) offsets(%dma_start3A_228 : memref<48xi32, #tpu.memory_space<vmem>>) semaphore(%arg18 : memref<!tpu.dma_semaphore, #tpu.memory_space<semaphore_mem>>)
      %dma_wait3A_232 = arith.constant 0 : i32
      %dma_wait3A_233 = arith.constant 0 : i32
      %dma_wait3A_234 = arith.constant 0 : i32
      %dma_wait3A_235 = arith.constant 0 : i32
      %dma_wait3A_236 = tpu.memref_slice %arg7[%dma_wait3A_234, %dma_wait3A_235] : memref<96x128xbf16, #tpu.memory_space<vmem>> -> memref<48x128xbf16, #tpu.memory_space<vmem>>
      %dma_wait3A_237 = arith.constant 0 : i32
      %dma_wait3A_238 = tpu.memref_slice %arg6[%dma_wait3A_232, %dma_wait3A_233, %dma_wait3A_237] : memref<2x4x48xi32, #tpu.memory_space<vmem>> -> memref<1x1x48xi32, #tpu.memory_space<vmem>>
      %dma_wait3A_239 = tpu.memref_squeeze %dma_wait3A_238 : memref<1x1x48xi32, #tpu.memory_space<vmem>> -> memref<48xi32, #tpu.memory_space<vmem>>
      %dma_wait3A_240 = arith.constant 0 : i32
      %dma_wait3A_241 = arith.constant 0 : i32
      %dma_wait3A_242 = tpu.memref_slice %arg2[%dma_wait3A_240, %dma_wait3A_241] : memref<10000x128xbf16, #tpu.memory_space<hbm>> -> memref<10000x128xbf16, #tpu.memory_space<hbm>>
      tpu.wait_indirect_dma semaphore(%arg15 : memref<!tpu.dma_semaphore, #tpu.memory_space<semaphore_mem>>) src(%dma_wait3A_242 : memref<10000x128xbf16, #tpu.memory_space<hbm>>) dst(%dma_wait3A_236 : memref<48x128xbf16, #tpu.memory_space<vmem>>)
      %dma_wait3A_243 = arith.constant 0 : i32
      %dma_wait3A_244 = arith.constant 1 : i32
      %dma_wait3A_245 = arith.constant 48 : i32
      %dma_wait3A_246 = arith.constant 0 : i32
      %dma_wait3A_247 = tpu.memref_slice %arg7[%dma_wait3A_245, %dma_wait3A_246] : memref<96x128xbf16, #tpu.memory_space<vmem>> -> memref<48x128xbf16, #tpu.memory_space<vmem>>
      %dma_wait3A_248 = arith.constant 0 : i32
      %dma_wait3A_249 = tpu.memref_slice %arg6[%dma_wait3A_243, %dma_wait3A_244, %dma_wait3A_248] : memref<2x4x48xi32, #tpu.memory_space<vmem>> -> memref<1x1x48xi32, #tpu.memory_space<vmem>>
      %dma_wait3A_250 = tpu.memref_squeeze %dma_wait3A_249 : memref<1x1x48xi32, #tpu.memory_space<vmem>> -> memref<48xi32, #tpu.memory_space<vmem>>
      %dma_wait3A_251 = arith.constant 0 : i32
      %dma_wait3A_252 = arith.constant 0 : i32
      %dma_wait3A_253 = tpu.memref_slice %arg2[%dma_wait3A_251, %dma_wait3A_252] : memref<10000x128xbf16, #tpu.memory_space<hbm>> -> memref<10000x128xbf16, #tpu.memory_space<hbm>>
      tpu.wait_indirect_dma semaphore(%arg17 : memref<!tpu.dma_semaphore, #tpu.memory_space<semaphore_mem>>) src(%dma_wait3A_253 : memref<10000x128xbf16, #tpu.memory_space<hbm>>) dst(%dma_wait3A_247 : memref<48x128xbf16, #tpu.memory_space<vmem>>)
      %gt3A_254 = arith.constant 0 : i32
      %gt3A_255 = arith.cmpi sgt, %mul3A_186, %gt3A_254 : i32
      %convert_element_type3A_256 = arith.extui %gt3A_255 : i1 to i32
      %cond3A_257 = arith.constant 0 : i32
      %cond3A_258 = arith.cmpi ne, %convert_element_type3A_256, %cond3A_257 : i32
      scf.if %cond3A_258 {
        %dma_wait3A_427 = arith.constant 0 : i32
        %dma_wait3A_428 = arith.constant 2 : i32
        %dma_wait3A_429 = arith.constant 0 : i32
        %dma_wait3A_430 = arith.constant 0 : i32
        %dma_wait3A_431 = tpu.memref_slice %arg9[%dma_wait3A_429, %dma_wait3A_430] : memref<96x128xf32, #tpu.memory_space<vmem>> -> memref<48x128xf32, #tpu.memory_space<vmem>>
        %dma_wait3A_432 = arith.constant 0 : i32
        %dma_wait3A_433 = tpu.memref_slice %arg6[%dma_wait3A_427, %dma_wait3A_428, %dma_wait3A_432] : memref<2x4x48xi32, #tpu.memory_space<vmem>> -> memref<1x1x48xi32, #tpu.memory_space<vmem>>
        %dma_wait3A_434 = tpu.memref_squeeze %dma_wait3A_433 : memref<1x1x48xi32, #tpu.memory_space<vmem>> -> memref<48xi32, #tpu.memory_space<vmem>>
        %dma_wait3A_435 = arith.constant 0 : i32
        %dma_wait3A_436 = arith.constant 0 : i32
        %dma_wait3A_437 = tpu.memref_slice %arg12[%dma_wait3A_435, %dma_wait3A_436] : memref<10112x128xf32, #tpu.memory_space<vmem_shared>> -> memref<10112x128xf32, #tpu.memory_space<vmem_shared>>
        tpu.wait_indirect_dma semaphore(%arg19 : memref<!tpu.dma_semaphore, #tpu.memory_space<semaphore_mem>>) src(%dma_wait3A_431 : memref<48x128xf32, #tpu.memory_space<vmem>>) dst(%dma_wait3A_437 : memref<10112x128xf32, #tpu.memory_space<vmem_shared>>)
        %dma_wait3A_438 = arith.constant 0 : i32
        %dma_wait3A_439 = arith.constant 3 : i32
        %dma_wait3A_440 = arith.constant 48 : i32
        %dma_wait3A_441 = arith.constant 0 : i32
        %dma_wait3A_442 = tpu.memref_slice %arg9[%dma_wait3A_440, %dma_wait3A_441] : memref<96x128xf32, #tpu.memory_space<vmem>> -> memref<48x128xf32, #tpu.memory_space<vmem>>
        %dma_wait3A_443 = arith.constant 0 : i32
        %dma_wait3A_444 = tpu.memref_slice %arg6[%dma_wait3A_438, %dma_wait3A_439, %dma_wait3A_443] : memref<2x4x48xi32, #tpu.memory_space<vmem>> -> memref<1x1x48xi32, #tpu.memory_space<vmem>>
        %dma_wait3A_445 = tpu.memref_squeeze %dma_wait3A_444 : memref<1x1x48xi32, #tpu.memory_space<vmem>> -> memref<48xi32, #tpu.memory_space<vmem>>
        %dma_wait3A_446 = arith.constant 0 : i32
        %dma_wait3A_447 = arith.constant 0 : i32
        %dma_wait3A_448 = tpu.memref_slice %arg12[%dma_wait3A_446, %dma_wait3A_447] : memref<10112x128xf32, #tpu.memory_space<vmem_shared>> -> memref<10112x128xf32, #tpu.memory_space<vmem_shared>>
        tpu.wait_indirect_dma semaphore(%arg20 : memref<!tpu.dma_semaphore, #tpu.memory_space<semaphore_mem>>) src(%dma_wait3A_442 : memref<48x128xf32, #tpu.memory_space<vmem>>) dst(%dma_wait3A_448 : memref<10112x128xf32, #tpu.memory_space<vmem_shared>>)
      } else {
      }
      %parallel_loop3A_259 = arith.constant 0 : i32
      %parallel_loop3A_260 = arith.constant 96 : i32
      %parallel_loop3A_261 = arith.constant 1 : i32
      scf.for %parallel_loop3A_427 = %parallel_loop3A_259 to %parallel_loop3A_260 step %parallel_loop3A_261  : i32 {
        %parallel_loop3A_428 = arith.index_cast %parallel_loop3A_427 : i32 to index
        %parallel_loop3A_429 = arith.constant 0 : index
        %parallel_loop3A_430 = tpu.vector_load %arg7[%parallel_loop3A_428, %parallel_loop3A_429] {strides = array<i32>} : memref<96x128xbf16, #tpu.memory_space<vmem>>, vector<32xbf16>,
        %parallel_loop3A_431 = vector.bitcast %parallel_loop3A_430 : vector<32xbf16> to vector<16xi32>
        %parallel_loop3A_432 = arith.constant 16 : i32
        %parallel_loop3A_433 = vector.broadcast %parallel_loop3A_432 : i32 to vector<16xi32>
        %parallel_loop3A_434 = arith.shli %parallel_loop3A_431, %parallel_loop3A_433 : vector<16xi32>
        %parallel_loop3A_435 = vector.bitcast %parallel_loop3A_434 : vector<16xi32> to vector<16xf32>
        %parallel_loop3A_436 = arith.index_cast %parallel_loop3A_427 : i32 to index
        %parallel_loop3A_437 = arith.constant 0 : index
        %parallel_loop3A_438 = tpu.vector_load %arg9[%parallel_loop3A_436, %parallel_loop3A_437] {strides = array<i32>} : memref<96x128xf32, #tpu.memory_space<vmem>>, vector<16xf32>,
        tpu.vector_store %arg9[%parallel_loop3A_436, %parallel_loop3A_437], %parallel_loop3A_435 {strides = array<i32>} : memref<96x128xf32, #tpu.memory_space<vmem>>, vector<16xf32>,
        %parallel_loop3A_439 = arith.andi %parallel_loop3A_431, %broadcast_in_dim3A_16 : vector<16xi32>
        %parallel_loop3A_440 = vector.bitcast %parallel_loop3A_439 : vector<16xi32> to vector<16xf32>
        %parallel_loop3A_441 = arith.index_cast %parallel_loop3A_427 : i32 to index
        %parallel_loop3A_442 = arith.constant 64 : index
        %parallel_loop3A_443 = tpu.vector_load %arg9[%parallel_loop3A_441, %parallel_loop3A_442] {strides = array<i32>} : memref<96x128xf32, #tpu.memory_space<vmem>>, vector<16xf32>,
        tpu.vector_store %arg9[%parallel_loop3A_441, %parallel_loop3A_442], %parallel_loop3A_440 {strides = array<i32>} : memref<96x128xf32, #tpu.memory_space<vmem>>, vector<16xf32>,
        %parallel_loop3A_444 = arith.index_cast %parallel_loop3A_427 : i32 to index
        %parallel_loop3A_445 = arith.constant 32 : index
        %parallel_loop3A_446 = tpu.vector_load %arg7[%parallel_loop3A_444, %parallel_loop3A_445] {strides = array<i32>} : memref<96x128xbf16, #tpu.memory_space<vmem>>, vector<32xbf16>,
        %parallel_loop3A_447 = vector.bitcast %parallel_loop3A_446 : vector<32xbf16> to vector<16xi32>
        %parallel_loop3A_448 = arith.constant 16 : i32
        %parallel_loop3A_449 = vector.broadcast %parallel_loop3A_448 : i32 to vector<16xi32>
        %parallel_loop3A_450 = arith.shli %parallel_loop3A_447, %parallel_loop3A_449 : vector<16xi32>
        %parallel_loop3A_451 = vector.bitcast %parallel_loop3A_450 : vector<16xi32> to vector<16xf32>
        %parallel_loop3A_452 = arith.index_cast %parallel_loop3A_427 : i32 to index
        %parallel_loop3A_453 = arith.constant 16 : index
        %parallel_loop3A_454 = tpu.vector_load %arg9[%parallel_loop3A_452, %parallel_loop3A_453] {strides = array<i32>} : memref<96x128xf32, #tpu.memory_space<vmem>>, vector<16xf32>,
        tpu.vector_store %arg9[%parallel_loop3A_452, %parallel_loop3A_453], %parallel_loop3A_451 {strides = array<i32>} : memref<96x128xf32, #tpu.memory_space<vmem>>, vector<16xf32>,
        %parallel_loop3A_455 = arith.andi %parallel_loop3A_447, %broadcast_in_dim3A_16 : vector<16xi32>
        %parallel_loop3A_456 = vector.bitcast %parallel_loop3A_455 : vector<16xi32> to vector<16xf32>
        %parallel_loop3A_457 = arith.index_cast %parallel_loop3A_427 : i32 to index
        %parallel_loop3A_458 = arith.constant 80 : index
        %parallel_loop3A_459 = tpu.vector_load %arg9[%parallel_loop3A_457, %parallel_loop3A_458] {strides = array<i32>} : memref<96x128xf32, #tpu.memory_space<vmem>>, vector<16xf32>,
        tpu.vector_store %arg9[%parallel_loop3A_457, %parallel_loop3A_458], %parallel_loop3A_456 {strides = array<i32>} : memref<96x128xf32, #tpu.memory_space<vmem>>, vector<16xf32>,
        %parallel_loop3A_460 = arith.index_cast %parallel_loop3A_427 : i32 to index
        %parallel_loop3A_461 = arith.constant 64 : index
        %parallel_loop3A_462 = tpu.vector_load %arg7[%parallel_loop3A_460, %parallel_loop3A_461] {strides = array<i32>} : memref<96x128xbf16, #tpu.memory_space<vmem>>, vector<32xbf16>,
        %parallel_loop3A_463 = vector.bitcast %parallel_loop3A_462 : vector<32xbf16> to vector<16xi32>
        %parallel_loop3A_464 = arith.constant 16 : i32
        %parallel_loop3A_465 = vector.broadcast %parallel_loop3A_464 : i32 to vector<16xi32>
        %parallel_loop3A_466 = arith.shli %parallel_loop3A_463, %parallel_loop3A_465 : vector<16xi32>
        %parallel_loop3A_467 = vector.bitcast %parallel_loop3A_466 : vector<16xi32> to vector<16xf32>
        %parallel_loop3A_468 = arith.index_cast %parallel_loop3A_427 : i32 to index
        %parallel_loop3A_469 = arith.constant 32 : index
        %parallel_loop3A_470 = tpu.vector_load %arg9[%parallel_loop3A_468, %parallel_loop3A_469] {strides = array<i32>} : memref<96x128xf32, #tpu.memory_space<vmem>>, vector<16xf32>,
        tpu.vector_store %arg9[%parallel_loop3A_468, %parallel_loop3A_469], %parallel_loop3A_467 {strides = array<i32>} : memref<96x128xf32, #tpu.memory_space<vmem>>, vector<16xf32>,
        %parallel_loop3A_471 = arith.andi %parallel_loop3A_463, %broadcast_in_dim3A_16 : vector<16xi32>
        %parallel_loop3A_472 = vector.bitcast %parallel_loop3A_471 : vector<16xi32> to vector<16xf32>
        %parallel_loop3A_473 = arith.index_cast %parallel_loop3A_427 : i32 to index
        %parallel_loop3A_474 = arith.constant 96 : index
        %parallel_loop3A_475 = tpu.vector_load %arg9[%parallel_loop3A_473, %parallel_loop3A_474] {strides = array<i32>} : memref<96x128xf32, #tpu.memory_space<vmem>>, vector<16xf32>,
        tpu.vector_store %arg9[%parallel_loop3A_473, %parallel_loop3A_474], %parallel_loop3A_472 {strides = array<i32>} : memref<96x128xf32, #tpu.memory_space<vmem>>, vector<16xf32>,
        %parallel_loop3A_476 = arith.index_cast %parallel_loop3A_427 : i32 to index
        %parallel_loop3A_477 = arith.constant 96 : index
        %parallel_loop3A_478 = tpu.vector_load %arg7[%parallel_loop3A_476, %parallel_loop3A_477] {strides = array<i32>} : memref<96x128xbf16, #tpu.memory_space<vmem>>, vector<32xbf16>,
        %parallel_loop3A_479 = vector.bitcast %parallel_loop3A_478 : vector<32xbf16> to vector<16xi32>
        %parallel_loop3A_480 = arith.constant 16 : i32
        %parallel_loop3A_481 = vector.broadcast %parallel_loop3A_480 : i32 to vector<16xi32>
        %parallel_loop3A_482 = arith.shli %parallel_loop3A_479, %parallel_loop3A_481 : vector<16xi32>
        %parallel_loop3A_483 = vector.bitcast %parallel_loop3A_482 : vector<16xi32> to vector<16xf32>
        %parallel_loop3A_484 = arith.index_cast %parallel_loop3A_427 : i32 to index
        %parallel_loop3A_485 = arith.constant 48 : index
        %parallel_loop3A_486 = tpu.vector_load %arg9[%parallel_loop3A_484, %parallel_loop3A_485] {strides = array<i32>} : memref<96x128xf32, #tpu.memory_space<vmem>>, vector<16xf32>,
        tpu.vector_store %arg9[%parallel_loop3A_484, %parallel_loop3A_485], %parallel_loop3A_483 {strides = array<i32>} : memref<96x128xf32, #tpu.memory_space<vmem>>, vector<16xf32>,
        %parallel_loop3A_487 = arith.andi %parallel_loop3A_479, %broadcast_in_dim3A_16 : vector<16xi32>
        %parallel_loop3A_488 = vector.bitcast %parallel_loop3A_487 : vector<16xi32> to vector<16xf32>
        %parallel_loop3A_489 = arith.index_cast %parallel_loop3A_427 : i32 to index
        %parallel_loop3A_490 = arith.constant 112 : index
        %parallel_loop3A_491 = tpu.vector_load %arg9[%parallel_loop3A_489, %parallel_loop3A_490] {strides = array<i32>} : memref<96x128xf32, #tpu.memory_space<vmem>>, vector<16xf32>,
        tpu.vector_store %arg9[%parallel_loop3A_489, %parallel_loop3A_490], %parallel_loop3A_488 {strides = array<i32>} : memref<96x128xf32, #tpu.memory_space<vmem>>, vector<16xf32>,
      } {sc.loop_unroll_factor = 4 : i64, sc.parallel_access}
      %dma_start3A_262 = arith.constant 0 : i32
      %dma_start3A_263 = arith.constant 2 : i32
      %dma_start3A_264 = arith.constant 0 : i32
      %dma_start3A_265 = arith.constant 0 : i32
      %dma_start3A_266 = tpu.memref_slice %arg9[%dma_start3A_264, %dma_start3A_265] : memref<96x128xf32, #tpu.memory_space<vmem>> -> memref<48x128xf32, #tpu.memory_space<vmem>>
      %dma_start3A_267 = arith.constant 0 : i32
      %dma_start3A_268 = tpu.memref_slice %arg6[%dma_start3A_262, %dma_start3A_263, %dma_start3A_267] : memref<2x4x48xi32, #tpu.memory_space<vmem>> -> memref<1x1x48xi32, #tpu.memory_space<vmem>>
      %dma_start3A_269 = tpu.memref_squeeze %dma_start3A_268 : memref<1x1x48xi32, #tpu.memory_space<vmem>> -> memref<48xi32, #tpu.memory_space<vmem>>
      %dma_start3A_270 = arith.constant 0 : i32
      %dma_start3A_271 = arith.constant 0 : i32
      %dma_start3A_272 = tpu.memref_slice %arg12[%dma_start3A_270, %dma_start3A_271] : memref<10112x128xf32, #tpu.memory_space<vmem_shared>> -> memref<10112x128xf32, #tpu.memory_space<vmem_shared>>
      tpu.enqueue_indirect_dma source(%dma_start3A_266 : memref<48x128xf32, #tpu.memory_space<vmem>>) target(%dma_start3A_272 : memref<10112x128xf32, #tpu.memory_space<vmem_shared>>) offsets(%dma_start3A_269 : memref<48xi32, #tpu.memory_space<vmem>>) semaphore(%arg19 : memref<!tpu.dma_semaphore, #tpu.memory_space<semaphore_mem>>) {add = true}
      %dma_start3A_273 = arith.constant 0 : i32
      %dma_start3A_274 = arith.constant 3 : i32
      %dma_start3A_275 = arith.constant 48 : i32
      %dma_start3A_276 = arith.constant 0 : i32
      %dma_start3A_277 = tpu.memref_slice %arg9[%dma_start3A_275, %dma_start3A_276] : memref<96x128xf32, #tpu.memory_space<vmem>> -> memref<48x128xf32, #tpu.memory_space<vmem>>
      %dma_start3A_278 = arith.constant 0 : i32
      %dma_start3A_279 = tpu.memref_slice %arg6[%dma_start3A_273, %dma_start3A_274, %dma_start3A_278] : memref<2x4x48xi32, #tpu.memory_space<vmem>> -> memref<1x1x48xi32, #tpu.memory_space<vmem>>
      %dma_start3A_280 = tpu.memref_squeeze %dma_start3A_279 : memref<1x1x48xi32, #tpu.memory_space<vmem>> -> memref<48xi32, #tpu.memory_space<vmem>>
      %dma_start3A_281 = arith.constant 0 : i32
      %dma_start3A_282 = arith.constant 0 : i32
      %dma_start3A_283 = tpu.memref_slice %arg12[%dma_start3A_281, %dma_start3A_282] : memref<10112x128xf32, #tpu.memory_space<vmem_shared>> -> memref<10112x128xf32, #tpu.memory_space<vmem_shared>>
      tpu.enqueue_indirect_dma source(%dma_start3A_277 : memref<48x128xf32, #tpu.memory_space<vmem>>) target(%dma_start3A_283 : memref<10112x128xf32, #tpu.memory_space<vmem_shared>>) offsets(%dma_start3A_280 : memref<48xi32, #tpu.memory_space<vmem>>) semaphore(%arg20 : memref<!tpu.dma_semaphore, #tpu.memory_space<semaphore_mem>>) {add = true}
      %add3A_284 = arith.constant 2 : i32
      %add3A_285 = arith.addi %mul3A_186, %add3A_284 : i32
      %add3A_286 = arith.addi %select_n3A_13, %add3A_285 : i32
      %min3A_287 = arith.constant 3359 : i32
      %min3A_288 = arith.minsi %add3A_286, %min3A_287 : i32
      %dma_start3A_289 = arith.constant 0 : i32
      %dma_start3A_290 = arith.constant 0 : i32
      %dma_start3A_291 = arith.constant 0 : i32
      %dma_start3A_292 = tpu.memref_slice %arg6[%dma_start3A_289, %dma_start3A_290, %dma_start3A_291] : memref<2x4x48xi32, #tpu.memory_space<vmem>> -> memref<1x4x48xi32, #tpu.memory_space<vmem>>
      %dma_start3A_293 = tpu.memref_squeeze %dma_start3A_292 : memref<1x4x48xi32, #tpu.memory_space<vmem>> -> memref<4x48xi32, #tpu.memory_space<vmem>>
      %dma_start3A_294 = arith.constant 0 : i32
      %dma_start3A_295 = arith.constant 0 : i32
      %dma_start3A_296 = tpu.memref_slice %arg3[%min3A_288, %dma_start3A_294, %dma_start3A_295] : memref<3360x4x48xi32, #tpu.memory_space<hbm>> -> memref<1x4x48xi32, #tpu.memory_space<hbm>>
      %dma_start3A_297 = tpu.memref_squeeze %dma_start3A_296 : memref<1x4x48xi32, #tpu.memory_space<hbm>> -> memref<4x48xi32, #tpu.memory_space<hbm>>
      %dma_start3A_298 = arith.constant 0 : i32
      %dma_start3A_299 = arith.constant 0 : i32
      %dma_start3A_300 = tpu.memref_slice %arg6[%dma_start3A_289, %dma_start3A_298, %dma_start3A_299] : memref<2x4x48xi32, #tpu.memory_space<vmem>> -> memref<1x4x48xi32, #tpu.memory_space<vmem>>
      %dma_start3A_301 = tpu.memref_squeeze %dma_start3A_300 : memref<1x4x48xi32, #tpu.memory_space<vmem>> -> memref<4x48xi32, #tpu.memory_space<vmem>>
      %dma_start3A_302 = arith.constant 0 : i32
      %dma_start3A_303 = arith.constant 0 : i32
      %dma_start3A_304 = tpu.memref_slice %arg3[%min3A_288, %dma_start3A_302, %dma_start3A_303] : memref<3360x4x48xi32, #tpu.memory_space<hbm>> -> memref<1x4x48xi32, #tpu.memory_space<hbm>>
      %dma_start3A_305 = tpu.memref_squeeze %dma_start3A_304 : memref<1x4x48xi32, #tpu.memory_space<hbm>> -> memref<4x48xi32, #tpu.memory_space<hbm>>
      tpu.enqueue_dma source(%dma_start3A_305 : memref<4x48xi32, #tpu.memory_space<hbm>>) target(%dma_start3A_301 : memref<4x48xi32, #tpu.memory_space<vmem>>) target_semaphore(%arg13 : memref<!tpu.dma_semaphore, #tpu.memory_space<semaphore_mem>>)
      %add3A_306 = arith.constant 1 : i32
      %add3A_307 = arith.addi %mul3A_186, %add3A_306 : i32
      %add3A_308 = arith.constant 0 : i32
      %add3A_309 = arith.addi %select_n3A_13, %add3A_308 : i32
      %min3A_310 = arith.constant 3359 : i32
      %min3A_311 = arith.minsi %add3A_309, %min3A_310 : i32
      %dma_wait3A_312 = arith.constant 0 : i32
      %dma_wait3A_313 = arith.constant 0 : i32
      %dma_wait3A_314 = arith.constant 0 : i32
      %dma_wait3A_315 = tpu.memref_slice %arg6[%dma_wait3A_312, %dma_wait3A_313, %dma_wait3A_314] : memref<2x4x48xi32, #tpu.memory_space<vmem>> -> memref<1x4x48xi32, #tpu.memory_space<vmem>>
      %dma_wait3A_316 = tpu.memref_squeeze %dma_wait3A_315 : memref<1x4x48xi32, #tpu.memory_space<vmem>> -> memref<4x48xi32, #tpu.memory_space<vmem>>
      %dma_wait3A_317 = arith.constant 0 : i32
      %dma_wait3A_318 = arith.constant 0 : i32
      %dma_wait3A_319 = tpu.memref_slice %arg3[%min3A_311, %dma_wait3A_317, %dma_wait3A_318] : memref<3360x4x48xi32, #tpu.memory_space<hbm>> -> memref<1x4x48xi32, #tpu.memory_space<hbm>>
      %dma_wait3A_320 = tpu.memref_squeeze %dma_wait3A_319 : memref<1x4x48xi32, #tpu.memory_space<hbm>> -> memref<4x48xi32, #tpu.memory_space<hbm>>
      %dma_wait3A_321 = arith.constant 0 : i32
      %dma_wait3A_322 = arith.constant 0 : i32
      %dma_wait3A_323 = tpu.memref_slice %arg6[%dma_wait3A_312, %dma_wait3A_321, %dma_wait3A_322] : memref<2x4x48xi32, #tpu.memory_space<vmem>> -> memref<1x4x48xi32, #tpu.memory_space<vmem>>
      %dma_wait3A_324 = tpu.memref_squeeze %dma_wait3A_323 : memref<1x4x48xi32, #tpu.memory_space<vmem>> -> memref<4x48xi32, #tpu.memory_space<vmem>>
      %dma_wait3A_325 = arith.constant 0 : i32
      %dma_wait3A_326 = arith.constant 0 : i32
      %dma_wait3A_327 = tpu.memref_slice %arg3[%min3A_311, %dma_wait3A_325, %dma_wait3A_326] : memref<3360x4x48xi32, #tpu.memory_space<hbm>> -> memref<1x4x48xi32, #tpu.memory_space<hbm>>
      %dma_wait3A_328 = tpu.memref_squeeze %dma_wait3A_327 : memref<1x4x48xi32, #tpu.memory_space<hbm>> -> memref<4x48xi32, #tpu.memory_space<hbm>>
      tpu.wait_dma2 semaphore(%arg13 : memref<!tpu.dma_semaphore, #tpu.memory_space<semaphore_mem>>) src(%dma_wait3A_328 : memref<4x48xi32, #tpu.memory_space<hbm>>) dst(%dma_wait3A_324 : memref<4x48xi32, #tpu.memory_space<vmem>>)
      %add3A_329 = arith.constant 1 : i32
      %add3A_330 = arith.addi %add3A_307, %add3A_329 : i32
      %dma_start3A_331 = arith.constant 0 : i32
      %dma_start3A_332 = arith.constant 0 : i32
      %dma_start3A_333 = arith.constant 0 : i32
      %dma_start3A_334 = arith.constant 0 : i32
      %dma_start3A_335 = tpu.memref_slice %arg7[%dma_start3A_333, %dma_start3A_334] : memref<96x128xbf16, #tpu.memory_space<vmem>> -> memref<48x128xbf16, #tpu.memory_space<vmem>>
      %dma_start3A_336 = arith.constant 0 : i32
      %dma_start3A_337 = tpu.memref_slice %arg6[%dma_start3A_331, %dma_start3A_332, %dma_start3A_336] : memref<2x4x48xi32, #tpu.memory_space<vmem>> -> memref<1x1x48xi32, #tpu.memory_space<vmem>>
      %dma_start3A_338 = tpu.memref_squeeze %dma_start3A_337 : memref<1x1x48xi32, #tpu.memory_space<vmem>> -> memref<48xi32, #tpu.memory_space<vmem>>
      %dma_start3A_339 = arith.constant 0 : i32
      %dma_start3A_340 = arith.constant 0 : i32
      %dma_start3A_341 = tpu.memref_slice %arg2[%dma_start3A_339, %dma_start3A_340] : memref<10000x128xbf16, #tpu.memory_space<hbm>> -> memref<10000x128xbf16, #tpu.memory_space<hbm>>
      tpu.enqueue_indirect_dma source(%dma_start3A_341 : memref<10000x128xbf16, #tpu.memory_space<hbm>>) target(%dma_start3A_335 : memref<48x128xbf16, #tpu.memory_space<vmem>>) offsets(%dma_start3A_338 : memref<48xi32, #tpu.memory_space<vmem>>) semaphore(%arg15 : memref<!tpu.dma_semaphore, #tpu.memory_space<semaphore_mem>>)
      %dma_start3A_342 = arith.constant 0 : i32
      %dma_start3A_343 = arith.constant 1 : i32
      %dma_start3A_344 = arith.constant 48 : i32
      %dma_start3A_345 = arith.constant 0 : i32
      %dma_start3A_346 = tpu.memref_slice %arg7[%dma_start3A_344, %dma_start3A_345] : memref<96x128xbf16, #tpu.memory_space<vmem>> -> memref<48x128xbf16, #tpu.memory_space<vmem>>
      %dma_start3A_347 = arith.constant 0 : i32
      %dma_start3A_348 = tpu.memref_slice %arg6[%dma_start3A_342, %dma_start3A_343, %dma_start3A_347] : memref<2x4x48xi32, #tpu.memory_space<vmem>> -> memref<1x1x48xi32, #tpu.memory_space<vmem>>
      %dma_start3A_349 = tpu.memref_squeeze %dma_start3A_348 : memref<1x1x48xi32, #tpu.memory_space<vmem>> -> memref<48xi32, #tpu.memory_space<vmem>>
      %dma_start3A_350 = arith.constant 0 : i32
      %dma_start3A_351 = arith.constant 0 : i32
      %dma_start3A_352 = tpu.memref_slice %arg2[%dma_start3A_350, %dma_start3A_351] : memref<10000x128xbf16, #tpu.memory_space<hbm>> -> memref<10000x128xbf16, #tpu.memory_space<hbm>>
      tpu.enqueue_indirect_dma source(%dma_start3A_352 : memref<10000x128xbf16, #tpu.memory_space<hbm>>) target(%dma_start3A_346 : memref<48x128xbf16, #tpu.memory_space<vmem>>) offsets(%dma_start3A_349 : memref<48xi32, #tpu.memory_space<vmem>>) semaphore(%arg17 : memref<!tpu.dma_semaphore, #tpu.memory_space<semaphore_mem>>)
      %dma_wait3A_353 = arith.constant 1 : i32
      %dma_wait3A_354 = arith.constant 0 : i32
      %dma_wait3A_355 = arith.constant 0 : i32
      %dma_wait3A_356 = arith.constant 0 : i32
      %dma_wait3A_357 = tpu.memref_slice %arg8[%dma_wait3A_355, %dma_wait3A_356] : memref<96x128xbf16, #tpu.memory_space<vmem>> -> memref<48x128xbf16, #tpu.memory_space<vmem>>
      %dma_wait3A_358 = arith.constant 0 : i32
      %dma_wait3A_359 = tpu.memref_slice %arg6[%dma_wait3A_353, %dma_wait3A_354, %dma_wait3A_358] : memref<2x4x48xi32, #tpu.memory_space<vmem>> -> memref<1x1x48xi32, #tpu.memory_space<vmem>>
      %dma_wait3A_360 = tpu.memref_squeeze %dma_wait3A_359 : memref<1x1x48xi32, #tpu.memory_space<vmem>> -> memref<48xi32, #tpu.memory_space<vmem>>
      %dma_wait3A_361 = arith.constant 0 : i32
      %dma_wait3A_362 = arith.constant 0 : i32
      %dma_wait3A_363 = tpu.memref_slice %arg2[%dma_wait3A_361, %dma_wait3A_362] : memref<10000x128xbf16, #tpu.memory_space<hbm>> -> memref<10000x128xbf16, #tpu.memory_space<hbm>>
      tpu.wait_indirect_dma semaphore(%arg16 : memref<!tpu.dma_semaphore, #tpu.memory_space<semaphore_mem>>) src(%dma_wait3A_363 : memref<10000x128xbf16, #tpu.memory_space<hbm>>) dst(%dma_wait3A_357 : memref<48x128xbf16, #tpu.memory_space<vmem>>)
      %dma_wait3A_364 = arith.constant 1 : i32
      %dma_wait3A_365 = arith.constant 1 : i32
      %dma_wait3A_366 = arith.constant 48 : i32
      %dma_wait3A_367 = arith.constant 0 : i32
      %dma_wait3A_368 = tpu.memref_slice %arg8[%dma_wait3A_366, %dma_wait3A_367] : memref<96x128xbf16, #tpu.memory_space<vmem>> -> memref<48x128xbf16, #tpu.memory_space<vmem>>
      %dma_wait3A_369 = arith.constant 0 : i32
      %dma_wait3A_370 = tpu.memref_slice %arg6[%dma_wait3A_364, %dma_wait3A_365, %dma_wait3A_369] : memref<2x4x48xi32, #tpu.memory_space<vmem>> -> memref<1x1x48xi32, #tpu.memory_space<vmem>>
      %dma_wait3A_371 = tpu.memref_squeeze %dma_wait3A_370 : memref<1x1x48xi32, #tpu.memory_space<vmem>> -> memref<48xi32, #tpu.memory_space<vmem>>
      %dma_wait3A_372 = arith.constant 0 : i32
      %dma_wait3A_373 = arith.constant 0 : i32
      %dma_wait3A_374 = tpu.memref_slice %arg2[%dma_wait3A_372, %dma_wait3A_373] : memref<10000x128xbf16, #tpu.memory_space<hbm>> -> memref<10000x128xbf16, #tpu.memory_space<hbm>>
      tpu.wait_indirect_dma semaphore(%arg18 : memref<!tpu.dma_semaphore, #tpu.memory_space<semaphore_mem>>) src(%dma_wait3A_374 : memref<10000x128xbf16, #tpu.memory_space<hbm>>) dst(%dma_wait3A_368 : memref<48x128xbf16, #tpu.memory_space<vmem>>)
      %gt3A_375 = arith.constant 0 : i32
      %gt3A_376 = arith.cmpi sgt, %add3A_307, %gt3A_375 : i32
      %convert_element_type3A_377 = arith.extui %gt3A_376 : i1 to i32
      %cond3A_378 = arith.constant 0 : i32
      %cond3A_379 = arith.cmpi ne, %convert_element_type3A_377, %cond3A_378 : i32
      scf.if %cond3A_379 {
        %dma_wait3A_427 = arith.constant 1 : i32
        %dma_wait3A_428 = arith.constant 2 : i32
        %dma_wait3A_429 = arith.constant 0 : i32
        %dma_wait3A_430 = arith.constant 0 : i32
        %dma_wait3A_431 = tpu.memref_slice %arg10[%dma_wait3A_429, %dma_wait3A_430] : memref<96x128xf32, #tpu.memory_space<vmem>> -> memref<48x128xf32, #tpu.memory_space<vmem>>
        %dma_wait3A_432 = arith.constant 0 : i32
        %dma_wait3A_433 = tpu.memref_slice %arg6[%dma_wait3A_427, %dma_wait3A_428, %dma_wait3A_432] : memref<2x4x48xi32, #tpu.memory_space<vmem>> -> memref<1x1x48xi32, #tpu.memory_space<vmem>>
        %dma_wait3A_434 = tpu.memref_squeeze %dma_wait3A_433 : memref<1x1x48xi32, #tpu.memory_space<vmem>> -> memref<48xi32, #tpu.memory_space<vmem>>
        %dma_wait3A_435 = arith.constant 0 : i32
        %dma_wait3A_436 = arith.constant 0 : i32
        %dma_wait3A_437 = tpu.memref_slice %arg12[%dma_wait3A_435, %dma_wait3A_436] : memref<10112x128xf32, #tpu.memory_space<vmem_shared>> -> memref<10112x128xf32, #tpu.memory_space<vmem_shared>>
        tpu.wait_indirect_dma semaphore(%arg19 : memref<!tpu.dma_semaphore, #tpu.memory_space<semaphore_mem>>) src(%dma_wait3A_431 : memref<48x128xf32, #tpu.memory_space<vmem>>) dst(%dma_wait3A_437 : memref<10112x128xf32, #tpu.memory_space<vmem_shared>>)
        %dma_wait3A_438 = arith.constant 1 : i32
        %dma_wait3A_439 = arith.constant 3 : i32
        %dma_wait3A_440 = arith.constant 48 : i32
        %dma_wait3A_441 = arith.constant 0 : i32
        %dma_wait3A_442 = tpu.memref_slice %arg10[%dma_wait3A_440, %dma_wait3A_441] : memref<96x128xf32, #tpu.memory_space<vmem>> -> memref<48x128xf32, #tpu.memory_space<vmem>>
        %dma_wait3A_443 = arith.constant 0 : i32
        %dma_wait3A_444 = tpu.memref_slice %arg6[%dma_wait3A_438, %dma_wait3A_439, %dma_wait3A_443] : memref<2x4x48xi32, #tpu.memory_space<vmem>> -> memref<1x1x48xi32, #tpu.memory_space<vmem>>
        %dma_wait3A_445 = tpu.memref_squeeze %dma_wait3A_444 : memref<1x1x48xi32, #tpu.memory_space<vmem>> -> memref<48xi32, #tpu.memory_space<vmem>>
        %dma_wait3A_446 = arith.constant 0 : i32
        %dma_wait3A_447 = arith.constant 0 : i32
        %dma_wait3A_448 = tpu.memref_slice %arg12[%dma_wait3A_446, %dma_wait3A_447] : memref<10112x128xf32, #tpu.memory_space<vmem_shared>> -> memref<10112x128xf32, #tpu.memory_space<vmem_shared>>
        tpu.wait_indirect_dma semaphore(%arg20 : memref<!tpu.dma_semaphore, #tpu.memory_space<semaphore_mem>>) src(%dma_wait3A_442 : memref<48x128xf32, #tpu.memory_space<vmem>>) dst(%dma_wait3A_448 : memref<10112x128xf32, #tpu.memory_space<vmem_shared>>)
      } else {
      }
      %parallel_loop3A_380 = arith.constant 0 : i32
      %parallel_loop3A_381 = arith.constant 96 : i32
      %parallel_loop3A_382 = arith.constant 1 : i32
      scf.for %parallel_loop3A_427 = %parallel_loop3A_380 to %parallel_loop3A_381 step %parallel_loop3A_382  : i32 {
        %parallel_loop3A_428 = arith.index_cast %parallel_loop3A_427 : i32 to index
        %parallel_loop3A_429 = arith.constant 0 : index
        %parallel_loop3A_430 = tpu.vector_load %arg8[%parallel_loop3A_428, %parallel_loop3A_429] {strides = array<i32>} : memref<96x128xbf16, #tpu.memory_space<vmem>>, vector<32xbf16>,
        %parallel_loop3A_431 = vector.bitcast %parallel_loop3A_430 : vector<32xbf16> to vector<16xi32>
        %parallel_loop3A_432 = arith.constant 16 : i32
        %parallel_loop3A_433 = vector.broadcast %parallel_loop3A_432 : i32 to vector<16xi32>
        %parallel_loop3A_434 = arith.shli %parallel_loop3A_431, %parallel_loop3A_433 : vector<16xi32>
        %parallel_loop3A_435 = vector.bitcast %parallel_loop3A_434 : vector<16xi32> to vector<16xf32>
        %parallel_loop3A_436 = arith.index_cast %parallel_loop3A_427 : i32 to index
        %parallel_loop3A_437 = arith.constant 0 : index
        %parallel_loop3A_438 = tpu.vector_load %arg10[%parallel_loop3A_436, %parallel_loop3A_437] {strides = array<i32>} : memref<96x128xf32, #tpu.memory_space<vmem>>, vector<16xf32>,
        tpu.vector_store %arg10[%parallel_loop3A_436, %parallel_loop3A_437], %parallel_loop3A_435 {strides = array<i32>} : memref<96x128xf32, #tpu.memory_space<vmem>>, vector<16xf32>,
        %parallel_loop3A_439 = arith.andi %parallel_loop3A_431, %broadcast_in_dim3A_16 : vector<16xi32>
        %parallel_loop3A_440 = vector.bitcast %parallel_loop3A_439 : vector<16xi32> to vector<16xf32>
        %parallel_loop3A_441 = arith.index_cast %parallel_loop3A_427 : i32 to index
        %parallel_loop3A_442 = arith.constant 64 : index
        %parallel_loop3A_443 = tpu.vector_load %arg10[%parallel_loop3A_441, %parallel_loop3A_442] {strides = array<i32>} : memref<96x128xf32, #tpu.memory_space<vmem>>, vector<16xf32>,
        tpu.vector_store %arg10[%parallel_loop3A_441, %parallel_loop3A_442], %parallel_loop3A_440 {strides = array<i32>} : memref<96x128xf32, #tpu.memory_space<vmem>>, vector<16xf32>,
        %parallel_loop3A_444 = arith.index_cast %parallel_loop3A_427 : i32 to index
        %parallel_loop3A_445 = arith.constant 32 : index
        %parallel_loop3A_446 = tpu.vector_load %arg8[%parallel_loop3A_444, %parallel_loop3A_445] {strides = array<i32>} : memref<96x128xbf16, #tpu.memory_space<vmem>>, vector<32xbf16>,
        %parallel_loop3A_447 = vector.bitcast %parallel_loop3A_446 : vector<32xbf16> to vector<16xi32>
        %parallel_loop3A_448 = arith.constant 16 : i32
        %parallel_loop3A_449 = vector.broadcast %parallel_loop3A_448 : i32 to vector<16xi32>
        %parallel_loop3A_450 = arith.shli %parallel_loop3A_447, %parallel_loop3A_449 : vector<16xi32>
        %parallel_loop3A_451 = vector.bitcast %parallel_loop3A_450 : vector<16xi32> to vector<16xf32>
        %parallel_loop3A_452 = arith.index_cast %parallel_loop3A_427 : i32 to index
        %parallel_loop3A_453 = arith.constant 16 : index
        %parallel_loop3A_454 = tpu.vector_load %arg10[%parallel_loop3A_452, %parallel_loop3A_453] {strides = array<i32>} : memref<96x128xf32, #tpu.memory_space<vmem>>, vector<16xf32>,
        tpu.vector_store %arg10[%parallel_loop3A_452, %parallel_loop3A_453], %parallel_loop3A_451 {strides = array<i32>} : memref<96x128xf32, #tpu.memory_space<vmem>>, vector<16xf32>,
        %parallel_loop3A_455 = arith.andi %parallel_loop3A_447, %broadcast_in_dim3A_16 : vector<16xi32>
        %parallel_loop3A_456 = vector.bitcast %parallel_loop3A_455 : vector<16xi32> to vector<16xf32>
        %parallel_loop3A_457 = arith.index_cast %parallel_loop3A_427 : i32 to index
        %parallel_loop3A_458 = arith.constant 80 : index
        %parallel_loop3A_459 = tpu.vector_load %arg10[%parallel_loop3A_457, %parallel_loop3A_458] {strides = array<i32>} : memref<96x128xf32, #tpu.memory_space<vmem>>, vector<16xf32>,
        tpu.vector_store %arg10[%parallel_loop3A_457, %parallel_loop3A_458], %parallel_loop3A_456 {strides = array<i32>} : memref<96x128xf32, #tpu.memory_space<vmem>>, vector<16xf32>,
        %parallel_loop3A_460 = arith.index_cast %parallel_loop3A_427 : i32 to index
        %parallel_loop3A_461 = arith.constant 64 : index
        %parallel_loop3A_462 = tpu.vector_load %arg8[%parallel_loop3A_460, %parallel_loop3A_461] {strides = array<i32>} : memref<96x128xbf16, #tpu.memory_space<vmem>>, vector<32xbf16>,
        %parallel_loop3A_463 = vector.bitcast %parallel_loop3A_462 : vector<32xbf16> to vector<16xi32>
        %parallel_loop3A_464 = arith.constant 16 : i32
        %parallel_loop3A_465 = vector.broadcast %parallel_loop3A_464 : i32 to vector<16xi32>
        %parallel_loop3A_466 = arith.shli %parallel_loop3A_463, %parallel_loop3A_465 : vector<16xi32>
        %parallel_loop3A_467 = vector.bitcast %parallel_loop3A_466 : vector<16xi32> to vector<16xf32>
        %parallel_loop3A_468 = arith.index_cast %parallel_loop3A_427 : i32 to index
        %parallel_loop3A_469 = arith.constant 32 : index
        %parallel_loop3A_470 = tpu.vector_load %arg10[%parallel_loop3A_468, %parallel_loop3A_469] {strides = array<i32>} : memref<96x128xf32, #tpu.memory_space<vmem>>, vector<16xf32>,
        tpu.vector_store %arg10[%parallel_loop3A_468, %parallel_loop3A_469], %parallel_loop3A_467 {strides = array<i32>} : memref<96x128xf32, #tpu.memory_space<vmem>>, vector<16xf32>,
        %parallel_loop3A_471 = arith.andi %parallel_loop3A_463, %broadcast_in_dim3A_16 : vector<16xi32>
        %parallel_loop3A_472 = vector.bitcast %parallel_loop3A_471 : vector<16xi32> to vector<16xf32>
        %parallel_loop3A_473 = arith.index_cast %parallel_loop3A_427 : i32 to index
        %parallel_loop3A_474 = arith.constant 96 : index
        %parallel_loop3A_475 = tpu.vector_load %arg10[%parallel_loop3A_473, %parallel_loop3A_474] {strides = array<i32>} : memref<96x128xf32, #tpu.memory_space<vmem>>, vector<16xf32>,
        tpu.vector_store %arg10[%parallel_loop3A_473, %parallel_loop3A_474], %parallel_loop3A_472 {strides = array<i32>} : memref<96x128xf32, #tpu.memory_space<vmem>>, vector<16xf32>,
        %parallel_loop3A_476 = arith.index_cast %parallel_loop3A_427 : i32 to index
        %parallel_loop3A_477 = arith.constant 96 : index
        %parallel_loop3A_478 = tpu.vector_load %arg8[%parallel_loop3A_476, %parallel_loop3A_477] {strides = array<i32>} : memref<96x128xbf16, #tpu.memory_space<vmem>>, vector<32xbf16>,
        %parallel_loop3A_479 = vector.bitcast %parallel_loop3A_478 : vector<32xbf16> to vector<16xi32>
        %parallel_loop3A_480 = arith.constant 16 : i32
        %parallel_loop3A_481 = vector.broadcast %parallel_loop3A_480 : i32 to vector<16xi32>
        %parallel_loop3A_482 = arith.shli %parallel_loop3A_479, %parallel_loop3A_481 : vector<16xi32>
        %parallel_loop3A_483 = vector.bitcast %parallel_loop3A_482 : vector<16xi32> to vector<16xf32>
        %parallel_loop3A_484 = arith.index_cast %parallel_loop3A_427 : i32 to index
        %parallel_loop3A_485 = arith.constant 48 : index
        %parallel_loop3A_486 = tpu.vector_load %arg10[%parallel_loop3A_484, %parallel_loop3A_485] {strides = array<i32>} : memref<96x128xf32, #tpu.memory_space<vmem>>, vector<16xf32>,
        tpu.vector_store %arg10[%parallel_loop3A_484, %parallel_loop3A_485], %parallel_loop3A_483 {strides = array<i32>} : memref<96x128xf32, #tpu.memory_space<vmem>>, vector<16xf32>,
        %parallel_loop3A_487 = arith.andi %parallel_loop3A_479, %broadcast_in_dim3A_16 : vector<16xi32>
        %parallel_loop3A_488 = vector.bitcast %parallel_loop3A_487 : vector<16xi32> to vector<16xf32>
        %parallel_loop3A_489 = arith.index_cast %parallel_loop3A_427 : i32 to index
        %parallel_loop3A_490 = arith.constant 112 : index
        %parallel_loop3A_491 = tpu.vector_load %arg10[%parallel_loop3A_489, %parallel_loop3A_490] {strides = array<i32>} : memref<96x128xf32, #tpu.memory_space<vmem>>, vector<16xf32>,
        tpu.vector_store %arg10[%parallel_loop3A_489, %parallel_loop3A_490], %parallel_loop3A_488 {strides = array<i32>} : memref<96x128xf32, #tpu.memory_space<vmem>>, vector<16xf32>,
      } {sc.loop_unroll_factor = 4 : i64, sc.parallel_access}
      %dma_start3A_383 = arith.constant 1 : i32
      %dma_start3A_384 = arith.constant 2 : i32
      %dma_start3A_385 = arith.constant 0 : i32
      %dma_start3A_386 = arith.constant 0 : i32
      %dma_start3A_387 = tpu.memref_slice %arg10[%dma_start3A_385, %dma_start3A_386] : memref<96x128xf32, #tpu.memory_space<vmem>> -> memref<48x128xf32, #tpu.memory_space<vmem>>
      %dma_start3A_388 = arith.constant 0 : i32
      %dma_start3A_389 = tpu.memref_slice %arg6[%dma_start3A_383, %dma_start3A_384, %dma_start3A_388] : memref<2x4x48xi32, #tpu.memory_space<vmem>> -> memref<1x1x48xi32, #tpu.memory_space<vmem>>
      %dma_start3A_390 = tpu.memref_squeeze %dma_start3A_389 : memref<1x1x48xi32, #tpu.memory_space<vmem>> -> memref<48xi32, #tpu.memory_space<vmem>>
      %dma_start3A_391 = arith.constant 0 : i32
      %dma_start3A_392 = arith.constant 0 : i32
      %dma_start3A_393 = tpu.memref_slice %arg12[%dma_start3A_391, %dma_start3A_392] : memref<10112x128xf32, #tpu.memory_space<vmem_shared>> -> memref<10112x128xf32, #tpu.memory_space<vmem_shared>>
      tpu.enqueue_indirect_dma source(%dma_start3A_387 : memref<48x128xf32, #tpu.memory_space<vmem>>) target(%dma_start3A_393 : memref<10112x128xf32, #tpu.memory_space<vmem_shared>>) offsets(%dma_start3A_390 : memref<48xi32, #tpu.memory_space<vmem>>) semaphore(%arg19 : memref<!tpu.dma_semaphore, #tpu.memory_space<semaphore_mem>>) {add = true}
      %dma_start3A_394 = arith.constant 1 : i32
      %dma_start3A_395 = arith.constant 3 : i32
      %dma_start3A_396 = arith.constant 48 : i32
      %dma_start3A_397 = arith.constant 0 : i32
      %dma_start3A_398 = tpu.memref_slice %arg10[%dma_start3A_396, %dma_start3A_397] : memref<96x128xf32, #tpu.memory_space<vmem>> -> memref<48x128xf32, #tpu.memory_space<vmem>>
      %dma_start3A_399 = arith.constant 0 : i32
      %dma_start3A_400 = tpu.memref_slice %arg6[%dma_start3A_394, %dma_start3A_395, %dma_start3A_399] : memref<2x4x48xi32, #tpu.memory_space<vmem>> -> memref<1x1x48xi32, #tpu.memory_space<vmem>>
      %dma_start3A_401 = tpu.memref_squeeze %dma_start3A_400 : memref<1x1x48xi32, #tpu.memory_space<vmem>> -> memref<48xi32, #tpu.memory_space<vmem>>
      %dma_start3A_402 = arith.constant 0 : i32
      %dma_start3A_403 = arith.constant 0 : i32
      %dma_start3A_404 = tpu.memref_slice %arg12[%dma_start3A_402, %dma_start3A_403] : memref<10112x128xf32, #tpu.memory_space<vmem_shared>> -> memref<10112x128xf32, #tpu.memory_space<vmem_shared>>
      tpu.enqueue_indirect_dma source(%dma_start3A_398 : memref<48x128xf32, #tpu.memory_space<vmem>>) target(%dma_start3A_404 : memref<10112x128xf32, #tpu.memory_space<vmem_shared>>) offsets(%dma_start3A_401 : memref<48xi32, #tpu.memory_space<vmem>>) semaphore(%arg20 : memref<!tpu.dma_semaphore, #tpu.memory_space<semaphore_mem>>) {add = true}
      %add3A_405 = arith.constant 2 : i32
      %add3A_406 = arith.addi %add3A_307, %add3A_405 : i32
      %add3A_407 = arith.addi %select_n3A_13, %add3A_406 : i32
      %min3A_408 = arith.constant 3359 : i32
      %min3A_409 = arith.minsi %add3A_407, %min3A_408 : i32
      %dma_start3A_410 = arith.constant 1 : i32
      %dma_start3A_411 = arith.constant 0 : i32
      %dma_start3A_412 = arith.constant 0 : i32
      %dma_start3A_413 = tpu.memref_slice %arg6[%dma_start3A_410, %dma_start3A_411, %dma_start3A_412] : memref<2x4x48xi32, #tpu.memory_space<vmem>> -> memref<1x4x48xi32, #tpu.memory_space<vmem>>
      %dma_start3A_414 = tpu.memref_squeeze %dma_start3A_413 : memref<1x4x48xi32, #tpu.memory_space<vmem>> -> memref<4x48xi32, #tpu.memory_space<vmem>>
      %dma_start3A_415 = arith.constant 0 : i32
      %dma_start3A_416 = arith.constant 0 : i32
      %dma_start3A_417 = tpu.memref_slice %arg3[%min3A_409, %dma_start3A_415, %dma_start3A_416] : memref<3360x4x48xi32, #tpu.memory_space<hbm>> -> memref<1x4x48xi32, #tpu.memory_space<hbm>>
      %dma_start3A_418 = tpu.memref_squeeze %dma_start3A_417 : memref<1x4x48xi32, #tpu.memory_space<hbm>> -> memref<4x48xi32, #tpu.memory_space<hbm>>
      %dma_start3A_419 = arith.constant 0 : i32
      %dma_start3A_420 = arith.constant 0 : i32
      %dma_start3A_421 = tpu.memref_slice %arg6[%dma_start3A_410, %dma_start3A_419, %dma_start3A_420] : memref<2x4x48xi32, #tpu.memory_space<vmem>> -> memref<1x4x48xi32, #tpu.memory_space<vmem>>
      %dma_start3A_422 = tpu.memref_squeeze %dma_start3A_421 : memref<1x4x48xi32, #tpu.memory_space<vmem>> -> memref<4x48xi32, #tpu.memory_space<vmem>>
      %dma_start3A_423 = arith.constant 0 : i32
      %dma_start3A_424 = arith.constant 0 : i32
      %dma_start3A_425 = tpu.memref_slice %arg3[%min3A_409, %dma_start3A_423, %dma_start3A_424] : memref<3360x4x48xi32, #tpu.memory_space<hbm>> -> memref<1x4x48xi32, #tpu.memory_space<hbm>>
      %dma_start3A_426 = tpu.memref_squeeze %dma_start3A_425 : memref<1x4x48xi32, #tpu.memory_space<hbm>> -> memref<4x48xi32, #tpu.memory_space<hbm>>
      tpu.enqueue_dma source(%dma_start3A_426 : memref<4x48xi32, #tpu.memory_space<hbm>>) target(%dma_start3A_422 : memref<4x48xi32, #tpu.memory_space<vmem>>) target_semaphore(%arg14 : memref<!tpu.dma_semaphore, #tpu.memory_space<semaphore_mem>>)
    }
    %while3A_90 = arith.constant 1 : i32
    scf.for %while3A_184 = %while3A_88 to %while3A_84 step %while3A_90  : i32 {
      %mul3A_185 = arith.constant 2 : i32
      %mul3A_186 = arith.muli %mul3A_185, %while3A_184 : i32
      %add3A_187 = arith.constant 0 : i32
      %add3A_188 = arith.addi %select_n3A_13, %add3A_187 : i32
      %min3A_189 = arith.constant 3359 : i32
      %min3A_190 = arith.minsi %add3A_188, %min3A_189 : i32
      %dma_wait3A_191 = arith.constant 1 : i32
      %dma_wait3A_192 = arith.constant 0 : i32
      %dma_wait3A_193 = arith.constant 0 : i32
      %dma_wait3A_194 = tpu.memref_slice %arg6[%dma_wait3A_191, %dma_wait3A_192, %dma_wait3A_193] : memref<2x4x48xi32, #tpu.memory_space<vmem>> -> memref<1x4x48xi32, #tpu.memory_space<vmem>>
      %dma_wait3A_195 = tpu.memref_squeeze %dma_wait3A_194 : memref<1x4x48xi32, #tpu.memory_space<vmem>> -> memref<4x48xi32, #tpu.memory_space<vmem>>
      %dma_wait3A_196 = arith.constant 0 : i32
      %dma_wait3A_197 = arith.constant 0 : i32
      %dma_wait3A_198 = tpu.memref_slice %arg3[%min3A_190, %dma_wait3A_196, %dma_wait3A_197] : memref<3360x4x48xi32, #tpu.memory_space<hbm>> -> memref<1x4x48xi32, #tpu.memory_space<hbm>>
      %dma_wait3A_199 = tpu.memref_squeeze %dma_wait3A_198 : memref<1x4x48xi32, #tpu.memory_space<hbm>> -> memref<4x48xi32, #tpu.memory_space<hbm>>
      %dma_wait3A_200 = arith.constant 0 : i32
      %dma_wait3A_201 = arith.constant 0 : i32
      %dma_wait3A_202 = tpu.memref_slice %arg6[%dma_wait3A_191, %dma_wait3A_200, %dma_wait3A_201] : memref<2x4x48xi32, #tpu.memory_space<vmem>> -> memref<1x4x48xi32, #tpu.memory_space<vmem>>
      %dma_wait3A_203 = tpu.memref_squeeze %dma_wait3A_202 : memref<1x4x48xi32, #tpu.memory_space<vmem>> -> memref<4x48xi32, #tpu.memory_space<vmem>>
      %dma_wait3A_204 = arith.constant 0 : i32
      %dma_wait3A_205 = arith.constant 0 : i32
      %dma_wait3A_206 = tpu.memref_slice %arg3[%min3A_190, %dma_wait3A_204, %dma_wait3A_205] : memref<3360x4x48xi32, #tpu.memory_space<hbm>> -> memref<1x4x48xi32, #tpu.memory_space<hbm>>
      %dma_wait3A_207 = tpu.memref_squeeze %dma_wait3A_206 : memref<1x4x48xi32, #tpu.memory_space<hbm>> -> memref<4x48xi32, #tpu.memory_space<hbm>>
      tpu.wait_dma2 semaphore(%arg14 : memref<!tpu.dma_semaphore, #tpu.memory_space<semaphore_mem>>) src(%dma_wait3A_207 : memref<4x48xi32, #tpu.memory_space<hbm>>) dst(%dma_wait3A_203 : memref<4x48xi32, #tpu.memory_space<vmem>>)
      %add3A_208 = arith.constant 1 : i32
      %add3A_209 = arith.addi %mul3A_186, %add3A_208 : i32
      %dma_start3A_210 = arith.constant 1 : i32
      %dma_start3A_211 = arith.constant 0 : i32
      %dma_start3A_212 = arith.constant 0 : i32
      %dma_start3A_213 = arith.constant 0 : i32
      %dma_start3A_214 = tpu.memref_slice %arg8[%dma_start3A_212, %dma_start3A_213] : memref<96x128xbf16, #tpu.memory_space<vmem>> -> memref<48x128xbf16, #tpu.memory_space<vmem>>
      %dma_start3A_215 = arith.constant 0 : i32
      %dma_start3A_216 = tpu.memref_slice %arg6[%dma_start3A_210, %dma_start3A_211, %dma_start3A_215] : memref<2x4x48xi32, #tpu.memory_space<vmem>> -> memref<1x1x48xi32, #tpu.memory_space<vmem>>
      %dma_start3A_217 = tpu.memref_squeeze %dma_start3A_216 : memref<1x1x48xi32, #tpu.memory_space<vmem>> -> memref<48xi32, #tpu.memory_space<vmem>>
      %dma_start3A_218 = arith.constant 0 : i32
      %dma_start3A_219 = arith.constant 0 : i32
      %dma_start3A_220 = tpu.memref_slice %arg2[%dma_start3A_218, %dma_start3A_219] : memref<10000x128xbf16, #tpu.memory_space<hbm>> -> memref<10000x128xbf16, #tpu.memory_space<hbm>>
      tpu.enqueue_indirect_dma source(%dma_start3A_220 : memref<10000x128xbf16, #tpu.memory_space<hbm>>) target(%dma_start3A_214 : memref<48x128xbf16, #tpu.memory_space<vmem>>) offsets(%dma_start3A_217 : memref<48xi32, #tpu.memory_space<vmem>>) semaphore(%arg16 : memref<!tpu.dma_semaphore, #tpu.memory_space<semaphore_mem>>)
      %dma_start3A_221 = arith.constant 1 : i32
      %dma_start3A_222 = arith.constant 1 : i32
      %dma_start3A_223 = arith.constant 48 : i32
      %dma_start3A_224 = arith.constant 0 : i32
      %dma_start3A_225 = tpu.memref_slice %arg8[%dma_start3A_223, %dma_start3A_224] : memref<96x128xbf16, #tpu.memory_space<vmem>> -> memref<48x128xbf16, #tpu.memory_space<vmem>>
      %dma_start3A_226 = arith.constant 0 : i32
      %dma_start3A_227 = tpu.memref_slice %arg6[%dma_start3A_221, %dma_start3A_222, %dma_start3A_226] : memref<2x4x48xi32, #tpu.memory_space<vmem>> -> memref<1x1x48xi32, #tpu.memory_space<vmem>>
      %dma_start3A_228 = tpu.memref_squeeze %dma_start3A_227 : memref<1x1x48xi32, #tpu.memory_space<vmem>> -> memref<48xi32, #tpu.memory_space<vmem>>
      %dma_start3A_229 = arith.constant 0 : i32
      %dma_start3A_230 = arith.constant 0 : i32
      %dma_start3A_231 = tpu.memref_slice %arg2[%dma_start3A_229, %dma_start3A_230] : memref<10000x128xbf16, #tpu.memory_space<hbm>> -> memref<10000x128xbf16, #tpu.memory_space<hbm>>
      tpu.enqueue_indirect_dma source(%dma_start3A_231 : memref<10000x128xbf16, #tpu.memory_space<hbm>>) target(%dma_start3A_225 : memref<48x128xbf16, #tpu.memory_space<vmem>>) offsets(%dma_start3A_228 : memref<48xi32, #tpu.memory_space<vmem>>) semaphore(%arg18 : memref<!tpu.dma_semaphore, #tpu.memory_space<semaphore_mem>>)
      %dma_wait3A_232 = arith.constant 0 : i32
      %dma_wait3A_233 = arith.constant 0 : i32
      %dma_wait3A_234 = arith.constant 0 : i32
      %dma_wait3A_235 = arith.constant 0 : i32
      %dma_wait3A_236 = tpu.memref_slice %arg7[%dma_wait3A_234, %dma_wait3A_235] : memref<96x128xbf16, #tpu.memory_space<vmem>> -> memref<48x128xbf16, #tpu.memory_space<vmem>>
      %dma_wait3A_237 = arith.constant 0 : i32
      %dma_wait3A_238 = tpu.memref_slice %arg6[%dma_wait3A_232, %dma_wait3A_233, %dma_wait3A_237] : memref<2x4x48xi32, #tpu.memory_space<vmem>> -> memref<1x1x48xi32, #tpu.memory_space<vmem>>
      %dma_wait3A_239 = tpu.memref_squeeze %dma_wait3A_238 : memref<1x1x48xi32, #tpu.memory_space<vmem>> -> memref<48xi32, #tpu.memory_space<vmem>>
      %dma_wait3A_240 = arith.constant 0 : i32
      %dma_wait3A_241 = arith.constant 0 : i32
      %dma_wait3A_242 = tpu.memref_slice %arg2[%dma_wait3A_240, %dma_wait3A_241] : memref<10000x128xbf16, #tpu.memory_space<hbm>> -> memref<10000x128xbf16, #tpu.memory_space<hbm>>
      tpu.wait_indirect_dma semaphore(%arg15 : memref<!tpu.dma_semaphore, #tpu.memory_space<semaphore_mem>>) src(%dma_wait3A_242 : memref<10000x128xbf16, #tpu.memory_space<hbm>>) dst(%dma_wait3A_236 : memref<48x128xbf16, #tpu.memory_space<vmem>>)
      %dma_wait3A_243 = arith.constant 0 : i32
      %dma_wait3A_244 = arith.constant 1 : i32
      %dma_wait3A_245 = arith.constant 48 : i32
      %dma_wait3A_246 = arith.constant 0 : i32
      %dma_wait3A_247 = tpu.memref_slice %arg7[%dma_wait3A_245, %dma_wait3A_246] : memref<96x128xbf16, #tpu.memory_space<vmem>> -> memref<48x128xbf16, #tpu.memory_space<vmem>>
      %dma_wait3A_248 = arith.constant 0 : i32
      %dma_wait3A_249 = tpu.memref_slice %arg6[%dma_wait3A_243, %dma_wait3A_244, %dma_wait3A_248] : memref<2x4x48xi32, #tpu.memory_space<vmem>> -> memref<1x1x48xi32, #tpu.memory_space<vmem>>
      %dma_wait3A_250 = tpu.memref_squeeze %dma_wait3A_249 : memref<1x1x48xi32, #tpu.memory_space<vmem>> -> memref<48xi32, #tpu.memory_space<vmem>>
      %dma_wait3A_251 = arith.constant 0 : i32
      %dma_wait3A_252 = arith.constant 0 : i32
      %dma_wait3A_253 = tpu.memref_slice %arg2[%dma_wait3A_251, %dma_wait3A_252] : memref<10000x128xbf16, #tpu.memory_space<hbm>> -> memref<10000x128xbf16, #tpu.memory_space<hbm>>
      tpu.wait_indirect_dma semaphore(%arg17 : memref<!tpu.dma_semaphore, #tpu.memory_space<semaphore_mem>>) src(%dma_wait3A_253 : memref<10000x128xbf16, #tpu.memory_space<hbm>>) dst(%dma_wait3A_247 : memref<48x128xbf16, #tpu.memory_space<vmem>>)
      %gt3A_254 = arith.constant 0 : i32
      %gt3A_255 = arith.cmpi sgt, %mul3A_186, %gt3A_254 : i32
      %convert_element_type3A_256 = arith.extui %gt3A_255 : i1 to i32
      %cond3A_257 = arith.constant 0 : i32
      %cond3A_258 = arith.cmpi ne, %convert_element_type3A_256, %cond3A_257 : i32
      scf.if %cond3A_258 {
        %dma_wait3A_427 = arith.constant 0 : i32
        %dma_wait3A_428 = arith.constant 2 : i32
        %dma_wait3A_429 = arith.constant 0 : i32
        %dma_wait3A_430 = arith.constant 0 : i32
        %dma_wait3A_431 = tpu.memref_slice %arg9[%dma_wait3A_429, %dma_wait3A_430] : memref<96x128xf32, #tpu.memory_space<vmem>> -> memref<48x128xf32, #tpu.memory_space<vmem>>
        %dma_wait3A_432 = arith.constant 0 : i32
        %dma_wait3A_433 = tpu.memref_slice %arg6[%dma_wait3A_427, %dma_wait3A_428, %dma_wait3A_432] : memref<2x4x48xi32, #tpu.memory_space<vmem>> -> memref<1x1x48xi32, #tpu.memory_space<vmem>>
        %dma_wait3A_434 = tpu.memref_squeeze %dma_wait3A_433 : memref<1x1x48xi32, #tpu.memory_space<vmem>> -> memref<48xi32, #tpu.memory_space<vmem>>
        %dma_wait3A_435 = arith.constant 0 : i32
        %dma_wait3A_436 = arith.constant 0 : i32
        %dma_wait3A_437 = tpu.memref_slice %arg12[%dma_wait3A_435, %dma_wait3A_436] : memref<10112x128xf32, #tpu.memory_space<vmem_shared>> -> memref<10112x128xf32, #tpu.memory_space<vmem_shared>>
        tpu.wait_indirect_dma semaphore(%arg19 : memref<!tpu.dma_semaphore, #tpu.memory_space<semaphore_mem>>) src(%dma_wait3A_431 : memref<48x128xf32, #tpu.memory_space<vmem>>) dst(%dma_wait3A_437 : memref<10112x128xf32, #tpu.memory_space<vmem_shared>>)
        %dma_wait3A_438 = arith.constant 0 : i32
        %dma_wait3A_439 = arith.constant 3 : i32
        %dma_wait3A_440 = arith.constant 48 : i32
        %dma_wait3A_441 = arith.constant 0 : i32
        %dma_wait3A_442 = tpu.memref_slice %arg9[%dma_wait3A_440, %dma_wait3A_441] : memref<96x128xf32, #tpu.memory_space<vmem>> -> memref<48x128xf32, #tpu.memory_space<vmem>>
        %dma_wait3A_443 = arith.constant 0 : i32
        %dma_wait3A_444 = tpu.memref_slice %arg6[%dma_wait3A_438, %dma_wait3A_439, %dma_wait3A_443] : memref<2x4x48xi32, #tpu.memory_space<vmem>> -> memref<1x1x48xi32, #tpu.memory_space<vmem>>
        %dma_wait3A_445 = tpu.memref_squeeze %dma_wait3A_444 : memref<1x1x48xi32, #tpu.memory_space<vmem>> -> memref<48xi32, #tpu.memory_space<vmem>>
        %dma_wait3A_446 = arith.constant 0 : i32
        %dma_wait3A_447 = arith.constant 0 : i32
        %dma_wait3A_448 = tpu.memref_slice %arg12[%dma_wait3A_446, %dma_wait3A_447] : memref<10112x128xf32, #tpu.memory_space<vmem_shared>> -> memref<10112x128xf32, #tpu.memory_space<vmem_shared>>
        tpu.wait_indirect_dma semaphore(%arg20 : memref<!tpu.dma_semaphore, #tpu.memory_space<semaphore_mem>>) src(%dma_wait3A_442 : memref<48x128xf32, #tpu.memory_space<vmem>>) dst(%dma_wait3A_448 : memref<10112x128xf32, #tpu.memory_space<vmem_shared>>)
      } else {
      }
      %parallel_loop3A_259 = arith.constant 0 : i32
      %parallel_loop3A_260 = arith.constant 96 : i32
      %parallel_loop3A_261 = arith.constant 1 : i32
      scf.for %parallel_loop3A_427 = %parallel_loop3A_259 to %parallel_loop3A_260 step %parallel_loop3A_261  : i32 {
        %parallel_loop3A_428 = arith.index_cast %parallel_loop3A_427 : i32 to index
        %parallel_loop3A_429 = arith.constant 0 : index
        %parallel_loop3A_430 = tpu.vector_load %arg7[%parallel_loop3A_428, %parallel_loop3A_429] {strides = array<i32>} : memref<96x128xbf16, #tpu.memory_space<vmem>>, vector<32xbf16>,
        %parallel_loop3A_431 = vector.bitcast %parallel_loop3A_430 : vector<32xbf16> to vector<16xi32>
        %parallel_loop3A_432 = arith.constant 16 : i32
        %parallel_loop3A_433 = vector.broadcast %parallel_loop3A_432 : i32 to vector<16xi32>
        %parallel_loop3A_434 = arith.shli %parallel_loop3A_431, %parallel_loop3A_433 : vector<16xi32>
        %parallel_loop3A_435 = vector.bitcast %parallel_loop3A_434 : vector<16xi32> to vector<16xf32>
        %parallel_loop3A_436 = arith.index_cast %parallel_loop3A_427 : i32 to index
        %parallel_loop3A_437 = arith.constant 0 : index
        %parallel_loop3A_438 = tpu.vector_load %arg9[%parallel_loop3A_436, %parallel_loop3A_437] {strides = array<i32>} : memref<96x128xf32, #tpu.memory_space<vmem>>, vector<16xf32>,
        tpu.vector_store %arg9[%parallel_loop3A_436, %parallel_loop3A_437], %parallel_loop3A_435 {strides = array<i32>} : memref<96x128xf32, #tpu.memory_space<vmem>>, vector<16xf32>,
        %parallel_loop3A_439 = arith.andi %parallel_loop3A_431, %broadcast_in_dim3A_16 : vector<16xi32>
        %parallel_loop3A_440 = vector.bitcast %parallel_loop3A_439 : vector<16xi32> to vector<16xf32>
        %parallel_loop3A_441 = arith.index_cast %parallel_loop3A_427 : i32 to index
        %parallel_loop3A_442 = arith.constant 64 : index
        %parallel_loop3A_443 = tpu.vector_load %arg9[%parallel_loop3A_441, %parallel_loop3A_442] {strides = array<i32>} : memref<96x128xf32, #tpu.memory_space<vmem>>, vector<16xf32>,
        tpu.vector_store %arg9[%parallel_loop3A_441, %parallel_loop3A_442], %parallel_loop3A_440 {strides = array<i32>} : memref<96x128xf32, #tpu.memory_space<vmem>>, vector<16xf32>,
        %parallel_loop3A_444 = arith.index_cast %parallel_loop3A_427 : i32 to index
        %parallel_loop3A_445 = arith.constant 32 : index
        %parallel_loop3A_446 = tpu.vector_load %arg7[%parallel_loop3A_444, %parallel_loop3A_445] {strides = array<i32>} : memref<96x128xbf16, #tpu.memory_space<vmem>>, vector<32xbf16>,
        %parallel_loop3A_447 = vector.bitcast %parallel_loop3A_446 : vector<32xbf16> to vector<16xi32>
        %parallel_loop3A_448 = arith.constant 16 : i32
        %parallel_loop3A_449 = vector.broadcast %parallel_loop3A_448 : i32 to vector<16xi32>
        %parallel_loop3A_450 = arith.shli %parallel_loop3A_447, %parallel_loop3A_449 : vector<16xi32>
        %parallel_loop3A_451 = vector.bitcast %parallel_loop3A_450 : vector<16xi32> to vector<16xf32>
        %parallel_loop3A_452 = arith.index_cast %parallel_loop3A_427 : i32 to index
        %parallel_loop3A_453 = arith.constant 16 : index
        %parallel_loop3A_454 = tpu.vector_load %arg9[%parallel_loop3A_452, %parallel_loop3A_453] {strides = array<i32>} : memref<96x128xf32, #tpu.memory_space<vmem>>, vector<16xf32>,
        tpu.vector_store %arg9[%parallel_loop3A_452, %parallel_loop3A_453], %parallel_loop3A_451 {strides = array<i32>} : memref<96x128xf32, #tpu.memory_space<vmem>>, vector<16xf32>,
        %parallel_loop3A_455 = arith.andi %parallel_loop3A_447, %broadcast_in_dim3A_16 : vector<16xi32>
        %parallel_loop3A_456 = vector.bitcast %parallel_loop3A_455 : vector<16xi32> to vector<16xf32>
        %parallel_loop3A_457 = arith.index_cast %parallel_loop3A_427 : i32 to index
        %parallel_loop3A_458 = arith.constant 80 : index
        %parallel_loop3A_459 = tpu.vector_load %arg9[%parallel_loop3A_457, %parallel_loop3A_458] {strides = array<i32>} : memref<96x128xf32, #tpu.memory_space<vmem>>, vector<16xf32>,
        tpu.vector_store %arg9[%parallel_loop3A_457, %parallel_loop3A_458], %parallel_loop3A_456 {strides = array<i32>} : memref<96x128xf32, #tpu.memory_space<vmem>>, vector<16xf32>,
        %parallel_loop3A_460 = arith.index_cast %parallel_loop3A_427 : i32 to index
        %parallel_loop3A_461 = arith.constant 64 : index
        %parallel_loop3A_462 = tpu.vector_load %arg7[%parallel_loop3A_460, %parallel_loop3A_461] {strides = array<i32>} : memref<96x128xbf16, #tpu.memory_space<vmem>>, vector<32xbf16>,
        %parallel_loop3A_463 = vector.bitcast %parallel_loop3A_462 : vector<32xbf16> to vector<16xi32>
        %parallel_loop3A_464 = arith.constant 16 : i32
        %parallel_loop3A_465 = vector.broadcast %parallel_loop3A_464 : i32 to vector<16xi32>
        %parallel_loop3A_466 = arith.shli %parallel_loop3A_463, %parallel_loop3A_465 : vector<16xi32>
        %parallel_loop3A_467 = vector.bitcast %parallel_loop3A_466 : vector<16xi32> to vector<16xf32>
        %parallel_loop3A_468 = arith.index_cast %parallel_loop3A_427 : i32 to index
        %parallel_loop3A_469 = arith.constant 32 : index
        %parallel_loop3A_470 = tpu.vector_load %arg9[%parallel_loop3A_468, %parallel_loop3A_469] {strides = array<i32>} : memref<96x128xf32, #tpu.memory_space<vmem>>, vector<16xf32>,
        tpu.vector_store %arg9[%parallel_loop3A_468, %parallel_loop3A_469], %parallel_loop3A_467 {strides = array<i32>} : memref<96x128xf32, #tpu.memory_space<vmem>>, vector<16xf32>,
        %parallel_loop3A_471 = arith.andi %parallel_loop3A_463, %broadcast_in_dim3A_16 : vector<16xi32>
        %parallel_loop3A_472 = vector.bitcast %parallel_loop3A_471 : vector<16xi32> to vector<16xf32>
        %parallel_loop3A_473 = arith.index_cast %parallel_loop3A_427 : i32 to index
        %parallel_loop3A_474 = arith.constant 96 : index
        %parallel_loop3A_475 = tpu.vector_load %arg9[%parallel_loop3A_473, %parallel_loop3A_474] {strides = array<i32>} : memref<96x128xf32, #tpu.memory_space<vmem>>, vector<16xf32>,
        tpu.vector_store %arg9[%parallel_loop3A_473, %parallel_loop3A_474], %parallel_loop3A_472 {strides = array<i32>} : memref<96x128xf32, #tpu.memory_space<vmem>>, vector<16xf32>,
        %parallel_loop3A_476 = arith.index_cast %parallel_loop3A_427 : i32 to index
        %parallel_loop3A_477 = arith.constant 96 : index
        %parallel_loop3A_478 = tpu.vector_load %arg7[%parallel_loop3A_476, %parallel_loop3A_477] {strides = array<i32>} : memref<96x128xbf16, #tpu.memory_space<vmem>>, vector<32xbf16>,
        %parallel_loop3A_479 = vector.bitcast %parallel_loop3A_478 : vector<32xbf16> to vector<16xi32>
        %parallel_loop3A_480 = arith.constant 16 : i32
        %parallel_loop3A_481 = vector.broadcast %parallel_loop3A_480 : i32 to vector<16xi32>
        %parallel_loop3A_482 = arith.shli %parallel_loop3A_479, %parallel_loop3A_481 : vector<16xi32>
        %parallel_loop3A_483 = vector.bitcast %parallel_loop3A_482 : vector<16xi32> to vector<16xf32>
        %parallel_loop3A_484 = arith.index_cast %parallel_loop3A_427 : i32 to index
        %parallel_loop3A_485 = arith.constant 48 : index
        %parallel_loop3A_486 = tpu.vector_load %arg9[%parallel_loop3A_484, %parallel_loop3A_485] {strides = array<i32>} : memref<96x128xf32, #tpu.memory_space<vmem>>, vector<16xf32>,
        tpu.vector_store %arg9[%parallel_loop3A_484, %parallel_loop3A_485], %parallel_loop3A_483 {strides = array<i32>} : memref<96x128xf32, #tpu.memory_space<vmem>>, vector<16xf32>,
        %parallel_loop3A_487 = arith.andi %parallel_loop3A_479, %broadcast_in_dim3A_16 : vector<16xi32>
        %parallel_loop3A_488 = vector.bitcast %parallel_loop3A_487 : vector<16xi32> to vector<16xf32>
        %parallel_loop3A_489 = arith.index_cast %parallel_loop3A_427 : i32 to index
        %parallel_loop3A_490 = arith.constant 112 : index
        %parallel_loop3A_491 = tpu.vector_load %arg9[%parallel_loop3A_489, %parallel_loop3A_490] {strides = array<i32>} : memref<96x128xf32, #tpu.memory_space<vmem>>, vector<16xf32>,
        tpu.vector_store %arg9[%parallel_loop3A_489, %parallel_loop3A_490], %parallel_loop3A_488 {strides = array<i32>} : memref<96x128xf32, #tpu.memory_space<vmem>>, vector<16xf32>,
      } {sc.loop_unroll_factor = 4 : i64, sc.parallel_access}
      %dma_start3A_262 = arith.constant 0 : i32
      %dma_start3A_263 = arith.constant 2 : i32
      %dma_start3A_264 = arith.constant 0 : i32
      %dma_start3A_265 = arith.constant 0 : i32
      %dma_start3A_266 = tpu.memref_slice %arg9[%dma_start3A_264, %dma_start3A_265] : memref<96x128xf32, #tpu.memory_space<vmem>> -> memref<48x128xf32, #tpu.memory_space<vmem>>
      %dma_start3A_267 = arith.constant 0 : i32
      %dma_start3A_268 = tpu.memref_slice %arg6[%dma_start3A_262, %dma_start3A_263, %dma_start3A_267] : memref<2x4x48xi32, #tpu.memory_space<vmem>> -> memref<1x1x48xi32, #tpu.memory_space<vmem>>
      %dma_start3A_269 = tpu.memref_squeeze %dma_start3A_268 : memref<1x1x48xi32, #tpu.memory_space<vmem>> -> memref<48xi32, #tpu.memory_space<vmem>>
      %dma_start3A_270 = arith.constant 0 : i32
      %dma_start3A_271 = arith.constant 0 : i32
      %dma_start3A_272 = tpu.memref_slice %arg12[%dma_start3A_270, %dma_start3A_271] : memref<10112x128xf32, #tpu.memory_space<vmem_shared>> -> memref<10112x128xf32, #tpu.memory_space<vmem_shared>>
      tpu.enqueue_indirect_dma source(%dma_start3A_266 : memref<48x128xf32, #tpu.memory_space<vmem>>) target(%dma_start3A_272 : memref<10112x128xf32, #tpu.memory_space<vmem_shared>>) offsets(%dma_start3A_269 : memref<48xi32, #tpu.memory_space<vmem>>) semaphore(%arg19 : memref<!tpu.dma_semaphore, #tpu.memory_space<semaphore_mem>>) {add = true}
      %dma_start3A_273 = arith.constant 0 : i32
      %dma_start3A_274 = arith.constant 3 : i32
      %dma_start3A_275 = arith.constant 48 : i32
      %dma_start3A_276 = arith.constant 0 : i32
      %dma_start3A_277 = tpu.memref_slice %arg9[%dma_start3A_275, %dma_start3A_276] : memref<96x128xf32, #tpu.memory_space<vmem>> -> memref<48x128xf32, #tpu.memory_space<vmem>>
      %dma_start3A_278 = arith.constant 0 : i32
      %dma_start3A_279 = tpu.memref_slice %arg6[%dma_start3A_273, %dma_start3A_274, %dma_start3A_278] : memref<2x4x48xi32, #tpu.memory_space<vmem>> -> memref<1x1x48xi32, #tpu.memory_space<vmem>>
      %dma_start3A_280 = tpu.memref_squeeze %dma_start3A_279 : memref<1x1x48xi32, #tpu.memory_space<vmem>> -> memref<48xi32, #tpu.memory_space<vmem>>
      %dma_start3A_281 = arith.constant 0 : i32
      %dma_start3A_282 = arith.constant 0 : i32
      %dma_start3A_283 = tpu.memref_slice %arg12[%dma_start3A_281, %dma_start3A_282] : memref<10112x128xf32, #tpu.memory_space<vmem_shared>> -> memref<10112x128xf32, #tpu.memory_space<vmem_shared>>
      tpu.enqueue_indirect_dma source(%dma_start3A_277 : memref<48x128xf32, #tpu.memory_space<vmem>>) target(%dma_start3A_283 : memref<10112x128xf32, #tpu.memory_space<vmem_shared>>) offsets(%dma_start3A_280 : memref<48xi32, #tpu.memory_space<vmem>>) semaphore(%arg20 : memref<!tpu.dma_semaphore, #tpu.memory_space<semaphore_mem>>) {add = true}
      %add3A_284 = arith.constant 2 : i32
      %add3A_285 = arith.addi %mul3A_186, %add3A_284 : i32
      %add3A_286 = arith.addi %select_n3A_13, %add3A_285 : i32
      %min3A_287 = arith.constant 3359 : i32
      %min3A_288 = arith.minsi %add3A_286, %min3A_287 : i32
      %dma_start3A_289 = arith.constant 0 : i32
      %dma_start3A_290 = arith.constant 0 : i32
      %dma_start3A_291 = arith.constant 0 : i32
      %dma_start3A_292 = tpu.memref_slice %arg6[%dma_start3A_289, %dma_start3A_290, %dma_start3A_291] : memref<2x4x48xi32, #tpu.memory_space<vmem>> -> memref<1x4x48xi32, #tpu.memory_space<vmem>>
      %dma_start3A_293 = tpu.memref_squeeze %dma_start3A_292 : memref<1x4x48xi32, #tpu.memory_space<vmem>> -> memref<4x48xi32, #tpu.memory_space<vmem>>
      %dma_start3A_294 = arith.constant 0 : i32
      %dma_start3A_295 = arith.constant 0 : i32
      %dma_start3A_296 = tpu.memref_slice %arg3[%min3A_288, %dma_start3A_294, %dma_start3A_295] : memref<3360x4x48xi32, #tpu.memory_space<hbm>> -> memref<1x4x48xi32, #tpu.memory_space<hbm>>
      %dma_start3A_297 = tpu.memref_squeeze %dma_start3A_296 : memref<1x4x48xi32, #tpu.memory_space<hbm>> -> memref<4x48xi32, #tpu.memory_space<hbm>>
      %dma_start3A_298 = arith.constant 0 : i32
      %dma_start3A_299 = arith.constant 0 : i32
      %dma_start3A_300 = tpu.memref_slice %arg6[%dma_start3A_289, %dma_start3A_298, %dma_start3A_299] : memref<2x4x48xi32, #tpu.memory_space<vmem>> -> memref<1x4x48xi32, #tpu.memory_space<vmem>>
      %dma_start3A_301 = tpu.memref_squeeze %dma_start3A_300 : memref<1x4x48xi32, #tpu.memory_space<vmem>> -> memref<4x48xi32, #tpu.memory_space<vmem>>
      %dma_start3A_302 = arith.constant 0 : i32
      %dma_start3A_303 = arith.constant 0 : i32
      %dma_start3A_304 = tpu.memref_slice %arg3[%min3A_288, %dma_start3A_302, %dma_start3A_303] : memref<3360x4x48xi32, #tpu.memory_space<hbm>> -> memref<1x4x48xi32, #tpu.memory_space<hbm>>
      %dma_start3A_305 = tpu.memref_squeeze %dma_start3A_304 : memref<1x4x48xi32, #tpu.memory_space<hbm>> -> memref<4x48xi32, #tpu.memory_space<hbm>>
      tpu.enqueue_dma source(%dma_start3A_305 : memref<4x48xi32, #tpu.memory_space<hbm>>) target(%dma_start3A_301 : memref<4x48xi32, #tpu.memory_space<vmem>>) target_semaphore(%arg13 : memref<!tpu.dma_semaphore, #tpu.memory_space<semaphore_mem>>)
      %add3A_306 = arith.constant 1 : i32
      %add3A_307 = arith.addi %mul3A_186, %add3A_306 : i32
      %add3A_308 = arith.constant 0 : i32
      %add3A_309 = arith.addi %select_n3A_13, %add3A_308 : i32
      %min3A_310 = arith.constant 3359 : i32
      %min3A_311 = arith.minsi %add3A_309, %min3A_310 : i32
      %dma_wait3A_312 = arith.constant 0 : i32
      %dma_wait3A_313 = arith.constant 0 : i32
      %dma_wait3A_314 = arith.constant 0 : i32
      %dma_wait3A_315 = tpu.memref_slice %arg6[%dma_wait3A_312, %dma_wait3A_313, %dma_wait3A_314] : memref<2x4x48xi32, #tpu.memory_space<vmem>> -> memref<1x4x48xi32, #tpu.memory_space<vmem>>
      %dma_wait3A_316 = tpu.memref_squeeze %dma_wait3A_315 : memref<1x4x48xi32, #tpu.memory_space<vmem>> -> memref<4x48xi32, #tpu.memory_space<vmem>>
      %dma_wait3A_317 = arith.constant 0 : i32
      %dma_wait3A_318 = arith.constant 0 : i32
      %dma_wait3A_319 = tpu.memref_slice %arg3[%min3A_311, %dma_wait3A_317, %dma_wait3A_318] : memref<3360x4x48xi32, #tpu.memory_space<hbm>> -> memref<1x4x48xi32, #tpu.memory_space<hbm>>
      %dma_wait3A_320 = tpu.memref_squeeze %dma_wait3A_319 : memref<1x4x48xi32, #tpu.memory_space<hbm>> -> memref<4x48xi32, #tpu.memory_space<hbm>>
      %dma_wait3A_321 = arith.constant 0 : i32
      %dma_wait3A_322 = arith.constant 0 : i32
      %dma_wait3A_323 = tpu.memref_slice %arg6[%dma_wait3A_312, %dma_wait3A_321, %dma_wait3A_322] : memref<2x4x48xi32, #tpu.memory_space<vmem>> -> memref<1x4x48xi32, #tpu.memory_space<vmem>>
      %dma_wait3A_324 = tpu.memref_squeeze %dma_wait3A_323 : memref<1x4x48xi32, #tpu.memory_space<vmem>> -> memref<4x48xi32, #tpu.memory_space<vmem>>
      %dma_wait3A_325 = arith.constant 0 : i32
      %dma_wait3A_326 = arith.constant 0 : i32
      %dma_wait3A_327 = tpu.memref_slice %arg3[%min3A_311, %dma_wait3A_325, %dma_wait3A_326] : memref<3360x4x48xi32, #tpu.memory_space<hbm>> -> memref<1x4x48xi32, #tpu.memory_space<hbm>>
      %dma_wait3A_328 = tpu.memref_squeeze %dma_wait3A_327 : memref<1x4x48xi32, #tpu.memory_space<hbm>> -> memref<4x48xi32, #tpu.memory_space<hbm>>
      tpu.wait_dma2 semaphore(%arg13 : memref<!tpu.dma_semaphore, #tpu.memory_space<semaphore_mem>>) src(%dma_wait3A_328 : memref<4x48xi32, #tpu.memory_space<hbm>>) dst(%dma_wait3A_324 : memref<4x48xi32, #tpu.memory_space<vmem>>)
      %add3A_329 = arith.constant 1 : i32
      %add3A_330 = arith.addi %add3A_307, %add3A_329 : i32
      %dma_start3A_331 = arith.constant 0 : i32
      %dma_start3A_332 = arith.constant 0 : i32
      %dma_start3A_333 = arith.constant 0 : i32
      %dma_start3A_334 = arith.constant 0 : i32
      %dma_start3A_335 = tpu.memref_slice %arg7[%dma_start3A_333, %dma_start3A_334] : memref<96x128xbf16, #tpu.memory_space<vmem>> -> memref<48x128xbf16, #tpu.memory_space<vmem>>
      %dma_start3A_336 = arith.constant 0 : i32
      %dma_start3A_337 = tpu.memref_slice %arg6[%dma_start3A_331, %dma_start3A_332, %dma_start3A_336] : memref<2x4x48xi32, #tpu.memory_space<vmem>> -> memref<1x1x48xi32, #tpu.memory_space<vmem>>
      %dma_start3A_338 = tpu.memref_squeeze %dma_start3A_337 : memref<1x1x48xi32, #tpu.memory_space<vmem>> -> memref<48xi32, #tpu.memory_space<vmem>>
      %dma_start3A_339 = arith.constant 0 : i32
      %dma_start3A_340 = arith.constant 0 : i32
      %dma_start3A_341 = tpu.memref_slice %arg2[%dma_start3A_339, %dma_start3A_340] : memref<10000x128xbf16, #tpu.memory_space<hbm>> -> memref<10000x128xbf16, #tpu.memory_space<hbm>>
      tpu.enqueue_indirect_dma source(%dma_start3A_341 : memref<10000x128xbf16, #tpu.memory_space<hbm>>) target(%dma_start3A_335 : memref<48x128xbf16, #tpu.memory_space<vmem>>) offsets(%dma_start3A_338 : memref<48xi32, #tpu.memory_space<vmem>>) semaphore(%arg15 : memref<!tpu.dma_semaphore, #tpu.memory_space<semaphore_mem>>)
      %dma_start3A_342 = arith.constant 0 : i32
      %dma_start3A_343 = arith.constant 1 : i32
      %dma_start3A_344 = arith.constant 48 : i32
      %dma_start3A_345 = arith.constant 0 : i32
      %dma_start3A_346 = tpu.memref_slice %arg7[%dma_start3A_344, %dma_start3A_345] : memref<96x128xbf16, #tpu.memory_space<vmem>> -> memref<48x128xbf16, #tpu.memory_space<vmem>>
      %dma_start3A_347 = arith.constant 0 : i32
      %dma_start3A_348 = tpu.memref_slice %arg6[%dma_start3A_342, %dma_start3A_343, %dma_start3A_347] : memref<2x4x48xi32, #tpu.memory_space<vmem>> -> memref<1x1x48xi32, #tpu.memory_space<vmem>>
      %dma_start3A_349 = tpu.memref_squeeze %dma_start3A_348 : memref<1x1x48xi32, #tpu.memory_space<vmem>> -> memref<48xi32, #tpu.memory_space<vmem>>
      %dma_start3A_350 = arith.constant 0 : i32
      %dma_start3A_351 = arith.constant 0 : i32
      %dma_start3A_352 = tpu.memref_slice %arg2[%dma_start3A_350, %dma_start3A_351] : memref<10000x128xbf16, #tpu.memory_space<hbm>> -> memref<10000x128xbf16, #tpu.memory_space<hbm>>
      tpu.enqueue_indirect_dma source(%dma_start3A_352 : memref<10000x128xbf16, #tpu.memory_space<hbm>>) target(%dma_start3A_346 : memref<48x128xbf16, #tpu.memory_space<vmem>>) offsets(%dma_start3A_349 : memref<48xi32, #tpu.memory_space<vmem>>) semaphore(%arg17 : memref<!tpu.dma_semaphore, #tpu.memory_space<semaphore_mem>>)
      %dma_wait3A_353 = arith.constant 1 : i32
      %dma_wait3A_354 = arith.constant 0 : i32
      %dma_wait3A_355 = arith.constant 0 : i32
      %dma_wait3A_356 = arith.constant 0 : i32
      %dma_wait3A_357 = tpu.memref_slice %arg8[%dma_wait3A_355, %dma_wait3A_356] : memref<96x128xbf16, #tpu.memory_space<vmem>> -> memref<48x128xbf16, #tpu.memory_space<vmem>>
      %dma_wait3A_358 = arith.constant 0 : i32
      %dma_wait3A_359 = tpu.memref_slice %arg6[%dma_wait3A_353, %dma_wait3A_354, %dma_wait3A_358] : memref<2x4x48xi32, #tpu.memory_space<vmem>> -> memref<1x1x48xi32, #tpu.memory_space<vmem>>
      %dma_wait3A_360 = tpu.memref_squeeze %dma_wait3A_359 : memref<1x1x48xi32, #tpu.memory_space<vmem>> -> memref<48xi32, #tpu.memory_space<vmem>>
      %dma_wait3A_361 = arith.constant 0 : i32
      %dma_wait3A_362 = arith.constant 0 : i32
      %dma_wait3A_363 = tpu.memref_slice %arg2[%dma_wait3A_361, %dma_wait3A_362] : memref<10000x128xbf16, #tpu.memory_space<hbm>> -> memref<10000x128xbf16, #tpu.memory_space<hbm>>
      tpu.wait_indirect_dma semaphore(%arg16 : memref<!tpu.dma_semaphore, #tpu.memory_space<semaphore_mem>>) src(%dma_wait3A_363 : memref<10000x128xbf16, #tpu.memory_space<hbm>>) dst(%dma_wait3A_357 : memref<48x128xbf16, #tpu.memory_space<vmem>>)
      %dma_wait3A_364 = arith.constant 1 : i32
      %dma_wait3A_365 = arith.constant 1 : i32
      %dma_wait3A_366 = arith.constant 48 : i32
      %dma_wait3A_367 = arith.constant 0 : i32
      %dma_wait3A_368 = tpu.memref_slice %arg8[%dma_wait3A_366, %dma_wait3A_367] : memref<96x128xbf16, #tpu.memory_space<vmem>> -> memref<48x128xbf16, #tpu.memory_space<vmem>>
      %dma_wait3A_369 = arith.constant 0 : i32
      %dma_wait3A_370 = tpu.memref_slice %arg6[%dma_wait3A_364, %dma_wait3A_365, %dma_wait3A_369] : memref<2x4x48xi32, #tpu.memory_space<vmem>> -> memref<1x1x48xi32, #tpu.memory_space<vmem>>
      %dma_wait3A_371 = tpu.memref_squeeze %dma_wait3A_370 : memref<1x1x48xi32, #tpu.memory_space<vmem>> -> memref<48xi32, #tpu.memory_space<vmem>>
      %dma_wait3A_372 = arith.constant 0 : i32
      %dma_wait3A_373 = arith.constant 0 : i32
      %dma_wait3A_374 = tpu.memref_slice %arg2[%dma_wait3A_372, %dma_wait3A_373] : memref<10000x128xbf16, #tpu.memory_space<hbm>> -> memref<10000x128xbf16, #tpu.memory_space<hbm>>
      tpu.wait_indirect_dma semaphore(%arg18 : memref<!tpu.dma_semaphore, #tpu.memory_space<semaphore_mem>>) src(%dma_wait3A_374 : memref<10000x128xbf16, #tpu.memory_space<hbm>>) dst(%dma_wait3A_368 : memref<48x128xbf16, #tpu.memory_space<vmem>>)
      %gt3A_375 = arith.constant 0 : i32
      %gt3A_376 = arith.cmpi sgt, %add3A_307, %gt3A_375 : i32
      %convert_element_type3A_377 = arith.extui %gt3A_376 : i1 to i32
      %cond3A_378 = arith.constant 0 : i32
      %cond3A_379 = arith.cmpi ne, %convert_element_type3A_377, %cond3A_378 : i32
      scf.if %cond3A_379 {
        %dma_wait3A_427 = arith.constant 1 : i32
        %dma_wait3A_428 = arith.constant 2 : i32
        %dma_wait3A_429 = arith.constant 0 : i32
        %dma_wait3A_430 = arith.constant 0 : i32
        %dma_wait3A_431 = tpu.memref_slice %arg10[%dma_wait3A_429, %dma_wait3A_430] : memref<96x128xf32, #tpu.memory_space<vmem>> -> memref<48x128xf32, #tpu.memory_space<vmem>>
        %dma_wait3A_432 = arith.constant 0 : i32
        %dma_wait3A_433 = tpu.memref_slice %arg6[%dma_wait3A_427, %dma_wait3A_428, %dma_wait3A_432] : memref<2x4x48xi32, #tpu.memory_space<vmem>> -> memref<1x1x48xi32, #tpu.memory_space<vmem>>
        %dma_wait3A_434 = tpu.memref_squeeze %dma_wait3A_433 : memref<1x1x48xi32, #tpu.memory_space<vmem>> -> memref<48xi32, #tpu.memory_space<vmem>>
        %dma_wait3A_435 = arith.constant 0 : i32
        %dma_wait3A_436 = arith.constant 0 : i32
        %dma_wait3A_437 = tpu.memref_slice %arg12[%dma_wait3A_435, %dma_wait3A_436] : memref<10112x128xf32, #tpu.memory_space<vmem_shared>> -> memref<10112x128xf32, #tpu.memory_space<vmem_shared>>
        tpu.wait_indirect_dma semaphore(%arg19 : memref<!tpu.dma_semaphore, #tpu.memory_space<semaphore_mem>>) src(%dma_wait3A_431 : memref<48x128xf32, #tpu.memory_space<vmem>>) dst(%dma_wait3A_437 : memref<10112x128xf32, #tpu.memory_space<vmem_shared>>)
        %dma_wait3A_438 = arith.constant 1 : i32
        %dma_wait3A_439 = arith.constant 3 : i32
        %dma_wait3A_440 = arith.constant 48 : i32
        %dma_wait3A_441 = arith.constant 0 : i32
        %dma_wait3A_442 = tpu.memref_slice %arg10[%dma_wait3A_440, %dma_wait3A_441] : memref<96x128xf32, #tpu.memory_space<vmem>> -> memref<48x128xf32, #tpu.memory_space<vmem>>
        %dma_wait3A_443 = arith.constant 0 : i32
        %dma_wait3A_444 = tpu.memref_slice %arg6[%dma_wait3A_438, %dma_wait3A_439, %dma_wait3A_443] : memref<2x4x48xi32, #tpu.memory_space<vmem>> -> memref<1x1x48xi32, #tpu.memory_space<vmem>>
        %dma_wait3A_445 = tpu.memref_squeeze %dma_wait3A_444 : memref<1x1x48xi32, #tpu.memory_space<vmem>> -> memref<48xi32, #tpu.memory_space<vmem>>
        %dma_wait3A_446 = arith.constant 0 : i32
        %dma_wait3A_447 = arith.constant 0 : i32
        %dma_wait3A_448 = tpu.memref_slice %arg12[%dma_wait3A_446, %dma_wait3A_447] : memref<10112x128xf32, #tpu.memory_space<vmem_shared>> -> memref<10112x128xf32, #tpu.memory_space<vmem_shared>>
        tpu.wait_indirect_dma semaphore(%arg20 : memref<!tpu.dma_semaphore, #tpu.memory_space<semaphore_mem>>) src(%dma_wait3A_442 : memref<48x128xf32, #tpu.memory_space<vmem>>) dst(%dma_wait3A_448 : memref<10112x128xf32, #tpu.memory_space<vmem_shared>>)
      } else {
      }
      %parallel_loop3A_380 = arith.constant 0 : i32
      %parallel_loop3A_381 = arith.constant 96 : i32
      %parallel_loop3A_382 = arith.constant 1 : i32
      scf.for %parallel_loop3A_427 = %parallel_loop3A_380 to %parallel_loop3A_381 step %parallel_loop3A_382  : i32 {
        %parallel_loop3A_428 = arith.index_cast %parallel_loop3A_427 : i32 to index
        %parallel_loop3A_429 = arith.constant 0 : index
        %parallel_loop3A_430 = tpu.vector_load %arg8[%parallel_loop3A_428, %parallel_loop3A_429] {strides = array<i32>} : memref<96x128xbf16, #tpu.memory_space<vmem>>, vector<32xbf16>,
        %parallel_loop3A_431 = vector.bitcast %parallel_loop3A_430 : vector<32xbf16> to vector<16xi32>
        %parallel_loop3A_432 = arith.constant 16 : i32
        %parallel_loop3A_433 = vector.broadcast %parallel_loop3A_432 : i32 to vector<16xi32>
        %parallel_loop3A_434 = arith.shli %parallel_loop3A_431, %parallel_loop3A_433 : vector<16xi32>
        %parallel_loop3A_435 = vector.bitcast %parallel_loop3A_434 : vector<16xi32> to vector<16xf32>
        %parallel_loop3A_436 = arith.index_cast %parallel_loop3A_427 : i32 to index
        %parallel_loop3A_437 = arith.constant 0 : index
        %parallel_loop3A_438 = tpu.vector_load %arg10[%parallel_loop3A_436, %parallel_loop3A_437] {strides = array<i32>} : memref<96x128xf32, #tpu.memory_space<vmem>>, vector<16xf32>,
        tpu.vector_store %arg10[%parallel_loop3A_436, %parallel_loop3A_437], %parallel_loop3A_435 {strides = array<i32>} : memref<96x128xf32, #tpu.memory_space<vmem>>, vector<16xf32>,
        %parallel_loop3A_439 = arith.andi %parallel_loop3A_431, %broadcast_in_dim3A_16 : vector<16xi32>
        %parallel_loop3A_440 = vector.bitcast %parallel_loop3A_439 : vector<16xi32> to vector<16xf32>
        %parallel_loop3A_441 = arith.index_cast %parallel_loop3A_427 : i32 to index
        %parallel_loop3A_442 = arith.constant 64 : index
        %parallel_loop3A_443 = tpu.vector_load %arg10[%parallel_loop3A_441, %parallel_loop3A_442] {strides = array<i32>} : memref<96x128xf32, #tpu.memory_space<vmem>>, vector<16xf32>,
        tpu.vector_store %arg10[%parallel_loop3A_441, %parallel_loop3A_442], %parallel_loop3A_440 {strides = array<i32>} : memref<96x128xf32, #tpu.memory_space<vmem>>, vector<16xf32>,
        %parallel_loop3A_444 = arith.index_cast %parallel_loop3A_427 : i32 to index
        %parallel_loop3A_445 = arith.constant 32 : index
        %parallel_loop3A_446 = tpu.vector_load %arg8[%parallel_loop3A_444, %parallel_loop3A_445] {strides = array<i32>} : memref<96x128xbf16, #tpu.memory_space<vmem>>, vector<32xbf16>,
        %parallel_loop3A_447 = vector.bitcast %parallel_loop3A_446 : vector<32xbf16> to vector<16xi32>
        %parallel_loop3A_448 = arith.constant 16 : i32
        %parallel_loop3A_449 = vector.broadcast %parallel_loop3A_448 : i32 to vector<16xi32>
        %parallel_loop3A_450 = arith.shli %parallel_loop3A_447, %parallel_loop3A_449 : vector<16xi32>
        %parallel_loop3A_451 = vector.bitcast %parallel_loop3A_450 : vector<16xi32> to vector<16xf32>
        %parallel_loop3A_452 = arith.index_cast %parallel_loop3A_427 : i32 to index
        %parallel_loop3A_453 = arith.constant 16 : index
        %parallel_loop3A_454 = tpu.vector_load %arg10[%parallel_loop3A_452, %parallel_loop3A_453] {strides = array<i32>} : memref<96x128xf32, #tpu.memory_space<vmem>>, vector<16xf32>,
        tpu.vector_store %arg10[%parallel_loop3A_452, %parallel_loop3A_453], %parallel_loop3A_451 {strides = array<i32>} : memref<96x128xf32, #tpu.memory_space<vmem>>, vector<16xf32>,
        %parallel_loop3A_455 = arith.andi %parallel_loop3A_447, %broadcast_in_dim3A_16 : vector<16xi32>
        %parallel_loop3A_456 = vector.bitcast %parallel_loop3A_455 : vector<16xi32> to vector<16xf32>
        %parallel_loop3A_457 = arith.index_cast %parallel_loop3A_427 : i32 to index
        %parallel_loop3A_458 = arith.constant 80 : index
        %parallel_loop3A_459 = tpu.vector_load %arg10[%parallel_loop3A_457, %parallel_loop3A_458] {strides = array<i32>} : memref<96x128xf32, #tpu.memory_space<vmem>>, vector<16xf32>,
        tpu.vector_store %arg10[%parallel_loop3A_457, %parallel_loop3A_458], %parallel_loop3A_456 {strides = array<i32>} : memref<96x128xf32, #tpu.memory_space<vmem>>, vector<16xf32>,
        %parallel_loop3A_460 = arith.index_cast %parallel_loop3A_427 : i32 to index
        %parallel_loop3A_461 = arith.constant 64 : index
        %parallel_loop3A_462 = tpu.vector_load %arg8[%parallel_loop3A_460, %parallel_loop3A_461] {strides = array<i32>} : memref<96x128xbf16, #tpu.memory_space<vmem>>, vector<32xbf16>,
        %parallel_loop3A_463 = vector.bitcast %parallel_loop3A_462 : vector<32xbf16> to vector<16xi32>
        %parallel_loop3A_464 = arith.constant 16 : i32
        %parallel_loop3A_465 = vector.broadcast %parallel_loop3A_464 : i32 to vector<16xi32>
        %parallel_loop3A_466 = arith.shli %parallel_loop3A_463, %parallel_loop3A_465 : vector<16xi32>
        %parallel_loop3A_467 = vector.bitcast %parallel_loop3A_466 : vector<16xi32> to vector<16xf32>
        %parallel_loop3A_468 = arith.index_cast %parallel_loop3A_427 : i32 to index
        %parallel_loop3A_469 = arith.constant 32 : index
        %parallel_loop3A_470 = tpu.vector_load %arg10[%parallel_loop3A_468, %parallel_loop3A_469] {strides = array<i32>} : memref<96x128xf32, #tpu.memory_space<vmem>>, vector<16xf32>,
        tpu.vector_store %arg10[%parallel_loop3A_468, %parallel_loop3A_469], %parallel_loop3A_467 {strides = array<i32>} : memref<96x128xf32, #tpu.memory_space<vmem>>, vector<16xf32>,
        %parallel_loop3A_471 = arith.andi %parallel_loop3A_463, %broadcast_in_dim3A_16 : vector<16xi32>
        %parallel_loop3A_472 = vector.bitcast %parallel_loop3A_471 : vector<16xi32> to vector<16xf32>
        %parallel_loop3A_473 = arith.index_cast %parallel_loop3A_427 : i32 to index
        %parallel_loop3A_474 = arith.constant 96 : index
        %parallel_loop3A_475 = tpu.vector_load %arg10[%parallel_loop3A_473, %parallel_loop3A_474] {strides = array<i32>} : memref<96x128xf32, #tpu.memory_space<vmem>>, vector<16xf32>,
        tpu.vector_store %arg10[%parallel_loop3A_473, %parallel_loop3A_474], %parallel_loop3A_472 {strides = array<i32>} : memref<96x128xf32, #tpu.memory_space<vmem>>, vector<16xf32>,
        %parallel_loop3A_476 = arith.index_cast %parallel_loop3A_427 : i32 to index
        %parallel_loop3A_477 = arith.constant 96 : index
        %parallel_loop3A_478 = tpu.vector_load %arg8[%parallel_loop3A_476, %parallel_loop3A_477] {strides = array<i32>} : memref<96x128xbf16, #tpu.memory_space<vmem>>, vector<32xbf16>,
        %parallel_loop3A_479 = vector.bitcast %parallel_loop3A_478 : vector<32xbf16> to vector<16xi32>
        %parallel_loop3A_480 = arith.constant 16 : i32
        %parallel_loop3A_481 = vector.broadcast %parallel_loop3A_480 : i32 to vector<16xi32>
        %parallel_loop3A_482 = arith.shli %parallel_loop3A_479, %parallel_loop3A_481 : vector<16xi32>
        %parallel_loop3A_483 = vector.bitcast %parallel_loop3A_482 : vector<16xi32> to vector<16xf32>
        %parallel_loop3A_484 = arith.index_cast %parallel_loop3A_427 : i32 to index
        %parallel_loop3A_485 = arith.constant 48 : index
        %parallel_loop3A_486 = tpu.vector_load %arg10[%parallel_loop3A_484, %parallel_loop3A_485] {strides = array<i32>} : memref<96x128xf32, #tpu.memory_space<vmem>>, vector<16xf32>,
        tpu.vector_store %arg10[%parallel_loop3A_484, %parallel_loop3A_485], %parallel_loop3A_483 {strides = array<i32>} : memref<96x128xf32, #tpu.memory_space<vmem>>, vector<16xf32>,
        %parallel_loop3A_487 = arith.andi %parallel_loop3A_479, %broadcast_in_dim3A_16 : vector<16xi32>
        %parallel_loop3A_488 = vector.bitcast %parallel_loop3A_487 : vector<16xi32> to vector<16xf32>
        %parallel_loop3A_489 = arith.index_cast %parallel_loop3A_427 : i32 to index
        %parallel_loop3A_490 = arith.constant 112 : index
        %parallel_loop3A_491 = tpu.vector_load %arg10[%parallel_loop3A_489, %parallel_loop3A_490] {strides = array<i32>} : memref<96x128xf32, #tpu.memory_space<vmem>>, vector<16xf32>,
        tpu.vector_store %arg10[%parallel_loop3A_489, %parallel_loop3A_490], %parallel_loop3A_488 {strides = array<i32>} : memref<96x128xf32, #tpu.memory_space<vmem>>, vector<16xf32>,
      } {sc.loop_unroll_factor = 4 : i64, sc.parallel_access}
      %dma_start3A_383 = arith.constant 1 : i32
      %dma_start3A_384 = arith.constant 2 : i32
      %dma_start3A_385 = arith.constant 0 : i32
      %dma_start3A_386 = arith.constant 0 : i32
      %dma_start3A_387 = tpu.memref_slice %arg10[%dma_start3A_385, %dma_start3A_386] : memref<96x128xf32, #tpu.memory_space<vmem>> -> memref<48x128xf32, #tpu.memory_space<vmem>>
      %dma_start3A_388 = arith.constant 0 : i32
      %dma_start3A_389 = tpu.memref_slice %arg6[%dma_start3A_383, %dma_start3A_384, %dma_start3A_388] : memref<2x4x48xi32, #tpu.memory_space<vmem>> -> memref<1x1x48xi32, #tpu.memory_space<vmem>>
      %dma_start3A_390 = tpu.memref_squeeze %dma_start3A_389 : memref<1x1x48xi32, #tpu.memory_space<vmem>> -> memref<48xi32, #tpu.memory_space<vmem>>
      %dma_start3A_391 = arith.constant 0 : i32
      %dma_start3A_392 = arith.constant 0 : i32
      %dma_start3A_393 = tpu.memref_slice %arg12[%dma_start3A_391, %dma_start3A_392] : memref<10112x128xf32, #tpu.memory_space<vmem_shared>> -> memref<10112x128xf32, #tpu.memory_space<vmem_shared>>
      tpu.enqueue_indirect_dma source(%dma_start3A_387 : memref<48x128xf32, #tpu.memory_space<vmem>>) target(%dma_start3A_393 : memref<10112x128xf32, #tpu.memory_space<vmem_shared>>) offsets(%dma_start3A_390 : memref<48xi32, #tpu.memory_space<vmem>>) semaphore(%arg19 : memref<!tpu.dma_semaphore, #tpu.memory_space<semaphore_mem>>) {add = true}
      %dma_start3A_394 = arith.constant 1 : i32
      %dma_start3A_395 = arith.constant 3 : i32
      %dma_start3A_396 = arith.constant 48 : i32
      %dma_start3A_397 = arith.constant 0 : i32
      %dma_start3A_398 = tpu.memref_slice %arg10[%dma_start3A_396, %dma_start3A_397] : memref<96x128xf32, #tpu.memory_space<vmem>> -> memref<48x128xf32, #tpu.memory_space<vmem>>
      %dma_start3A_399 = arith.constant 0 : i32
      %dma_start3A_400 = tpu.memref_slice %arg6[%dma_start3A_394, %dma_start3A_395, %dma_start3A_399] : memref<2x4x48xi32, #tpu.memory_space<vmem>> -> memref<1x1x48xi32, #tpu.memory_space<vmem>>
      %dma_start3A_401 = tpu.memref_squeeze %dma_start3A_400 : memref<1x1x48xi32, #tpu.memory_space<vmem>> -> memref<48xi32, #tpu.memory_space<vmem>>
      %dma_start3A_402 = arith.constant 0 : i32
      %dma_start3A_403 = arith.constant 0 : i32
      %dma_start3A_404 = tpu.memref_slice %arg12[%dma_start3A_402, %dma_start3A_403] : memref<10112x128xf32, #tpu.memory_space<vmem_shared>> -> memref<10112x128xf32, #tpu.memory_space<vmem_shared>>
      tpu.enqueue_indirect_dma source(%dma_start3A_398 : memref<48x128xf32, #tpu.memory_space<vmem>>) target(%dma_start3A_404 : memref<10112x128xf32, #tpu.memory_space<vmem_shared>>) offsets(%dma_start3A_401 : memref<48xi32, #tpu.memory_space<vmem>>) semaphore(%arg20 : memref<!tpu.dma_semaphore, #tpu.memory_space<semaphore_mem>>) {add = true}
      %add3A_405 = arith.constant 2 : i32
      %add3A_406 = arith.addi %add3A_307, %add3A_405 : i32
      %add3A_407 = arith.addi %select_n3A_13, %add3A_406 : i32
      %min3A_408 = arith.constant 3359 : i32
      %min3A_409 = arith.minsi %add3A_407, %min3A_408 : i32
      %dma_start3A_410 = arith.constant 1 : i32
      %dma_start3A_411 = arith.constant 0 : i32
      %dma_start3A_412 = arith.constant 0 : i32
      %dma_start3A_413 = tpu.memref_slice %arg6[%dma_start3A_410, %dma_start3A_411, %dma_start3A_412] : memref<2x4x48xi32, #tpu.memory_space<vmem>> -> memref<1x4x48xi32, #tpu.memory_space<vmem>>
      %dma_start3A_414 = tpu.memref_squeeze %dma_start3A_413 : memref<1x4x48xi32, #tpu.memory_space<vmem>> -> memref<4x48xi32, #tpu.memory_space<vmem>>
      %dma_start3A_415 = arith.constant 0 : i32
      %dma_start3A_416 = arith.constant 0 : i32
      %dma_start3A_417 = tpu.memref_slice %arg3[%min3A_409, %dma_start3A_415, %dma_start3A_416] : memref<3360x4x48xi32, #tpu.memory_space<hbm>> -> memref<1x4x48xi32, #tpu.memory_space<hbm>>
      %dma_start3A_418 = tpu.memref_squeeze %dma_start3A_417 : memref<1x4x48xi32, #tpu.memory_space<hbm>> -> memref<4x48xi32, #tpu.memory_space<hbm>>
      %dma_start3A_419 = arith.constant 0 : i32
      %dma_start3A_420 = arith.constant 0 : i32
      %dma_start3A_421 = tpu.memref_slice %arg6[%dma_start3A_410, %dma_start3A_419, %dma_start3A_420] : memref<2x4x48xi32, #tpu.memory_space<vmem>> -> memref<1x4x48xi32, #tpu.memory_space<vmem>>
      %dma_start3A_422 = tpu.memref_squeeze %dma_start3A_421 : memref<1x4x48xi32, #tpu.memory_space<vmem>> -> memref<4x48xi32, #tpu.memory_space<vmem>>
      %dma_start3A_423 = arith.constant 0 : i32
      %dma_start3A_424 = arith.constant 0 : i32
      %dma_start3A_425 = tpu.memref_slice %arg3[%min3A_409, %dma_start3A_423, %dma_start3A_424] : memref<3360x4x48xi32, #tpu.memory_space<hbm>> -> memref<1x4x48xi32, #tpu.memory_space<hbm>>
      %dma_start3A_426 = tpu.memref_squeeze %dma_start3A_425 : memref<1x4x48xi32, #tpu.memory_space<hbm>> -> memref<4x48xi32, #tpu.memory_space<hbm>>
      tpu.enqueue_dma source(%dma_start3A_426 : memref<4x48xi32, #tpu.memory_space<hbm>>) target(%dma_start3A_422 : memref<4x48xi32, #tpu.memory_space<vmem>>) target_semaphore(%arg14 : memref<!tpu.dma_semaphore, #tpu.memory_space<semaphore_mem>>)
    }
    %add3A_91 = arith.constant 0 : i32
    %add3A_92 = arith.addi %select_n3A_13, %add3A_91 : i32
    %min3A_93 = arith.constant 3359 : i32
    %min3A_94 = arith.minsi %add3A_92, %min3A_93 : i32
    %dma_wait3A = arith.constant 1 : i32
    %dma_wait3A_95 = arith.constant 0 : i32
    %dma_wait3A_96 = arith.constant 0 : i32
    %dma_wait3A_97 = tpu.memref_slice %arg6[%dma_wait3A, %dma_wait3A_95, %dma_wait3A_96] : memref<2x4x48xi32, #tpu.memory_space<vmem>> -> memref<1x4x48xi32, #tpu.memory_space<vmem>>
    %dma_wait3A_98 = tpu.memref_squeeze %dma_wait3A_97 : memref<1x4x48xi32, #tpu.memory_space<vmem>> -> memref<4x48xi32, #tpu.memory_space<vmem>>
    %dma_wait3A_99 = arith.constant 0 : i32
    %dma_wait3A_100 = arith.constant 0 : i32
    %dma_wait3A_101 = tpu.memref_slice %arg3[%min3A_94, %dma_wait3A_99, %dma_wait3A_100] : memref<3360x4x48xi32, #tpu.memory_space<hbm>> -> memref<1x4x48xi32, #tpu.memory_space<hbm>>
    %dma_wait3A_102 = tpu.memref_squeeze %dma_wait3A_101 : memref<1x4x48xi32, #tpu.memory_space<hbm>> -> memref<4x48xi32, #tpu.memory_space<hbm>>
    %dma_wait3A_103 = arith.constant 0 : i32
    %dma_wait3A_104 = arith.constant 0 : i32
    %dma_wait3A_105 = tpu.memref_slice %arg6[%dma_wait3A, %dma_wait3A_103, %dma_wait3A_104] : memref<2x4x48xi32, #tpu.memory_space<vmem>> -> memref<1x4x48xi32, #tpu.memory_space<vmem>>
    %dma_wait3A_106 = tpu.memref_squeeze %dma_wait3A_105 : memref<1x4x48xi32, #tpu.memory_space<vmem>> -> memref<4x48xi32, #tpu.memory_space<vmem>>
    %dma_wait3A_107 = arith.constant 0 : i32
    %dma_wait3A_108 = arith.constant 0 : i32
    %dma_wait3A_109 = tpu.memref_slice %arg3[%min3A_94, %dma_wait3A_107, %dma_wait3A_108] : memref<3360x4x48xi32, #tpu.memory_space<hbm>> -> memref<1x4x48xi32, #tpu.memory_space<hbm>>
    %dma_wait3A_110 = tpu.memref_squeeze %dma_wait3A_109 : memref<1x4x48xi32, #tpu.memory_space<hbm>> -> memref<4x48xi32, #tpu.memory_space<hbm>>
    tpu.wait_dma2 semaphore(%arg14 : memref<!tpu.dma_semaphore, #tpu.memory_space<semaphore_mem>>) src(%dma_wait3A_110 : memref<4x48xi32, #tpu.memory_space<hbm>>) dst(%dma_wait3A_106 : memref<4x48xi32, #tpu.memory_space<vmem>>)
    %sub3A_111 = arith.constant 1 : i32
    %sub3A_112 = arith.subi %select_n3A, %sub3A_111 : i32
    %dma_wait3A_113 = arith.constant 0 : i32
    %dma_wait3A_114 = arith.constant 0 : i32
    %dma_wait3A_115 = arith.constant 0 : i32
    %dma_wait3A_116 = arith.constant 0 : i32
    %dma_wait3A_117 = tpu.memref_slice %arg7[%dma_wait3A_115, %dma_wait3A_116] : memref<96x128xbf16, #tpu.memory_space<vmem>> -> memref<48x128xbf16, #tpu.memory_space<vmem>>
    %dma_wait3A_118 = arith.constant 0 : i32
    %dma_wait3A_119 = tpu.memref_slice %arg6[%dma_wait3A_113, %dma_wait3A_114, %dma_wait3A_118] : memref<2x4x48xi32, #tpu.memory_space<vmem>> -> memref<1x1x48xi32, #tpu.memory_space<vmem>>
    %dma_wait3A_120 = tpu.memref_squeeze %dma_wait3A_119 : memref<1x1x48xi32, #tpu.memory_space<vmem>> -> memref<48xi32, #tpu.memory_space<vmem>>
    %dma_wait3A_121 = arith.constant 0 : i32
    %dma_wait3A_122 = arith.constant 0 : i32
    %dma_wait3A_123 = tpu.memref_slice %arg2[%dma_wait3A_121, %dma_wait3A_122] : memref<10000x128xbf16, #tpu.memory_space<hbm>> -> memref<10000x128xbf16, #tpu.memory_space<hbm>>
    tpu.wait_indirect_dma semaphore(%arg15 : memref<!tpu.dma_semaphore, #tpu.memory_space<semaphore_mem>>) src(%dma_wait3A_123 : memref<10000x128xbf16, #tpu.memory_space<hbm>>) dst(%dma_wait3A_117 : memref<48x128xbf16, #tpu.memory_space<vmem>>)
    %dma_wait3A_124 = arith.constant 0 : i32
    %dma_wait3A_125 = arith.constant 1 : i32
    %dma_wait3A_126 = arith.constant 48 : i32
    %dma_wait3A_127 = arith.constant 0 : i32
    %dma_wait3A_128 = tpu.memref_slice %arg7[%dma_wait3A_126, %dma_wait3A_127] : memref<96x128xbf16, #tpu.memory_space<vmem>> -> memref<48x128xbf16, #tpu.memory_space<vmem>>
    %dma_wait3A_129 = arith.constant 0 : i32
    %dma_wait3A_130 = tpu.memref_slice %arg6[%dma_wait3A_124, %dma_wait3A_125, %dma_wait3A_129] : memref<2x4x48xi32, #tpu.memory_space<vmem>> -> memref<1x1x48xi32, #tpu.memory_space<vmem>>
    %dma_wait3A_131 = tpu.memref_squeeze %dma_wait3A_130 : memref<1x1x48xi32, #tpu.memory_space<vmem>> -> memref<48xi32, #tpu.memory_space<vmem>>
    %dma_wait3A_132 = arith.constant 0 : i32
    %dma_wait3A_133 = arith.constant 0 : i32
    %dma_wait3A_134 = tpu.memref_slice %arg2[%dma_wait3A_132, %dma_wait3A_133] : memref<10000x128xbf16, #tpu.memory_space<hbm>> -> memref<10000x128xbf16, #tpu.memory_space<hbm>>
    tpu.wait_indirect_dma semaphore(%arg17 : memref<!tpu.dma_semaphore, #tpu.memory_space<semaphore_mem>>) src(%dma_wait3A_134 : memref<10000x128xbf16, #tpu.memory_space<hbm>>) dst(%dma_wait3A_128 : memref<48x128xbf16, #tpu.memory_space<vmem>>)
    %gt3A = arith.constant 0 : i32
    %gt3A_135 = arith.cmpi sgt, %sub3A_112, %gt3A : i32
    %convert_element_type3A = arith.extui %gt3A_135 : i1 to i32
    %cond3A = arith.constant 0 : i32
    %cond3A_136 = arith.cmpi ne, %convert_element_type3A, %cond3A : i32
    scf.if %cond3A_136 {
      %dma_wait3A_184 = arith.constant 0 : i32
      %dma_wait3A_185 = arith.constant 2 : i32
      %dma_wait3A_186 = arith.constant 0 : i32
      %dma_wait3A_187 = arith.constant 0 : i32
      %dma_wait3A_188 = tpu.memref_slice %arg9[%dma_wait3A_186, %dma_wait3A_187] : memref<96x128xf32, #tpu.memory_space<vmem>> -> memref<48x128xf32, #tpu.memory_space<vmem>>
      %dma_wait3A_189 = arith.constant 0 : i32
      %dma_wait3A_190 = tpu.memref_slice %arg6[%dma_wait3A_184, %dma_wait3A_185, %dma_wait3A_189] : memref<2x4x48xi32, #tpu.memory_space<vmem>> -> memref<1x1x48xi32, #tpu.memory_space<vmem>>
      %dma_wait3A_191 = tpu.memref_squeeze %dma_wait3A_190 : memref<1x1x48xi32, #tpu.memory_space<vmem>> -> memref<48xi32, #tpu.memory_space<vmem>>
      %dma_wait3A_192 = arith.constant 0 : i32
      %dma_wait3A_193 = arith.constant 0 : i32
      %dma_wait3A_194 = tpu.memref_slice %arg12[%dma_wait3A_192, %dma_wait3A_193] : memref<10112x128xf32, #tpu.memory_space<vmem_shared>> -> memref<10112x128xf32, #tpu.memory_space<vmem_shared>>
      tpu.wait_indirect_dma semaphore(%arg19 : memref<!tpu.dma_semaphore, #tpu.memory_space<semaphore_mem>>) src(%dma_wait3A_188 : memref<48x128xf32, #tpu.memory_space<vmem>>) dst(%dma_wait3A_194 : memref<10112x128xf32, #tpu.memory_space<vmem_shared>>)
      %dma_wait3A_195 = arith.constant 0 : i32
      %dma_wait3A_196 = arith.constant 3 : i32
      %dma_wait3A_197 = arith.constant 48 : i32
      %dma_wait3A_198 = arith.constant 0 : i32
      %dma_wait3A_199 = tpu.memref_slice %arg9[%dma_wait3A_197, %dma_wait3A_198] : memref<96x128xf32, #tpu.memory_space<vmem>> -> memref<48x128xf32, #tpu.memory_space<vmem>>
      %dma_wait3A_200 = arith.constant 0 : i32
      %dma_wait3A_201 = tpu.memref_slice %arg6[%dma_wait3A_195, %dma_wait3A_196, %dma_wait3A_200] : memref<2x4x48xi32, #tpu.memory_space<vmem>> -> memref<1x1x48xi32, #tpu.memory_space<vmem>>
      %dma_wait3A_202 = tpu.memref_squeeze %dma_wait3A_201 : memref<1x1x48xi32, #tpu.memory_space<vmem>> -> memref<48xi32, #tpu.memory_space<vmem>>
      %dma_wait3A_203 = arith.constant 0 : i32
      %dma_wait3A_204 = arith.constant 0 : i32
      %dma_wait3A_205 = tpu.memref_slice %arg12[%dma_wait3A_203, %dma_wait3A_204] : memref<10112x128xf32, #tpu.memory_space<vmem_shared>> -> memref<10112x128xf32, #tpu.memory_space<vmem_shared>>
      tpu.wait_indirect_dma semaphore(%arg20 : memref<!tpu.dma_semaphore, #tpu.memory_space<semaphore_mem>>) src(%dma_wait3A_199 : memref<48x128xf32, #tpu.memory_space<vmem>>) dst(%dma_wait3A_205 : memref<10112x128xf32, #tpu.memory_space<vmem_shared>>)
    } else {
    }
    %parallel_loop3A = arith.constant 0 : i32
    %parallel_loop3A_137 = arith.constant 96 : i32
    %parallel_loop3A_138 = arith.constant 1 : i32
    scf.for %parallel_loop3A_184 = %parallel_loop3A to %parallel_loop3A_137 step %parallel_loop3A_138  : i32 {
      %parallel_loop3A_185 = arith.index_cast %parallel_loop3A_184 : i32 to index
      %parallel_loop3A_186 = arith.constant 0 : index
      %parallel_loop3A_187 = tpu.vector_load %arg7[%parallel_loop3A_185, %parallel_loop3A_186] {strides = array<i32>} : memref<96x128xbf16, #tpu.memory_space<vmem>>, vector<32xbf16>,
      %parallel_loop3A_188 = vector.bitcast %parallel_loop3A_187 : vector<32xbf16> to vector<16xi32>
      %parallel_loop3A_189 = arith.constant 16 : i32
      %parallel_loop3A_190 = vector.broadcast %parallel_loop3A_189 : i32 to vector<16xi32>
      %parallel_loop3A_191 = arith.shli %parallel_loop3A_188, %parallel_loop3A_190 : vector<16xi32>
      %parallel_loop3A_192 = vector.bitcast %parallel_loop3A_191 : vector<16xi32> to vector<16xf32>
      %parallel_loop3A_193 = arith.index_cast %parallel_loop3A_184 : i32 to index
      %parallel_loop3A_194 = arith.constant 0 : index
      %parallel_loop3A_195 = tpu.vector_load %arg9[%parallel_loop3A_193, %parallel_loop3A_194] {strides = array<i32>} : memref<96x128xf32, #tpu.memory_space<vmem>>, vector<16xf32>,
      tpu.vector_store %arg9[%parallel_loop3A_193, %parallel_loop3A_194], %parallel_loop3A_192 {strides = array<i32>} : memref<96x128xf32, #tpu.memory_space<vmem>>, vector<16xf32>,
      %parallel_loop3A_196 = arith.andi %parallel_loop3A_188, %broadcast_in_dim3A_16 : vector<16xi32>
      %parallel_loop3A_197 = vector.bitcast %parallel_loop3A_196 : vector<16xi32> to vector<16xf32>
      %parallel_loop3A_198 = arith.index_cast %parallel_loop3A_184 : i32 to index
      %parallel_loop3A_199 = arith.constant 64 : index
      %parallel_loop3A_200 = tpu.vector_load %arg9[%parallel_loop3A_198, %parallel_loop3A_199] {strides = array<i32>} : memref<96x128xf32, #tpu.memory_space<vmem>>, vector<16xf32>,
      tpu.vector_store %arg9[%parallel_loop3A_198, %parallel_loop3A_199], %parallel_loop3A_197 {strides = array<i32>} : memref<96x128xf32, #tpu.memory_space<vmem>>, vector<16xf32>,
      %parallel_loop3A_201 = arith.index_cast %parallel_loop3A_184 : i32 to index
      %parallel_loop3A_202 = arith.constant 32 : index
      %parallel_loop3A_203 = tpu.vector_load %arg7[%parallel_loop3A_201, %parallel_loop3A_202] {strides = array<i32>} : memref<96x128xbf16, #tpu.memory_space<vmem>>, vector<32xbf16>,
      %parallel_loop3A_204 = vector.bitcast %parallel_loop3A_203 : vector<32xbf16> to vector<16xi32>
      %parallel_loop3A_205 = arith.constant 16 : i32
      %parallel_loop3A_206 = vector.broadcast %parallel_loop3A_205 : i32 to vector<16xi32>
      %parallel_loop3A_207 = arith.shli %parallel_loop3A_204, %parallel_loop3A_206 : vector<16xi32>
      %parallel_loop3A_208 = vector.bitcast %parallel_loop3A_207 : vector<16xi32> to vector<16xf32>
      %parallel_loop3A_209 = arith.index_cast %parallel_loop3A_184 : i32 to index
      %parallel_loop3A_210 = arith.constant 16 : index
      %parallel_loop3A_211 = tpu.vector_load %arg9[%parallel_loop3A_209, %parallel_loop3A_210] {strides = array<i32>} : memref<96x128xf32, #tpu.memory_space<vmem>>, vector<16xf32>,
      tpu.vector_store %arg9[%parallel_loop3A_209, %parallel_loop3A_210], %parallel_loop3A_208 {strides = array<i32>} : memref<96x128xf32, #tpu.memory_space<vmem>>, vector<16xf32>,
      %parallel_loop3A_212 = arith.andi %parallel_loop3A_204, %broadcast_in_dim3A_16 : vector<16xi32>
      %parallel_loop3A_213 = vector.bitcast %parallel_loop3A_212 : vector<16xi32> to vector<16xf32>
      %parallel_loop3A_214 = arith.index_cast %parallel_loop3A_184 : i32 to index
      %parallel_loop3A_215 = arith.constant 80 : index
      %parallel_loop3A_216 = tpu.vector_load %arg9[%parallel_loop3A_214, %parallel_loop3A_215] {strides = array<i32>} : memref<96x128xf32, #tpu.memory_space<vmem>>, vector<16xf32>,
      tpu.vector_store %arg9[%parallel_loop3A_214, %parallel_loop3A_215], %parallel_loop3A_213 {strides = array<i32>} : memref<96x128xf32, #tpu.memory_space<vmem>>, vector<16xf32>,
      %parallel_loop3A_217 = arith.index_cast %parallel_loop3A_184 : i32 to index
      %parallel_loop3A_218 = arith.constant 64 : index
      %parallel_loop3A_219 = tpu.vector_load %arg7[%parallel_loop3A_217, %parallel_loop3A_218] {strides = array<i32>} : memref<96x128xbf16, #tpu.memory_space<vmem>>, vector<32xbf16>,
      %parallel_loop3A_220 = vector.bitcast %parallel_loop3A_219 : vector<32xbf16> to vector<16xi32>
      %parallel_loop3A_221 = arith.constant 16 : i32
      %parallel_loop3A_222 = vector.broadcast %parallel_loop3A_221 : i32 to vector<16xi32>
      %parallel_loop3A_223 = arith.shli %parallel_loop3A_220, %parallel_loop3A_222 : vector<16xi32>
      %parallel_loop3A_224 = vector.bitcast %parallel_loop3A_223 : vector<16xi32> to vector<16xf32>
      %parallel_loop3A_225 = arith.index_cast %parallel_loop3A_184 : i32 to index
      %parallel_loop3A_226 = arith.constant 32 : index
      %parallel_loop3A_227 = tpu.vector_load %arg9[%parallel_loop3A_225, %parallel_loop3A_226] {strides = array<i32>} : memref<96x128xf32, #tpu.memory_space<vmem>>, vector<16xf32>,
      tpu.vector_store %arg9[%parallel_loop3A_225, %parallel_loop3A_226], %parallel_loop3A_224 {strides = array<i32>} : memref<96x128xf32, #tpu.memory_space<vmem>>, vector<16xf32>,
      %parallel_loop3A_228 = arith.andi %parallel_loop3A_220, %broadcast_in_dim3A_16 : vector<16xi32>
      %parallel_loop3A_229 = vector.bitcast %parallel_loop3A_228 : vector<16xi32> to vector<16xf32>
      %parallel_loop3A_230 = arith.index_cast %parallel_loop3A_184 : i32 to index
      %parallel_loop3A_231 = arith.constant 96 : index
      %parallel_loop3A_232 = tpu.vector_load %arg9[%parallel_loop3A_230, %parallel_loop3A_231] {strides = array<i32>} : memref<96x128xf32, #tpu.memory_space<vmem>>, vector<16xf32>,
      tpu.vector_store %arg9[%parallel_loop3A_230, %parallel_loop3A_231], %parallel_loop3A_229 {strides = array<i32>} : memref<96x128xf32, #tpu.memory_space<vmem>>, vector<16xf32>,
      %parallel_loop3A_233 = arith.index_cast %parallel_loop3A_184 : i32 to index
      %parallel_loop3A_234 = arith.constant 96 : index
      %parallel_loop3A_235 = tpu.vector_load %arg7[%parallel_loop3A_233, %parallel_loop3A_234] {strides = array<i32>} : memref<96x128xbf16, #tpu.memory_space<vmem>>, vector<32xbf16>,
      %parallel_loop3A_236 = vector.bitcast %parallel_loop3A_235 : vector<32xbf16> to vector<16xi32>
      %parallel_loop3A_237 = arith.constant 16 : i32
      %parallel_loop3A_238 = vector.broadcast %parallel_loop3A_237 : i32 to vector<16xi32>
      %parallel_loop3A_239 = arith.shli %parallel_loop3A_236, %parallel_loop3A_238 : vector<16xi32>
      %parallel_loop3A_240 = vector.bitcast %parallel_loop3A_239 : vector<16xi32> to vector<16xf32>
      %parallel_loop3A_241 = arith.index_cast %parallel_loop3A_184 : i32 to index
      %parallel_loop3A_242 = arith.constant 48 : index
      %parallel_loop3A_243 = tpu.vector_load %arg9[%parallel_loop3A_241, %parallel_loop3A_242] {strides = array<i32>} : memref<96x128xf32, #tpu.memory_space<vmem>>, vector<16xf32>,
      tpu.vector_store %arg9[%parallel_loop3A_241, %parallel_loop3A_242], %parallel_loop3A_240 {strides = array<i32>} : memref<96x128xf32, #tpu.memory_space<vmem>>, vector<16xf32>,
      %parallel_loop3A_244 = arith.andi %parallel_loop3A_236, %broadcast_in_dim3A_16 : vector<16xi32>
      %parallel_loop3A_245 = vector.bitcast %parallel_loop3A_244 : vector<16xi32> to vector<16xf32>
      %parallel_loop3A_246 = arith.index_cast %parallel_loop3A_184 : i32 to index
      %parallel_loop3A_247 = arith.constant 112 : index
      %parallel_loop3A_248 = tpu.vector_load %arg9[%parallel_loop3A_246, %parallel_loop3A_247] {strides = array<i32>} : memref<96x128xf32, #tpu.memory_space<vmem>>, vector<16xf32>,
      tpu.vector_store %arg9[%parallel_loop3A_246, %parallel_loop3A_247], %parallel_loop3A_245 {strides = array<i32>} : memref<96x128xf32, #tpu.memory_space<vmem>>, vector<16xf32>,
    } {sc.loop_unroll_factor = 4 : i64, sc.parallel_access}
    %dma_start3A_139 = arith.constant 0 : i32
    %dma_start3A_140 = arith.constant 2 : i32
    %dma_start3A_141 = arith.constant 0 : i32
    %dma_start3A_142 = arith.constant 0 : i32
    %dma_start3A_143 = tpu.memref_slice %arg9[%dma_start3A_141, %dma_start3A_142] : memref<96x128xf32, #tpu.memory_space<vmem>> -> memref<48x128xf32, #tpu.memory_space<vmem>>
    %dma_start3A_144 = arith.constant 0 : i32
    %dma_start3A_145 = tpu.memref_slice %arg6[%dma_start3A_139, %dma_start3A_140, %dma_start3A_144] : memref<2x4x48xi32, #tpu.memory_space<vmem>> -> memref<1x1x48xi32, #tpu.memory_space<vmem>>
    %dma_start3A_146 = tpu.memref_squeeze %dma_start3A_145 : memref<1x1x48xi32, #tpu.memory_space<vmem>> -> memref<48xi32, #tpu.memory_space<vmem>>
    %dma_start3A_147 = arith.constant 0 : i32
    %dma_start3A_148 = arith.constant 0 : i32
    %dma_start3A_149 = tpu.memref_slice %arg12[%dma_start3A_147, %dma_start3A_148] : memref<10112x128xf32, #tpu.memory_space<vmem_shared>> -> memref<10112x128xf32, #tpu.memory_space<vmem_shared>>
    tpu.enqueue_indirect_dma source(%dma_start3A_143 : memref<48x128xf32, #tpu.memory_space<vmem>>) target(%dma_start3A_149 : memref<10112x128xf32, #tpu.memory_space<vmem_shared>>) offsets(%dma_start3A_146 : memref<48xi32, #tpu.memory_space<vmem>>) semaphore(%arg19 : memref<!tpu.dma_semaphore, #tpu.memory_space<semaphore_mem>>) {add = true}
    %dma_start3A_150 = arith.constant 0 : i32
    %dma_start3A_151 = arith.constant 3 : i32
    %dma_start3A_152 = arith.constant 48 : i32
    %dma_start3A_153 = arith.constant 0 : i32
    %dma_start3A_154 = tpu.memref_slice %arg9[%dma_start3A_152, %dma_start3A_153] : memref<96x128xf32, #tpu.memory_space<vmem>> -> memref<48x128xf32, #tpu.memory_space<vmem>>
    %dma_start3A_155 = arith.constant 0 : i32
    %dma_start3A_156 = tpu.memref_slice %arg6[%dma_start3A_150, %dma_start3A_151, %dma_start3A_155] : memref<2x4x48xi32, #tpu.memory_space<vmem>> -> memref<1x1x48xi32, #tpu.memory_space<vmem>>
    %dma_start3A_157 = tpu.memref_squeeze %dma_start3A_156 : memref<1x1x48xi32, #tpu.memory_space<vmem>> -> memref<48xi32, #tpu.memory_space<vmem>>
    %dma_start3A_158 = arith.constant 0 : i32
    %dma_start3A_159 = arith.constant 0 : i32
    %dma_start3A_160 = tpu.memref_slice %arg12[%dma_start3A_158, %dma_start3A_159] : memref<10112x128xf32, #tpu.memory_space<vmem_shared>> -> memref<10112x128xf32, #tpu.memory_space<vmem_shared>>
    tpu.enqueue_indirect_dma source(%dma_start3A_154 : memref<48x128xf32, #tpu.memory_space<vmem>>) target(%dma_start3A_160 : memref<10112x128xf32, #tpu.memory_space<vmem_shared>>) offsets(%dma_start3A_157 : memref<48xi32, #tpu.memory_space<vmem>>) semaphore(%arg20 : memref<!tpu.dma_semaphore, #tpu.memory_space<semaphore_mem>>) {add = true}
    %dma_wait3A_161 = arith.constant 0 : i32
    %dma_wait3A_162 = arith.constant 2 : i32
    %dma_wait3A_163 = arith.constant 0 : i32
    %dma_wait3A_164 = arith.constant 0 : i32
    %dma_wait3A_165 = tpu.memref_slice %arg9[%dma_wait3A_163, %dma_wait3A_164] : memref<96x128xf32, #tpu.memory_space<vmem>> -> memref<48x128xf32, #tpu.memory_space<vmem>>
    %dma_wait3A_166 = arith.constant 0 : i32
    %dma_wait3A_167 = tpu.memref_slice %arg6[%dma_wait3A_161, %dma_wait3A_162, %dma_wait3A_166] : memref<2x4x48xi32, #tpu.memory_space<vmem>> -> memref<1x1x48xi32, #tpu.memory_space<vmem>>
    %dma_wait3A_168 = tpu.memref_squeeze %dma_wait3A_167 : memref<1x1x48xi32, #tpu.memory_space<vmem>> -> memref<48xi32, #tpu.memory_space<vmem>>
    %dma_wait3A_169 = arith.constant 0 : i32
    %dma_wait3A_170 = arith.constant 0 : i32
    %dma_wait3A_171 = tpu.memref_slice %arg12[%dma_wait3A_169, %dma_wait3A_170] : memref<10112x128xf32, #tpu.memory_space<vmem_shared>> -> memref<10112x128xf32, #tpu.memory_space<vmem_shared>>
    tpu.wait_indirect_dma semaphore(%arg19 : memref<!tpu.dma_semaphore, #tpu.memory_space<semaphore_mem>>) src(%dma_wait3A_165 : memref<48x128xf32, #tpu.memory_space<vmem>>) dst(%dma_wait3A_171 : memref<10112x128xf32, #tpu.memory_space<vmem_shared>>)
    %dma_wait3A_172 = arith.constant 0 : i32
    %dma_wait3A_173 = arith.constant 3 : i32
    %dma_wait3A_174 = arith.constant 48 : i32
    %dma_wait3A_175 = arith.constant 0 : i32
    %dma_wait3A_176 = tpu.memref_slice %arg9[%dma_wait3A_174, %dma_wait3A_175] : memref<96x128xf32, #tpu.memory_space<vmem>> -> memref<48x128xf32, #tpu.memory_space<vmem>>
    %dma_wait3A_177 = arith.constant 0 : i32
    %dma_wait3A_178 = tpu.memref_slice %arg6[%dma_wait3A_172, %dma_wait3A_173, %dma_wait3A_177] : memref<2x4x48xi32, #tpu.memory_space<vmem>> -> memref<1x1x48xi32, #tpu.memory_space<vmem>>
    %dma_wait3A_179 = tpu.memref_squeeze %dma_wait3A_178 : memref<1x1x48xi32, #tpu.memory_space<vmem>> -> memref<48xi32, #tpu.memory_space<vmem>>
    %dma_wait3A_180 = arith.constant 0 : i32
    %dma_wait3A_181 = arith.constant 0 : i32
    %dma_wait3A_182 = tpu.memref_slice %arg12[%dma_wait3A_180, %dma_wait3A_181] : memref<10112x128xf32, #tpu.memory_space<vmem_shared>> -> memref<10112x128xf32, #tpu.memory_space<vmem_shared>>
    tpu.wait_indirect_dma semaphore(%arg20 : memref<!tpu.dma_semaphore, #tpu.memory_space<semaphore_mem>>) src(%dma_wait3A_176 : memref<48x128xf32, #tpu.memory_space<vmem>>) dst(%dma_wait3A_182 : memref<10112x128xf32, #tpu.memory_space<vmem_shared>>)
    %barrier3A_183 = arith.constant 0 : index
    tpu.barrier barrier_id(%barrier3A_183)
    "tpu.region"() ({
      %run_scoped3A_184 = tpu.sem_alloc : memref<!tpu.dma_semaphore, #tpu.memory_space<semaphore_mem>>
      %dma_start3A_185 = arith.constant 0 : i32
      %dma_start3A_186 = tpu.memref_slice %arg5[%arg0, %mul3A_0, %dma_start3A_185] : memref<2x10112x128xf32, #tpu.memory_space<hbm>> -> memref<1x632x128xf32, #tpu.memory_space<hbm>>
      %dma_start3A_187 = tpu.memref_squeeze %dma_start3A_186 : memref<1x632x128xf32, #tpu.memory_space<hbm>> -> memref<632x128xf32, #tpu.memory_space<hbm>>
      %dma_start3A_188 = arith.constant 0 : i32
      %dma_start3A_189 = tpu.memref_slice %arg12[%mul3A_0, %dma_start3A_188] : memref<10112x128xf32, #tpu.memory_space<vmem_shared>> -> memref<632x128xf32, #tpu.memory_space<vmem_shared>>
      tpu.enqueue_dma source(%dma_start3A_189 : memref<632x128xf32, #tpu.memory_space<vmem_shared>>) target(%dma_start3A_187 : memref<632x128xf32, #tpu.memory_space<hbm>>) target_semaphore(%run_scoped3A_184 : memref<!tpu.dma_semaphore, #tpu.memory_space<semaphore_mem>>)
      %dma_wait3A_190 = arith.constant 0 : i32
      %dma_wait3A_191 = tpu.memref_slice %arg5[%arg0, %mul3A_0, %dma_wait3A_190] : memref<2x10112x128xf32, #tpu.memory_space<hbm>> -> memref<1x632x128xf32, #tpu.memory_space<hbm>>
      %dma_wait3A_192 = tpu.memref_squeeze %dma_wait3A_191 : memref<1x632x128xf32, #tpu.memory_space<hbm>> -> memref<632x128xf32, #tpu.memory_space<hbm>>
      %dma_wait3A_193 = arith.constant 0 : i32
      %dma_wait3A_194 = tpu.memref_slice %arg12[%mul3A_0, %dma_wait3A_193] : memref<10112x128xf32, #tpu.memory_space<vmem_shared>> -> memref<632x128xf32, #tpu.memory_space<vmem_shared>>
      tpu.wait_dma2 semaphore(%run_scoped3A_184 : memref<!tpu.dma_semaphore, #tpu.memory_space<semaphore_mem>>) src(%dma_wait3A_194 : memref<632x128xf32, #tpu.memory_space<vmem_shared>>) dst(%dma_wait3A_192 : memref<632x128xf32, #tpu.memory_space<hbm>>)
      tpu.yield
    }) : () -> ()
    return
  }
}

module attributes {stable_mosaic.version = 14 : i64} {
  func.func @_tc_pre_body(%arg0: i32, %arg1: memref<2048x128xf32, #tpu.memory_space<vmem>>, %arg2: memref<128x128xf32, #tpu.memory_space<vmem>>, %arg3: memref<2048x128xbf16, #tpu.memory_space<vmem>>) attributes {dimension_semantics = [#tpu.dimension_semantics<arbitrary>], iteration_bounds = array<i64: 5>, scalar_prefetch = 0 : i64, scratch_operands = 0 : i64, tpu.core_type = #tpu.core_type<tc>, window_params = [{transform_indices = @transform_0, window_bounds = array<i64: 2048, 128>}, {pipeline_mode = #tpu.pipeline_mode<synchronous>, transform_indices = @transform_1, window_bounds = array<i64: 128, 128>}, {transform_indices = @transform_2, window_bounds = array<i64: 2048, 128>}]} {
    %get3A = arith.constant 0 : index
    %get3A_0 = arith.constant 0 : index
    %get3A_1 = vector.load %arg1[%get3A, %get3A_0] : memref<2048x128xf32, #tpu.memory_space<vmem>>, vector<2048x128xf32>
    %get3A_2 = arith.constant 0 : index
    %get3A_3 = arith.constant 0 : index
    %get3A_4 = vector.load %arg2[%get3A_2, %get3A_3] : memref<128x128xf32, #tpu.memory_space<vmem>>, vector<128x128xf32>
    %mul3A = arith.mulf %get3A_1, %get3A_1 : vector<2048x128xf32>
    %reduce_sum3A = arith.constant dense<0.000000e+00> : vector<2048xf32>
    %reduce_sum3A_5 = vector.multi_reduction <add>, %mul3A, %reduce_sum3A [1] : vector<2048x128xf32> to vector<2048xf32>
    %broadcast_in_dim3A = vector.shape_cast %reduce_sum3A_5 : vector<2048xf32> to vector<2048x1xf32>
    %sqrt3A = math.sqrt %broadcast_in_dim3A : vector<2048x1xf32>
    %jit3A = arith.constant 9.99999974E-6 : f32
    %jit3A_6 = arith.constant 0.999989986 : f32
    %max3A = vector.broadcast %jit3A : f32 to vector<2048x1xf32>
    %max3A_7 = arith.maximumf %max3A, %sqrt3A : vector<2048x1xf32>
    %min3A = vector.broadcast %jit3A_6 : f32 to vector<2048x1xf32>
    %min3A_8 = arith.minimumf %min3A, %max3A_7 : vector<2048x1xf32>
    %add3A = arith.constant 1.000000e+00 : f32
    %add3A_9 = vector.broadcast %add3A : f32 to vector<2048x1xf32>
    %add3A_10 = arith.addf %add3A_9, %min3A_8 : vector<2048x1xf32>
    %sub3A = arith.constant 1.000000e+00 : f32
    %sub3A_11 = vector.broadcast %sub3A : f32 to vector<2048x1xf32>
    %sub3A_12 = arith.subf %sub3A_11, %min3A_8 : vector<2048x1xf32>
    %div3A = arith.divf %add3A_10, %sub3A_12 : vector<2048x1xf32>
    %log3A = math.log %div3A : vector<2048x1xf32>
    %mul3A_13 = arith.constant 5.000000e-01 : f32
    %mul3A_14 = vector.broadcast %mul3A_13 : f32 to vector<2048x1xf32>
    %mul3A_15 = arith.mulf %mul3A_14, %log3A : vector<2048x1xf32>
    %mul3A_16 = vector.broadcast %mul3A_15 : vector<2048x1xf32> to vector<2048x128xf32>
    %mul3A_17 = arith.mulf %mul3A_16, %get3A_1 : vector<2048x128xf32>
    %div3A_18 = vector.broadcast %min3A_8 : vector<2048x1xf32> to vector<2048x128xf32>
    %div3A_19 = arith.divf %mul3A_17, %div3A_18 : vector<2048x128xf32>
    %dot_general3A = arith.constant dense<0.000000e+00> : vector<2048x128xf32>
    %dot_general3A_20 = tpu.matmul %div3A_19, %get3A_4, %dot_general3A {dimension_numbers = #tpu.dot_dimension_numbers<[1], [0], [0], [1], [0, 0, 1, 1], [], []>, transpose_lhs_hint = false} : vector<2048x128xf32>, vector<128x128xf32>, vector<2048x128xf32> -> vector<2048x128xf32>
    %mul3A_21 = arith.mulf %dot_general3A_20, %dot_general3A_20 : vector<2048x128xf32>
    %reduce_sum3A_22 = arith.constant dense<0.000000e+00> : vector<2048xf32>
    %reduce_sum3A_23 = vector.multi_reduction <add>, %mul3A_21, %reduce_sum3A_22 [1] : vector<2048x128xf32> to vector<2048xf32>
    %broadcast_in_dim3A_24 = vector.shape_cast %reduce_sum3A_23 : vector<2048xf32> to vector<2048x1xf32>
    %sqrt3A_25 = math.sqrt %broadcast_in_dim3A_24 : vector<2048x1xf32>
    %max3A_26 = arith.constant 9.99999974E-6 : f32
    %max3A_27 = vector.broadcast %max3A_26 : f32 to vector<2048x1xf32>
    %max3A_28 = arith.maximumf %sqrt3A_25, %max3A_27 : vector<2048x1xf32>
    %tanh3A = math.tanh %max3A_28 : vector<2048x1xf32>
    %mul3A_29 = vector.broadcast %tanh3A : vector<2048x1xf32> to vector<2048x128xf32>
    %mul3A_30 = arith.mulf %mul3A_29, %dot_general3A_20 : vector<2048x128xf32>
    %div3A_31 = vector.broadcast %max3A_28 : vector<2048x1xf32> to vector<2048x128xf32>
    %div3A_32 = arith.divf %mul3A_30, %div3A_31 : vector<2048x128xf32>
    %mul3A_33 = arith.mulf %div3A_32, %div3A_32 : vector<2048x128xf32>
    %reduce_sum3A_34 = arith.constant dense<0.000000e+00> : vector<2048xf32>
    %reduce_sum3A_35 = vector.multi_reduction <add>, %mul3A_33, %reduce_sum3A_34 [1] : vector<2048x128xf32> to vector<2048xf32>
    %broadcast_in_dim3A_36 = vector.shape_cast %reduce_sum3A_35 : vector<2048xf32> to vector<2048x1xf32>
    %sqrt3A_37 = math.sqrt %broadcast_in_dim3A_36 : vector<2048x1xf32>
    %max3A_38 = arith.constant 9.99999974E-6 : f32
    %max3A_39 = vector.broadcast %max3A_38 : f32 to vector<2048x1xf32>
    %max3A_40 = arith.maximumf %sqrt3A_37, %max3A_39 : vector<2048x1xf32>
    %gt3A = arith.constant 0.999989986 : f32
    %gt3A_41 = vector.broadcast %gt3A : f32 to vector<2048x1xf32>
    %gt3A_42 = arith.cmpf ogt, %max3A_40, %gt3A_41 : vector<2048x1xf32>
    %div3A_43 = vector.broadcast %max3A_40 : vector<2048x1xf32> to vector<2048x128xf32>
    %div3A_44 = arith.divf %div3A_32, %div3A_43 : vector<2048x128xf32>
    %mul3A_45 = arith.constant 0.999989986 : f32
    %mul3A_46 = vector.broadcast %mul3A_45 : f32 to vector<2048x128xf32>
    %mul3A_47 = arith.mulf %div3A_44, %mul3A_46 : vector<2048x128xf32>
    %broadcast_in_dim3A_48 = vector.shape_cast %gt3A_42 : vector<2048x1xi1> to vector<2048x1xi1>
    %broadcast_in_dim3A_49 = vector.broadcast %broadcast_in_dim3A_48 : vector<2048x1xi1> to vector<2048x128xi1>
    %select_n3A = arith.select %broadcast_in_dim3A_49, %mul3A_47, %div3A_32 : vector<2048x128xi1>, vector<2048x128xf32>
    %mul3A_50 = arith.mulf %select_n3A, %select_n3A : vector<2048x128xf32>
    %reduce_sum3A_51 = arith.constant dense<0.000000e+00> : vector<2048xf32>
    %reduce_sum3A_52 = vector.multi_reduction <add>, %mul3A_50, %reduce_sum3A_51 [1] : vector<2048x128xf32> to vector<2048xf32>
    %broadcast_in_dim3A_53 = vector.shape_cast %reduce_sum3A_52 : vector<2048xf32> to vector<2048x1xf32>
    %sqrt3A_54 = math.sqrt %broadcast_in_dim3A_53 : vector<2048x1xf32>
    %jit3A_55 = arith.constant 9.99999974E-6 : f32
    %jit3A_56 = arith.constant 0.999989986 : f32
    %max3A_57 = vector.broadcast %jit3A_55 : f32 to vector<2048x1xf32>
    %max3A_58 = arith.maximumf %max3A_57, %sqrt3A_54 : vector<2048x1xf32>
    %min3A_59 = vector.broadcast %jit3A_56 : f32 to vector<2048x1xf32>
    %min3A_60 = arith.minimumf %min3A_59, %max3A_58 : vector<2048x1xf32>
    %add3A_61 = arith.constant 1.000000e+00 : f32
    %add3A_62 = vector.broadcast %add3A_61 : f32 to vector<2048x1xf32>
    %add3A_63 = arith.addf %add3A_62, %min3A_60 : vector<2048x1xf32>
    %sub3A_64 = arith.constant 1.000000e+00 : f32
    %sub3A_65 = vector.broadcast %sub3A_64 : f32 to vector<2048x1xf32>
    %sub3A_66 = arith.subf %sub3A_65, %min3A_60 : vector<2048x1xf32>
    %div3A_67 = arith.divf %add3A_63, %sub3A_66 : vector<2048x1xf32>
    %log3A_68 = math.log %div3A_67 : vector<2048x1xf32>
    %mul3A_69 = arith.constant 5.000000e-01 : f32
    %mul3A_70 = vector.broadcast %mul3A_69 : f32 to vector<2048x1xf32>
    %mul3A_71 = arith.mulf %mul3A_70, %log3A_68 : vector<2048x1xf32>
    %mul3A_72 = vector.broadcast %mul3A_71 : vector<2048x1xf32> to vector<2048x128xf32>
    %mul3A_73 = arith.mulf %mul3A_72, %select_n3A : vector<2048x128xf32>
    %div3A_74 = vector.broadcast %min3A_60 : vector<2048x1xf32> to vector<2048x128xf32>
    %div3A_75 = arith.divf %mul3A_73, %div3A_74 : vector<2048x128xf32>
    %iota3A = tpu.iota {dimensions = array<i32: 0>} : vector<128x128xi32>
    %iota3A_76 = tpu.iota {dimensions = array<i32: 1>} : vector<128x128xi32>
    %jit3A_77 = arith.constant 2 : i32
    %div3A_78 = vector.broadcast %jit3A_77 : i32 to vector<128x128xi32>
    %div3A_79 = arith.divsi %iota3A_76, %div3A_78 : vector<128x128xi32>
    %sign3A = arith.constant 0 : i32
    %sign3A_80 = vector.broadcast %sign3A : i32 to vector<128x128xi32>
    %sign3A_81 = arith.cmpi sgt, %iota3A_76, %sign3A_80 : vector<128x128xi32>
    %sign3A_82 = arith.extui %sign3A_81 : vector<128x128xi1> to vector<128x128xi32>
    %sign3A_83 = arith.constant 0 : i32
    %sign3A_84 = vector.broadcast %sign3A_83 : i32 to vector<128x128xi32>
    %sign3A_85 = arith.cmpi slt, %iota3A_76, %sign3A_84 : vector<128x128xi32>
    %sign3A_86 = arith.extui %sign3A_85 : vector<128x128xi1> to vector<128x128xi32>
    %sign3A_87 = arith.subi %sign3A_82, %sign3A_86 : vector<128x128xi32>
    %sign3A_88 = arith.constant 0 : i32
    %sign3A_89 = arith.cmpi sgt, %jit3A_77, %sign3A_88 : i32
    %sign3A_90 = arith.extui %sign3A_89 : i1 to i32
    %sign3A_91 = arith.constant 0 : i32
    %sign3A_92 = arith.cmpi slt, %jit3A_77, %sign3A_91 : i32
    %sign3A_93 = arith.extui %sign3A_92 : i1 to i32
    %sign3A_94 = arith.subi %sign3A_90, %sign3A_93 : i32
    %ne3A = vector.broadcast %sign3A_94 : i32 to vector<128x128xi32>
    %ne3A_95 = arith.cmpi ne, %sign3A_87, %ne3A : vector<128x128xi32>
    %rem3A = vector.broadcast %jit3A_77 : i32 to vector<128x128xi32>
    %rem3A_96 = arith.remsi %iota3A_76, %rem3A : vector<128x128xi32>
    %ne3A_97 = arith.constant 0 : i32
    %ne3A_98 = vector.broadcast %ne3A_97 : i32 to vector<128x128xi32>
    %ne3A_99 = arith.cmpi ne, %rem3A_96, %ne3A_98 : vector<128x128xi32>
    %and3A = arith.andi %ne3A_95, %ne3A_99 : vector<128x128xi1>
    %sub3A_100 = arith.constant 1 : i32
    %sub3A_101 = vector.broadcast %sub3A_100 : i32 to vector<128x128xi32>
    %sub3A_102 = arith.subi %div3A_79, %sub3A_101 : vector<128x128xi32>
    %select_n3A_103 = arith.select %and3A, %sub3A_102, %div3A_79 : vector<128x128xi1>, vector<128x128xi32>
    %jit3A_104 = arith.constant 2 : i32
    %eq3A = arith.constant 0 : i32
    %eq3A_105 = arith.cmpi eq, %jit3A_104, %eq3A : i32
    %jit3A_106 = arith.constant 1 : i32
    %select_n3A_107 = arith.select %eq3A_105, %jit3A_106, %jit3A_104 : i32
    %rem3A_108 = vector.broadcast %select_n3A_107 : i32 to vector<128x128xi32>
    %rem3A_109 = arith.remsi %iota3A_76, %rem3A_108 : vector<128x128xi32>
    %ne3A_110 = arith.constant 0 : i32
    %ne3A_111 = vector.broadcast %ne3A_110 : i32 to vector<128x128xi32>
    %ne3A_112 = arith.cmpi ne, %rem3A_109, %ne3A_111 : vector<128x128xi32>
    %lt3A = arith.constant 0 : i32
    %lt3A_113 = vector.broadcast %lt3A : i32 to vector<128x128xi32>
    %lt3A_114 = arith.cmpi slt, %rem3A_109, %lt3A_113 : vector<128x128xi32>
    %lt3A_115 = arith.constant 0 : i32
    %lt3A_116 = arith.cmpi slt, %select_n3A_107, %lt3A_115 : i32
    %ne3A_117 = vector.broadcast %lt3A_116 : i1 to vector<128x128xi1>
    %ne3A_118 = vector.broadcast %ne3A_117 : vector<128x128xi1> to vector<128x128xi1>
    %ne3A_119 = arith.xori %lt3A_114, %ne3A_118 : vector<128x128xi1>
    %and3A_120 = arith.andi %ne3A_119, %ne3A_112 : vector<128x128xi1>
    %add3A_121 = vector.broadcast %select_n3A_107 : i32 to vector<128x128xi32>
    %add3A_122 = arith.addi %rem3A_109, %add3A_121 : vector<128x128xi32>
    %select_n3A_123 = arith.select %and3A_120, %add3A_122, %rem3A_109 : vector<128x128xi1>, vector<128x128xi32>
    %mul3A_124 = arith.constant 64 : i32
    %mul3A_125 = vector.broadcast %mul3A_124 : i32 to vector<128x128xi32>
    %mul3A_126 = arith.muli %mul3A_125, %select_n3A_123 : vector<128x128xi32>
    %add3A_127 = arith.addi %select_n3A_103, %mul3A_126 : vector<128x128xi32>
    %eq3A_128 = arith.cmpi eq, %iota3A, %add3A_127 : vector<128x128xi32>
    %jit3A_129 = arith.constant 1.000000e+00 : f32
    %jit3A_130 = arith.constant 0.000000e+00 : f32
    %broadcast_in_dim3A_131 = vector.broadcast %jit3A_129 : f32 to vector<128x128xf32>
    %broadcast_in_dim3A_132 = vector.broadcast %jit3A_130 : f32 to vector<128x128xf32>
    %select_n3A_133 = arith.select %eq3A_128, %broadcast_in_dim3A_131, %broadcast_in_dim3A_132 : vector<128x128xi1>, vector<128x128xf32>
    %dot_general3A_134 = arith.constant dense<0.000000e+00> : vector<2048x128xf32>
    %dot_general3A_135 = tpu.matmul %div3A_75, %select_n3A_133, %dot_general3A_134 {dimension_numbers = #tpu.dot_dimension_numbers<[1], [0], [0], [1], [0, 0, 1, 1], [], []>, transpose_lhs_hint = false} : vector<2048x128xf32>, vector<128x128xf32>, vector<2048x128xf32> -> vector<2048x128xf32>
    %convert_element_type3A = arith.truncf %dot_general3A_135 : vector<2048x128xf32> to vector<2048x128xbf16>
    %swap3A = arith.constant 0 : index
    %swap3A_136 = arith.constant 0 : index
    %swap3A_137 = vector.load %arg3[%swap3A, %swap3A_136] : memref<2048x128xbf16, #tpu.memory_space<vmem>>, vector<2048x128xbf16>
    tpu.vector_store %arg3[%swap3A, %swap3A_136], %convert_element_type3A {strides = array<i32>} : memref<2048x128xbf16, #tpu.memory_space<vmem>>, vector<2048x128xbf16>,
    return
  }
  func.func @transform_0(%arg0: i32) -> (i32, i32) {
    %c0_i32 = arith.constant 0 : i32
    %c0_i32_0 = arith.constant 0 : i32
    return %arg0, %c0_i32 : i32, i32
  }
  func.func @transform_1(%arg0: i32) -> (i32, i32) {
    %c0_i32 = arith.constant 0 : i32
    %c0_i32_0 = arith.constant 0 : i32
    %c0_i32_1 = arith.constant 0 : i32
    return %c0_i32, %c0_i32_0 : i32, i32
  }
  func.func @transform_2(%arg0: i32) -> (i32, i32) {
    %c0_i32 = arith.constant 0 : i32
    %c0_i32_0 = arith.constant 0 : i32
    return %arg0, %c0_i32 : i32, i32
  }
}

module attributes {stable_mosaic.version = 14 : i64} {
  func.func @_tc_mid_body(%arg0: i32, %arg1: memref<2x2048x128xf32, #tpu.memory_space<vmem>>, %arg2: memref<32x2048xf32, #tpu.memory_space<vmem>>, %arg3: memref<128x128xf32, #tpu.memory_space<vmem>>, %arg4: memref<2048x128xbf16, #tpu.memory_space<vmem>>, %arg5: memref<2048x1xf32, #tpu.memory_space<vmem>>) attributes {dimension_semantics = [#tpu.dimension_semantics<arbitrary>], iteration_bounds = array<i64: 5>, scalar_prefetch = 0 : i64, scratch_operands = 0 : i64, tpu.core_type = #tpu.core_type<tc>, window_params = [{transform_indices = @transform_0, window_bounds = array<i64: 2, 2048, 128>}, {transform_indices = @transform_1, window_bounds = array<i64: 32, 2048>}, {pipeline_mode = #tpu.pipeline_mode<synchronous>, transform_indices = @transform_2, window_bounds = array<i64: 128, 128>}, {transform_indices = @transform_3, window_bounds = array<i64: 2048, 128>}, {transform_indices = @transform_4, window_bounds = array<i64: 2048, 1>}]} {
    %get3A = arith.constant 0 : index
    %get3A_0 = arith.constant 0 : index
    %get3A_1 = arith.constant 0 : index
    %get3A_2 = vector.load %arg1[%get3A, %get3A_0, %get3A_1] : memref<2x2048x128xf32, #tpu.memory_space<vmem>>, vector<2x2048x128xf32>
    %slice3A = vector.extract_strided_slice %get3A_2 {offsets = [0, 0, 0], sizes = [1, 2048, 128], strides = [1, 1, 1]} : vector<2x2048x128xf32> to vector<1x2048x128xf32>
    %squeeze3A = vector.shape_cast %slice3A : vector<1x2048x128xf32> to vector<2048x128xf32>
    %slice3A_3 = vector.extract_strided_slice %get3A_2 {offsets = [1, 0, 0], sizes = [1, 2048, 128], strides = [1, 1, 1]} : vector<2x2048x128xf32> to vector<1x2048x128xf32>
    %squeeze3A_4 = vector.shape_cast %slice3A_3 : vector<1x2048x128xf32> to vector<2048x128xf32>
    %add3A = arith.addf %squeeze3A, %squeeze3A_4 : vector<2048x128xf32>
    %get3A_5 = arith.constant 0 : index
    %get3A_6 = arith.constant 0 : index
    %get3A_7 = vector.load %arg2[%get3A_5, %get3A_6] : memref<32x2048xf32, #tpu.memory_space<vmem>>, vector<32x2048xf32>
    %broadcast_in_dim3A = arith.constant 1.000000e+00 : f32
    %broadcast_in_dim3A_8 = vector.broadcast %broadcast_in_dim3A : f32 to vector<32x1xf32>
    %dot_general3A = arith.constant dense<0.000000e+00> : vector<2048x1xf32>
    %dot_general3A_9 = tpu.matmul %get3A_7, %broadcast_in_dim3A_8, %dot_general3A {dimension_numbers = #tpu.dot_dimension_numbers<[0], [0], [1], [1], [0, 1, 1, 1], [], []>, transpose_lhs_hint = false} : vector<32x2048xf32>, vector<32x1xf32>, vector<2048x1xf32> -> vector<2048x1xf32>
    %max3A = arith.constant 1.000000e+00 : f32
    %max3A_10 = vector.broadcast %max3A : f32 to vector<2048x1xf32>
    %max3A_11 = arith.maximumf %dot_general3A_9, %max3A_10 : vector<2048x1xf32>
    %div3A = vector.broadcast %max3A_11 : vector<2048x1xf32> to vector<2048x128xf32>
    %div3A_12 = arith.divf %add3A, %div3A : vector<2048x128xf32>
    %tanh3A = math.tanh %div3A_12 : vector<2048x128xf32>
    %mul3A = arith.mulf %tanh3A, %tanh3A : vector<2048x128xf32>
    %reduce_sum3A = arith.constant dense<0.000000e+00> : vector<2048xf32>
    %reduce_sum3A_13 = vector.multi_reduction <add>, %mul3A, %reduce_sum3A [1] : vector<2048x128xf32> to vector<2048xf32>
    %broadcast_in_dim3A_14 = vector.shape_cast %reduce_sum3A_13 : vector<2048xf32> to vector<2048x1xf32>
    %sqrt3A = math.sqrt %broadcast_in_dim3A_14 : vector<2048x1xf32>
    %max3A_15 = arith.constant 9.99999974E-6 : f32
    %max3A_16 = vector.broadcast %max3A_15 : f32 to vector<2048x1xf32>
    %max3A_17 = arith.maximumf %sqrt3A, %max3A_16 : vector<2048x1xf32>
    %tanh3A_18 = math.tanh %max3A_17 : vector<2048x1xf32>
    %mul3A_19 = vector.broadcast %tanh3A_18 : vector<2048x1xf32> to vector<2048x128xf32>
    %mul3A_20 = arith.mulf %mul3A_19, %tanh3A : vector<2048x128xf32>
    %div3A_21 = vector.broadcast %max3A_17 : vector<2048x1xf32> to vector<2048x128xf32>
    %div3A_22 = arith.divf %mul3A_20, %div3A_21 : vector<2048x128xf32>
    %mul3A_23 = arith.mulf %div3A_22, %div3A_22 : vector<2048x128xf32>
    %reduce_sum3A_24 = arith.constant dense<0.000000e+00> : vector<2048xf32>
    %reduce_sum3A_25 = vector.multi_reduction <add>, %mul3A_23, %reduce_sum3A_24 [1] : vector<2048x128xf32> to vector<2048xf32>
    %broadcast_in_dim3A_26 = vector.shape_cast %reduce_sum3A_25 : vector<2048xf32> to vector<2048x1xf32>
    %sqrt3A_27 = math.sqrt %broadcast_in_dim3A_26 : vector<2048x1xf32>
    %max3A_28 = arith.constant 9.99999974E-6 : f32
    %max3A_29 = vector.broadcast %max3A_28 : f32 to vector<2048x1xf32>
    %max3A_30 = arith.maximumf %sqrt3A_27, %max3A_29 : vector<2048x1xf32>
    %gt3A = arith.constant 0.999989986 : f32
    %gt3A_31 = vector.broadcast %gt3A : f32 to vector<2048x1xf32>
    %gt3A_32 = arith.cmpf ogt, %max3A_30, %gt3A_31 : vector<2048x1xf32>
    %div3A_33 = vector.broadcast %max3A_30 : vector<2048x1xf32> to vector<2048x128xf32>
    %div3A_34 = arith.divf %div3A_22, %div3A_33 : vector<2048x128xf32>
    %mul3A_35 = arith.constant 0.999989986 : f32
    %mul3A_36 = vector.broadcast %mul3A_35 : f32 to vector<2048x128xf32>
    %mul3A_37 = arith.mulf %div3A_34, %mul3A_36 : vector<2048x128xf32>
    %broadcast_in_dim3A_38 = vector.shape_cast %gt3A_32 : vector<2048x1xi1> to vector<2048x1xi1>
    %broadcast_in_dim3A_39 = vector.broadcast %broadcast_in_dim3A_38 : vector<2048x1xi1> to vector<2048x128xi1>
    %select_n3A = arith.select %broadcast_in_dim3A_39, %mul3A_37, %div3A_22 : vector<2048x128xi1>, vector<2048x128xf32>
    %get3A_40 = arith.constant 0 : index
    %get3A_41 = arith.constant 0 : index
    %get3A_42 = vector.load %arg3[%get3A_40, %get3A_41] : memref<128x128xf32, #tpu.memory_space<vmem>>, vector<128x128xf32>
    %mul3A_43 = arith.mulf %select_n3A, %select_n3A : vector<2048x128xf32>
    %reduce_sum3A_44 = arith.constant dense<0.000000e+00> : vector<2048xf32>
    %reduce_sum3A_45 = vector.multi_reduction <add>, %mul3A_43, %reduce_sum3A_44 [1] : vector<2048x128xf32> to vector<2048xf32>
    %broadcast_in_dim3A_46 = vector.shape_cast %reduce_sum3A_45 : vector<2048xf32> to vector<2048x1xf32>
    %sqrt3A_47 = math.sqrt %broadcast_in_dim3A_46 : vector<2048x1xf32>
    %jit3A = arith.constant 9.99999974E-6 : f32
    %jit3A_48 = arith.constant 0.999989986 : f32
    %max3A_49 = vector.broadcast %jit3A : f32 to vector<2048x1xf32>
    %max3A_50 = arith.maximumf %max3A_49, %sqrt3A_47 : vector<2048x1xf32>
    %min3A = vector.broadcast %jit3A_48 : f32 to vector<2048x1xf32>
    %min3A_51 = arith.minimumf %min3A, %max3A_50 : vector<2048x1xf32>
    %add3A_52 = arith.constant 1.000000e+00 : f32
    %add3A_53 = vector.broadcast %add3A_52 : f32 to vector<2048x1xf32>
    %add3A_54 = arith.addf %add3A_53, %min3A_51 : vector<2048x1xf32>
    %sub3A = arith.constant 1.000000e+00 : f32
    %sub3A_55 = vector.broadcast %sub3A : f32 to vector<2048x1xf32>
    %sub3A_56 = arith.subf %sub3A_55, %min3A_51 : vector<2048x1xf32>
    %div3A_57 = arith.divf %add3A_54, %sub3A_56 : vector<2048x1xf32>
    %log3A = math.log %div3A_57 : vector<2048x1xf32>
    %mul3A_58 = arith.constant 5.000000e-01 : f32
    %mul3A_59 = vector.broadcast %mul3A_58 : f32 to vector<2048x1xf32>
    %mul3A_60 = arith.mulf %mul3A_59, %log3A : vector<2048x1xf32>
    %mul3A_61 = vector.broadcast %mul3A_60 : vector<2048x1xf32> to vector<2048x128xf32>
    %mul3A_62 = arith.mulf %mul3A_61, %select_n3A : vector<2048x128xf32>
    %div3A_63 = vector.broadcast %min3A_51 : vector<2048x1xf32> to vector<2048x128xf32>
    %div3A_64 = arith.divf %mul3A_62, %div3A_63 : vector<2048x128xf32>
    %dot_general3A_65 = arith.constant dense<0.000000e+00> : vector<2048x128xf32>
    %dot_general3A_66 = tpu.matmul %div3A_64, %get3A_42, %dot_general3A_65 {dimension_numbers = #tpu.dot_dimension_numbers<[1], [0], [0], [1], [0, 0, 1, 1], [], []>, transpose_lhs_hint = false} : vector<2048x128xf32>, vector<128x128xf32>, vector<2048x128xf32> -> vector<2048x128xf32>
    %mul3A_67 = arith.mulf %dot_general3A_66, %dot_general3A_66 : vector<2048x128xf32>
    %reduce_sum3A_68 = arith.constant dense<0.000000e+00> : vector<2048xf32>
    %reduce_sum3A_69 = vector.multi_reduction <add>, %mul3A_67, %reduce_sum3A_68 [1] : vector<2048x128xf32> to vector<2048xf32>
    %broadcast_in_dim3A_70 = vector.shape_cast %reduce_sum3A_69 : vector<2048xf32> to vector<2048x1xf32>
    %sqrt3A_71 = math.sqrt %broadcast_in_dim3A_70 : vector<2048x1xf32>
    %max3A_72 = arith.constant 9.99999974E-6 : f32
    %max3A_73 = vector.broadcast %max3A_72 : f32 to vector<2048x1xf32>
    %max3A_74 = arith.maximumf %sqrt3A_71, %max3A_73 : vector<2048x1xf32>
    %tanh3A_75 = math.tanh %max3A_74 : vector<2048x1xf32>
    %mul3A_76 = vector.broadcast %tanh3A_75 : vector<2048x1xf32> to vector<2048x128xf32>
    %mul3A_77 = arith.mulf %mul3A_76, %dot_general3A_66 : vector<2048x128xf32>
    %div3A_78 = vector.broadcast %max3A_74 : vector<2048x1xf32> to vector<2048x128xf32>
    %div3A_79 = arith.divf %mul3A_77, %div3A_78 : vector<2048x128xf32>
    %mul3A_80 = arith.mulf %div3A_79, %div3A_79 : vector<2048x128xf32>
    %reduce_sum3A_81 = arith.constant dense<0.000000e+00> : vector<2048xf32>
    %reduce_sum3A_82 = vector.multi_reduction <add>, %mul3A_80, %reduce_sum3A_81 [1] : vector<2048x128xf32> to vector<2048xf32>
    %broadcast_in_dim3A_83 = vector.shape_cast %reduce_sum3A_82 : vector<2048xf32> to vector<2048x1xf32>
    %sqrt3A_84 = math.sqrt %broadcast_in_dim3A_83 : vector<2048x1xf32>
    %max3A_85 = arith.constant 9.99999974E-6 : f32
    %max3A_86 = vector.broadcast %max3A_85 : f32 to vector<2048x1xf32>
    %max3A_87 = arith.maximumf %sqrt3A_84, %max3A_86 : vector<2048x1xf32>
    %gt3A_88 = arith.constant 0.999989986 : f32
    %gt3A_89 = vector.broadcast %gt3A_88 : f32 to vector<2048x1xf32>
    %gt3A_90 = arith.cmpf ogt, %max3A_87, %gt3A_89 : vector<2048x1xf32>
    %div3A_91 = vector.broadcast %max3A_87 : vector<2048x1xf32> to vector<2048x128xf32>
    %div3A_92 = arith.divf %div3A_79, %div3A_91 : vector<2048x128xf32>
    %mul3A_93 = arith.constant 0.999989986 : f32
    %mul3A_94 = vector.broadcast %mul3A_93 : f32 to vector<2048x128xf32>
    %mul3A_95 = arith.mulf %div3A_92, %mul3A_94 : vector<2048x128xf32>
    %broadcast_in_dim3A_96 = vector.shape_cast %gt3A_90 : vector<2048x1xi1> to vector<2048x1xi1>
    %broadcast_in_dim3A_97 = vector.broadcast %broadcast_in_dim3A_96 : vector<2048x1xi1> to vector<2048x128xi1>
    %select_n3A_98 = arith.select %broadcast_in_dim3A_97, %mul3A_95, %div3A_79 : vector<2048x128xi1>, vector<2048x128xf32>
    %mul3A_99 = arith.mulf %select_n3A_98, %select_n3A_98 : vector<2048x128xf32>
    %reduce_sum3A_100 = arith.constant dense<0.000000e+00> : vector<2048xf32>
    %reduce_sum3A_101 = vector.multi_reduction <add>, %mul3A_99, %reduce_sum3A_100 [1] : vector<2048x128xf32> to vector<2048xf32>
    %broadcast_in_dim3A_102 = vector.shape_cast %reduce_sum3A_101 : vector<2048xf32> to vector<2048x1xf32>
    %sqrt3A_103 = math.sqrt %broadcast_in_dim3A_102 : vector<2048x1xf32>
    %jit3A_104 = arith.constant 9.99999974E-6 : f32
    %jit3A_105 = arith.constant 0.999989986 : f32
    %max3A_106 = vector.broadcast %jit3A_104 : f32 to vector<2048x1xf32>
    %max3A_107 = arith.maximumf %max3A_106, %sqrt3A_103 : vector<2048x1xf32>
    %min3A_108 = vector.broadcast %jit3A_105 : f32 to vector<2048x1xf32>
    %min3A_109 = arith.minimumf %min3A_108, %max3A_107 : vector<2048x1xf32>
    %add3A_110 = arith.constant 1.000000e+00 : f32
    %add3A_111 = vector.broadcast %add3A_110 : f32 to vector<2048x1xf32>
    %add3A_112 = arith.addf %add3A_111, %min3A_109 : vector<2048x1xf32>
    %sub3A_113 = arith.constant 1.000000e+00 : f32
    %sub3A_114 = vector.broadcast %sub3A_113 : f32 to vector<2048x1xf32>
    %sub3A_115 = arith.subf %sub3A_114, %min3A_109 : vector<2048x1xf32>
    %div3A_116 = arith.divf %add3A_112, %sub3A_115 : vector<2048x1xf32>
    %log3A_117 = math.log %div3A_116 : vector<2048x1xf32>
    %mul3A_118 = arith.constant 5.000000e-01 : f32
    %mul3A_119 = vector.broadcast %mul3A_118 : f32 to vector<2048x1xf32>
    %mul3A_120 = arith.mulf %mul3A_119, %log3A_117 : vector<2048x1xf32>
    %mul3A_121 = vector.broadcast %mul3A_120 : vector<2048x1xf32> to vector<2048x128xf32>
    %mul3A_122 = arith.mulf %mul3A_121, %select_n3A_98 : vector<2048x128xf32>
    %div3A_123 = vector.broadcast %min3A_109 : vector<2048x1xf32> to vector<2048x128xf32>
    %div3A_124 = arith.divf %mul3A_122, %div3A_123 : vector<2048x128xf32>
    %iota3A = tpu.iota {dimensions = array<i32: 0>} : vector<128x128xi32>
    %iota3A_125 = tpu.iota {dimensions = array<i32: 1>} : vector<128x128xi32>
    %jit3A_126 = arith.constant 2 : i32
    %div3A_127 = vector.broadcast %jit3A_126 : i32 to vector<128x128xi32>
    %div3A_128 = arith.divsi %iota3A_125, %div3A_127 : vector<128x128xi32>
    %sign3A = arith.constant 0 : i32
    %sign3A_129 = vector.broadcast %sign3A : i32 to vector<128x128xi32>
    %sign3A_130 = arith.cmpi sgt, %iota3A_125, %sign3A_129 : vector<128x128xi32>
    %sign3A_131 = arith.extui %sign3A_130 : vector<128x128xi1> to vector<128x128xi32>
    %sign3A_132 = arith.constant 0 : i32
    %sign3A_133 = vector.broadcast %sign3A_132 : i32 to vector<128x128xi32>
    %sign3A_134 = arith.cmpi slt, %iota3A_125, %sign3A_133 : vector<128x128xi32>
    %sign3A_135 = arith.extui %sign3A_134 : vector<128x128xi1> to vector<128x128xi32>
    %sign3A_136 = arith.subi %sign3A_131, %sign3A_135 : vector<128x128xi32>
    %sign3A_137 = arith.constant 0 : i32
    %sign3A_138 = arith.cmpi sgt, %jit3A_126, %sign3A_137 : i32
    %sign3A_139 = arith.extui %sign3A_138 : i1 to i32
    %sign3A_140 = arith.constant 0 : i32
    %sign3A_141 = arith.cmpi slt, %jit3A_126, %sign3A_140 : i32
    %sign3A_142 = arith.extui %sign3A_141 : i1 to i32
    %sign3A_143 = arith.subi %sign3A_139, %sign3A_142 : i32
    %ne3A = vector.broadcast %sign3A_143 : i32 to vector<128x128xi32>
    %ne3A_144 = arith.cmpi ne, %sign3A_136, %ne3A : vector<128x128xi32>
    %rem3A = vector.broadcast %jit3A_126 : i32 to vector<128x128xi32>
    %rem3A_145 = arith.remsi %iota3A_125, %rem3A : vector<128x128xi32>
    %ne3A_146 = arith.constant 0 : i32
    %ne3A_147 = vector.broadcast %ne3A_146 : i32 to vector<128x128xi32>
    %ne3A_148 = arith.cmpi ne, %rem3A_145, %ne3A_147 : vector<128x128xi32>
    %and3A = arith.andi %ne3A_144, %ne3A_148 : vector<128x128xi1>
    %sub3A_149 = arith.constant 1 : i32
    %sub3A_150 = vector.broadcast %sub3A_149 : i32 to vector<128x128xi32>
    %sub3A_151 = arith.subi %div3A_128, %sub3A_150 : vector<128x128xi32>
    %select_n3A_152 = arith.select %and3A, %sub3A_151, %div3A_128 : vector<128x128xi1>, vector<128x128xi32>
    %jit3A_153 = arith.constant 2 : i32
    %eq3A = arith.constant 0 : i32
    %eq3A_154 = arith.cmpi eq, %jit3A_153, %eq3A : i32
    %jit3A_155 = arith.constant 1 : i32
    %select_n3A_156 = arith.select %eq3A_154, %jit3A_155, %jit3A_153 : i32
    %rem3A_157 = vector.broadcast %select_n3A_156 : i32 to vector<128x128xi32>
    %rem3A_158 = arith.remsi %iota3A_125, %rem3A_157 : vector<128x128xi32>
    %ne3A_159 = arith.constant 0 : i32
    %ne3A_160 = vector.broadcast %ne3A_159 : i32 to vector<128x128xi32>
    %ne3A_161 = arith.cmpi ne, %rem3A_158, %ne3A_160 : vector<128x128xi32>
    %lt3A = arith.constant 0 : i32
    %lt3A_162 = vector.broadcast %lt3A : i32 to vector<128x128xi32>
    %lt3A_163 = arith.cmpi slt, %rem3A_158, %lt3A_162 : vector<128x128xi32>
    %lt3A_164 = arith.constant 0 : i32
    %lt3A_165 = arith.cmpi slt, %select_n3A_156, %lt3A_164 : i32
    %ne3A_166 = vector.broadcast %lt3A_165 : i1 to vector<128x128xi1>
    %ne3A_167 = vector.broadcast %ne3A_166 : vector<128x128xi1> to vector<128x128xi1>
    %ne3A_168 = arith.xori %lt3A_163, %ne3A_167 : vector<128x128xi1>
    %and3A_169 = arith.andi %ne3A_168, %ne3A_161 : vector<128x128xi1>
    %add3A_170 = vector.broadcast %select_n3A_156 : i32 to vector<128x128xi32>
    %add3A_171 = arith.addi %rem3A_158, %add3A_170 : vector<128x128xi32>
    %select_n3A_172 = arith.select %and3A_169, %add3A_171, %rem3A_158 : vector<128x128xi1>, vector<128x128xi32>
    %mul3A_173 = arith.constant 64 : i32
    %mul3A_174 = vector.broadcast %mul3A_173 : i32 to vector<128x128xi32>
    %mul3A_175 = arith.muli %mul3A_174, %select_n3A_172 : vector<128x128xi32>
    %add3A_176 = arith.addi %select_n3A_152, %mul3A_175 : vector<128x128xi32>
    %eq3A_177 = arith.cmpi eq, %iota3A, %add3A_176 : vector<128x128xi32>
    %jit3A_178 = arith.constant 1.000000e+00 : f32
    %jit3A_179 = arith.constant 0.000000e+00 : f32
    %broadcast_in_dim3A_180 = vector.broadcast %jit3A_178 : f32 to vector<128x128xf32>
    %broadcast_in_dim3A_181 = vector.broadcast %jit3A_179 : f32 to vector<128x128xf32>
    %select_n3A_182 = arith.select %eq3A_177, %broadcast_in_dim3A_180, %broadcast_in_dim3A_181 : vector<128x128xi1>, vector<128x128xf32>
    %dot_general3A_183 = arith.constant dense<0.000000e+00> : vector<2048x128xf32>
    %dot_general3A_184 = tpu.matmul %div3A_124, %select_n3A_182, %dot_general3A_183 {dimension_numbers = #tpu.dot_dimension_numbers<[1], [0], [0], [1], [0, 0, 1, 1], [], []>, transpose_lhs_hint = false} : vector<2048x128xf32>, vector<128x128xf32>, vector<2048x128xf32> -> vector<2048x128xf32>
    %convert_element_type3A = arith.truncf %dot_general3A_184 : vector<2048x128xf32> to vector<2048x128xbf16>
    %swap3A = arith.constant 0 : index
    %swap3A_185 = arith.constant 0 : index
    %swap3A_186 = vector.load %arg4[%swap3A, %swap3A_185] : memref<2048x128xbf16, #tpu.memory_space<vmem>>, vector<2048x128xbf16>
    tpu.vector_store %arg4[%swap3A, %swap3A_185], %convert_element_type3A {strides = array<i32>} : memref<2048x128xbf16, #tpu.memory_space<vmem>>, vector<2048x128xbf16>,
    %swap3A_187 = arith.constant 0 : index
    %swap3A_188 = arith.constant 0 : index
    %swap3A_189 = vector.load %arg5[%swap3A_187, %swap3A_188] : memref<2048x1xf32, #tpu.memory_space<vmem>>, vector<2048x1xf32>
    tpu.vector_store %arg5[%swap3A_187, %swap3A_188], %max3A_11 {strides = array<i32>} : memref<2048x1xf32, #tpu.memory_space<vmem>>, vector<2048x1xf32>,
    return
  }
  func.func @transform_0(%arg0: i32) -> (i32, i32, i32) {
    %c0_i32 = arith.constant 0 : i32
    %c0_i32_0 = arith.constant 0 : i32
    %c0_i32_1 = arith.constant 0 : i32
    return %c0_i32, %arg0, %c0_i32_0 : i32, i32, i32
  }
  func.func @transform_1(%arg0: i32) -> (i32, i32) {
    %c0_i32 = arith.constant 0 : i32
    %c0_i32_0 = arith.constant 0 : i32
    return %c0_i32, %arg0 : i32, i32
  }
  func.func @transform_2(%arg0: i32) -> (i32, i32) {
    %c0_i32 = arith.constant 0 : i32
    %c0_i32_0 = arith.constant 0 : i32
    %c0_i32_1 = arith.constant 0 : i32
    return %c0_i32, %c0_i32_0 : i32, i32
  }
  func.func @transform_3(%arg0: i32) -> (i32, i32) {
    %c0_i32 = arith.constant 0 : i32
    %c0_i32_0 = arith.constant 0 : i32
    return %arg0, %c0_i32 : i32, i32
  }
  func.func @transform_4(%arg0: i32) -> (i32, i32) {
    %c0_i32 = arith.constant 0 : i32
    %c0_i32_0 = arith.constant 0 : i32
    return %arg0, %c0_i32 : i32, i32
  }
}

module attributes {stable_mosaic.version = 14 : i64} {
  func.func @_tc_post_body(%arg0: i32, %arg1: memref<2x2048x128xf32, #tpu.memory_space<vmem>>, %arg2: memref<2048x1xf32, #tpu.memory_space<vmem>>, %arg3: memref<2048x128xf32, #tpu.memory_space<vmem>>, %arg4: memref<2048x128xf32, #tpu.memory_space<vmem>>) attributes {dimension_semantics = [#tpu.dimension_semantics<arbitrary>], iteration_bounds = array<i64: 5>, scalar_prefetch = 0 : i64, scratch_operands = 0 : i64, tpu.core_type = #tpu.core_type<tc>, window_params = [{transform_indices = @transform_0, window_bounds = array<i64: 2, 2048, 128>}, {transform_indices = @transform_1, window_bounds = array<i64: 2048, 1>}, {transform_indices = @transform_2, window_bounds = array<i64: 2048, 128>}, {transform_indices = @transform_3, window_bounds = array<i64: 2048, 128>}]} {
    %get3A = arith.constant 0 : index
    %get3A_0 = arith.constant 0 : index
    %get3A_1 = arith.constant 0 : index
    %get3A_2 = vector.load %arg1[%get3A, %get3A_0, %get3A_1] : memref<2x2048x128xf32, #tpu.memory_space<vmem>>, vector<2x2048x128xf32>
    %slice3A = vector.extract_strided_slice %get3A_2 {offsets = [0, 0, 0], sizes = [1, 2048, 128], strides = [1, 1, 1]} : vector<2x2048x128xf32> to vector<1x2048x128xf32>
    %squeeze3A = vector.shape_cast %slice3A : vector<1x2048x128xf32> to vector<2048x128xf32>
    %slice3A_3 = vector.extract_strided_slice %get3A_2 {offsets = [1, 0, 0], sizes = [1, 2048, 128], strides = [1, 1, 1]} : vector<2x2048x128xf32> to vector<1x2048x128xf32>
    %squeeze3A_4 = vector.shape_cast %slice3A_3 : vector<1x2048x128xf32> to vector<2048x128xf32>
    %add3A = arith.addf %squeeze3A, %squeeze3A_4 : vector<2048x128xf32>
    %get3A_5 = arith.constant 0 : index
    %get3A_6 = arith.constant 0 : index
    %get3A_7 = vector.load %arg2[%get3A_5, %get3A_6] : memref<2048x1xf32, #tpu.memory_space<vmem>>, vector<2048x1xf32>
    %div3A = vector.broadcast %get3A_7 : vector<2048x1xf32> to vector<2048x128xf32>
    %div3A_8 = arith.divf %add3A, %div3A : vector<2048x128xf32>
    %tanh3A = math.tanh %div3A_8 : vector<2048x128xf32>
    %mul3A = arith.mulf %tanh3A, %tanh3A : vector<2048x128xf32>
    %reduce_sum3A = arith.constant dense<0.000000e+00> : vector<2048xf32>
    %reduce_sum3A_9 = vector.multi_reduction <add>, %mul3A, %reduce_sum3A [1] : vector<2048x128xf32> to vector<2048xf32>
    %broadcast_in_dim3A = vector.shape_cast %reduce_sum3A_9 : vector<2048xf32> to vector<2048x1xf32>
    %sqrt3A = math.sqrt %broadcast_in_dim3A : vector<2048x1xf32>
    %max3A = arith.constant 9.99999974E-6 : f32
    %max3A_10 = vector.broadcast %max3A : f32 to vector<2048x1xf32>
    %max3A_11 = arith.maximumf %sqrt3A, %max3A_10 : vector<2048x1xf32>
    %tanh3A_12 = math.tanh %max3A_11 : vector<2048x1xf32>
    %mul3A_13 = vector.broadcast %tanh3A_12 : vector<2048x1xf32> to vector<2048x128xf32>
    %mul3A_14 = arith.mulf %mul3A_13, %tanh3A : vector<2048x128xf32>
    %div3A_15 = vector.broadcast %max3A_11 : vector<2048x1xf32> to vector<2048x128xf32>
    %div3A_16 = arith.divf %mul3A_14, %div3A_15 : vector<2048x128xf32>
    %mul3A_17 = arith.mulf %div3A_16, %div3A_16 : vector<2048x128xf32>
    %reduce_sum3A_18 = arith.constant dense<0.000000e+00> : vector<2048xf32>
    %reduce_sum3A_19 = vector.multi_reduction <add>, %mul3A_17, %reduce_sum3A_18 [1] : vector<2048x128xf32> to vector<2048xf32>
    %broadcast_in_dim3A_20 = vector.shape_cast %reduce_sum3A_19 : vector<2048xf32> to vector<2048x1xf32>
    %sqrt3A_21 = math.sqrt %broadcast_in_dim3A_20 : vector<2048x1xf32>
    %max3A_22 = arith.constant 9.99999974E-6 : f32
    %max3A_23 = vector.broadcast %max3A_22 : f32 to vector<2048x1xf32>
    %max3A_24 = arith.maximumf %sqrt3A_21, %max3A_23 : vector<2048x1xf32>
    %gt3A = arith.constant 0.999989986 : f32
    %gt3A_25 = vector.broadcast %gt3A : f32 to vector<2048x1xf32>
    %gt3A_26 = arith.cmpf ogt, %max3A_24, %gt3A_25 : vector<2048x1xf32>
    %div3A_27 = vector.broadcast %max3A_24 : vector<2048x1xf32> to vector<2048x128xf32>
    %div3A_28 = arith.divf %div3A_16, %div3A_27 : vector<2048x128xf32>
    %mul3A_29 = arith.constant 0.999989986 : f32
    %mul3A_30 = vector.broadcast %mul3A_29 : f32 to vector<2048x128xf32>
    %mul3A_31 = arith.mulf %div3A_28, %mul3A_30 : vector<2048x128xf32>
    %broadcast_in_dim3A_32 = vector.shape_cast %gt3A_26 : vector<2048x1xi1> to vector<2048x1xi1>
    %broadcast_in_dim3A_33 = vector.broadcast %broadcast_in_dim3A_32 : vector<2048x1xi1> to vector<2048x128xi1>
    %select_n3A = arith.select %broadcast_in_dim3A_33, %mul3A_31, %div3A_16 : vector<2048x128xi1>, vector<2048x128xf32>
    %get3A_34 = arith.constant 0 : index
    %get3A_35 = arith.constant 0 : index
    %get3A_36 = vector.load %arg3[%get3A_34, %get3A_35] : memref<2048x128xf32, #tpu.memory_space<vmem>>, vector<2048x128xf32>
    %mul3A_37 = arith.mulf %select_n3A, %select_n3A : vector<2048x128xf32>
    %reduce_sum3A_38 = arith.constant dense<0.000000e+00> : vector<2048xf32>
    %reduce_sum3A_39 = vector.multi_reduction <add>, %mul3A_37, %reduce_sum3A_38 [1] : vector<2048x128xf32> to vector<2048xf32>
    %broadcast_in_dim3A_40 = vector.shape_cast %reduce_sum3A_39 : vector<2048xf32> to vector<2048x1xf32>
    %mul3A_41 = arith.mulf %get3A_36, %get3A_36 : vector<2048x128xf32>
    %reduce_sum3A_42 = arith.constant dense<0.000000e+00> : vector<2048xf32>
    %reduce_sum3A_43 = vector.multi_reduction <add>, %mul3A_41, %reduce_sum3A_42 [1] : vector<2048x128xf32> to vector<2048xf32>
    %broadcast_in_dim3A_44 = vector.shape_cast %reduce_sum3A_43 : vector<2048xf32> to vector<2048x1xf32>
    %mul3A_45 = arith.mulf %select_n3A, %get3A_36 : vector<2048x128xf32>
    %reduce_sum3A_46 = arith.constant dense<0.000000e+00> : vector<2048xf32>
    %reduce_sum3A_47 = vector.multi_reduction <add>, %mul3A_45, %reduce_sum3A_46 [1] : vector<2048x128xf32> to vector<2048xf32>
    %broadcast_in_dim3A_48 = vector.shape_cast %reduce_sum3A_47 : vector<2048xf32> to vector<2048x1xf32>
    %mul3A_49 = arith.constant 2.000000e+00 : f32
    %mul3A_50 = vector.broadcast %mul3A_49 : f32 to vector<2048x1xf32>
    %mul3A_51 = arith.mulf %mul3A_50, %broadcast_in_dim3A_48 : vector<2048x1xf32>
    %add3A_52 = arith.constant 1.000000e+00 : f32
    %add3A_53 = vector.broadcast %add3A_52 : f32 to vector<2048x1xf32>
    %add3A_54 = arith.addf %add3A_53, %mul3A_51 : vector<2048x1xf32>
    %add3A_55 = arith.addf %add3A_54, %broadcast_in_dim3A_44 : vector<2048x1xf32>
    %mul3A_56 = vector.broadcast %add3A_55 : vector<2048x1xf32> to vector<2048x128xf32>
    %mul3A_57 = arith.mulf %mul3A_56, %select_n3A : vector<2048x128xf32>
    %sub3A = arith.constant 1.000000e+00 : f32
    %sub3A_58 = vector.broadcast %sub3A : f32 to vector<2048x1xf32>
    %sub3A_59 = arith.subf %sub3A_58, %broadcast_in_dim3A_40 : vector<2048x1xf32>
    %mul3A_60 = vector.broadcast %sub3A_59 : vector<2048x1xf32> to vector<2048x128xf32>
    %mul3A_61 = arith.mulf %mul3A_60, %get3A_36 : vector<2048x128xf32>
    %add3A_62 = arith.addf %mul3A_57, %mul3A_61 : vector<2048x128xf32>
    %mul3A_63 = arith.constant 2.000000e+00 : f32
    %mul3A_64 = vector.broadcast %mul3A_63 : f32 to vector<2048x1xf32>
    %mul3A_65 = arith.mulf %mul3A_64, %broadcast_in_dim3A_48 : vector<2048x1xf32>
    %add3A_66 = arith.constant 1.000000e+00 : f32
    %add3A_67 = vector.broadcast %add3A_66 : f32 to vector<2048x1xf32>
    %add3A_68 = arith.addf %add3A_67, %mul3A_65 : vector<2048x1xf32>
    %mul3A_69 = arith.mulf %broadcast_in_dim3A_40, %broadcast_in_dim3A_44 : vector<2048x1xf32>
    %add3A_70 = arith.addf %add3A_68, %mul3A_69 : vector<2048x1xf32>
    %max3A_71 = arith.constant 9.99999974E-6 : f32
    %max3A_72 = vector.broadcast %max3A_71 : f32 to vector<2048x1xf32>
    %max3A_73 = arith.maximumf %add3A_70, %max3A_72 : vector<2048x1xf32>
    %div3A_74 = vector.broadcast %max3A_73 : vector<2048x1xf32> to vector<2048x128xf32>
    %div3A_75 = arith.divf %add3A_62, %div3A_74 : vector<2048x128xf32>
    %mul3A_76 = arith.mulf %div3A_75, %div3A_75 : vector<2048x128xf32>
    %reduce_sum3A_77 = arith.constant dense<0.000000e+00> : vector<2048xf32>
    %reduce_sum3A_78 = vector.multi_reduction <add>, %mul3A_76, %reduce_sum3A_77 [1] : vector<2048x128xf32> to vector<2048xf32>
    %broadcast_in_dim3A_79 = vector.shape_cast %reduce_sum3A_78 : vector<2048xf32> to vector<2048x1xf32>
    %sqrt3A_80 = math.sqrt %broadcast_in_dim3A_79 : vector<2048x1xf32>
    %max3A_81 = arith.constant 9.99999974E-6 : f32
    %max3A_82 = vector.broadcast %max3A_81 : f32 to vector<2048x1xf32>
    %max3A_83 = arith.maximumf %sqrt3A_80, %max3A_82 : vector<2048x1xf32>
    %gt3A_84 = arith.constant 0.999989986 : f32
    %gt3A_85 = vector.broadcast %gt3A_84 : f32 to vector<2048x1xf32>
    %gt3A_86 = arith.cmpf ogt, %max3A_83, %gt3A_85 : vector<2048x1xf32>
    %div3A_87 = vector.broadcast %max3A_83 : vector<2048x1xf32> to vector<2048x128xf32>
    %div3A_88 = arith.divf %div3A_75, %div3A_87 : vector<2048x128xf32>
    %mul3A_89 = arith.constant 0.999989986 : f32
    %mul3A_90 = vector.broadcast %mul3A_89 : f32 to vector<2048x128xf32>
    %mul3A_91 = arith.mulf %div3A_88, %mul3A_90 : vector<2048x128xf32>
    %broadcast_in_dim3A_92 = vector.shape_cast %gt3A_86 : vector<2048x1xi1> to vector<2048x1xi1>
    %broadcast_in_dim3A_93 = vector.broadcast %broadcast_in_dim3A_92 : vector<2048x1xi1> to vector<2048x128xi1>
    %select_n3A_94 = arith.select %broadcast_in_dim3A_93, %mul3A_91, %div3A_75 : vector<2048x128xi1>, vector<2048x128xf32>
    %swap3A = arith.constant 0 : index
    %swap3A_95 = arith.constant 0 : index
    %swap3A_96 = vector.load %arg4[%swap3A, %swap3A_95] : memref<2048x128xf32, #tpu.memory_space<vmem>>, vector<2048x128xf32>
    tpu.vector_store %arg4[%swap3A, %swap3A_95], %select_n3A_94 {strides = array<i32>} : memref<2048x128xf32, #tpu.memory_space<vmem>>, vector<2048x128xf32>,
    return
  }
  func.func @transform_0(%arg0: i32) -> (i32, i32, i32) {
    %c0_i32 = arith.constant 0 : i32
    %c0_i32_0 = arith.constant 0 : i32
    %c0_i32_1 = arith.constant 0 : i32
    return %c0_i32, %arg0, %c0_i32_0 : i32, i32, i32
  }
  func.func @transform_1(%arg0: i32) -> (i32, i32) {
    %c0_i32 = arith.constant 0 : i32
    %c0_i32_0 = arith.constant 0 : i32
    return %arg0, %c0_i32 : i32, i32
  }
  func.func @transform_2(%arg0: i32) -> (i32, i32) {
    %c0_i32 = arith.constant 0 : i32
    %c0_i32_0 = arith.constant 0 : i32
    return %arg0, %c0_i32 : i32, i32
  }
  func.func @transform_3(%arg0: i32) -> (i32, i32) {
    %c0_i32 = arith.constant 0 : i32
    %c0_i32_0 = arith.constant 0 : i32
    return %arg0, %c0_i32 : i32, i32
  }
}

</mosaic_0001>

<sc_bundles>
// kernel: kernel.10.cloned.1.call-start
scs
__scs_entry_jumppad:
0x0: {  	(pc) =	sbr.rel $0x88, $3  }
0x1: {  	(tag) =	ssettag $0x0;
	lr =	simm.s32 $0x1  }
0x2: {  	[smem:$0x3F9E] =	sst lr;
	_ =	strace $0xD0000000  }
0x3: {  	_ = 	snop  }
0x4: {  	_ = 	snop  }
0x5: {  	_ = 	snop  }
0x6: {  	_ = 	snop  }
0x7: {  	_ = 	snop  }
__scs_overlays_trampoline_lowered:
0x8: {  	[smem:$0x3FAD] =	sst s0  }
0x9: {  	[smem:$0x3FAE] =	sst s1  }
0xa: {  	[smem:$0x3FAF] =	sst s2  }
0xb: {  	[smem:$0x3FB0] =	sst s3  }
0xc: {  	[smem:$0x3FB1] =	sst s4  }
0xd: {  	[smem:$0x3FB2] =	sst s5  }
0xe: {  	[smem:$0x3FB3] =	sst s6  }
0xf: {  	[smem:$0x3FB4] =	sst s7  }
0x10: {  	[smem:$0x3FB5] =	sst s8  }
0x11: {  	[smem:$0x3FB6] =	sst s9;
	s0 =	simm.s32 @!p0 $0x0  }
0x12: {  	s1 =	sld [smem:$0x3F9C];
	s0 =	simm.s32 @p0 $0x1  }
0x13: {  	[smem:$0x3FB7] =	sst s0;
	s0 =	simm.s32 @!p1 $0x0  }
0x14: {  	s2 =	sld [smem:$0x3F9B];
	s0 =	simm.s32 @p1 $0x1  }
0x15: {  	[smem:$0x3FB8] =	sst s0;
	s0 =	simm.s32 @!p2 $0x0  }
0x16: {  	s3 =	sld [smem:$0x3FDB];
	s0 =	simm.s32 @p2 $0x1  }
0x17: {  	s4 =	simm.s32 $0x1BF5;
	[smem:$0x3FBA] =	sst s0  }
0x18: {  	s0 =	sld [smem:$0x3F9D];
	_ =	swait.ge [sflag:s4], $0x0  }
0x19: {  	s7 =	sld [smem:$0x3F9E]  }
0x1a: {  	s8 =	sadd.s32 $0xFFFFE003, lr  }
0x1b: {  	s9 =	sadd.s32 $0xFFFFFEF7, lr;
	s5 =	simm.s32 $0xFFFFFFFF;
	p2 =	slt.u32 s8, $0xFFFFF086  }
0x1c: {  	p1 =	slt.u32 s9, $0xF7A;
	s5 =	simm.s32 @!p2 $0x0  }
0x1d: {  	s5 =	simm.s32 @p1 $0x1;
	p0 =	seq.s32 s7, s2  }
0x1e: {  	s7 =	smul.u32 @!p0 $0xF7A, s2;
	p2 =	seq.s32 @!p0 s5, $0x0  }
0x1f: {  	s9 =	smul.u32 $0xF7A, s1;
	s8 =	simm.s32 @!p0 $0x1BF5;
	p2 =	por !p2, p0  }
0x20: {  	[sflag:s8] =	ssyncset.s32 @!p0 $0xFFFFF086;
	s6 =	sadd.s32 @!p0 s3, s7;
	s7 =	simm.s32 @!p0 $0x108  }
0x21: {  	s3 =	sadd.s32 s3, s9;
	s6 =	sadd.s32 @!p0 $0x88, s6;
	s7 =	simm.s32 @p2 $0x1082  }
0x22: {  	[simem:s7], [sflag:s8] =	dma.local @!p0 [hbm:s6], $0xF7A  }
0x23: {  	s9 =	sor.u32 $0xD0000000, s2;
	s6 =	simm.s32 $0x108;
	_ =	swait.ge @!p0 [sflag:s8], $0x0  }
0x24: {  	s3 =	sadd.s32 $0x88, s3;
	s6 =	simm.s32 @!p1 $0x1082;
	[sflag:s4] =	ssyncset.s32 $0xFFFFF086  }
0x25: {  	[simem:s6], [sflag:s4] =	dma.local [hbm:s3], $0xF7A  }
0x26: {  	[smem:$0x3F9E] =	sst s1;
	(tag) =	ssettag s2;
	_ =	strace s9  }
0x27: {  	s1 =	sld [smem:$0x3FAE]  }
0x28: {  	s2 =	sld [smem:$0x3FAF]  }
0x29: {  	s4 =	sld [smem:$0x3FB1]  }
0x2a: {  	p0 =	seq.s32 s5, $0x0;
	s5 =	sld [smem:$0x3FB2]  }
0x2b: {  	s6 =	sld [smem:$0x3FB3]  }
0x2c: {  	s7 =	sld [smem:$0x3FB4]  }
0x2d: {  	s3 =	simm.s32 $0x108;
	s8 =	sld [smem:$0x3FB5]  }
0x2e: {  	s3 =	simm.s32 @!p0 $0x1082;
	s9 =	sld [smem:$0x3FB6]  }
0x2f: {  	lr =	sadd.s32 s0, s3;
	s0 =	sld [smem:$0x3FAD]  }
0x30: {  	s3 =	sld [smem:$0x3FB0]  }
0x31: {  	[smem:$0x3FB9] =	sst s10  }
0x32: {  	s10 =	sld [smem:$0x3FB7];
	_ =	sdelay $0x3  }
0x33: {  	p0 =	seq.s32 s10, $0x1;
	s10 =	sld [smem:$0x3FB9];
	_ =	sdelay $0x3  }
0x34: {  	[smem:$0x3FB9] =	sst s10  }
0x35: {  	s10 =	sld [smem:$0x3FB8];
	_ =	sdelay $0x3  }
0x36: {  	p1 =	seq.s32 s10, $0x1;
	s10 =	sld [smem:$0x3FB9];
	_ =	sdelay $0x3  }
0x37: {  	[smem:$0x3FB9] =	sst s10  }
0x38: {  	s10 =	sld [smem:$0x3FBA]  }
0x39: {  	_ = 	snop;
	(pc) =	sbr.ind lr, $3  }
0x3a: {  	_ = 	snop  }
0x3b: {  	_ = 	snop  }
0x3c: {  	p2 =	seq.s32 s10, $0x1;
	s10 =	sld [smem:$0x3FB9]  }
0x3d: {  	_ =	shalt  }
0x3e: {  	_ =	shalt  }
0x3f: {  	_ =	shalt  }
0x40: {  	_ =	shalt  }
0x41: {  	_ =	shalt  }
0x42: {  	_ =	shalt  }
0x43: {  	_ =	shalt  }
0x44: {  	_ =	shalt  }
0x45: {  	_ =	shalt  }
0x46: {  	_ =	shalt  }
0x47: {  	_ =	shalt  }
0x48: {  	_ =	shalt  }
0x49: {  	_ =	shalt  }
0x4a: {  	_ =	shalt  }
0x4b: {  	_ =	shalt  }
0x4c: {  	_ =	shalt  }
0x4d: {  	_ =	shalt  }
0x4e: {  	_ =	shalt  }
0x4f: {  	_ =	shalt  }
0x50: {  	_ =	shalt  }
0x51: {  	_ =	shalt  }
0x52: {  	_ =	shalt  }
0x53: {  	_ =	shalt  }
0x54: {  	_ =	shalt  }
0x55: {  	_ =	shalt  }
0x56: {  	_ =	shalt  }
0x57: {  	_ =	shalt  }
0x58: {  	_ =	shalt  }
0x59: {  	_ =	shalt  }
0x5a: {  	_ =	shalt  }
0x5b: {  	_ =	shalt  }
0x5c: {  	_ =	shalt  }
0x5d: {  	_ =	shalt  }
0x5e: {  	_ =	shalt  }
0x5f: {  	_ =	shalt  }
0x60: {  	_ =	shalt  }
0x61: {  	_ =	shalt  }
0x62: {  	_ =	shalt  }
0x63: {  	_ =	shalt  }
0x64: {  	_ =	shalt  }
0x65: {  	_ =	shalt  }
0x66: {  	_ =	shalt  }
0x67: {  	_ =	shalt  }
0x68: {  	_ =	shalt  }
0x69: {  	_ =	shalt  }
0x6a: {  	_ =	shalt  }
0x6b: {  	_ =	shalt  }
0x6c: {  	_ =	shalt  }
0x6d: {  	_ =	shalt  }
0x6e: {  	_ =	shalt  }
0x6f: {  	_ =	shalt  }
0x70: {  	_ =	shalt  }
0x71: {  	_ =	shalt  }
0x72: {  	_ =	shalt  }
0x73: {  	_ =	shalt  }
0x74: {  	_ =	shalt  }
0x75: {  	_ =	shalt  }
0x76: {  	_ =	shalt  }
0x77: {  	_ =	shalt  }
0x78: {  	_ =	shalt  }
0x79: {  	_ =	shalt  }
0x7a: {  	_ =	shalt  }
0x7b: {  	_ =	shalt  }
0x7c: {  	_ =	shalt  }
0x7d: {  	_ =	shalt  }
0x7e: {  	_ =	shalt  }
0x7f: {  	_ =	shalt  }
0x80: {  	_ =	shalt  }
0x81: {  	_ =	shalt  }
0x82: {  	_ =	shalt  }
0x83: {  	_ =	shalt  }
0x84: {  	_ =	shalt  }
0x85: {  	_ =	shalt  }
0x86: {  	_ =	shalt  }
0x87: {  	_ =	shalt  }
.Lfunc_end0:
.L_simem_size_0:
called_computation.1_lowered:
.L_overlay_start_0:
0x88: {  	s2 =	sld [smem:$0x3FD9]  }
0x89: {  	s3 =	sld [smem:$0x3FFE];
	_ =	sdelay $0x1  }
0x8a: {  	s1 =	srdreg.scid  }
0x8b: {  	s0 =	sand.u32 $0x1, s1  }
0x8c: {  	s17 =	sshll.u32 s0, $0xA;
	s2 =	sadd.s32 s3, s2  }
0x8d: {  	s2 =	sadd.s32 s2, s17  }
0x8e: {  	[smem:$0x3FC5] =	sst s2  }
0x8f: {  	_ = 	snop  }
0x90: {  	s2 =	sld [smem:$0x3FD0];
	(tm) =	ssettm $0x1  }
0x91: {  	s18 =	sld [smem:$0x3FFB];
	_ =	sdelay $0x3  }
0x92: {  	_ =	strace s18  }
0x93: {  	s3 =	sld [smem:$0x3FFC];
	_ =	sdelay $0x3  }
0x94: {  	_ =	strace s3  }
0x95: {  	s3 =	sld [smem:$0x3FFD];
	_ =	sdelay $0x3  }
0x96: {  	_ =	strace s3  }
0x97: {  	_ =	strace $0x8FFFFFFF  }
0x98: {  	s19 =	sld [smem:$0x3FDB];
	_ =	sdelay $0x1  }
0x99: {  	s4 =	simm.s32 $_scs_section_size  }
0x9a: {  	s5 =	simm.s32 $_size__tile_overlayer_lowered;
	s6 =	simm.s32 $_tile_overlayer_lowered  }
0x9b: {  	s22 =	simm.s32 $0x1BFF;
	s21 =	sshll.u32 s6, $0x1;
	s3 =	sadd.s32 s4, s19  }
0x9c: {  	s7 =	simm.s32 $0x0;
	s20 =	sshll.u32 s5, $0x1;
	s5 =	sadd.s32 s21, s3  }
0x9d: {  	[timem:s7], [sflag:s22] =	dma.local [hbm:s5], s20  }
0x9e: {  	_ =	swait.ge [sflag:s22], s20  }
0x9f: {  	s4 =	ssub.s32 $0x0, s20;
	[sflag:s22] =	ssyncset.done $0x0  }
0xa0: {  	[sflag:s22] =	ssyncadd.s32 s4;
	_ =	sdelay $0x1  }
0xa1: {  	s23 =	simm.s32 $0x1B8B  }
0xa2: {  	_ =	swait.ge [sflag:s23], $0x1  }
0xa3: {  	[sflag:s23] =	ssyncset.done $0x0  }
0xa4: {  	s25 =	simm.s32 $0x1B8E;
	s24 =	sld [smem:$0x3FFE];
	[sflag:s23] =	ssyncadd.s32 $0xFFFFFFFF  }
0xa5: {  	s26 =	simm.s32 $execute0_lowered;
	[smem:$0x3FD2] =	sst s25  }
0xa6: {  	s5 =	sshll.u32 s26, $0x1;
	_ =	strace $0x80000049;
	[dreg:$0x1] =	wrdreg $0xFFFFFFFF  }
0xa7: {  	s28 =	simm.s32 $_size_execute0_lowered;
	s3 =	sadd.s32 s3, s5;
	[dreg:$0x0] =	wrdreg $0x0  }
0xa8: {  	s5 =	sshll.u32 s28, $0x1;
	[dreg:$0x2] =	wrdreg s3  }
0xa9: {  	[dreg:$0x3] =	wrdreg s5  }
0xaa: {  	[dreg:$0x4] =	wrdreg $0xC0  }
0xab: {  	_ =	task [dreg:s7], $0x5FFFF  }
0xac: {  	[dreg:$0x1] =	wrdreg $0xFFFFFFFF  }
0xad: {  	[dreg:$0x0] =	wrdreg $0x60  }
0xae: {  	[dreg:$0x2] =	wrdreg s24  }
0xaf: {  	[dreg:$0x3] =	wrdreg s2  }
0xb0: {  	[dreg:$0x4] =	wrdreg $0x91800  }
0xb1: {  	[dreg:$0x5] =	wrdreg $0x9  }
0xb2: {  	_ =	task.clear_ibuf [dreg:s7], $0x6FFFF;
	_ =	strace $0x90000049  }
0xb3: {  	s29 =	simm.s32 $0x9;
	_ =	strace $0x8000004B  }
0xb4: {  	_ =	swait.ge [sflag:s29], $0x1  }
0xb5: {  	[sflag:s29] =	ssyncadd.s32 $0xFFFFFFFF  }
0xb6: {  	_ =	strace $0x9000004B  }
0xb7: {  	_ =	sfence  }
0xb8: {  	s30 =	sld [smem:$0x0];
	_ =	sdelay $0x2  }
0xb9: {  	s31 =	sshll.u32 s1, $0xD;
	s1 =	sshrl.u32 s1, $0x2  }
0xba: {  	s3 =	sand.u32 $0x4000, s31;
	s1 =	sadd.s32 s1, s30  }
0xbb: {  	s0 =	sor.u32 s3, s0;
	s1 =	sshll.u32 s1, $0x11  }
0xbc: {  	s0 =	sor.u32 s1, s0  }
0xbd: {  	s0 =	sadd.s32 $0x8F2B, s0  }
0xbe: {  	[sflag:s0] =	ssyncadd.remote.s32 $0x1  }
0xbf: {  	_ =	sfence.sel $0xFFFF  }
0xc0: {  	[dreg:$0x0] =	wrdreg $0xFFFFFFFF;
	(pc) =	sbr.abs _section_cstart, $3  }
0xc1: {  	[dreg:$0x1] =	wrdreg $0xFFFFFFFF  }
0xc2: {  	_ =	task.clear_ibuf [dreg:s7], $0x2FFFF;
	_ =	strace $0x9FFFFFFF  }
0xc3: {  	(tm) =	ssettm $0x7FFFFFFF  }
tec
execute0_lowered:
.L_overlay_start_1:
0x0: {  	(tag) =	ssettag $0x1  }
0x1: {  	s0 =	rddreg [dreg:$0x0]  }
0x2: {  	s2 =	rddreg [dreg:$0x1]  }
0x3: {  	s3 =	rddreg [dreg:$0x2]  }
0x4: {  	s11 =	stileid.u32;
	s1 =	srdreg.scid  }
0x5: {  	s4 =	simm.s32 $0x0;
	s16 =	simm.s32 $0x9;
	s17 =	simm.s32 $0xC0  }
0x6: {  	s18 =	simm.s32 $0x30;
	s28 =	simm.s32 $0x60;
	s29 =	simm.s32 $0x3180  }
0x7: {  	s30 =	simm.s32 $0x90;
	s31 =	simm.s32 $0x4980;
	s6 =	smul.u32 $0x13C00, s11  }
0x8: {  	s15 =	simm.s32 $0x7980;
	s1 =	sand.u32 $0x1, s1;
	s9 =	smul.u32 $0x57, s11  }
0x9: {  	[smem:$0x7FF] =	sst s4;
	s5 =	sadd.s32 $0x1A00, s0;
	s10 =	smul.u32 $0x7B, s11  }
0xa: {  	s21 =	sshll.u32 s11, $0x6;
	s7 =	smul.u32 $0x13C000, s1;
	_ =	strace $0x8000004A  }
0xb: {  	p0 =	seq.s32 s1, $0x0;
	s1 =	ssub.s32 $0x2, s1;
	s13 =	sor.u32 $0x1C09, s21  }
0xc: {  	s21 =	simm.s32 $0x2;
	s8 =	sshrl.u32 s6, $0x3;
	s9 =	sadd.s32 $0x7B0, s9  }
0xd: {  	s19 =	sshrl.u32 s1, $0x1;
	[dreg:$0x5] =	wrdreg s13;
	s8 =	sadd.s32 s8, s0  }
0xe: {  	s7 =	sadd.s32 s6, s7;
	s9 =	smov.u32 @p0 s10;
	s1 =	ssub.s32 s1, s19  }
0xf: {  	s6 =	sadd.s32 s6, s3;
	s19 =	simm.s32 $0x180;
	s10 =	smul.u32 $0xC0, s9  }
0x10: {  	s7 =	sshrl.u32 s7, $0x3;
	s20 =	sadd.s32 $0x15400, s8;
	s22 =	smul.u32 $0x18, s9  }
0x11: {  	s8 =	simm.s32 $0x3D;
	s11 =	sadd.s32 $0x2, s9;
	s12 =	sadd.s32 $0x3, s9  }
0x12: {  	s26 =	smax.u32 s1, $0x1;
	s14 =	sshrl.u32 s6, $0x3;
	s1 =	simm.s32 $0x4  }
0x13: {  	s6 =	simm.s32 $0x6;
	s9 =	simm.s32 $0x7;
	[dreg:$0x4] =	wrdreg s20  }
0x14: {  	s0 =	sadd.s32 s7, s0;
	s8 =	simm.s32 @!p0 $0x2B;
	[dreg:$0x9] =	wrdreg s26  }
0x15: {  	s20 =	simm.s32 $0xD80;
	s26 =	simm.s32 $0x5;
	[dreg:$0xa] =	wrdreg s14  }
0x16: {  	s23 =	sshrl.u32 s10, $0x3;
	s25 =	sadd.s32 s2, s22;
	s0 =	sadd.s32 $0x3CC00, s0  }
0x17: {  	s10 =	simm.s32 $0x8;
	s24 =	sadd.s32 s2, s23;
	[dreg:$0x6] =	wrdreg s25  }
0x18: {  	s22 =	simm.s32 $0x0;
	[dreg:$0x8] =	wrdreg s0;
	s7 =	sadd.s32 $0x18, s24  }
0x19: {  	s25 =	simm.s32 $0x3;
	s0 =	simm.s32 $0x1;
	[dreg:$0x7] =	wrdreg s7  }
.LBB2_1:
0x1a: {  	[dreg:$0xb] =	wrdreg s22  }
0x1b: {  	s7 =	rddreg [dreg:$0x4]  }
0x1c: {  	[spmem:s14], [sflag:s13] =	dma.local [hbm:s7], $0x2780  }
0x1d: {  	_ =	swait.ge [sflag:s16], $0x2780  }
0x1e: {  	[sflag:s16] =	ssyncset.done $0x0  }
0x1f: {  	[sflag:s16] =	ssyncadd.s32 $0xFFFFD880  }
0x20: {  	[bflag:$0x0] =	sbarrier.arrive $0xFFFF  }
0x21: {  	s23 =	rddreg [dreg:$0x6]  }
0x22: {  	[tilespmem:s4], [sflag:$0x9] =	stream.linear.gather [hbm4b:s23+s4], $0xC0, $0x38;
	[tilespmem:$0x1CD80] =	vst v63  }
0x23: {  	_ =	swait.ge [sflag:s16], $0xC0  }
0x24: {  	[sflag:s16] =	ssyncset.done $0x0  }
0x25: {  	s24 =	rddreg [dreg:$0x7];
	[sflag:s16] =	ssyncadd.s32 $0xFFFFFF40  }
0x26: {  	[tilespmem:s17], [sflag:$0x2] =	stream.linear.gather [hbm4b:s24+s4], $0xC0, $0x38;
	[tilespmem:$0x1CD80] =	vst v63  }
0x27: {  	_ = 	snop  }
0x28: {  	[tilespmem:s19], [sflag:$0x3] =	stream.indirect.gather [hbm4b:s5+s18], $0x40, s4, s18, $0xb8;
	[tilespmem:$0x1CD80] =	vst v63  }
0x29: {  	s16 =	simm.s32 $0x0  }
0x2a: {  	[tilespmem:s20], [sflag:$0x5] =	stream.indirect.gather [hbm4b:s5+s18], $0x40, s18, s18, $0xb8;
	[tilespmem:$0x1CD80] =	vst v63  }
.LBB2_2:
0x2b: {  	_ =	swait.ge [sflag:s21], $0xC0  }
0x2c: {  	[sflag:s21] =	ssyncset.done $0x0  }
0x2d: {  	s7 =	simm.s32 $0x1980;
	[sflag:s21] =	ssyncadd.s32 $0xFFFFFF40  }
0x2e: {  	[tilespmem:s7], [sflag:$0x4] =	stream.indirect.gather [hbm4b:s5+s18], $0x40, s17, s18, $0xb8;
	[tilespmem:$0x1CD80] =	vst v63  }
0x2f: {  	s24 =	simm.s32 $0xF0;
	s13 =	simm.s32 $0x2580  }
0x30: {  	[tilespmem:s13], [sflag:$0x6] =	stream.indirect.gather [hbm4b:s5+s18], $0x40, s24, s18, $0xb8;
	[tilespmem:$0x1CD80] =	vst v63  }
0x31: {  	_ =	swait.ge [sflag:s25], $0xC00  }
0x32: {  	[sflag:s25] =	ssyncset.done $0x0  }
0x33: {  	[sflag:s25] =	ssyncadd.s32 $0xFFFFF400  }
0x34: {  	_ =	swait.ge [sflag:s26], $0xC00  }
0x35: {  	p0 =	seq.s32 s16, $0x0;
	[sflag:s26] =	ssyncset.done $0x0  }
0x36: {  	s7 =	simm.s32 @!p0 $0x7;
	[sflag:s26] =	ssyncadd.s32 $0xFFFFF400  }
0x37: {  	_ =	swait.ge @!p0 [sflag:s7], $0x1800  }
0x38: {  	[sflag:s7] =	ssyncset.done @!p0 $0x0  }
0x39: {  	[sflag:s7] =	ssyncadd.s32 @!p0 $0xFFFFE800;
	s7 =	simm.s32 @!p0 $0x8  }
0x3a: {  	_ =	swait.ge @!p0 [sflag:s7], $0x1800  }
0x3b: {  	[sflag:s7] =	ssyncset.done @!p0 $0x0  }
0x3c: {  	s24 =	simm.s32 $0x200;
	[sflag:s7] =	ssyncadd.s32 @!p0 $0xFFFFE800  }
0x3d: {  	v0 =	vld [tilespmem:s24+$0x40];
	_ =	sdelay $0x1  }
0x3e: {  	v1 =	vld [tilespmem:s24+$0xFFFFFFC0]  }
0x3f: {  	v2 =	vld [tilespmem:s24+$0xFFFFFF80];
	_ =	sdelay $0x1  }
0x40: {  	s23 =	simm.s32 $0x3280;
	v3 =	vshll.u32 v0, $0x10  }
0x41: {  	v0 =	vand.u32 $0xFFFF0000, v0;
	[tilespmem:s23+$0x80] =	vst v3  }
0x42: {  	v4 =	vld [tilespmem:s24+$0x0];
	v3 =	vshll.u32 v1, $0x10;
	[tilespmem:s23+$0xC0] =	vst v0  }
0x43: {  	v0 =	vshll.u32 v2, $0x10;
	[tilespmem:s23+$0xFFFFFF80] =	vst v3  }
0x44: {  	v2 =	vand.u32 $0xFFFF0000, v2;
	v3 =	vld [tilespmem:s24+$0x50];
	[tilespmem:s23+$0xFFFFFF00] =	vst v0  }
0x45: {  	[tilespmem:s23+$0xFFFFFF40] =	vst v2  }
0x46: {  	v0 =	vand.u32 $0xFFFF0000, v1;
	v2 =	vld [tilespmem:s24+$0xFFFFFF90]  }
0x47: {  	v1 =	vshll.u32 v4, $0x10;
	[tilespmem:s23+$0xFFFFFFC0] =	vst v0  }
0x48: {  	v0 =	vand.u32 $0xFFFF0000, v4;
	[tilespmem:s23+$0x0] =	vst v1;
	v1 =	vld [tilespmem:s24+$0xFFFFFFD0]  }
0x49: {  	[tilespmem:s23+$0x40] =	vst v0;
	v0 =	vshll.u32 v3, $0x10  }
0x4a: {  	[tilespmem:s23+$0x90] =	vst v0;
	v0 =	vand.u32 $0xFFFF0000, v3;
	v3 =	vld [tilespmem:s24+$0x10]  }
0x4b: {  	[tilespmem:s23+$0xD0] =	vst v0;
	v0 =	vshll.u32 v2, $0x10  }
0x4c: {  	v2 =	vand.u32 $0xFFFF0000, v2;
	v4 =	vld [tilespmem:s24+$0x60];
	[tilespmem:s23+$0xFFFFFF10] =	vst v0  }
0x4d: {  	v0 =	vshll.u32 v1, $0x10;
	[tilespmem:s23+$0xFFFFFF50] =	vst v2  }
0x4e: {  	v1 =	vand.u32 $0xFFFF0000, v1;
	[tilespmem:s23+$0xFFFFFF90] =	vst v0;
	v0 =	vld [tilespmem:s24+$0xFFFFFFA0]  }
0x4f: {  	[tilespmem:s23+$0xFFFFFFD0] =	vst v1;
	v2 =	vshll.u32 v3, $0x10  }
0x50: {  	v3 =	vand.u32 $0xFFFF0000, v3;
	[tilespmem:s23+$0x10] =	vst v2;
	v2 =	vld [tilespmem:s24+$0xFFFFFFE0]  }
0x51: {  	[tilespmem:s23+$0x50] =	vst v3;
	v1 =	vshll.u32 v4, $0x10  }
0x52: {  	[tilespmem:s23+$0xA0] =	vst v1;
	v1 =	vand.u32 $0xFFFF0000, v4  }
0x53: {  	v4 =	vld [tilespmem:s24+$0x20];
	[tilespmem:s23+$0xE0] =	vst v1;
	v1 =	vshll.u32 v0, $0x10  }
0x54: {  	v0 =	vand.u32 $0xFFFF0000, v0;
	v3 =	vld [tilespmem:s24+$0x70];
	[tilespmem:s23+$0xFFFFFF20] =	vst v1  }
0x55: {  	[tilespmem:s23+$0xFFFFFF60] =	vst v0;
	v0 =	vshll.u32 v2, $0x10  }
0x56: {  	v1 =	vand.u32 $0xFFFF0000, v2;
	v2 =	vld [tilespmem:s24+$0xFFFFFFB0];
	[tilespmem:s23+$0xFFFFFFA0] =	vst v0  }
0x57: {  	[tilespmem:s23+$0xFFFFFFE0] =	vst v1  }
0x58: {  	v5 =	vshll.u32 v4, $0x10;
	v1 =	vld [tilespmem:s24+$0xFFFFFFF0]  }
0x59: {  	s22 =	sshll.u32 s16, $0x1;
	[tilespmem:s23+$0x20] =	vst v5;
	v0 =	vand.u32 $0xFFFF0000, v3  }
0x5a: {  	s14 =	simm.s32 $0x0;
	s13 =	simm.s32 $0x3280;
	s7 =	simm.s32 $0x300;
	[tilespmem:s23+$0xF0] =	vst v0;
	v0 =	vshll.u32 v3, $0x10;
	v3 =	vand.u32 $0xFFFF0000, v4  }
.LBB2_3:
0x5b: {  	v4 =	vld [tilespmem:s7+$0x40];
	v5 =	vshll.u32 v2, $0x10;
	v2 =	vand.u32 $0xFFFF0000, v2;
	[tilespmem:s23+$0x60] =	vst v3  }
0x5c: {  	v3 =	vld [tilespmem:s7+$0xFFFFFFC0];
	[tilespmem:s23+$0xFFFFFF30] =	vst v5  }
0x5d: {  	v5 =	vld [tilespmem:s7+$0x0];
	[tilespmem:s23+$0xFFFFFF70] =	vst v2;
	v2 =	vshll.u32 v1, $0x10;
	v1 =	vand.u32 $0xFFFF0000, v1  }
0x5e: {  	s14 =	sadd.s32 $0x4, s14;
	v6 =	vld [tilespmem:s7+$0xFFFFFF80];
	[tilespmem:s23+$0xFFFFFFB0] =	vst v2  }
0x5f: {  	p0 =	slt.u32 s14, $0x5C;
	[tilespmem:s23+$0xFFFFFFF0] =	vst v1;
	v1 =	vld [tilespmem:s24+$0x30];
	s24 =	smov.u32 s7  }
0x60: {  	s23 =	sadd.s32 $0x200, s23;
	v2 =	vshll.u32 v4, $0x10;
	[tilespmem:s13+$0xB0] =	vst v0  }
0x61: {  	v0 =	vshll.u32 v3, $0x10;
	v3 =	vand.u32 $0xFFFF0000, v3;
	[tilespmem:s23+$0x80] =	vst v2;
	v2 =	vand.u32 $0xFFFF0000, v4  }
0x62: {  	v4 =	vshll.u32 v5, $0x10;
	v5 =	vand.u32 $0xFFFF0000, v5;
	[tilespmem:s23+$0xC0] =	vst v2  }
0x63: {  	v2 =	vshll.u32 v6, $0x10;
	v6 =	vand.u32 $0xFFFF0000, v6;
	[tilespmem:s23+$0xFFFFFF80] =	vst v0;
	v0 =	vld [tilespmem:s7+$0x50]  }
0x64: {  	[tilespmem:s23+$0xFFFFFF00] =	vst v2;
	v2 =	vshll.u32 v1, $0x10;
	v7 =	vand.u32 $0xFFFF0000, v1  }
0x65: {  	[tilespmem:s23+$0xFFFFFF40] =	vst v6  }
0x66: {  	v1 =	vld [tilespmem:s7+$0xFFFFFF90];
	[tilespmem:s23+$0xFFFFFFC0] =	vst v3  }
0x67: {  	v3 =	vld [tilespmem:s7+$0xFFFFFFD0];
	[tilespmem:s23+$0x0] =	vst v4  }
0x68: {  	[tilespmem:s23+$0x40] =	vst v5;
	v4 =	vshll.u32 v0, $0x10  }
0x69: {  	v0 =	vand.u32 $0xFFFF0000, v0;
	v5 =	vld [tilespmem:s7+$0x10];
	[tilespmem:s23+$0x90] =	vst v4  }
0x6a: {  	[tilespmem:s23+$0xD0] =	vst v0  }
0x6b: {  	v0 =	vshll.u32 v1, $0x10;
	v1 =	vand.u32 $0xFFFF0000, v1;
	v4 =	vld [tilespmem:s7+$0x60];
	[tilespmem:s13+$0x30] =	vst v2  }
0x6c: {  	[tilespmem:s23+$0xFFFFFF10] =	vst v0;
	v0 =	vshll.u32 v3, $0x10;
	v2 =	vand.u32 $0xFFFF0000, v3  }
0x6d: {  	[tilespmem:s23+$0xFFFFFF50] =	vst v1  }
0x6e: {  	v1 =	vld [tilespmem:s7+$0xFFFFFFA0];
	[tilespmem:s23+$0xFFFFFF90] =	vst v0;
	v0 =	vshll.u32 v5, $0x10;
	v3 =	vand.u32 $0xFFFF0000, v5  }
0x6f: {  	[tilespmem:s23+$0xFFFFFFD0] =	vst v2  }
0x70: {  	v2 =	vld [tilespmem:s7+$0xFFFFFFE0];
	[tilespmem:s23+$0x10] =	vst v0;
	v0 =	vshll.u32 v4, $0x10  }
0x71: {  	[tilespmem:s23+$0xA0] =	vst v0;
	v0 =	vand.u32 $0xFFFF0000, v4  }
0x72: {  	[tilespmem:s23+$0xE0] =	vst v0  }
0x73: {  	v0 =	vshll.u32 v1, $0x10;
	v1 =	vand.u32 $0xFFFF0000, v1;
	[tilespmem:s23+$0x50] =	vst v3;
	v3 =	vld [tilespmem:s7+$0x70]  }
0x74: {  	[tilespmem:s23+$0xFFFFFF20] =	vst v0;
	v4 =	vld [tilespmem:s7+$0x20]  }
0x75: {  	[tilespmem:s23+$0xFFFFFF60] =	vst v1;
	v0 =	vshll.u32 v2, $0x10;
	v1 =	vand.u32 $0xFFFF0000, v2  }
.Ltmp0:
0x76: {  	v2 =	vld [tilespmem:s7+$0xFFFFFFB0];
	[tilespmem:s23+$0xFFFFFFA0] =	vst v0;
	(pc) =	sbr.rel @p0 .LBB2_3-.Ltmp0, $4  }
0x77: {  	[tilespmem:s23+$0xFFFFFFE0] =	vst v1  }
0x78: {  	v1 =	vld [tilespmem:s7+$0xFFFFFFF0];
	v0 =	vshll.u32 v3, $0x10;
	v5 =	vand.u32 $0xFFFF0000, v3;
	[tilespmem:s13+$0x70] =	vst v7;
	s13 =	smov.u32 s23  }
0x79: {  	v6 =	vshll.u32 v4, $0x10;
	v3 =	vand.u32 $0xFFFF0000, v4;
	[tilespmem:s23+$0xF0] =	vst v5  }
0x7a: {  	s7 =	sadd.s32 $0x100, s7;
	[tilespmem:s23+$0x20] =	vst v6  }
0x7b: {  	[tilespmem:s23+$0x60] =	vst v3  }
0x7c: {  	v4 =	vld [tilespmem:s24+$0x30]  }
0x7d: {  	v3 =	vshll.u32 v2, $0x10;
	[tilespmem:s13+$0xB0] =	vst v0  }
0x7e: {  	v2 =	vand.u32 $0xFFFF0000, v2;
	[tilespmem:s23+$0xFFFFFF30] =	vst v3  }
0x7f: {  	[tilespmem:s23+$0xFFFFFF70] =	vst v2;
	v2 =	vshll.u32 v1, $0x10  }
0x80: {  	s7 =	sadd.s32 s22, s11;
	v1 =	vand.u32 $0xFFFF0000, v1;
	[tilespmem:s23+$0xFFFFFFB0] =	vst v2  }
0x81: {  	p0 =	slt.s32 s7, $0xD1F;
	[tilespmem:s23+$0xFFFFFFF0] =	vst v1;
	v0 =	vshll.u32 v4, $0x10  }
0x82: {  	s7 =	simm.s32 @!p0 $0xD1F;
	v1 =	vand.u32 $0xFFFF0000, v4;
	[tilespmem:s13+$0x30] =	vst v0  }
0x83: {  	s7 =	smul.u32 $0xC0, s7;
	[tilespmem:s13+$0x70] =	vst v1  }
0x84: {  	[spmem:s3] =	stream.indirect.scatter.add.f32 [tilespmem:s29], [sflag:$0x7], $0x80, s28, s18, $0xb8;
	[tilespmem:$0x1CD80] =	vst v63  }
0x85: {  	s7 =	sshrl.u32 s7, $0x3  }
0x86: {  	[spmem:s3] =	stream.indirect.scatter.add.f32 [tilespmem:s31], [sflag:$0x8], $0x80, s30, s18, $0xb8;
	[tilespmem:$0x1CD80] =	vst v63  }
0x87: {  	s7 =	sadd.s32 s2, s7  }
0x88: {  	[tilespmem:s4], [sflag:$0x1] =	stream.linear.gather [hbm4b:s7+s4], $0xC0, $0x38;
	[tilespmem:$0x1CD80] =	vst v63  }
0x89: {  	_ =	swait.ge [sflag:s0], $0xC0  }
0x8a: {  	[sflag:s0] =	ssyncset.done $0x0  }
0x8b: {  	[sflag:s0] =	ssyncadd.s32 $0xFFFFFF40  }
0x8c: {  	[tilespmem:s19], [sflag:$0x3] =	stream.indirect.gather [hbm4b:s5+s18], $0x40, s4, s18, $0xb8;
	[tilespmem:$0x1CD80] =	vst v63  }
0x8d: {  	_ = 	snop  }
0x8e: {  	[tilespmem:s20], [sflag:$0x5] =	stream.indirect.gather [hbm4b:s5+s18], $0x40, s18, s18, $0xb8;
	[tilespmem:$0x1CD80] =	vst v63  }
0x8f: {  	_ =	swait.ge [sflag:s1], $0xC00  }
0x90: {  	[sflag:s1] =	ssyncset.done $0x0  }
0x91: {  	[sflag:s1] =	ssyncadd.s32 $0xFFFFF400  }
0x92: {  	_ =	swait.ge [sflag:s6], $0xC00  }
0x93: {  	[sflag:s6] =	ssyncset.done $0x0  }
0x94: {  	[sflag:s6] =	ssyncadd.s32 $0xFFFFF400  }
0x95: {  	_ =	swait.ge [sflag:s9], $0x1800  }
0x96: {  	[sflag:s9] =	ssyncset.done $0x0  }
0x97: {  	[sflag:s9] =	ssyncadd.s32 $0xFFFFE800  }
0x98: {  	_ =	swait.ge [sflag:s10], $0x1800  }
0x99: {  	[sflag:s10] =	ssyncset.done $0x0  }
0x9a: {  	s24 =	simm.s32 $0x1A00;
	[sflag:s10] =	ssyncadd.s32 $0xFFFFE800  }
0x9b: {  	v0 =	vld [tilespmem:s24+$0x40];
	_ =	sdelay $0x1  }
0x9c: {  	v1 =	vld [tilespmem:s24+$0xFFFFFFC0]  }
0x9d: {  	v2 =	vld [tilespmem:s24+$0xFFFFFF80];
	_ =	sdelay $0x1  }
0x9e: {  	s23 =	simm.s32 $0x6280;
	v3 =	vshll.u32 v0, $0x10  }
0x9f: {  	v0 =	vand.u32 $0xFFFF0000, v0;
	[tilespmem:s23+$0x80] =	vst v3  }
0xa0: {  	v4 =	vld [tilespmem:s24+$0x0];
	v3 =	vshll.u32 v1, $0x10;
	[tilespmem:s23+$0xC0] =	vst v0  }
0xa1: {  	v0 =	vshll.u32 v2, $0x10;
	[tilespmem:s23+$0xFFFFFF80] =	vst v3  }
0xa2: {  	v2 =	vand.u32 $0xFFFF0000, v2;
	v3 =	vld [tilespmem:s24+$0x50];
	[tilespmem:s23+$0xFFFFFF00] =	vst v0  }
0xa3: {  	[tilespmem:s23+$0xFFFFFF40] =	vst v2  }
0xa4: {  	v0 =	vand.u32 $0xFFFF0000, v1;
	v2 =	vld [tilespmem:s24+$0xFFFFFF90]  }
0xa5: {  	v1 =	vshll.u32 v4, $0x10;
	[tilespmem:s23+$0xFFFFFFC0] =	vst v0  }
0xa6: {  	v0 =	vand.u32 $0xFFFF0000, v4;
	[tilespmem:s23+$0x0] =	vst v1;
	v1 =	vld [tilespmem:s24+$0xFFFFFFD0]  }
0xa7: {  	[tilespmem:s23+$0x40] =	vst v0;
	v0 =	vshll.u32 v3, $0x10  }
0xa8: {  	[tilespmem:s23+$0x90] =	vst v0;
	v0 =	vand.u32 $0xFFFF0000, v3;
	v3 =	vld [tilespmem:s24+$0x10]  }
0xa9: {  	[tilespmem:s23+$0xD0] =	vst v0;
	v0 =	vshll.u32 v2, $0x10  }
0xaa: {  	v2 =	vand.u32 $0xFFFF0000, v2;
	v4 =	vld [tilespmem:s24+$0x60];
	[tilespmem:s23+$0xFFFFFF10] =	vst v0  }
0xab: {  	v0 =	vshll.u32 v1, $0x10;
	[tilespmem:s23+$0xFFFFFF50] =	vst v2  }
0xac: {  	v1 =	vand.u32 $0xFFFF0000, v1;
	[tilespmem:s23+$0xFFFFFF90] =	vst v0;
	v0 =	vld [tilespmem:s24+$0xFFFFFFA0]  }
0xad: {  	[tilespmem:s23+$0xFFFFFFD0] =	vst v1;
	v2 =	vshll.u32 v3, $0x10  }
0xae: {  	v3 =	vand.u32 $0xFFFF0000, v3;
	[tilespmem:s23+$0x10] =	vst v2;
	v2 =	vld [tilespmem:s24+$0xFFFFFFE0]  }
0xaf: {  	[tilespmem:s23+$0x50] =	vst v3;
	v1 =	vshll.u32 v4, $0x10  }
0xb0: {  	[tilespmem:s23+$0xA0] =	vst v1;
	v1 =	vand.u32 $0xFFFF0000, v4  }
0xb1: {  	v4 =	vld [tilespmem:s24+$0x20];
	[tilespmem:s23+$0xE0] =	vst v1;
	v1 =	vshll.u32 v0, $0x10  }
0xb2: {  	v0 =	vand.u32 $0xFFFF0000, v0;
	v3 =	vld [tilespmem:s24+$0x70];
	[tilespmem:s23+$0xFFFFFF20] =	vst v1  }
0xb3: {  	[tilespmem:s23+$0xFFFFFF60] =	vst v0;
	v0 =	vshll.u32 v2, $0x10  }
0xb4: {  	v1 =	vand.u32 $0xFFFF0000, v2;
	v2 =	vld [tilespmem:s24+$0xFFFFFFB0];
	[tilespmem:s23+$0xFFFFFFA0] =	vst v0  }
0xb5: {  	[tilespmem:s23+$0xFFFFFFE0] =	vst v1  }
0xb6: {  	v5 =	vshll.u32 v4, $0x10;
	v1 =	vld [tilespmem:s24+$0xFFFFFFF0]  }
0xb7: {  	[tilespmem:s23+$0x20] =	vst v5;
	v0 =	vand.u32 $0xFFFF0000, v3  }
0xb8: {  	s14 =	simm.s32 $0x0;
	s13 =	simm.s32 $0x6280;
	s7 =	simm.s32 $0x1B00;
	[tilespmem:s23+$0xF0] =	vst v0;
	v0 =	vshll.u32 v3, $0x10;
	v3 =	vand.u32 $0xFFFF0000, v4  }
.LBB2_5:
0xb9: {  	v4 =	vld [tilespmem:s7+$0x40];
	v5 =	vshll.u32 v2, $0x10;
	v2 =	vand.u32 $0xFFFF0000, v2;
	[tilespmem:s23+$0x60] =	vst v3  }
0xba: {  	v3 =	vld [tilespmem:s7+$0xFFFFFFC0];
	[tilespmem:s23+$0xFFFFFF30] =	vst v5  }
0xbb: {  	v5 =	vld [tilespmem:s7+$0x0];
	[tilespmem:s23+$0xFFFFFF70] =	vst v2;
	v2 =	vshll.u32 v1, $0x10;
	v1 =	vand.u32 $0xFFFF0000, v1  }
0xbc: {  	s14 =	sadd.s32 $0x4, s14;
	v6 =	vld [tilespmem:s7+$0xFFFFFF80];
	[tilespmem:s23+$0xFFFFFFB0] =	vst v2  }
0xbd: {  	p0 =	slt.u32 s14, $0x5C;
	[tilespmem:s23+$0xFFFFFFF0] =	vst v1;
	v1 =	vld [tilespmem:s24+$0x30];
	s24 =	smov.u32 s7  }
0xbe: {  	s23 =	sadd.s32 $0x200, s23;
	v2 =	vshll.u32 v4, $0x10;
	[tilespmem:s13+$0xB0] =	vst v0  }
0xbf: {  	v0 =	vshll.u32 v3, $0x10;
	v3 =	vand.u32 $0xFFFF0000, v3;
	[tilespmem:s23+$0x80] =	vst v2;
	v2 =	vand.u32 $0xFFFF0000, v4  }
0xc0: {  	v4 =	vshll.u32 v5, $0x10;
	v5 =	vand.u32 $0xFFFF0000, v5;
	[tilespmem:s23+$0xC0] =	vst v2  }
0xc1: {  	v2 =	vshll.u32 v6, $0x10;
	v6 =	vand.u32 $0xFFFF0000, v6;
	[tilespmem:s23+$0xFFFFFF80] =	vst v0;
	v0 =	vld [tilespmem:s7+$0x50]  }
0xc2: {  	[tilespmem:s23+$0xFFFFFF00] =	vst v2;
	v2 =	vshll.u32 v1, $0x10;
	v7 =	vand.u32 $0xFFFF0000, v1  }
0xc3: {  	[tilespmem:s23+$0xFFFFFF40] =	vst v6  }
0xc4: {  	v1 =	vld [tilespmem:s7+$0xFFFFFF90];
	[tilespmem:s23+$0xFFFFFFC0] =	vst v3  }
0xc5: {  	v3 =	vld [tilespmem:s7+$0xFFFFFFD0];
	[tilespmem:s23+$0x0] =	vst v4  }
0xc6: {  	[tilespmem:s23+$0x40] =	vst v5;
	v4 =	vshll.u32 v0, $0x10  }
0xc7: {  	v0 =	vand.u32 $0xFFFF0000, v0;
	v5 =	vld [tilespmem:s7+$0x10];
	[tilespmem:s23+$0x90] =	vst v4  }
0xc8: {  	[tilespmem:s23+$0xD0] =	vst v0  }
0xc9: {  	v0 =	vshll.u32 v1, $0x10;
	v1 =	vand.u32 $0xFFFF0000, v1;
	v4 =	vld [tilespmem:s7+$0x60];
	[tilespmem:s13+$0x30] =	vst v2  }
0xca: {  	[tilespmem:s23+$0xFFFFFF10] =	vst v0;
	v0 =	vshll.u32 v3, $0x10;
	v2 =	vand.u32 $0xFFFF0000, v3  }
0xcb: {  	[tilespmem:s23+$0xFFFFFF50] =	vst v1  }
0xcc: {  	v1 =	vld [tilespmem:s7+$0xFFFFFFA0];
	[tilespmem:s23+$0xFFFFFF90] =	vst v0;
	v0 =	vshll.u32 v5, $0x10;
	v3 =	vand.u32 $0xFFFF0000, v5  }
0xcd: {  	[tilespmem:s23+$0xFFFFFFD0] =	vst v2  }
0xce: {  	v2 =	vld [tilespmem:s7+$0xFFFFFFE0];
	[tilespmem:s23+$0x10] =	vst v0;
	v0 =	vshll.u32 v4, $0x10  }
0xcf: {  	[tilespmem:s23+$0xA0] =	vst v0;
	v0 =	vand.u32 $0xFFFF0000, v4  }
0xd0: {  	[tilespmem:s23+$0xE0] =	vst v0  }
0xd1: {  	v0 =	vshll.u32 v1, $0x10;
	v1 =	vand.u32 $0xFFFF0000, v1;
	[tilespmem:s23+$0x50] =	vst v3;
	v3 =	vld [tilespmem:s7+$0x70]  }
0xd2: {  	[tilespmem:s23+$0xFFFFFF20] =	vst v0;
	v4 =	vld [tilespmem:s7+$0x20]  }
0xd3: {  	[tilespmem:s23+$0xFFFFFF60] =	vst v1;
	v0 =	vshll.u32 v2, $0x10;
	v1 =	vand.u32 $0xFFFF0000, v2  }
.Ltmp1:
0xd4: {  	v2 =	vld [tilespmem:s7+$0xFFFFFFB0];
	[tilespmem:s23+$0xFFFFFFA0] =	vst v0;
	(pc) =	sbr.rel @p0 .LBB2_5-.Ltmp1, $4  }
0xd5: {  	[tilespmem:s23+$0xFFFFFFE0] =	vst v1  }
0xd6: {  	v1 =	vld [tilespmem:s7+$0xFFFFFFF0];
	v0 =	vshll.u32 v3, $0x10;
	v5 =	vand.u32 $0xFFFF0000, v3;
	[tilespmem:s13+$0x70] =	vst v7;
	s13 =	smov.u32 s23  }
0xd7: {  	v6 =	vshll.u32 v4, $0x10;
	v3 =	vand.u32 $0xFFFF0000, v4;
	[tilespmem:s23+$0xF0] =	vst v5  }
0xd8: {  	s7 =	sadd.s32 $0x100, s7;
	[tilespmem:s23+$0x20] =	vst v6  }
0xd9: {  	[tilespmem:s23+$0x60] =	vst v3  }
0xda: {  	v4 =	vld [tilespmem:s24+$0x30]  }
0xdb: {  	v58 =	vshll.u32 v2, $0x10;
	[tilespmem:s13+$0xB0] =	vst v0  }
0xdc: {  	v59 =	vand.u32 $0xFFFF0000, v2;
	[tilespmem:s23+$0xFFFFFF30] =	vst v58  }
0xdd: {  	[tilespmem:s23+$0xFFFFFF70] =	vst v59;
	v60 =	vshll.u32 v1, $0x10  }
0xde: {  	v61 =	vand.u32 $0xFFFF0000, v1;
	[tilespmem:s23+$0xFFFFFFB0] =	vst v60  }
0xdf: {  	[tilespmem:s23+$0xFFFFFFF0] =	vst v61;
	v62 =	vshll.u32 v4, $0x10  }
0xe0: {  	v63 =	vand.u32 $0xFFFF0000, v4;
	[tilespmem:s13+$0x30] =	vst v62  }
0xe1: {  	s7 =	simm.s32 $0x120;
	s23 =	simm.s32 $0x6180;
	[tilespmem:s13+$0x70] =	vst v63  }
0xe2: {  	[spmem:s3] =	stream.indirect.scatter.add.f32 [tilespmem:s23], [sflag:$0x7], $0x80, s7, s18, $0xb8;
	[tilespmem:$0x1CD80] =	vst v63  }
0xe3: {  	s7 =	sadd.s32 s22, s12  }
0xe4: {  	p0 =	slt.s32 s7, $0xD1F  }
0xe5: {  	s16 =	sadd.s32 $0x1, s16;
	s7 =	simm.s32 @!p0 $0xD1F  }
0xe6: {  	p0 =	sne.s32 s16, s8;
	s7 =	smul.u32 $0xC0, s7  }
.Ltmp2:
0xe7: {  	s24 =	simm.s32 $0x150;
	(pc) =	sbr.rel @p0 .LBB2_2-.Ltmp2, $4  }
0xe8: {  	[spmem:s3] =	stream.indirect.scatter.add.f32 [tilespmem:s15], [sflag:$0x8], $0x80, s24, s18, $0xb8;
	[tilespmem:$0x1CD80] =	vst v63  }
0xe9: {  	s7 =	sshrl.u32 s7, $0x3  }
0xea: {  	s7 =	sadd.s32 s2, s7  }
0xeb: {  	[tilespmem:s17], [sflag:$0x2] =	stream.linear.gather [hbm4b:s7+s4], $0xC0, $0x38;
	[tilespmem:$0x1CD80] =	vst v63  }
0xec: {  	_ =	swait.ge [sflag:s21], $0xC0  }
0xed: {  	[sflag:s21] =	ssyncset.done $0x0  }
0xee: {  	[sflag:s21] =	ssyncadd.s32 $0xFFFFFF40  }
0xef: {  	_ =	swait.ge [sflag:s25], $0xC00  }
0xf0: {  	[sflag:s25] =	ssyncset.done $0x0  }
0xf1: {  	[sflag:s25] =	ssyncadd.s32 $0xFFFFF400  }
0xf2: {  	_ =	swait.ge [sflag:s26], $0xC00  }
0xf3: {  	[sflag:s26] =	ssyncset.done $0x0  }
0xf4: {  	[sflag:s26] =	ssyncadd.s32 $0xFFFFF400  }
0xf5: {  	_ =	swait.ge [sflag:s9], $0x1800  }
0xf6: {  	[sflag:s9] =	ssyncset.done $0x0  }
0xf7: {  	[sflag:s9] =	ssyncadd.s32 $0xFFFFE800  }
0xf8: {  	_ =	swait.ge [sflag:s10], $0x1800  }
0xf9: {  	[sflag:s10] =	ssyncset.done $0x0  }
0xfa: {  	s22 =	simm.s32 $0x200;
	[sflag:s10] =	ssyncadd.s32 $0xFFFFE800  }
0xfb: {  	v0 =	vld [tilespmem:s22+$0x40];
	_ =	sdelay $0x1  }
0xfc: {  	v1 =	vld [tilespmem:s22+$0xFFFFFFC0]  }
0xfd: {  	v2 =	vld [tilespmem:s22+$0xFFFFFF80];
	_ =	sdelay $0x1  }
0xfe: {  	s16 =	simm.s32 $0x3280;
	v3 =	vshll.u32 v0, $0x10  }
0xff: {  	v0 =	vand.u32 $0xFFFF0000, v0;
	[tilespmem:s16+$0x80] =	vst v3  }
0x100: {  	v4 =	vld [tilespmem:s22+$0x0];
	v3 =	vshll.u32 v1, $0x10;
	[tilespmem:s16+$0xC0] =	vst v0  }
0x101: {  	v0 =	vshll.u32 v2, $0x10;
	[tilespmem:s16+$0xFFFFFF80] =	vst v3  }
0x102: {  	v2 =	vand.u32 $0xFFFF0000, v2;
	v3 =	vld [tilespmem:s22+$0x50];
	[tilespmem:s16+$0xFFFFFF00] =	vst v0  }
0x103: {  	[tilespmem:s16+$0xFFFFFF40] =	vst v2  }
0x104: {  	v0 =	vand.u32 $0xFFFF0000, v1;
	v2 =	vld [tilespmem:s22+$0xFFFFFF90]  }
0x105: {  	v1 =	vshll.u32 v4, $0x10;
	[tilespmem:s16+$0xFFFFFFC0] =	vst v0  }
0x106: {  	v0 =	vand.u32 $0xFFFF0000, v4;
	[tilespmem:s16+$0x0] =	vst v1;
	v1 =	vld [tilespmem:s22+$0xFFFFFFD0]  }
0x107: {  	[tilespmem:s16+$0x40] =	vst v0;
	v0 =	vshll.u32 v3, $0x10  }
0x108: {  	[tilespmem:s16+$0x90] =	vst v0;
	v0 =	vand.u32 $0xFFFF0000, v3;
	v3 =	vld [tilespmem:s22+$0x10]  }
0x109: {  	[tilespmem:s16+$0xD0] =	vst v0;
	v0 =	vshll.u32 v2, $0x10  }
0x10a: {  	v2 =	vand.u32 $0xFFFF0000, v2;
	v4 =	vld [tilespmem:s22+$0x60];
	[tilespmem:s16+$0xFFFFFF10] =	vst v0  }
0x10b: {  	v0 =	vshll.u32 v1, $0x10;
	[tilespmem:s16+$0xFFFFFF50] =	vst v2  }
0x10c: {  	v1 =	vand.u32 $0xFFFF0000, v1;
	[tilespmem:s16+$0xFFFFFF90] =	vst v0;
	v0 =	vld [tilespmem:s22+$0xFFFFFFA0]  }
0x10d: {  	[tilespmem:s16+$0xFFFFFFD0] =	vst v1;
	v2 =	vshll.u32 v3, $0x10  }
0x10e: {  	v3 =	vand.u32 $0xFFFF0000, v3;
	[tilespmem:s16+$0x10] =	vst v2;
	v2 =	vld [tilespmem:s22+$0xFFFFFFE0]  }
0x10f: {  	[tilespmem:s16+$0x50] =	vst v3;
	v1 =	vshll.u32 v4, $0x10  }
0x110: {  	[tilespmem:s16+$0xA0] =	vst v1;
	v1 =	vand.u32 $0xFFFF0000, v4  }
0x111: {  	v4 =	vld [tilespmem:s22+$0x20];
	[tilespmem:s16+$0xE0] =	vst v1;
	v1 =	vshll.u32 v0, $0x10  }
0x112: {  	v0 =	vand.u32 $0xFFFF0000, v0;
	v3 =	vld [tilespmem:s22+$0x70];
	[tilespmem:s16+$0xFFFFFF20] =	vst v1  }
0x113: {  	[tilespmem:s16+$0xFFFFFF60] =	vst v0;
	v0 =	vshll.u32 v2, $0x10  }
0x114: {  	v1 =	vand.u32 $0xFFFF0000, v2;
	v2 =	vld [tilespmem:s22+$0xFFFFFFB0];
	[tilespmem:s16+$0xFFFFFFA0] =	vst v0  }
0x115: {  	[tilespmem:s16+$0xFFFFFFE0] =	vst v1  }
0x116: {  	v5 =	vshll.u32 v4, $0x10;
	v1 =	vld [tilespmem:s22+$0xFFFFFFF0]  }
0x117: {  	[tilespmem:s16+$0x20] =	vst v5;
	v0 =	vand.u32 $0xFFFF0000, v3  }
0x118: {  	s14 =	simm.s32 $0x0;
	s7 =	simm.s32 $0x300;
	s13 =	simm.s32 $0x3280;
	[tilespmem:s16+$0xF0] =	vst v0;
	v0 =	vshll.u32 v3, $0x10;
	v3 =	vand.u32 $0xFFFF0000, v4  }
.LBB2_8:
0x119: {  	v4 =	vld [tilespmem:s7+$0x40];
	v5 =	vshll.u32 v2, $0x10;
	v2 =	vand.u32 $0xFFFF0000, v2;
	[tilespmem:s16+$0x60] =	vst v3  }
0x11a: {  	v3 =	vld [tilespmem:s7+$0xFFFFFFC0];
	[tilespmem:s16+$0xFFFFFF30] =	vst v5  }
0x11b: {  	v5 =	vld [tilespmem:s7+$0x0];
	[tilespmem:s16+$0xFFFFFF70] =	vst v2;
	v2 =	vshll.u32 v1, $0x10;
	v1 =	vand.u32 $0xFFFF0000, v1  }
0x11c: {  	s14 =	sadd.s32 $0x4, s14;
	v6 =	vld [tilespmem:s7+$0xFFFFFF80];
	[tilespmem:s16+$0xFFFFFFB0] =	vst v2  }
0x11d: {  	p0 =	slt.u32 s14, $0x5C;
	[tilespmem:s16+$0xFFFFFFF0] =	vst v1;
	v1 =	vld [tilespmem:s22+$0x30];
	s22 =	smov.u32 s7  }
0x11e: {  	s16 =	sadd.s32 $0x200, s16;
	v2 =	vshll.u32 v4, $0x10;
	[tilespmem:s13+$0xB0] =	vst v0  }
0x11f: {  	v0 =	vshll.u32 v3, $0x10;
	v3 =	vand.u32 $0xFFFF0000, v3;
	[tilespmem:s16+$0x80] =	vst v2;
	v2 =	vand.u32 $0xFFFF0000, v4  }
0x120: {  	v4 =	vshll.u32 v5, $0x10;
	v5 =	vand.u32 $0xFFFF0000, v5;
	[tilespmem:s16+$0xC0] =	vst v2  }
0x121: {  	v2 =	vshll.u32 v6, $0x10;
	v6 =	vand.u32 $0xFFFF0000, v6;
	[tilespmem:s16+$0xFFFFFF80] =	vst v0;
	v0 =	vld [tilespmem:s7+$0x50]  }
0x122: {  	[tilespmem:s16+$0xFFFFFF00] =	vst v2;
	v2 =	vshll.u32 v1, $0x10;
	v7 =	vand.u32 $0xFFFF0000, v1  }
0x123: {  	[tilespmem:s16+$0xFFFFFF40] =	vst v6  }
0x124: {  	v1 =	vld [tilespmem:s7+$0xFFFFFF90];
	[tilespmem:s16+$0xFFFFFFC0] =	vst v3  }
0x125: {  	v3 =	vld [tilespmem:s7+$0xFFFFFFD0];
	[tilespmem:s16+$0x0] =	vst v4  }
0x126: {  	[tilespmem:s16+$0x40] =	vst v5;
	v4 =	vshll.u32 v0, $0x10  }
0x127: {  	v0 =	vand.u32 $0xFFFF0000, v0;
	v5 =	vld [tilespmem:s7+$0x10];
	[tilespmem:s16+$0x90] =	vst v4  }
0x128: {  	[tilespmem:s16+$0xD0] =	vst v0  }
0x129: {  	v0 =	vshll.u32 v1, $0x10;
	v1 =	vand.u32 $0xFFFF0000, v1;
	v4 =	vld [tilespmem:s7+$0x60];
	[tilespmem:s13+$0x30] =	vst v2  }
0x12a: {  	[tilespmem:s16+$0xFFFFFF10] =	vst v0;
	v0 =	vshll.u32 v3, $0x10;
	v2 =	vand.u32 $0xFFFF0000, v3  }
0x12b: {  	[tilespmem:s16+$0xFFFFFF50] =	vst v1  }
0x12c: {  	v1 =	vld [tilespmem:s7+$0xFFFFFFA0];
	[tilespmem:s16+$0xFFFFFF90] =	vst v0;
	v0 =	vshll.u32 v5, $0x10;
	v3 =	vand.u32 $0xFFFF0000, v5  }
0x12d: {  	[tilespmem:s16+$0xFFFFFFD0] =	vst v2  }
0x12e: {  	v2 =	vld [tilespmem:s7+$0xFFFFFFE0];
	[tilespmem:s16+$0x10] =	vst v0;
	v0 =	vshll.u32 v4, $0x10  }
0x12f: {  	[tilespmem:s16+$0xA0] =	vst v0;
	v0 =	vand.u32 $0xFFFF0000, v4  }
0x130: {  	[tilespmem:s16+$0xE0] =	vst v0  }
0x131: {  	v0 =	vshll.u32 v1, $0x10;
	v1 =	vand.u32 $0xFFFF0000, v1;
	[tilespmem:s16+$0x50] =	vst v3;
	v3 =	vld [tilespmem:s7+$0x70]  }
0x132: {  	[tilespmem:s16+$0xFFFFFF20] =	vst v0;
	v4 =	vld [tilespmem:s7+$0x20]  }
0x133: {  	[tilespmem:s16+$0xFFFFFF60] =	vst v1;
	v0 =	vshll.u32 v2, $0x10;
	v1 =	vand.u32 $0xFFFF0000, v2  }
.Ltmp3:
0x134: {  	v2 =	vld [tilespmem:s7+$0xFFFFFFB0];
	[tilespmem:s16+$0xFFFFFFA0] =	vst v0;
	(pc) =	sbr.rel @p0 .LBB2_8-.Ltmp3, $4  }
0x135: {  	[tilespmem:s16+$0xFFFFFFE0] =	vst v1  }
0x136: {  	v1 =	vld [tilespmem:s7+$0xFFFFFFF0];
	v0 =	vshll.u32 v3, $0x10;
	v5 =	vand.u32 $0xFFFF0000, v3;
	[tilespmem:s13+$0x70] =	vst v7;
	s13 =	smov.u32 s16  }
0x137: {  	v6 =	vshll.u32 v4, $0x10;
	v3 =	vand.u32 $0xFFFF0000, v4;
	[tilespmem:s16+$0xF0] =	vst v5  }
0x138: {  	s7 =	sadd.s32 $0x100, s7;
	[tilespmem:s16+$0x20] =	vst v6  }
0x139: {  	[tilespmem:s16+$0x60] =	vst v3  }
0x13a: {  	v4 =	vld [tilespmem:s22+$0x30]  }
0x13b: {  	v58 =	vshll.u32 v2, $0x10;
	[tilespmem:s13+$0xB0] =	vst v0  }
0x13c: {  	v59 =	vand.u32 $0xFFFF0000, v2;
	[tilespmem:s16+$0xFFFFFF30] =	vst v58  }
0x13d: {  	[tilespmem:s16+$0xFFFFFF70] =	vst v59;
	v60 =	vshll.u32 v1, $0x10  }
0x13e: {  	v61 =	vand.u32 $0xFFFF0000, v1;
	[tilespmem:s16+$0xFFFFFFB0] =	vst v60  }
0x13f: {  	[tilespmem:s16+$0xFFFFFFF0] =	vst v61;
	v62 =	vshll.u32 v4, $0x10  }
0x140: {  	v63 =	vand.u32 $0xFFFF0000, v4;
	[tilespmem:s13+$0x30] =	vst v62  }
0x141: {  	[tilespmem:s13+$0x70] =	vst v63  }
0x142: {  	[spmem:s3] =	stream.indirect.scatter.add.f32 [tilespmem:s29], [sflag:$0x7], $0x80, s28, s18, $0xb8;
	[tilespmem:$0x1CD80] =	vst v63  }
0x143: {  	_ = 	snop  }
0x144: {  	[spmem:s3] =	stream.indirect.scatter.add.f32 [tilespmem:s31], [sflag:$0x8], $0x80, s30, s18, $0xb8;
	[tilespmem:$0x1CD80] =	vst v63  }
0x145: {  	_ =	swait.ge [sflag:s9], $0x1800  }
0x146: {  	[sflag:s9] =	ssyncset.done $0x0  }
0x147: {  	[sflag:s9] =	ssyncadd.s32 $0xFFFFE800  }
0x148: {  	_ =	swait.ge [sflag:s10], $0x1800  }
0x149: {  	[sflag:s10] =	ssyncset.done $0x0  }
0x14a: {  	[sflag:s10] =	ssyncadd.s32 $0xFFFFE800  }
0x14b: {  	[bflag:$0x0] =	sbarrier.arrive $0xFFFF  }
0x14c: {  	s13 =	rddreg [dreg:$0x5]  }
0x14d: {  	s7 =	rddreg [dreg:$0x8]  }
0x14e: {  	s16 =	simm.s32 $0x9;
	s14 =	rddreg [dreg:$0xa]  }
0x14f: {  	[hbm:s7], [sflag:s13] =	dma.local [spmem:s14], $0x2780  }
0x150: {  	_ =	swait.ge [sflag:s16], $0x2780  }
0x151: {  	s23 =	rddreg [dreg:$0xb]  }
0x152: {  	s24 =	rddreg [dreg:$0x9];
	s22 =	sadd.s32 $0x1, s23  }
0x153: {  	p0 =	sne.s32 s22, s24  }
.Ltmp4:
0x154: {  	_ = 	snop;
	(pc) =	sbr.rel @p0 .LBB2_1-.Ltmp4, $3  }
0x155: {  	_ =	sdelay $0x1  }
0x156: {  	[sflag:s16] =	ssyncset.done $0x0  }
0x157: {  	[sflag:s16] =	ssyncadd.s32 $0xFFFFD880  }
0x158: {  	_ =	sfence.sel $0x180000  }
0x159: {  	[bflag:$0x0] =	sbarrier.arrive $0xFFFF  }
0x15a: {  	_ =	strace $0x9000004A  }
0x15b: {  	s0 =	stileid.u32;
	[bflag:$0x2] =	sbarrier.arrive $0xFFFF  }
0x15c: {  	p0 =	sne.s32 s0, $0x0;
	s0 =	rddreg [dreg:$0x3]  }
0x15d: {  	s0 =	sadd.s32 @!p0 $0x100000, s0  }
0x15e: {  	[sflag:s0] =	ssyncadd.tile.s32 @!p0 $0x1;
	_ =	shalt  }
.Lfunc_end2:
_tile_overlayer_lowered:
.L_overlay_start_2:
0x15f: {  	(tag) =	ssettag $0x2  }
0x160: {  	s0 =	rddreg [dreg:$0x0];
	s2 =	stileid.u32  }
0x161: {  	s1 =	rddreg [dreg:$0x1];
	p0 =	sne.s32 s2, $0x0  }
0x162: {  	s3 =	rddreg [dreg:$0x2];
	[bflag:$0x3] =	sbarrier.arrive $0xFFFF;
	s2 =	simm.s32 @!p0 $0x1C09  }
0x163: {  	[timem:s3], [sflag:s2] =	dma.local @!p0 [hbm:s0], s1  }
0x164: {  	s0 =	simm.s32 @!p0 $0x9  }
0x165: {  	_ =	swait.ge @!p0 [sflag:s0], s1  }
0x166: {  	s1 =	ssub.s32 @!p0 $0x0, s1;
	[sflag:s0] =	ssyncset.done @!p0 $0x0  }
0x167: {  	[sflag:s0] =	ssyncadd.s32 @!p0 s1  }
0x168: {  	[bflag:$0x3] =	sbarrier.arrive $0xFFFF  }
0x169: {  	_ =	shalt  }

// kernel: kernel.7.cloned.1.call-start
scs
__scs_entry_jumppad:
0x0: {  	(pc) =	sbr.rel $0x88, $3  }
0x1: {  	(tag) =	ssettag $0x0;
	lr =	simm.s32 $0x1  }
0x2: {  	[smem:$0x3F9E] =	sst lr;
	_ =	strace $0xD0000000  }
0x3: {  	_ = 	snop  }
0x4: {  	_ = 	snop  }
0x5: {  	_ = 	snop  }
0x6: {  	_ = 	snop  }
0x7: {  	_ = 	snop  }
__scs_overlays_trampoline_lowered:
0x8: {  	[smem:$0x3FAD] =	sst s0  }
0x9: {  	[smem:$0x3FAE] =	sst s1  }
0xa: {  	[smem:$0x3FAF] =	sst s2  }
0xb: {  	[smem:$0x3FB0] =	sst s3  }
0xc: {  	[smem:$0x3FB1] =	sst s4  }
0xd: {  	[smem:$0x3FB2] =	sst s5  }
0xe: {  	[smem:$0x3FB3] =	sst s6  }
0xf: {  	[smem:$0x3FB4] =	sst s7  }
0x10: {  	[smem:$0x3FB5] =	sst s8  }
0x11: {  	[smem:$0x3FB6] =	sst s9;
	s0 =	simm.s32 @!p0 $0x0  }
0x12: {  	s1 =	sld [smem:$0x3F9C];
	s0 =	simm.s32 @p0 $0x1  }
0x13: {  	[smem:$0x3FB7] =	sst s0;
	s0 =	simm.s32 @!p1 $0x0  }
0x14: {  	s2 =	sld [smem:$0x3F9B];
	s0 =	simm.s32 @p1 $0x1  }
0x15: {  	[smem:$0x3FB8] =	sst s0;
	s0 =	simm.s32 @!p2 $0x0  }
0x16: {  	s3 =	sld [smem:$0x3FDB];
	s0 =	simm.s32 @p2 $0x1  }
0x17: {  	s4 =	simm.s32 $0x1BF5;
	[smem:$0x3FBA] =	sst s0  }
0x18: {  	s0 =	sld [smem:$0x3F9D];
	_ =	swait.ge [sflag:s4], $0x0  }
0x19: {  	s7 =	sld [smem:$0x3F9E]  }
0x1a: {  	s8 =	sadd.s32 $0xFFFFE003, lr  }
0x1b: {  	s9 =	sadd.s32 $0xFFFFFEF7, lr;
	s5 =	simm.s32 $0xFFFFFFFF;
	p2 =	slt.u32 s8, $0xFFFFF086  }
0x1c: {  	p1 =	slt.u32 s9, $0xF7A;
	s5 =	simm.s32 @!p2 $0x0  }
0x1d: {  	s5 =	simm.s32 @p1 $0x1;
	p0 =	seq.s32 s7, s2  }
0x1e: {  	s7 =	smul.u32 @!p0 $0xF7A, s2;
	p2 =	seq.s32 @!p0 s5, $0x0  }
0x1f: {  	s9 =	smul.u32 $0xF7A, s1;
	s8 =	simm.s32 @!p0 $0x1BF5;
	p2 =	por !p2, p0  }
0x20: {  	[sflag:s8] =	ssyncset.s32 @!p0 $0xFFFFF086;
	s6 =	sadd.s32 @!p0 s3, s7;
	s7 =	simm.s32 @!p0 $0x108  }
0x21: {  	s3 =	sadd.s32 s3, s9;
	s6 =	sadd.s32 @!p0 $0x88, s6;
	s7 =	simm.s32 @p2 $0x1082  }
0x22: {  	[simem:s7], [sflag:s8] =	dma.local @!p0 [hbm:s6], $0xF7A  }
0x23: {  	s9 =	sor.u32 $0xD0000000, s2;
	s6 =	simm.s32 $0x108;
	_ =	swait.ge @!p0 [sflag:s8], $0x0  }
0x24: {  	s3 =	sadd.s32 $0x88, s3;
	s6 =	simm.s32 @!p1 $0x1082;
	[sflag:s4] =	ssyncset.s32 $0xFFFFF086  }
0x25: {  	[simem:s6], [sflag:s4] =	dma.local [hbm:s3], $0xF7A  }
0x26: {  	[smem:$0x3F9E] =	sst s1;
	(tag) =	ssettag s2;
	_ =	strace s9  }
0x27: {  	s1 =	sld [smem:$0x3FAE]  }
0x28: {  	s2 =	sld [smem:$0x3FAF]  }
0x29: {  	s4 =	sld [smem:$0x3FB1]  }
0x2a: {  	p0 =	seq.s32 s5, $0x0;
	s5 =	sld [smem:$0x3FB2]  }
0x2b: {  	s6 =	sld [smem:$0x3FB3]  }
0x2c: {  	s7 =	sld [smem:$0x3FB4]  }
0x2d: {  	s3 =	simm.s32 $0x108;
	s8 =	sld [smem:$0x3FB5]  }
0x2e: {  	s3 =	simm.s32 @!p0 $0x1082;
	s9 =	sld [smem:$0x3FB6]  }
0x2f: {  	lr =	sadd.s32 s0, s3;
	s0 =	sld [smem:$0x3FAD]  }
0x30: {  	s3 =	sld [smem:$0x3FB0]  }
0x31: {  	[smem:$0x3FB9] =	sst s10  }
0x32: {  	s10 =	sld [smem:$0x3FB7];
	_ =	sdelay $0x3  }
0x33: {  	p0 =	seq.s32 s10, $0x1;
	s10 =	sld [smem:$0x3FB9];
	_ =	sdelay $0x3  }
0x34: {  	[smem:$0x3FB9] =	sst s10  }
0x35: {  	s10 =	sld [smem:$0x3FB8];
	_ =	sdelay $0x3  }
0x36: {  	p1 =	seq.s32 s10, $0x1;
	s10 =	sld [smem:$0x3FB9];
	_ =	sdelay $0x3  }
0x37: {  	[smem:$0x3FB9] =	sst s10  }
0x38: {  	s10 =	sld [smem:$0x3FBA]  }
0x39: {  	_ = 	snop;
	(pc) =	sbr.ind lr, $3  }
0x3a: {  	_ = 	snop  }
0x3b: {  	_ = 	snop  }
0x3c: {  	p2 =	seq.s32 s10, $0x1;
	s10 =	sld [smem:$0x3FB9]  }
0x3d: {  	_ =	shalt  }
0x3e: {  	_ =	shalt  }
0x3f: {  	_ =	shalt  }
0x40: {  	_ =	shalt  }
0x41: {  	_ =	shalt  }
0x42: {  	_ =	shalt  }
0x43: {  	_ =	shalt  }
0x44: {  	_ =	shalt  }
0x45: {  	_ =	shalt  }
0x46: {  	_ =	shalt  }
0x47: {  	_ =	shalt  }
0x48: {  	_ =	shalt  }
0x49: {  	_ =	shalt  }
0x4a: {  	_ =	shalt  }
0x4b: {  	_ =	shalt  }
0x4c: {  	_ =	shalt  }
0x4d: {  	_ =	shalt  }
0x4e: {  	_ =	shalt  }
0x4f: {  	_ =	shalt  }
0x50: {  	_ =	shalt  }
0x51: {  	_ =	shalt  }
0x52: {  	_ =	shalt  }
0x53: {  	_ =	shalt  }
0x54: {  	_ =	shalt  }
0x55: {  	_ =	shalt  }
0x56: {  	_ =	shalt  }
0x57: {  	_ =	shalt  }
0x58: {  	_ =	shalt  }
0x59: {  	_ =	shalt  }
0x5a: {  	_ =	shalt  }
0x5b: {  	_ =	shalt  }
0x5c: {  	_ =	shalt  }
0x5d: {  	_ =	shalt  }
0x5e: {  	_ =	shalt  }
0x5f: {  	_ =	shalt  }
0x60: {  	_ =	shalt  }
0x61: {  	_ =	shalt  }
0x62: {  	_ =	shalt  }
0x63: {  	_ =	shalt  }
0x64: {  	_ =	shalt  }
0x65: {  	_ =	shalt  }
0x66: {  	_ =	shalt  }
0x67: {  	_ =	shalt  }
0x68: {  	_ =	shalt  }
0x69: {  	_ =	shalt  }
0x6a: {  	_ =	shalt  }
0x6b: {  	_ =	shalt  }
0x6c: {  	_ =	shalt  }
0x6d: {  	_ =	shalt  }
0x6e: {  	_ =	shalt  }
0x6f: {  	_ =	shalt  }
0x70: {  	_ =	shalt  }
0x71: {  	_ =	shalt  }
0x72: {  	_ =	shalt  }
0x73: {  	_ =	shalt  }
0x74: {  	_ =	shalt  }
0x75: {  	_ =	shalt  }
0x76: {  	_ =	shalt  }
0x77: {  	_ =	shalt  }
0x78: {  	_ =	shalt  }
0x79: {  	_ =	shalt  }
0x7a: {  	_ =	shalt  }
0x7b: {  	_ =	shalt  }
0x7c: {  	_ =	shalt  }
0x7d: {  	_ =	shalt  }
0x7e: {  	_ =	shalt  }
0x7f: {  	_ =	shalt  }
0x80: {  	_ =	shalt  }
0x81: {  	_ =	shalt  }
0x82: {  	_ =	shalt  }
0x83: {  	_ =	shalt  }
0x84: {  	_ =	shalt  }
0x85: {  	_ =	shalt  }
0x86: {  	_ =	shalt  }
0x87: {  	_ =	shalt  }
.Lfunc_end0:
.L_simem_size_0:
called_computation_lowered:
.L_overlay_start_0:
0x88: {  	s2 =	sld [smem:$0x3FD9]  }
0x89: {  	s3 =	sld [smem:$0x3FFE];
	_ =	sdelay $0x1  }
0x8a: {  	s1 =	srdreg.scid  }
0x8b: {  	s0 =	sand.u32 $0x1, s1  }
0x8c: {  	s17 =	sshll.u32 s0, $0xA;
	s2 =	sadd.s32 s3, s2  }
0x8d: {  	s2 =	sadd.s32 s2, s17  }
0x8e: {  	[smem:$0x3FC5] =	sst s2  }
0x8f: {  	_ = 	snop  }
0x90: {  	s2 =	sld [smem:$0x3FD0];
	(tm) =	ssettm $0x1  }
0x91: {  	s18 =	sld [smem:$0x3FFB];
	_ =	sdelay $0x3  }
0x92: {  	_ =	strace s18  }
0x93: {  	s3 =	sld [smem:$0x3FFC];
	_ =	sdelay $0x3  }
0x94: {  	_ =	strace s3  }
0x95: {  	s3 =	sld [smem:$0x3FFD];
	_ =	sdelay $0x3  }
0x96: {  	_ =	strace s3  }
0x97: {  	_ =	strace $0x8FFFFFFF  }
0x98: {  	s19 =	sld [smem:$0x3FDB];
	_ =	sdelay $0x1  }
0x99: {  	s4 =	simm.s32 $_scs_section_size  }
0x9a: {  	s5 =	simm.s32 $_size__tile_overlayer_lowered;
	s6 =	simm.s32 $_tile_overlayer_lowered  }
0x9b: {  	s22 =	simm.s32 $0x1BFF;
	s21 =	sshll.u32 s6, $0x1;
	s3 =	sadd.s32 s4, s19  }
0x9c: {  	s7 =	simm.s32 $0x0;
	s20 =	sshll.u32 s5, $0x1;
	s5 =	sadd.s32 s21, s3  }
0x9d: {  	[timem:s7], [sflag:s22] =	dma.local [hbm:s5], s20  }
0x9e: {  	_ =	swait.ge [sflag:s22], s20  }
0x9f: {  	s4 =	ssub.s32 $0x0, s20;
	[sflag:s22] =	ssyncset.done $0x0  }
0xa0: {  	[sflag:s22] =	ssyncadd.s32 s4;
	_ =	sdelay $0x1  }
0xa1: {  	s23 =	simm.s32 $0x1B8B  }
0xa2: {  	_ =	swait.ge [sflag:s23], $0x1  }
0xa3: {  	[sflag:s23] =	ssyncset.done $0x0  }
0xa4: {  	s25 =	simm.s32 $0x1B8E;
	s24 =	sld [smem:$0x3FFE];
	[sflag:s23] =	ssyncadd.s32 $0xFFFFFFFF  }
0xa5: {  	s26 =	simm.s32 $execute0_lowered;
	[smem:$0x3FD2] =	sst s25  }
0xa6: {  	s5 =	sshll.u32 s26, $0x1;
	_ =	strace $0x80000046;
	[dreg:$0x1] =	wrdreg $0xFFFFFFFF  }
0xa7: {  	s28 =	simm.s32 $_size_execute0_lowered;
	s3 =	sadd.s32 s3, s5;
	[dreg:$0x0] =	wrdreg $0x0  }
0xa8: {  	s5 =	sshll.u32 s28, $0x1;
	[dreg:$0x2] =	wrdreg s3  }
0xa9: {  	[dreg:$0x3] =	wrdreg s5  }
0xaa: {  	[dreg:$0x4] =	wrdreg $0xC0  }
0xab: {  	_ =	task [dreg:s7], $0x5FFFF  }
0xac: {  	[dreg:$0x1] =	wrdreg $0xFFFFFFFF  }
0xad: {  	[dreg:$0x0] =	wrdreg $0x60  }
0xae: {  	[dreg:$0x2] =	wrdreg s24  }
0xaf: {  	[dreg:$0x3] =	wrdreg s2  }
0xb0: {  	[dreg:$0x4] =	wrdreg $0xB9000  }
0xb1: {  	[dreg:$0x5] =	wrdreg $0x9  }
0xb2: {  	_ =	task.clear_ibuf [dreg:s7], $0x6FFFF;
	_ =	strace $0x90000046  }
0xb3: {  	s29 =	simm.s32 $0x9;
	_ =	strace $0x80000048  }
0xb4: {  	_ =	swait.ge [sflag:s29], $0x1  }
0xb5: {  	[sflag:s29] =	ssyncadd.s32 $0xFFFFFFFF  }
0xb6: {  	_ =	strace $0x90000048  }
0xb7: {  	_ =	sfence  }
0xb8: {  	s30 =	sld [smem:$0x0];
	_ =	sdelay $0x2  }
0xb9: {  	s31 =	sshll.u32 s1, $0xD;
	s1 =	sshrl.u32 s1, $0x2  }
0xba: {  	s3 =	sand.u32 $0x4000, s31;
	s1 =	sadd.s32 s1, s30  }
0xbb: {  	s0 =	sor.u32 s3, s0;
	s1 =	sshll.u32 s1, $0x11  }
0xbc: {  	s0 =	sor.u32 s1, s0  }
0xbd: {  	s0 =	sadd.s32 $0x8F2B, s0  }
0xbe: {  	[sflag:s0] =	ssyncadd.remote.s32 $0x1  }
0xbf: {  	_ =	sfence.sel $0xFFFF  }
0xc0: {  	[dreg:$0x0] =	wrdreg $0xFFFFFFFF;
	(pc) =	sbr.abs _section_cstart, $3  }
0xc1: {  	[dreg:$0x1] =	wrdreg $0xFFFFFFFF  }
0xc2: {  	_ =	task.clear_ibuf [dreg:s7], $0x2FFFF;
	_ =	strace $0x9FFFFFFF  }
0xc3: {  	(tm) =	ssettm $0x7FFFFFFF  }
tec
execute0_lowered:
.L_overlay_start_1:
0x0: {  	(tag) =	ssettag $0x1  }
0x1: {  	s0 =	rddreg [dreg:$0x0]  }
0x2: {  	s2 =	rddreg [dreg:$0x1]  }
0x3: {  	s3 =	rddreg [dreg:$0x2]  }
0x4: {  	s13 =	stileid.u32;
	s1 =	srdreg.scid  }
0x5: {  	s4 =	simm.s32 $0x0;
	s17 =	simm.s32 $0x9;
	s18 =	simm.s32 $0xC0  }
0x6: {  	s19 =	simm.s32 $0x30;
	s28 =	simm.s32 $0x5;
	s29 =	simm.s32 $0x60  }
0x7: {  	s30 =	simm.s32 $0x3180;
	s31 =	simm.s32 $0x90;
	s14 =	simm.s32 $0x8  }
0x8: {  	s6 =	smul.u32 $0x13C00, s13;
	s1 =	sand.u32 $0x1, s1;
	[smem:$0x7FF] =	sst s4  }
0x9: {  	s5 =	sadd.s32 $0x1A00, s0;
	s9 =	smul.u32 $0x57, s13;
	s10 =	sshll.u32 s13, $0x1  }
0xa: {  	s11 =	smul.u32 $0x7B, s13;
	s21 =	sshll.u32 s13, $0x6;
	s13 =	simm.s32 $0x7  }
0xb: {  	s7 =	smul.u32 $0x13C000, s1;
	_ =	strace $0x80000047;
	s10 =	sor.u32 s1, s10  }
0xc: {  	p0 =	seq.s32 s1, $0x0;
	s1 =	ssub.s32 $0x2, s1;
	s15 =	sor.u32 $0x1C09, s21  }
0xd: {  	s21 =	simm.s32 $0xD80;
	s8 =	sshrl.u32 s6, $0x3;
	s9 =	sadd.s32 $0x7B0, s9  }
0xe: {  	s10 =	smul.u32 $0x4F0, s10;
	s20 =	sshrl.u32 s1, $0x1;
	[dreg:$0x5] =	wrdreg s15  }
0xf: {  	s8 =	sadd.s32 s8, s0;
	s7 =	sadd.s32 s6, s7;
	s9 =	smov.u32 @p0 s11  }
0x10: {  	s1 =	ssub.s32 s1, s20;
	s6 =	sadd.s32 s6, s3;
	s12 =	smul.u32 $0xC0, s9  }
0x11: {  	s20 =	simm.s32 $0x180;
	s7 =	sshrl.u32 s7, $0x3;
	s22 =	smul.u32 $0x18, s9  }
0x12: {  	s8 =	sadd.s32 $0x15400, s8;
	s11 =	sadd.s32 $0x2, s9;
	s26 =	smax.u32 s1, $0x1  }
0x13: {  	s16 =	sshrl.u32 s6, $0x3;
	s1 =	simm.s32 $0x9180;
	s6 =	simm.s32 $0x1  }
0x14: {  	s7 =	sadd.s32 s7, s0;
	s0 =	sadd.s32 s10, s0;
	[dreg:$0x4] =	wrdreg s8  }
0x15: {  	s10 =	simm.s32 $0x3D;
	[dreg:$0xa] =	wrdreg s26;
	s26 =	simm.s32 $0x3  }
0x16: {  	[dreg:$0xb] =	wrdreg s16;
	s12 =	sshrl.u32 s12, $0x3;
	s24 =	sadd.s32 s2, s22  }
0x17: {  	s10 =	simm.s32 @!p0 $0x2B;
	s0 =	sadd.s32 $0x3CC00, s0;
	[dreg:$0x6] =	wrdreg s24  }
0x18: {  	s25 =	sadd.s32 $0x46A00, s7;
	s22 =	simm.s32 $0x2;
	[dreg:$0x8] =	wrdreg s0  }
0x19: {  	s23 =	sadd.s32 s2, s12;
	s12 =	sadd.s32 $0x3, s9;
	[dreg:$0x9] =	wrdreg s25  }
0x1a: {  	s0 =	simm.s32 $0x4980;
	s9 =	simm.s32 $0x6;
	s8 =	sadd.s32 $0x18, s23  }
0x1b: {  	v0 =	vimm.f32 $0.0e+00;
	v1 =	vimm.f32 $1.000000000e+00;
	s23 =	simm.s32 $0x0;
	[dreg:$0x7] =	wrdreg s8;
	s8 =	simm.s32 $0x4  }
.LBB2_1:
0x1c: {  	[dreg:$0xc] =	wrdreg s23  }
0x1d: {  	s7 =	rddreg [dreg:$0x4]  }
0x1e: {  	[spmem:s16], [sflag:s15] =	dma.local [hbm:s7], $0x2780  }
0x1f: {  	_ =	swait.ge [sflag:s17], $0x2780  }
0x20: {  	[sflag:s17] =	ssyncset.done $0x0  }
0x21: {  	s7 =	simm.s32 $0x40;
	s15 =	simm.s32 $0x0;
	[sflag:s17] =	ssyncadd.s32 $0xFFFFD880  }
.LBB2_2:
0x22: {  	p0 =	sne.s32 s7, $0x9DC0;
	[tilespmem:s15+$0x9180] =	vst v0;
	s15 =	smov.u32 s7;
	s7 =	sadd.s32 $0x40, s7  }
.Ltmp0:
0x23: {  	(pc) =	sbr.rel @p0 .LBB2_2-.Ltmp0, $2  }
0x24: {  	_ =	sdelay $0x2  }
0x25: {  	s15 =	sshra.s32 s15, $0x2  }
0x26: {  	[tilespmem:s15+$0x9180] =	vst v0  }
0x27: {  	[bflag:$0x0] =	sbarrier.arrive $0xFFFF  }
0x28: {  	s23 =	simm.s32 $0x0;
	s7 =	rddreg [dreg:$0x6]  }
0x29: {  	[tilespmem:s23], [sflag:$0x9] =	stream.linear.gather [hbm4b:s7+s23], $0xC0, $0x38;
	[tilespmem:$0x1F500] =	vst v63  }
0x2a: {  	_ =	swait.ge [sflag:s17], $0xC0  }
0x2b: {  	[sflag:s17] =	ssyncset.done $0x0  }
0x2c: {  	s25 =	rddreg [dreg:$0x7];
	[sflag:s17] =	ssyncadd.s32 $0xFFFFFF40  }
0x2d: {  	[tilespmem:s18], [sflag:$0x2] =	stream.linear.gather [hbm4b:s25+s23], $0xC0, $0x38;
	[tilespmem:$0x1F500] =	vst v63  }
0x2e: {  	_ = 	snop  }
0x2f: {  	[tilespmem:s20], [sflag:$0x3] =	stream.indirect.gather [hbm4b:s5+s19], $0x40, s23, s19, $0xb8;
	[tilespmem:$0x1F500] =	vst v63  }
0x30: {  	_ = 	snop  }
0x31: {  	[tilespmem:s21], [sflag:$0x5] =	stream.indirect.gather [hbm4b:s5+s19], $0x40, s19, s19, $0xb8;
	[tilespmem:$0x1F500] =	vst v63  }
.LBB2_4:
0x32: {  	_ =	swait.ge [sflag:s22], $0xC0  }
0x33: {  	[sflag:s22] =	ssyncset.done $0x0  }
0x34: {  	s7 =	simm.s32 $0x1980;
	[sflag:s22] =	ssyncadd.s32 $0xFFFFFF40  }
0x35: {  	[tilespmem:s7], [sflag:$0x4] =	stream.indirect.gather [hbm4b:s5+s19], $0x40, s18, s19, $0xb8;
	[tilespmem:$0x1F500] =	vst v63  }
0x36: {  	s25 =	simm.s32 $0xF0;
	s15 =	simm.s32 $0x2580  }
0x37: {  	[tilespmem:s15], [sflag:$0x6] =	stream.indirect.gather [hbm4b:s5+s19], $0x40, s25, s19, $0xb8;
	[tilespmem:$0x1F500] =	vst v63  }
0x38: {  	_ =	swait.ge [sflag:s26], $0xC00  }
0x39: {  	[sflag:s26] =	ssyncset.done $0x0  }
0x3a: {  	[sflag:s26] =	ssyncadd.s32 $0xFFFFF400  }
0x3b: {  	_ =	swait.ge [sflag:s28], $0xC00  }
0x3c: {  	p0 =	seq.s32 s23, $0x0;
	[sflag:s28] =	ssyncset.done $0x0  }
0x3d: {  	s7 =	simm.s32 @!p0 $0x7;
	[sflag:s28] =	ssyncadd.s32 $0xFFFFF400  }
0x3e: {  	_ =	swait.ge @!p0 [sflag:s7], $0x1800  }
0x3f: {  	[sflag:s7] =	ssyncset.done @!p0 $0x0  }
0x40: {  	[sflag:s7] =	ssyncadd.s32 @!p0 $0xFFFFE800;
	s7 =	simm.s32 @!p0 $0x8  }
0x41: {  	_ =	swait.ge @!p0 [sflag:s7], $0x1800  }
0x42: {  	[sflag:s7] =	ssyncset.done @!p0 $0x0  }
0x43: {  	s15 =	simm.s32 $0x200;
	[sflag:s7] =	ssyncadd.s32 @!p0 $0xFFFFE800  }
0x44: {  	v2 =	vld [tilespmem:s15+$0x40];
	_ =	sdelay $0x1  }
0x45: {  	v3 =	vld [tilespmem:s15+$0xFFFFFFC0]  }
0x46: {  	v4 =	vld [tilespmem:s15+$0xFFFFFF80];
	_ =	sdelay $0x1  }
0x47: {  	s25 =	simm.s32 $0x3280;
	v5 =	vshll.u32 v2, $0x10  }
0x48: {  	v2 =	vand.u32 $0xFFFF0000, v2;
	[tilespmem:s25+$0x80] =	vst v5  }
0x49: {  	v6 =	vld [tilespmem:s15+$0x0];
	v5 =	vshll.u32 v3, $0x10;
	[tilespmem:s25+$0xC0] =	vst v2  }
0x4a: {  	v2 =	vshll.u32 v4, $0x10;
	[tilespmem:s25+$0xFFFFFF80] =	vst v5  }
0x4b: {  	v4 =	vand.u32 $0xFFFF0000, v4;
	v5 =	vld [tilespmem:s15+$0x50];
	[tilespmem:s25+$0xFFFFFF00] =	vst v2  }
0x4c: {  	[tilespmem:s25+$0xFFFFFF40] =	vst v4  }
0x4d: {  	v2 =	vand.u32 $0xFFFF0000, v3;
	v4 =	vld [tilespmem:s15+$0xFFFFFF90]  }
0x4e: {  	v3 =	vshll.u32 v6, $0x10;
	[tilespmem:s25+$0xFFFFFFC0] =	vst v2  }
0x4f: {  	v2 =	vand.u32 $0xFFFF0000, v6;
	[tilespmem:s25+$0x0] =	vst v3;
	v3 =	vld [tilespmem:s15+$0xFFFFFFD0]  }
0x50: {  	[tilespmem:s25+$0x40] =	vst v2;
	v2 =	vshll.u32 v5, $0x10  }
0x51: {  	[tilespmem:s25+$0x90] =	vst v2;
	v2 =	vand.u32 $0xFFFF0000, v5;
	v5 =	vld [tilespmem:s15+$0x10]  }
0x52: {  	[tilespmem:s25+$0xD0] =	vst v2;
	v2 =	vshll.u32 v4, $0x10  }
0x53: {  	v4 =	vand.u32 $0xFFFF0000, v4;
	v6 =	vld [tilespmem:s15+$0x60];
	[tilespmem:s25+$0xFFFFFF10] =	vst v2  }
0x54: {  	v2 =	vshll.u32 v3, $0x10;
	[tilespmem:s25+$0xFFFFFF50] =	vst v4  }
0x55: {  	v3 =	vand.u32 $0xFFFF0000, v3;
	[tilespmem:s25+$0xFFFFFF90] =	vst v2;
	v2 =	vld [tilespmem:s15+$0xFFFFFFA0]  }
0x56: {  	[tilespmem:s25+$0xFFFFFFD0] =	vst v3;
	v4 =	vshll.u32 v5, $0x10  }
0x57: {  	v5 =	vand.u32 $0xFFFF0000, v5;
	[tilespmem:s25+$0x10] =	vst v4;
	v4 =	vld [tilespmem:s15+$0xFFFFFFE0]  }
0x58: {  	[tilespmem:s25+$0x50] =	vst v5;
	v3 =	vshll.u32 v6, $0x10  }
0x59: {  	[tilespmem:s25+$0xA0] =	vst v3;
	v3 =	vand.u32 $0xFFFF0000, v6  }
0x5a: {  	v6 =	vld [tilespmem:s15+$0x20];
	[tilespmem:s25+$0xE0] =	vst v3;
	v3 =	vshll.u32 v2, $0x10  }
0x5b: {  	v2 =	vand.u32 $0xFFFF0000, v2;
	v5 =	vld [tilespmem:s15+$0x70];
	[tilespmem:s25+$0xFFFFFF20] =	vst v3  }
0x5c: {  	[tilespmem:s25+$0xFFFFFF60] =	vst v2;
	v2 =	vshll.u32 v4, $0x10  }
0x5d: {  	v3 =	vand.u32 $0xFFFF0000, v4;
	v4 =	vld [tilespmem:s15+$0xFFFFFFB0];
	[tilespmem:s25+$0xFFFFFFA0] =	vst v2  }
0x5e: {  	[tilespmem:s25+$0xFFFFFFE0] =	vst v3  }
0x5f: {  	v7 =	vshll.u32 v6, $0x10;
	v3 =	vld [tilespmem:s15+$0xFFFFFFF0]  }
0x60: {  	s24 =	sshll.u32 s23, $0x1;
	[tilespmem:s25+$0x20] =	vst v7;
	v2 =	vand.u32 $0xFFFF0000, v5  }
0x61: {  	s16 =	simm.s32 $0x0;
	s17 =	simm.s32 $0x300;
	s7 =	simm.s32 $0x3280;
	[tilespmem:s25+$0xF0] =	vst v2;
	v2 =	vshll.u32 v5, $0x10;
	v5 =	vand.u32 $0xFFFF0000, v6  }
.LBB2_5:
0x62: {  	v6 =	vld [tilespmem:s17+$0x40];
	v7 =	vshll.u32 v4, $0x10;
	v4 =	vand.u32 $0xFFFF0000, v4;
	[tilespmem:s25+$0x60] =	vst v5  }
0x63: {  	v5 =	vld [tilespmem:s17+$0xFFFFFFC0];
	[tilespmem:s25+$0xFFFFFF30] =	vst v7  }
0x64: {  	v7 =	vld [tilespmem:s17+$0x0];
	[tilespmem:s25+$0xFFFFFF70] =	vst v4;
	v4 =	vshll.u32 v3, $0x10;
	v3 =	vand.u32 $0xFFFF0000, v3  }
0x65: {  	s16 =	sadd.s32 $0x4, s16;
	v8 =	vld [tilespmem:s17+$0xFFFFFF80];
	[tilespmem:s25+$0xFFFFFFB0] =	vst v4  }
0x66: {  	p0 =	slt.u32 s16, $0x5C;
	[tilespmem:s25+$0xFFFFFFF0] =	vst v3;
	v3 =	vld [tilespmem:s15+$0x30];
	s15 =	smov.u32 s17  }
0x67: {  	s25 =	sadd.s32 $0x200, s25;
	v4 =	vshll.u32 v6, $0x10;
	[tilespmem:s7+$0xB0] =	vst v2  }
0x68: {  	v2 =	vshll.u32 v5, $0x10;
	v5 =	vand.u32 $0xFFFF0000, v5;
	[tilespmem:s25+$0x80] =	vst v4;
	v4 =	vand.u32 $0xFFFF0000, v6  }
0x69: {  	v6 =	vshll.u32 v7, $0x10;
	v7 =	vand.u32 $0xFFFF0000, v7;
	[tilespmem:s25+$0xC0] =	vst v4  }
0x6a: {  	v4 =	vshll.u32 v8, $0x10;
	v8 =	vand.u32 $0xFFFF0000, v8;
	[tilespmem:s25+$0xFFFFFF80] =	vst v2;
	v2 =	vld [tilespmem:s17+$0x50]  }
0x6b: {  	[tilespmem:s25+$0xFFFFFF00] =	vst v4;
	v4 =	vshll.u32 v3, $0x10;
	v9 =	vand.u32 $0xFFFF0000, v3  }
0x6c: {  	[tilespmem:s25+$0xFFFFFF40] =	vst v8  }
0x6d: {  	v3 =	vld [tilespmem:s17+$0xFFFFFF90];
	[tilespmem:s25+$0xFFFFFFC0] =	vst v5  }
0x6e: {  	v5 =	vld [tilespmem:s17+$0xFFFFFFD0];
	[tilespmem:s25+$0x0] =	vst v6  }
0x6f: {  	[tilespmem:s25+$0x40] =	vst v7;
	v6 =	vshll.u32 v2, $0x10  }
0x70: {  	v2 =	vand.u32 $0xFFFF0000, v2;
	v7 =	vld [tilespmem:s17+$0x10];
	[tilespmem:s25+$0x90] =	vst v6  }
0x71: {  	[tilespmem:s25+$0xD0] =	vst v2  }
0x72: {  	v2 =	vshll.u32 v3, $0x10;
	v3 =	vand.u32 $0xFFFF0000, v3;
	v6 =	vld [tilespmem:s17+$0x60];
	[tilespmem:s7+$0x30] =	vst v4  }
0x73: {  	[tilespmem:s25+$0xFFFFFF10] =	vst v2;
	v2 =	vshll.u32 v5, $0x10;
	v4 =	vand.u32 $0xFFFF0000, v5  }
0x74: {  	[tilespmem:s25+$0xFFFFFF50] =	vst v3  }
0x75: {  	v3 =	vld [tilespmem:s17+$0xFFFFFFA0];
	[tilespmem:s25+$0xFFFFFF90] =	vst v2;
	v2 =	vshll.u32 v7, $0x10;
	v5 =	vand.u32 $0xFFFF0000, v7  }
0x76: {  	[tilespmem:s25+$0xFFFFFFD0] =	vst v4  }
0x77: {  	v4 =	vld [tilespmem:s17+$0xFFFFFFE0];
	[tilespmem:s25+$0x10] =	vst v2;
	v2 =	vshll.u32 v6, $0x10  }
0x78: {  	[tilespmem:s25+$0xA0] =	vst v2;
	v2 =	vand.u32 $0xFFFF0000, v6  }
0x79: {  	[tilespmem:s25+$0xE0] =	vst v2  }
0x7a: {  	v2 =	vshll.u32 v3, $0x10;
	v3 =	vand.u32 $0xFFFF0000, v3;
	[tilespmem:s25+$0x50] =	vst v5;
	v5 =	vld [tilespmem:s17+$0x70]  }
0x7b: {  	[tilespmem:s25+$0xFFFFFF20] =	vst v2;
	v6 =	vld [tilespmem:s17+$0x20]  }
0x7c: {  	[tilespmem:s25+$0xFFFFFF60] =	vst v3;
	v2 =	vshll.u32 v4, $0x10;
	v3 =	vand.u32 $0xFFFF0000, v4  }
.Ltmp1:
0x7d: {  	v4 =	vld [tilespmem:s17+$0xFFFFFFB0];
	[tilespmem:s25+$0xFFFFFFA0] =	vst v2;
	(pc) =	sbr.rel @p0 .LBB2_5-.Ltmp1, $4  }
0x7e: {  	[tilespmem:s25+$0xFFFFFFE0] =	vst v3  }
0x7f: {  	v3 =	vld [tilespmem:s17+$0xFFFFFFF0];
	v2 =	vshll.u32 v5, $0x10;
	v7 =	vand.u32 $0xFFFF0000, v5;
	[tilespmem:s7+$0x70] =	vst v9;
	s7 =	smov.u32 s25  }
0x80: {  	v8 =	vshll.u32 v6, $0x10;
	v5 =	vand.u32 $0xFFFF0000, v6;
	[tilespmem:s25+$0xF0] =	vst v7  }
0x81: {  	s17 =	sadd.s32 $0x100, s17;
	[tilespmem:s25+$0x20] =	vst v8  }
0x82: {  	[tilespmem:s25+$0x60] =	vst v5  }
0x83: {  	v6 =	vld [tilespmem:s15+$0x30]  }
0x84: {  	v5 =	vshll.u32 v4, $0x10;
	[tilespmem:s7+$0xB0] =	vst v2  }
0x85: {  	v4 =	vand.u32 $0xFFFF0000, v4;
	[tilespmem:s25+$0xFFFFFF30] =	vst v5  }
0x86: {  	[tilespmem:s25+$0xFFFFFF70] =	vst v4;
	v4 =	vshll.u32 v3, $0x10  }
0x87: {  	v3 =	vand.u32 $0xFFFF0000, v3;
	[tilespmem:s25+$0xFFFFFFB0] =	vst v4  }
0x88: {  	[tilespmem:s25+$0xFFFFFFF0] =	vst v3;
	v2 =	vshll.u32 v6, $0x10  }
0x89: {  	v3 =	vand.u32 $0xFFFF0000, v6;
	[tilespmem:s7+$0x30] =	vst v2  }
0x8a: {  	[tilespmem:s7+$0x70] =	vst v3  }
0x8b: {  	[spmem:s3] =	stream.indirect.scatter.add.f32 [tilespmem:s30], [sflag:$0x7], $0x80, s29, s19, $0xb8;
	[tilespmem:$0x1F500] =	vst v63  }
0x8c: {  	_ = 	snop  }
0x8d: {  	[spmem:s3] =	stream.indirect.scatter.add.f32 [tilespmem:s0], [sflag:$0x8], $0x80, s31, s19, $0xb8;
	[tilespmem:$0x1F500] =	vst v63  }
0x8e: {  	v2 =	vld [tilespmem:$0x60];
	_ =	sdelay $0x7  }
0x8f: {  	[tilespmem:v2+s1+$0x0] =	vst.idx.add.f32.msk $0xffff, v1  }
0x90: {  	v2 =	vld [tilespmem:$0x70];
	_ =	sdelay $0x7  }
0x91: {  	[tilespmem:v2+s1+$0x0] =	vst.idx.add.f32.msk $0xffff, v1  }
0x92: {  	v2 =	vld [tilespmem:$0x80];
	_ =	sdelay $0x7  }
0x93: {  	[tilespmem:v2+s1+$0x0] =	vst.idx.add.f32.msk $0xffff, v1  }
0x94: {  	v2 =	vld [tilespmem:$0x90];
	_ =	sdelay $0x7  }
0x95: {  	[tilespmem:v2+s1+$0x0] =	vst.idx.add.f32.msk $0xffff, v1  }
0x96: {  	v2 =	vld [tilespmem:$0xA0];
	_ =	sdelay $0x7  }
0x97: {  	[tilespmem:v2+s1+$0x0] =	vst.idx.add.f32.msk $0xffff, v1  }
0x98: {  	v2 =	vld [tilespmem:$0xB0];
	_ =	sdelay $0x1  }
0x99: {  	s7 =	sadd.s32 s24, s11  }
0x9a: {  	p0 =	slt.s32 s7, $0xD1F  }
0x9b: {  	s7 =	simm.s32 @!p0 $0xD1F  }
0x9c: {  	s7 =	smul.u32 $0xC0, s7;
	_ =	sdelay $0x1  }
0x9d: {  	s7 =	sshrl.u32 s7, $0x3  }
0x9e: {  	s7 =	sadd.s32 s2, s7;
	[tilespmem:v2+s1+$0x0] =	vst.idx.add.f32.msk $0xffff, v1  }
0x9f: {  	[tilespmem:s4], [sflag:$0x1] =	stream.linear.gather [hbm4b:s7+s4], $0xC0, $0x38;
	[tilespmem:$0x1F500] =	vst v63  }
0xa0: {  	_ =	swait.ge [sflag:s6], $0xC0  }
0xa1: {  	[sflag:s6] =	ssyncset.done $0x0  }
0xa2: {  	[sflag:s6] =	ssyncadd.s32 $0xFFFFFF40  }
0xa3: {  	[tilespmem:s20], [sflag:$0x3] =	stream.indirect.gather [hbm4b:s5+s19], $0x40, s4, s19, $0xb8;
	[tilespmem:$0x1F500] =	vst v63  }
0xa4: {  	_ = 	snop  }
0xa5: {  	[tilespmem:s21], [sflag:$0x5] =	stream.indirect.gather [hbm4b:s5+s19], $0x40, s19, s19, $0xb8;
	[tilespmem:$0x1F500] =	vst v63  }
0xa6: {  	_ =	swait.ge [sflag:s8], $0xC00  }
0xa7: {  	[sflag:s8] =	ssyncset.done $0x0  }
0xa8: {  	[sflag:s8] =	ssyncadd.s32 $0xFFFFF400  }
0xa9: {  	_ =	swait.ge [sflag:s9], $0xC00  }
0xaa: {  	[sflag:s9] =	ssyncset.done $0x0  }
0xab: {  	[sflag:s9] =	ssyncadd.s32 $0xFFFFF400  }
0xac: {  	_ =	swait.ge [sflag:s13], $0x1800  }
0xad: {  	[sflag:s13] =	ssyncset.done $0x0  }
0xae: {  	[sflag:s13] =	ssyncadd.s32 $0xFFFFE800  }
0xaf: {  	_ =	swait.ge [sflag:s14], $0x1800  }
0xb0: {  	[sflag:s14] =	ssyncset.done $0x0  }
0xb1: {  	s15 =	simm.s32 $0x1A00;
	[sflag:s14] =	ssyncadd.s32 $0xFFFFE800  }
0xb2: {  	v2 =	vld [tilespmem:s15+$0x40];
	_ =	sdelay $0x1  }
0xb3: {  	v3 =	vld [tilespmem:s15+$0xFFFFFFC0]  }
0xb4: {  	v4 =	vld [tilespmem:s15+$0xFFFFFF80];
	_ =	sdelay $0x1  }
0xb5: {  	s25 =	simm.s32 $0x6280;
	v5 =	vshll.u32 v2, $0x10  }
0xb6: {  	v2 =	vand.u32 $0xFFFF0000, v2;
	[tilespmem:s25+$0x80] =	vst v5  }
0xb7: {  	v6 =	vld [tilespmem:s15+$0x0];
	v5 =	vshll.u32 v3, $0x10;
	[tilespmem:s25+$0xC0] =	vst v2  }
0xb8: {  	v2 =	vshll.u32 v4, $0x10;
	[tilespmem:s25+$0xFFFFFF80] =	vst v5  }
0xb9: {  	v4 =	vand.u32 $0xFFFF0000, v4;
	v5 =	vld [tilespmem:s15+$0x50];
	[tilespmem:s25+$0xFFFFFF00] =	vst v2  }
0xba: {  	[tilespmem:s25+$0xFFFFFF40] =	vst v4  }
0xbb: {  	v2 =	vand.u32 $0xFFFF0000, v3;
	v4 =	vld [tilespmem:s15+$0xFFFFFF90]  }
0xbc: {  	v3 =	vshll.u32 v6, $0x10;
	[tilespmem:s25+$0xFFFFFFC0] =	vst v2  }
0xbd: {  	v2 =	vand.u32 $0xFFFF0000, v6;
	[tilespmem:s25+$0x0] =	vst v3;
	v3 =	vld [tilespmem:s15+$0xFFFFFFD0]  }
0xbe: {  	[tilespmem:s25+$0x40] =	vst v2;
	v2 =	vshll.u32 v5, $0x10  }
0xbf: {  	[tilespmem:s25+$0x90] =	vst v2;
	v2 =	vand.u32 $0xFFFF0000, v5;
	v5 =	vld [tilespmem:s15+$0x10]  }
0xc0: {  	[tilespmem:s25+$0xD0] =	vst v2;
	v2 =	vshll.u32 v4, $0x10  }
0xc1: {  	v4 =	vand.u32 $0xFFFF0000, v4;
	v6 =	vld [tilespmem:s15+$0x60];
	[tilespmem:s25+$0xFFFFFF10] =	vst v2  }
0xc2: {  	v2 =	vshll.u32 v3, $0x10;
	[tilespmem:s25+$0xFFFFFF50] =	vst v4  }
0xc3: {  	v3 =	vand.u32 $0xFFFF0000, v3;
	[tilespmem:s25+$0xFFFFFF90] =	vst v2;
	v2 =	vld [tilespmem:s15+$0xFFFFFFA0]  }
0xc4: {  	[tilespmem:s25+$0xFFFFFFD0] =	vst v3;
	v4 =	vshll.u32 v5, $0x10  }
0xc5: {  	v5 =	vand.u32 $0xFFFF0000, v5;
	[tilespmem:s25+$0x10] =	vst v4;
	v4 =	vld [tilespmem:s15+$0xFFFFFFE0]  }
0xc6: {  	[tilespmem:s25+$0x50] =	vst v5;
	v3 =	vshll.u32 v6, $0x10  }
0xc7: {  	[tilespmem:s25+$0xA0] =	vst v3;
	v3 =	vand.u32 $0xFFFF0000, v6  }
0xc8: {  	v6 =	vld [tilespmem:s15+$0x20];
	[tilespmem:s25+$0xE0] =	vst v3;
	v3 =	vshll.u32 v2, $0x10  }
0xc9: {  	v2 =	vand.u32 $0xFFFF0000, v2;
	v5 =	vld [tilespmem:s15+$0x70];
	[tilespmem:s25+$0xFFFFFF20] =	vst v3  }
0xca: {  	[tilespmem:s25+$0xFFFFFF60] =	vst v2;
	v2 =	vshll.u32 v4, $0x10  }
0xcb: {  	v3 =	vand.u32 $0xFFFF0000, v4;
	v4 =	vld [tilespmem:s15+$0xFFFFFFB0];
	[tilespmem:s25+$0xFFFFFFA0] =	vst v2  }
0xcc: {  	[tilespmem:s25+$0xFFFFFFE0] =	vst v3  }
0xcd: {  	v7 =	vshll.u32 v6, $0x10;
	v3 =	vld [tilespmem:s15+$0xFFFFFFF0]  }
0xce: {  	[tilespmem:s25+$0x20] =	vst v7;
	v2 =	vand.u32 $0xFFFF0000, v5  }
0xcf: {  	s16 =	simm.s32 $0x0;
	s17 =	simm.s32 $0x1B00;
	s7 =	simm.s32 $0x6280;
	[tilespmem:s25+$0xF0] =	vst v2;
	v2 =	vshll.u32 v5, $0x10;
	v5 =	vand.u32 $0xFFFF0000, v6  }
.LBB2_7:
0xd0: {  	v6 =	vld [tilespmem:s17+$0x40];
	v7 =	vshll.u32 v4, $0x10;
	v4 =	vand.u32 $0xFFFF0000, v4;
	[tilespmem:s25+$0x60] =	vst v5  }
0xd1: {  	v5 =	vld [tilespmem:s17+$0xFFFFFFC0];
	[tilespmem:s25+$0xFFFFFF30] =	vst v7  }
0xd2: {  	v7 =	vld [tilespmem:s17+$0x0];
	[tilespmem:s25+$0xFFFFFF70] =	vst v4;
	v4 =	vshll.u32 v3, $0x10;
	v3 =	vand.u32 $0xFFFF0000, v3  }
0xd3: {  	s16 =	sadd.s32 $0x4, s16;
	v8 =	vld [tilespmem:s17+$0xFFFFFF80];
	[tilespmem:s25+$0xFFFFFFB0] =	vst v4  }
0xd4: {  	p0 =	slt.u32 s16, $0x5C;
	[tilespmem:s25+$0xFFFFFFF0] =	vst v3;
	v3 =	vld [tilespmem:s15+$0x30];
	s15 =	smov.u32 s17  }
0xd5: {  	s25 =	sadd.s32 $0x200, s25;
	v4 =	vshll.u32 v6, $0x10;
	[tilespmem:s7+$0xB0] =	vst v2  }
0xd6: {  	v2 =	vshll.u32 v5, $0x10;
	v5 =	vand.u32 $0xFFFF0000, v5;
	[tilespmem:s25+$0x80] =	vst v4;
	v4 =	vand.u32 $0xFFFF0000, v6  }
0xd7: {  	v6 =	vshll.u32 v7, $0x10;
	v7 =	vand.u32 $0xFFFF0000, v7;
	[tilespmem:s25+$0xC0] =	vst v4  }
0xd8: {  	v4 =	vshll.u32 v8, $0x10;
	v8 =	vand.u32 $0xFFFF0000, v8;
	[tilespmem:s25+$0xFFFFFF80] =	vst v2;
	v2 =	vld [tilespmem:s17+$0x50]  }
0xd9: {  	[tilespmem:s25+$0xFFFFFF00] =	vst v4;
	v4 =	vshll.u32 v3, $0x10;
	v9 =	vand.u32 $0xFFFF0000, v3  }
0xda: {  	[tilespmem:s25+$0xFFFFFF40] =	vst v8  }
0xdb: {  	v3 =	vld [tilespmem:s17+$0xFFFFFF90];
	[tilespmem:s25+$0xFFFFFFC0] =	vst v5  }
0xdc: {  	v5 =	vld [tilespmem:s17+$0xFFFFFFD0];
	[tilespmem:s25+$0x0] =	vst v6  }
0xdd: {  	[tilespmem:s25+$0x40] =	vst v7;
	v6 =	vshll.u32 v2, $0x10  }
0xde: {  	v2 =	vand.u32 $0xFFFF0000, v2;
	v7 =	vld [tilespmem:s17+$0x10];
	[tilespmem:s25+$0x90] =	vst v6  }
0xdf: {  	[tilespmem:s25+$0xD0] =	vst v2  }
0xe0: {  	v2 =	vshll.u32 v3, $0x10;
	v3 =	vand.u32 $0xFFFF0000, v3;
	v6 =	vld [tilespmem:s17+$0x60];
	[tilespmem:s7+$0x30] =	vst v4  }
0xe1: {  	[tilespmem:s25+$0xFFFFFF10] =	vst v2;
	v2 =	vshll.u32 v5, $0x10;
	v4 =	vand.u32 $0xFFFF0000, v5  }
0xe2: {  	[tilespmem:s25+$0xFFFFFF50] =	vst v3  }
0xe3: {  	v3 =	vld [tilespmem:s17+$0xFFFFFFA0];
	[tilespmem:s25+$0xFFFFFF90] =	vst v2;
	v2 =	vshll.u32 v7, $0x10;
	v5 =	vand.u32 $0xFFFF0000, v7  }
0xe4: {  	[tilespmem:s25+$0xFFFFFFD0] =	vst v4  }
0xe5: {  	v4 =	vld [tilespmem:s17+$0xFFFFFFE0];
	[tilespmem:s25+$0x10] =	vst v2;
	v2 =	vshll.u32 v6, $0x10  }
0xe6: {  	[tilespmem:s25+$0xA0] =	vst v2;
	v2 =	vand.u32 $0xFFFF0000, v6  }
0xe7: {  	[tilespmem:s25+$0xE0] =	vst v2  }
0xe8: {  	v2 =	vshll.u32 v3, $0x10;
	v3 =	vand.u32 $0xFFFF0000, v3;
	[tilespmem:s25+$0x50] =	vst v5;
	v5 =	vld [tilespmem:s17+$0x70]  }
0xe9: {  	[tilespmem:s25+$0xFFFFFF20] =	vst v2;
	v6 =	vld [tilespmem:s17+$0x20]  }
0xea: {  	[tilespmem:s25+$0xFFFFFF60] =	vst v3;
	v2 =	vshll.u32 v4, $0x10;
	v3 =	vand.u32 $0xFFFF0000, v4  }
.Ltmp2:
0xeb: {  	v4 =	vld [tilespmem:s17+$0xFFFFFFB0];
	[tilespmem:s25+$0xFFFFFFA0] =	vst v2;
	(pc) =	sbr.rel @p0 .LBB2_7-.Ltmp2, $4  }
0xec: {  	[tilespmem:s25+$0xFFFFFFE0] =	vst v3  }
0xed: {  	v3 =	vld [tilespmem:s17+$0xFFFFFFF0];
	v2 =	vshll.u32 v5, $0x10;
	v7 =	vand.u32 $0xFFFF0000, v5;
	[tilespmem:s7+$0x70] =	vst v9;
	s7 =	smov.u32 s25  }
0xee: {  	v8 =	vshll.u32 v6, $0x10;
	v5 =	vand.u32 $0xFFFF0000, v6;
	[tilespmem:s25+$0xF0] =	vst v7  }
0xef: {  	s17 =	sadd.s32 $0x100, s17;
	[tilespmem:s25+$0x20] =	vst v8  }
0xf0: {  	[tilespmem:s25+$0x60] =	vst v5  }
0xf1: {  	v6 =	vld [tilespmem:s15+$0x30]  }
0xf2: {  	v61 =	vshll.u32 v4, $0x10;
	[tilespmem:s7+$0xB0] =	vst v2  }
0xf3: {  	v62 =	vand.u32 $0xFFFF0000, v4;
	[tilespmem:s25+$0xFFFFFF30] =	vst v61  }
0xf4: {  	[tilespmem:s25+$0xFFFFFF70] =	vst v62;
	v63 =	vshll.u32 v3, $0x10  }
0xf5: {  	v3 =	vand.u32 $0xFFFF0000, v3;
	[tilespmem:s25+$0xFFFFFFB0] =	vst v63  }
0xf6: {  	[tilespmem:s25+$0xFFFFFFF0] =	vst v3;
	v2 =	vshll.u32 v6, $0x10  }
0xf7: {  	v3 =	vand.u32 $0xFFFF0000, v6;
	[tilespmem:s7+$0x30] =	vst v2  }
0xf8: {  	s16 =	simm.s32 $0x6180;
	s15 =	simm.s32 $0x120;
	[tilespmem:s7+$0x70] =	vst v3  }
0xf9: {  	[spmem:s3] =	stream.indirect.scatter.add.f32 [tilespmem:s16], [sflag:$0x7], $0x80, s15, s19, $0xb8;
	[tilespmem:$0x1F500] =	vst v63  }
0xfa: {  	s17 =	simm.s32 $0x150;
	s25 =	simm.s32 $0x7980  }
0xfb: {  	[spmem:s3] =	stream.indirect.scatter.add.f32 [tilespmem:s25], [sflag:$0x8], $0x80, s17, s19, $0xb8;
	[tilespmem:$0x1F500] =	vst v63  }
0xfc: {  	v2 =	vld [tilespmem:$0x120];
	_ =	sdelay $0x7  }
0xfd: {  	[tilespmem:v2+s1+$0x0] =	vst.idx.add.f32.msk $0xffff, v1  }
0xfe: {  	v2 =	vld [tilespmem:$0x130];
	_ =	sdelay $0x7  }
0xff: {  	[tilespmem:v2+s1+$0x0] =	vst.idx.add.f32.msk $0xffff, v1  }
0x100: {  	v2 =	vld [tilespmem:$0x140];
	_ =	sdelay $0x7  }
0x101: {  	[tilespmem:v2+s1+$0x0] =	vst.idx.add.f32.msk $0xffff, v1  }
0x102: {  	v2 =	vld [tilespmem:$0x150];
	_ =	sdelay $0x7  }
0x103: {  	[tilespmem:v2+s1+$0x0] =	vst.idx.add.f32.msk $0xffff, v1  }
0x104: {  	v2 =	vld [tilespmem:$0x160];
	_ =	sdelay $0x7  }
0x105: {  	[tilespmem:v2+s1+$0x0] =	vst.idx.add.f32.msk $0xffff, v1  }
0x106: {  	v2 =	vld [tilespmem:$0x170]  }
0x107: {  	s7 =	sadd.s32 s24, s12  }
0x108: {  	p0 =	slt.s32 s7, $0xD1F  }
0x109: {  	s23 =	sadd.s32 $0x1, s23;
	s7 =	simm.s32 @!p0 $0xD1F  }
0x10a: {  	p0 =	sne.s32 s23, s10;
	s7 =	smul.u32 $0xC0, s7  }
.Ltmp3:
0x10b: {  	_ = 	snop;
	(pc) =	sbr.rel @p0 .LBB2_4-.Ltmp3, $4  }
0x10c: {  	_ = 	snop  }
0x10d: {  	s7 =	sshrl.u32 s7, $0x3  }
0x10e: {  	s7 =	sadd.s32 s2, s7;
	[tilespmem:v2+s1+$0x0] =	vst.idx.add.f32.msk $0xffff, v1  }
0x10f: {  	[tilespmem:s18], [sflag:$0x2] =	stream.linear.gather [hbm4b:s7+s4], $0xC0, $0x38;
	[tilespmem:$0x1F500] =	vst v63  }
0x110: {  	_ =	swait.ge [sflag:s22], $0xC0  }
0x111: {  	[sflag:s22] =	ssyncset.done $0x0  }
0x112: {  	[sflag:s22] =	ssyncadd.s32 $0xFFFFFF40  }
0x113: {  	_ =	swait.ge [sflag:s26], $0xC00  }
0x114: {  	[sflag:s26] =	ssyncset.done $0x0  }
0x115: {  	[sflag:s26] =	ssyncadd.s32 $0xFFFFF400  }
0x116: {  	_ =	swait.ge [sflag:s28], $0xC00  }
0x117: {  	[sflag:s28] =	ssyncset.done $0x0  }
0x118: {  	[sflag:s28] =	ssyncadd.s32 $0xFFFFF400  }
0x119: {  	_ =	swait.ge [sflag:s13], $0x1800  }
0x11a: {  	[sflag:s13] =	ssyncset.done $0x0  }
0x11b: {  	[sflag:s13] =	ssyncadd.s32 $0xFFFFE800  }
0x11c: {  	_ =	swait.ge [sflag:s14], $0x1800  }
0x11d: {  	[sflag:s14] =	ssyncset.done $0x0  }
0x11e: {  	s15 =	simm.s32 $0x200;
	[sflag:s14] =	ssyncadd.s32 $0xFFFFE800  }
0x11f: {  	v2 =	vld [tilespmem:s15+$0x40];
	_ =	sdelay $0x1  }
0x120: {  	v3 =	vld [tilespmem:s15+$0xFFFFFFC0]  }
0x121: {  	v4 =	vld [tilespmem:s15+$0xFFFFFF80];
	_ =	sdelay $0x1  }
0x122: {  	s23 =	simm.s32 $0x3280;
	v5 =	vshll.u32 v2, $0x10  }
0x123: {  	v2 =	vand.u32 $0xFFFF0000, v2;
	[tilespmem:s23+$0x80] =	vst v5  }
0x124: {  	v6 =	vld [tilespmem:s15+$0x0];
	v5 =	vshll.u32 v3, $0x10;
	[tilespmem:s23+$0xC0] =	vst v2  }
0x125: {  	v2 =	vshll.u32 v4, $0x10;
	[tilespmem:s23+$0xFFFFFF80] =	vst v5  }
0x126: {  	v4 =	vand.u32 $0xFFFF0000, v4;
	v5 =	vld [tilespmem:s15+$0x50];
	[tilespmem:s23+$0xFFFFFF00] =	vst v2  }
0x127: {  	[tilespmem:s23+$0xFFFFFF40] =	vst v4  }
0x128: {  	v2 =	vand.u32 $0xFFFF0000, v3;
	v4 =	vld [tilespmem:s15+$0xFFFFFF90]  }
0x129: {  	v3 =	vshll.u32 v6, $0x10;
	[tilespmem:s23+$0xFFFFFFC0] =	vst v2  }
0x12a: {  	v2 =	vand.u32 $0xFFFF0000, v6;
	[tilespmem:s23+$0x0] =	vst v3;
	v3 =	vld [tilespmem:s15+$0xFFFFFFD0]  }
0x12b: {  	[tilespmem:s23+$0x40] =	vst v2;
	v2 =	vshll.u32 v5, $0x10  }
0x12c: {  	[tilespmem:s23+$0x90] =	vst v2;
	v2 =	vand.u32 $0xFFFF0000, v5;
	v5 =	vld [tilespmem:s15+$0x10]  }
0x12d: {  	[tilespmem:s23+$0xD0] =	vst v2;
	v2 =	vshll.u32 v4, $0x10  }
0x12e: {  	v4 =	vand.u32 $0xFFFF0000, v4;
	v6 =	vld [tilespmem:s15+$0x60];
	[tilespmem:s23+$0xFFFFFF10] =	vst v2  }
0x12f: {  	v2 =	vshll.u32 v3, $0x10;
	[tilespmem:s23+$0xFFFFFF50] =	vst v4  }
0x130: {  	v3 =	vand.u32 $0xFFFF0000, v3;
	[tilespmem:s23+$0xFFFFFF90] =	vst v2;
	v2 =	vld [tilespmem:s15+$0xFFFFFFA0]  }
0x131: {  	[tilespmem:s23+$0xFFFFFFD0] =	vst v3;
	v4 =	vshll.u32 v5, $0x10  }
0x132: {  	v5 =	vand.u32 $0xFFFF0000, v5;
	[tilespmem:s23+$0x10] =	vst v4;
	v4 =	vld [tilespmem:s15+$0xFFFFFFE0]  }
0x133: {  	[tilespmem:s23+$0x50] =	vst v5;
	v3 =	vshll.u32 v6, $0x10  }
0x134: {  	[tilespmem:s23+$0xA0] =	vst v3;
	v3 =	vand.u32 $0xFFFF0000, v6  }
0x135: {  	v6 =	vld [tilespmem:s15+$0x20];
	[tilespmem:s23+$0xE0] =	vst v3;
	v3 =	vshll.u32 v2, $0x10  }
0x136: {  	v2 =	vand.u32 $0xFFFF0000, v2;
	v5 =	vld [tilespmem:s15+$0x70];
	[tilespmem:s23+$0xFFFFFF20] =	vst v3  }
0x137: {  	[tilespmem:s23+$0xFFFFFF60] =	vst v2;
	v2 =	vshll.u32 v4, $0x10  }
0x138: {  	v3 =	vand.u32 $0xFFFF0000, v4;
	v4 =	vld [tilespmem:s15+$0xFFFFFFB0];
	[tilespmem:s23+$0xFFFFFFA0] =	vst v2  }
0x139: {  	[tilespmem:s23+$0xFFFFFFE0] =	vst v3  }
0x13a: {  	v7 =	vshll.u32 v6, $0x10;
	v3 =	vld [tilespmem:s15+$0xFFFFFFF0]  }
0x13b: {  	[tilespmem:s23+$0x20] =	vst v7;
	v2 =	vand.u32 $0xFFFF0000, v5  }
0x13c: {  	s16 =	simm.s32 $0x0;
	s17 =	simm.s32 $0x300;
	s7 =	simm.s32 $0x3280;
	[tilespmem:s23+$0xF0] =	vst v2;
	v2 =	vshll.u32 v5, $0x10;
	v5 =	vand.u32 $0xFFFF0000, v6  }
.LBB2_10:
0x13d: {  	v6 =	vld [tilespmem:s17+$0x40];
	v7 =	vshll.u32 v4, $0x10;
	v4 =	vand.u32 $0xFFFF0000, v4;
	[tilespmem:s23+$0x60] =	vst v5  }
0x13e: {  	v5 =	vld [tilespmem:s17+$0xFFFFFFC0];
	[tilespmem:s23+$0xFFFFFF30] =	vst v7  }
0x13f: {  	v7 =	vld [tilespmem:s17+$0x0];
	[tilespmem:s23+$0xFFFFFF70] =	vst v4;
	v4 =	vshll.u32 v3, $0x10;
	v3 =	vand.u32 $0xFFFF0000, v3  }
0x140: {  	s16 =	sadd.s32 $0x4, s16;
	v8 =	vld [tilespmem:s17+$0xFFFFFF80];
	[tilespmem:s23+$0xFFFFFFB0] =	vst v4  }
0x141: {  	p0 =	slt.u32 s16, $0x5C;
	[tilespmem:s23+$0xFFFFFFF0] =	vst v3;
	v3 =	vld [tilespmem:s15+$0x30];
	s15 =	smov.u32 s17  }
0x142: {  	s23 =	sadd.s32 $0x200, s23;
	v4 =	vshll.u32 v6, $0x10;
	[tilespmem:s7+$0xB0] =	vst v2  }
0x143: {  	v2 =	vshll.u32 v5, $0x10;
	v5 =	vand.u32 $0xFFFF0000, v5;
	[tilespmem:s23+$0x80] =	vst v4;
	v4 =	vand.u32 $0xFFFF0000, v6  }
0x144: {  	v6 =	vshll.u32 v7, $0x10;
	v7 =	vand.u32 $0xFFFF0000, v7;
	[tilespmem:s23+$0xC0] =	vst v4  }
0x145: {  	v4 =	vshll.u32 v8, $0x10;
	v8 =	vand.u32 $0xFFFF0000, v8;
	[tilespmem:s23+$0xFFFFFF80] =	vst v2;
	v2 =	vld [tilespmem:s17+$0x50]  }
0x146: {  	[tilespmem:s23+$0xFFFFFF00] =	vst v4;
	v4 =	vshll.u32 v3, $0x10;
	v9 =	vand.u32 $0xFFFF0000, v3  }
0x147: {  	[tilespmem:s23+$0xFFFFFF40] =	vst v8  }
0x148: {  	v3 =	vld [tilespmem:s17+$0xFFFFFF90];
	[tilespmem:s23+$0xFFFFFFC0] =	vst v5  }
0x149: {  	v5 =	vld [tilespmem:s17+$0xFFFFFFD0];
	[tilespmem:s23+$0x0] =	vst v6  }
0x14a: {  	[tilespmem:s23+$0x40] =	vst v7;
	v6 =	vshll.u32 v2, $0x10  }
0x14b: {  	v2 =	vand.u32 $0xFFFF0000, v2;
	v7 =	vld [tilespmem:s17+$0x10];
	[tilespmem:s23+$0x90] =	vst v6  }
0x14c: {  	[tilespmem:s23+$0xD0] =	vst v2  }
0x14d: {  	v2 =	vshll.u32 v3, $0x10;
	v3 =	vand.u32 $0xFFFF0000, v3;
	v6 =	vld [tilespmem:s17+$0x60];
	[tilespmem:s7+$0x30] =	vst v4  }
0x14e: {  	[tilespmem:s23+$0xFFFFFF10] =	vst v2;
	v2 =	vshll.u32 v5, $0x10;
	v4 =	vand.u32 $0xFFFF0000, v5  }
0x14f: {  	[tilespmem:s23+$0xFFFFFF50] =	vst v3  }
0x150: {  	v3 =	vld [tilespmem:s17+$0xFFFFFFA0];
	[tilespmem:s23+$0xFFFFFF90] =	vst v2;
	v2 =	vshll.u32 v7, $0x10;
	v5 =	vand.u32 $0xFFFF0000, v7  }
0x151: {  	[tilespmem:s23+$0xFFFFFFD0] =	vst v4  }
0x152: {  	v4 =	vld [tilespmem:s17+$0xFFFFFFE0];
	[tilespmem:s23+$0x10] =	vst v2;
	v2 =	vshll.u32 v6, $0x10  }
0x153: {  	[tilespmem:s23+$0xA0] =	vst v2;
	v2 =	vand.u32 $0xFFFF0000, v6  }
0x154: {  	[tilespmem:s23+$0xE0] =	vst v2  }
0x155: {  	v2 =	vshll.u32 v3, $0x10;
	v3 =	vand.u32 $0xFFFF0000, v3;
	[tilespmem:s23+$0x50] =	vst v5;
	v5 =	vld [tilespmem:s17+$0x70]  }
0x156: {  	[tilespmem:s23+$0xFFFFFF20] =	vst v2;
	v6 =	vld [tilespmem:s17+$0x20]  }
0x157: {  	[tilespmem:s23+$0xFFFFFF60] =	vst v3;
	v2 =	vshll.u32 v4, $0x10;
	v3 =	vand.u32 $0xFFFF0000, v4  }
.Ltmp4:
0x158: {  	v4 =	vld [tilespmem:s17+$0xFFFFFFB0];
	[tilespmem:s23+$0xFFFFFFA0] =	vst v2;
	(pc) =	sbr.rel @p0 .LBB2_10-.Ltmp4, $4  }
0x159: {  	[tilespmem:s23+$0xFFFFFFE0] =	vst v3  }
0x15a: {  	v3 =	vld [tilespmem:s17+$0xFFFFFFF0];
	v2 =	vshll.u32 v5, $0x10;
	v7 =	vand.u32 $0xFFFF0000, v5;
	[tilespmem:s7+$0x70] =	vst v9;
	s7 =	smov.u32 s23  }
0x15b: {  	v8 =	vshll.u32 v6, $0x10;
	v5 =	vand.u32 $0xFFFF0000, v6;
	[tilespmem:s23+$0xF0] =	vst v7  }
0x15c: {  	s17 =	sadd.s32 $0x100, s17;
	[tilespmem:s23+$0x20] =	vst v8  }
0x15d: {  	[tilespmem:s23+$0x60] =	vst v5  }
0x15e: {  	v6 =	vld [tilespmem:s15+$0x30]  }
0x15f: {  	v61 =	vshll.u32 v4, $0x10;
	[tilespmem:s7+$0xB0] =	vst v2  }
0x160: {  	v62 =	vand.u32 $0xFFFF0000, v4;
	[tilespmem:s23+$0xFFFFFF30] =	vst v61  }
0x161: {  	[tilespmem:s23+$0xFFFFFF70] =	vst v62;
	v63 =	vshll.u32 v3, $0x10  }
0x162: {  	v3 =	vand.u32 $0xFFFF0000, v3;
	[tilespmem:s23+$0xFFFFFFB0] =	vst v63  }
0x163: {  	[tilespmem:s23+$0xFFFFFFF0] =	vst v3;
	v2 =	vshll.u32 v6, $0x10  }
0x164: {  	v3 =	vand.u32 $0xFFFF0000, v6;
	[tilespmem:s7+$0x30] =	vst v2  }
0x165: {  	[tilespmem:s7+$0x70] =	vst v3  }
0x166: {  	[spmem:s3] =	stream.indirect.scatter.add.f32 [tilespmem:s30], [sflag:$0x7], $0x80, s29, s19, $0xb8;
	[tilespmem:$0x1F500] =	vst v63  }
0x167: {  	_ = 	snop  }
0x168: {  	[spmem:s3] =	stream.indirect.scatter.add.f32 [tilespmem:s0], [sflag:$0x8], $0x80, s31, s19, $0xb8;
	[tilespmem:$0x1F500] =	vst v63  }
0x169: {  	v2 =	vld [tilespmem:$0x60];
	_ =	sdelay $0x7  }
0x16a: {  	[tilespmem:v2+s1+$0x0] =	vst.idx.add.f32.msk $0xffff, v1  }
0x16b: {  	v2 =	vld [tilespmem:$0x70];
	_ =	sdelay $0x7  }
0x16c: {  	[tilespmem:v2+s1+$0x0] =	vst.idx.add.f32.msk $0xffff, v1  }
0x16d: {  	v2 =	vld [tilespmem:$0x80];
	_ =	sdelay $0x7  }
0x16e: {  	[tilespmem:v2+s1+$0x0] =	vst.idx.add.f32.msk $0xffff, v1  }
0x16f: {  	v2 =	vld [tilespmem:$0x90];
	_ =	sdelay $0x7  }
0x170: {  	[tilespmem:v2+s1+$0x0] =	vst.idx.add.f32.msk $0xffff, v1  }
0x171: {  	v2 =	vld [tilespmem:$0xA0];
	_ =	sdelay $0x7  }
0x172: {  	[tilespmem:v2+s1+$0x0] =	vst.idx.add.f32.msk $0xffff, v1  }
0x173: {  	v2 =	vld [tilespmem:$0xB0];
	_ =	sdelay $0x7  }
0x174: {  	[tilespmem:v2+s1+$0x0] =	vst.idx.add.f32.msk $0xffff, v1  }
0x175: {  	_ =	swait.ge [sflag:s13], $0x1800  }
0x176: {  	[sflag:s13] =	ssyncset.done $0x0  }
0x177: {  	[sflag:s13] =	ssyncadd.s32 $0xFFFFE800  }
0x178: {  	_ =	swait.ge [sflag:s14], $0x1800  }
0x179: {  	[sflag:s14] =	ssyncset.done $0x0  }
0x17a: {  	s17 =	rddreg [dreg:$0x8];
	[sflag:s14] =	ssyncadd.s32 $0xFFFFE800  }
0x17b: {  	[hbm4b:s17+s4] =	stream.linear.scatter [tilespmem:s1], [sflag:$0x9], $0x2780, $0x38;
	[tilespmem:$0x1F500] =	vst v63  }
0x17c: {  	s17 =	simm.s32 $0x9  }
0x17d: {  	_ =	swait.ge [sflag:s17], $0x2780  }
0x17e: {  	[sflag:s17] =	ssyncset.done $0x0  }
0x17f: {  	[sflag:s17] =	ssyncadd.s32 $0xFFFFD880  }
0x180: {  	[bflag:$0x0] =	sbarrier.arrive $0xFFFF  }
0x181: {  	s15 =	rddreg [dreg:$0x5]  }
0x182: {  	s23 =	rddreg [dreg:$0x9]  }
0x183: {  	s16 =	rddreg [dreg:$0xb]  }
0x184: {  	[hbm:s23], [sflag:s15] =	dma.local [spmem:s16], $0x2780  }
0x185: {  	_ =	swait.ge [sflag:s17], $0x2780  }
0x186: {  	s24 =	rddreg [dreg:$0xc]  }
0x187: {  	s25 =	rddreg [dreg:$0xa];
	s23 =	sadd.s32 $0x1, s24  }
0x188: {  	p0 =	sne.s32 s23, s25  }
.Ltmp5:
0x189: {  	_ = 	snop;
	(pc) =	sbr.rel @p0 .LBB2_1-.Ltmp5, $3  }
0x18a: {  	_ =	sdelay $0x1  }
0x18b: {  	[sflag:s17] =	ssyncset.done $0x0  }
0x18c: {  	[sflag:s17] =	ssyncadd.s32 $0xFFFFD880  }
0x18d: {  	_ =	sfence.sel $0x180000  }
0x18e: {  	[bflag:$0x0] =	sbarrier.arrive $0xFFFF  }
0x18f: {  	_ =	strace $0x90000047  }
0x190: {  	s0 =	stileid.u32;
	[bflag:$0x2] =	sbarrier.arrive $0xFFFF  }
0x191: {  	p0 =	sne.s32 s0, $0x0;
	s0 =	rddreg [dreg:$0x3]  }
0x192: {  	s0 =	sadd.s32 @!p0 $0x100000, s0  }
0x193: {  	[sflag:s0] =	ssyncadd.tile.s32 @!p0 $0x1;
	_ =	shalt  }
.Lfunc_end2:
_tile_overlayer_lowered:
.L_overlay_start_2:
0x194: {  	(tag) =	ssettag $0x2  }
0x195: {  	s0 =	rddreg [dreg:$0x0];
	s2 =	stileid.u32  }
0x196: {  	s1 =	rddreg [dreg:$0x1];
	p0 =	sne.s32 s2, $0x0  }
0x197: {  	s3 =	rddreg [dreg:$0x2];
	[bflag:$0x3] =	sbarrier.arrive $0xFFFF;
	s2 =	simm.s32 @!p0 $0x1C09  }
0x198: {  	[timem:s3], [sflag:s2] =	dma.local @!p0 [hbm:s0], s1  }
0x199: {  	s0 =	simm.s32 @!p0 $0x9  }
0x19a: {  	_ =	swait.ge @!p0 [sflag:s0], s1  }
0x19b: {  	s1 =	ssub.s32 @!p0 $0x0, s1;
	[sflag:s0] =	ssyncset.done @!p0 $0x0  }
0x19c: {  	[sflag:s0] =	ssyncadd.s32 @!p0 s1  }
0x19d: {  	[bflag:$0x3] =	sbarrier.arrive $0xFFFF  }
0x19e: {  	_ =	shalt  }

</sc_bundles>
